<compile_context>
chip_gen: v7x
topology: tpu7x:2x2x1
jax: 0.10.2.dev20260603
libtpu: 0.0.44.dev20260713+nightly
codegen_flags: <defaults>
</compile_context>

<pallas_src>
import jax
import jax.numpy as jnp
from jax import lax
from jax.experimental import pallas as pl
from jax.experimental.pallas import tpu as pltpu
from jax.experimental.pallas import tpu_sc as plsc

N = 10000
NP = 10240
E = 320000
D = 128
H = 32
FR = NP * H // 128
CH = 128
RPT = NP // 16
TCB = 512
GRID = FR // TCB



DEPTH = 4
NBUF = 2 * DEPTH
NCH = 80
EP = 32 * NCH * CH


def _sc_mesh():
    return plsc.VectorSubcoreMesh(core_axis_name="c", subcore_axis_name="s")


def _deg_body(dst_hbm, ones_hbm, zeros_hbm, out_hbm, dst_v, ones_v, acc,
              s0, s1, s2, s3):
    sems = (s0, s1, s2, s3)
    cid = lax.axis_index("c")
    sid = lax.axis_index("s")
    wid = sid * 2 + cid
    base = sid * RPT
    pltpu.sync_copy(zeros_hbm.at[pl.ds(base, RPT)], acc.at[pl.ds(base, RPT)])
    pltpu.sync_copy(dst_hbm.at[pl.ds(wid * NCH, NCH)], dst_v)
    pltpu.sync_copy(ones_hbm, ones_v)
    plsc.subcore_barrier()

    def s_fire(j, b):
        pltpu.async_copy(ones_v, acc.at[dst_v.at[j]], sems[b], add=True)

    def s_wait(j, b):
        pltpu.make_async_copy(ones_v, acc.at[dst_v.at[j]], sems[b]).wait()

    for c in range(4):
        s_fire(c, c)

    def body(t, carry):
        for b in range(4):
            j = 4 + 4 * t + b
            s_wait(j - 4, b)
            s_fire(j, b)
        return carry

    lax.fori_loop(0, (NCH - 4) // 4, body, 0)
    for j in range(NCH - 4, NCH):
        s_wait(j, j % 4)

    plsc.subcore_barrier()
    pltpu.sync_copy(acc.at[pl.ds(base, RPT)], out_hbm.at[cid, pl.ds(base, RPT)])


def _make_deg_kernel():
    return pl.kernel(
        _deg_body,
        out_type=jax.ShapeDtypeStruct((2, NP, H), jnp.float32),
        mesh=_sc_mesh(),
        scratch_types=[
            pltpu.VMEM((NCH, CH), jnp.int32),
            pltpu.VMEM((CH, H), jnp.float32),
            pltpu.VMEM_SHARED((NP, H), jnp.float32),
            pltpu.SemaphoreType.DMA,
            pltpu.SemaphoreType.DMA,
            pltpu.SemaphoreType.DMA,
            pltpu.SemaphoreType.DMA,
        ],
        compiler_params=pltpu.CompilerParams(use_tc_tiling_on_sc=False),
    )


def _layer_body(y_hbm, src_hbm, dst_hbm, zeros_hbm, out_hbm,
                src_v, dst_v, *rest):
    bufs = rest[:NBUF]
    acc = rest[NBUF]
    gsem = rest[NBUF + 1:2 * NBUF + 1]
    ssem = rest[2 * NBUF + 1:]
    cid = lax.axis_index("c")
    sid = lax.axis_index("s")
    wid = sid * 2 + cid
    base = sid * RPT
    pltpu.sync_copy(zeros_hbm.at[pl.ds(base, RPT)], acc.at[pl.ds(base, RPT)])
    pltpu.sync_copy(src_hbm.at[pl.ds(wid * NCH, NCH)], src_v)
    pltpu.sync_copy(dst_hbm.at[pl.ds(wid * NCH, NCH)], dst_v)
    plsc.subcore_barrier()

    def g_fire(j, bi):
        pltpu.async_copy(y_hbm.at[src_v.at[j]], bufs[bi], gsem[bi])

    def g_wait(j, bi):
        pltpu.make_async_copy(y_hbm.at[src_v.at[j]], bufs[bi], gsem[bi]).wait()

    def s_fire(j, bi):
        pltpu.async_copy(bufs[bi], acc.at[dst_v.at[j]], ssem[bi], add=True)

    def s_wait(j, bi):
        pltpu.make_async_copy(bufs[bi], acc.at[dst_v.at[j]], ssem[bi]).wait()

    for c in range(DEPTH):
        g_fire(c, c)
    for j in range(DEPTH):
        g_wait(j, j)
        s_fire(j, j)
        g_fire(j + DEPTH, (j + DEPTH) % NBUF)

    def body(t, carry):
        j0 = DEPTH + t * NBUF
        for b in range(NBUF):
            j = j0 + b
            g_wait(j, (DEPTH + b) % NBUF)
            s_fire(j, (DEPTH + b) % NBUF)
            s_wait(j - DEPTH, b)
            g_fire(j + DEPTH, b)
        return carry

    lax.fori_loop(0, (NCH - 2 * DEPTH) // NBUF, body, 0)

    for j in range(NCH - DEPTH, NCH):
        bi = j % NBUF
        g_wait(j, bi)
        s_fire(j, bi)
        s_wait(j - DEPTH, (j - DEPTH) % NBUF)
    for j in range(NCH - DEPTH, NCH):
        s_wait(j, j % NBUF)

    plsc.subcore_barrier()
    pltpu.sync_copy(acc.at[pl.ds(base, RPT)], out_hbm.at[cid, pl.ds(base, RPT)])


def _make_layer_kernel():
    return pl.kernel(
        _layer_body,
        out_type=jax.ShapeDtypeStruct((2, NP, H), jnp.float32),
        mesh=_sc_mesh(),
        scratch_types=(
            [pltpu.VMEM((NCH, CH), jnp.int32),
             pltpu.VMEM((NCH, CH), jnp.int32)]
            + [pltpu.VMEM((CH, H), jnp.float32) for _ in range(NBUF)]
            + [pltpu.VMEM_SHARED((NP, H), jnp.float32)]
            + [pltpu.SemaphoreType.DMA for _ in range(2 * NBUF)]
        ),
        compiler_params=pltpu.CompilerParams(use_tc_tiling_on_sc=False),
    )



def _dis_of(pd_blk):
    return lax.rsqrt(1.0 + pd_blk[0] + pd_blk[1])


def _tc_matmul_body(x_ref, w_ref, y_ref):
    y_ref[...] = jnp.dot(x_ref[...], w_ref[...],
                         preferred_element_type=jnp.float32)


def _tc_scale_body(z_ref, pd_ref, y_ref):
    y_ref[...] = z_ref[...] * _dis_of(pd_ref[...])


def _tc_mid_body(y_ref, p_ref, pd_ref, b_ref, w_ref, o_ref):
    dis = _dis_of(pd_ref[...])
    p = p_ref[...]
    s = y_ref[...] + p[0] + p[1]
    h = jnp.maximum(s * dis + b_ref[0:1, :], 0.0)
    o_ref[...] = jnp.dot(h, w_ref[...],
                         preferred_element_type=jnp.float32) * dis


def _tc_last_body(y_ref, p_ref, pd_ref, b_ref, s_ref, o_ref):
    dis = _dis_of(pd_ref[...])
    p = p_ref[...]
    z = (y_ref[...] + p[0] + p[1]) * dis + b_ref[0:1, :]
    s32 = s_ref[...]
    c = jnp.dot(z, s32, preferred_element_type=jnp.float32) * (1.0 / 32.0)
    zc = z - c
    mask = lax.broadcasted_iota(jnp.int32, z.shape, 1) % 32 < 10
    e = jnp.where(mask, jnp.exp(zc), 0.0)
    ssum = jnp.dot(e, s32, preferred_element_type=jnp.float32)
    o_ref[...] = zc - jnp.log(ssum)


def _fat_spec():
    return pl.BlockSpec((TCB, 128), lambda i: (i, 0))


def _p_spec():
    return pl.BlockSpec((2, TCB, 128), lambda i: (0, i, 0))


def _full_spec(shape):
    return pl.BlockSpec(shape, lambda i: tuple(0 for _ in shape))


def _tc_first(xf, w1bd, pdf):
    z = pl.pallas_call(
        _tc_matmul_body,
        grid=(GRID,),
        in_specs=[pl.BlockSpec((TCB, 512), lambda i: (i, 0)),
                  _full_spec((512, 128))],
        out_specs=_fat_spec(),
        out_shape=jax.ShapeDtypeStruct((FR, 128), jnp.float32),
    )(xf, w1bd)
    return pl.pallas_call(
        _tc_scale_body,
        grid=(GRID,),
        in_specs=[_fat_spec(), _p_spec()],
        out_specs=_fat_spec(),
        out_shape=jax.ShapeDtypeStruct((FR, 128), jnp.float32),
    )(z, pdf)


def _tc_mid(yf, pf, pdf, bf, wbd):
    return pl.pallas_call(
        _tc_mid_body,
        grid=(GRID,),
        in_specs=[_fat_spec(), _p_spec(), _p_spec(),
                  _full_spec((8, 128)), _full_spec((128, 128))],
        out_specs=_fat_spec(),
        out_shape=jax.ShapeDtypeStruct((FR, 128), jnp.float32),
    )(yf, pf, pdf, bf, wbd)


def _tc_last(yf, pf, pdf, bf, s32):
    return pl.pallas_call(
        _tc_last_body,
        grid=(GRID,),
        in_specs=[_fat_spec(), _p_spec(), _p_spec(),
                  _full_spec((8, 128)), _full_spec((128, 128))],
        out_specs=_fat_spec(),
        out_shape=jax.ShapeDtypeStruct((FR, 128), jnp.float32),
    )(yf, pf, pdf, bf, s32)



def _bd4(w):
    out = jnp.zeros((4, 32, 4, 32), jnp.float32)
    for i in range(4):
        out = out.at[i, :, i, :].set(w)
    return out.reshape(128, 128)


def _pad2(a, rows, cols):
    return jnp.pad(a, ((0, rows - a.shape[0]), (0, cols - a.shape[1])))


def kernel(x, edge_index, W1, b1, W2, b2, W3, b3):
    src = edge_index[0].astype(jnp.int32)
    dst = edge_index[1].astype(jnp.int32)
    spread = jnp.arange(EP - E, dtype=jnp.int32)
    src3 = jnp.concatenate([src, spread % N]).reshape(EP // CH, CH)
    trash = N + spread % (NP - N)
    dst3 = jnp.concatenate([dst, trash]).reshape(EP // CH, CH)

    xf = _pad2(x, NP, D).reshape(FR, 4 * D)
    w1bd = jnp.zeros((4, D, 4, 32), jnp.float32)
    for i in range(4):
        w1bd = w1bd.at[i, :, i, :].set(_pad2(W1, D, 32))
    w1bd = w1bd.reshape(4 * D, 128)
    w2bd = _bd4(_pad2(W2, 32, 32))
    w3bd = _bd4(_pad2(W3, 32, 32))
    b1f = jnp.tile(jnp.pad(b1, (0, 32 - b1.shape[0])), 4)[None, :].repeat(8, 0)
    b2f = jnp.tile(jnp.pad(b2, (0, 32 - b2.shape[0])), 4)[None, :].repeat(8, 0)
    b3f = jnp.tile(jnp.pad(b3, (0, 32 - b3.shape[0])), 4)[None, :].repeat(8, 0)
    s32 = _bd4(jnp.ones((32, 32), jnp.float32))

    zeros32 = jnp.zeros((NP, H), jnp.float32)
    ones32 = jnp.ones((CH, H), jnp.float32)

    def fat(a):
        return a.reshape(a.shape[:-2] + (FR, 128))

    def unfat(a):
        return a.reshape(NP, H)

    pd = fat(_make_deg_kernel()(dst3, ones32, zeros32))
    layer = _make_layer_kernel()
    y1 = _tc_first(xf, w1bd, pd)
    p1 = fat(layer(unfat(y1), src3, dst3, zeros32))
    y2 = _tc_mid(y1, p1, pd, b1f, w2bd)
    p2 = fat(layer(unfat(y2), src3, dst3, zeros32))
    y3 = _tc_mid(y2, p2, pd, b2f, w3bd)
    p3 = fat(layer(unfat(y3), src3, dst3, zeros32))
    outf = _tc_last(y3, p3, pd, b3f, s32)
    return unfat(outf)[:N, :10]

# --- scband reference (transcript-rebuilt; emitter-appended) ---
"""Pipeline reference for scband-gcn-9096740733375 (READ-ONLY COPY).

The authoritative reference and input builder live on the scoring server;
editing this copy changes nothing except your own understanding.
"""

import jax, jax.numpy as jnp
import numpy as np

N_NODES = 10000
N_EDGES = 320000
D_FEAT = 128
H1 = 30
H2 = 10
N_CLASSES = 10


def gcn_conv(x, edge_index, W, b):
    N = x.shape[0]
    x = x @ W
    src = edge_index[0]
    dst = edge_index[1]
    loop = jnp.arange(N, dtype=src.dtype)
    src_sl = jnp.concatenate([src, loop])
    dst_sl = jnp.concatenate([dst, loop])
    deg = jnp.zeros((N,), dtype=x.dtype).at[dst_sl].add(1.0)
    dis = jax.lax.rsqrt(deg)
    norm = dis[src_sl] * dis[dst_sl]
    msgs = x[src_sl] * norm[:, None]
    out = jax.ops.segment_sum(msgs, dst_sl, num_segments=N)
    return out + b


def setup_inputs(seed: int = 0) -> dict:
    key = jax.random.key(seed)
    k1, k2, k3, k4, k5 = jax.random.split(key, 5)
    x = jax.random.normal(k1, (N_NODES, D_FEAT), dtype=jnp.float32)
    edge_index = jax.random.randint(k2, (2, N_EDGES), 0, N_NODES, dtype=jnp.int64)
    W1 = jax.random.normal(k3, (D_FEAT, H1), dtype=jnp.float32) / np.sqrt(D_FEAT)
    b1 = jnp.zeros((H1,), dtype=jnp.float32)
    W2 = jax.random.normal(k4, (H1, H2), dtype=jnp.float32) / np.sqrt(H1)
    b2 = jnp.zeros((H2,), dtype=jnp.float32)
    W3 = jax.random.normal(k5, (H2, N_CLASSES), dtype=jnp.float32) / np.sqrt(H2)
    b3 = jnp.zeros((N_CLASSES,), dtype=jnp.float32)
    return {"x": x, "edge_index": edge_index, "W1": W1, "b1": b1, "W2": W2, "b2": b2, "W3": W3, "b3": b3}


def reference(x, edge_index, W1, b1, W2, b2, W3, b3):
    h = gcn_conv(x, edge_index, W1, b1)
    h = jax.nn.relu(h)
    # dropout is identity in eval mode
    h = gcn_conv(h, edge_index, W2, b2)
    h = jax.nn.relu(h)
    h = gcn_conv(h, edge_index, W3, b3)
    return jax.nn.log_softmax(h, axis=1)

if __name__ == "__main__":
    import jax
    _d = setup_inputs()
    print(jax.jit(kernel)(*tuple(_d.values())))

</pallas_src>

<mosaic_0001>
#map = affine_map<(d0, d1) -> (0, 0)>
#map1 = affine_map<(d0, d1) -> (0, 0, 0)>
module attributes {stable_mosaic.version = 14 : i64} {
  func.func @_layer_body(%arg0: i32, %arg1: i32, %arg2: memref<10240x32xf32, #tpu.memory_space<hbm>>, %arg3: memref<2560x128xi32, #tpu.memory_space<hbm>>, %arg4: memref<2560x128xi32, #tpu.memory_space<hbm>>, %arg5: memref<10240x32xf32, #tpu.memory_space<hbm>>, %arg6: memref<2x10240x32xf32, #tpu.memory_space<hbm>>, %arg7: memref<80x128xi32, #tpu.memory_space<vmem>>, %arg8: memref<80x128xi32, #tpu.memory_space<vmem>>, %arg9: memref<128x32xf32, #tpu.memory_space<vmem>>, %arg10: memref<128x32xf32, #tpu.memory_space<vmem>>, %arg11: memref<128x32xf32, #tpu.memory_space<vmem>>, %arg12: memref<128x32xf32, #tpu.memory_space<vmem>>, %arg13: memref<128x32xf32, #tpu.memory_space<vmem>>, %arg14: memref<128x32xf32, #tpu.memory_space<vmem>>, %arg15: memref<128x32xf32, #tpu.memory_space<vmem>>, %arg16: memref<128x32xf32, #tpu.memory_space<vmem>>, %arg17: memref<10240x32xf32, #tpu.memory_space<vmem_shared>>, %arg18: memref<!tpu.dma_semaphore, #tpu.memory_space<semaphore_mem>>, %arg19: memref<!tpu.dma_semaphore, #tpu.memory_space<semaphore_mem>>, %arg20: memref<!tpu.dma_semaphore, #tpu.memory_space<semaphore_mem>>, %arg21: memref<!tpu.dma_semaphore, #tpu.memory_space<semaphore_mem>>, %arg22: memref<!tpu.dma_semaphore, #tpu.memory_space<semaphore_mem>>, %arg23: memref<!tpu.dma_semaphore, #tpu.memory_space<semaphore_mem>>, %arg24: memref<!tpu.dma_semaphore, #tpu.memory_space<semaphore_mem>>, %arg25: memref<!tpu.dma_semaphore, #tpu.memory_space<semaphore_mem>>, %arg26: memref<!tpu.dma_semaphore, #tpu.memory_space<semaphore_mem>>, %arg27: memref<!tpu.dma_semaphore, #tpu.memory_space<semaphore_mem>>, %arg28: memref<!tpu.dma_semaphore, #tpu.memory_space<semaphore_mem>>, %arg29: memref<!tpu.dma_semaphore, #tpu.memory_space<semaphore_mem>>, %arg30: memref<!tpu.dma_semaphore, #tpu.memory_space<semaphore_mem>>, %arg31: memref<!tpu.dma_semaphore, #tpu.memory_space<semaphore_mem>>, %arg32: memref<!tpu.dma_semaphore, #tpu.memory_space<semaphore_mem>>, %arg33: memref<!tpu.dma_semaphore, #tpu.memory_space<semaphore_mem>>) attributes {dimension_semantics = [#tpu.dimension_semantics<core_parallel>, #tpu.dimension_semantics<subcore_parallel>], iteration_bounds = array<i64: 2, 16>, scalar_prefetch = 0 : i64, scratch_operands = 27 : i64, tpu.core_type = #tpu.core_type<sc_vector_subcore>, window_params = [{transform_indices = #map}, {transform_indices = #map}, {transform_indices = #map}, {transform_indices = #map}, {transform_indices = #map1}]} {
    %mul3A = arith.constant 2 : i32
    %mul3A_0 = arith.muli %arg1, %mul3A : i32
    %add3A = arith.addi %mul3A_0, %arg0 : i32
    %mul3A_1 = arith.constant 640 : i32
    %mul3A_2 = arith.muli %arg1, %mul3A_1 : i32
    "tpu.region"() ({
      %run_scoped3A = tpu.sem_alloc : memref<!tpu.dma_semaphore, #tpu.memory_space<semaphore_mem>>
      %dma_start3A_235 = arith.constant 0 : i32
      %dma_start3A_236 = tpu.memref_slice %arg17[%mul3A_2, %dma_start3A_235] : memref<10240x32xf32, #tpu.memory_space<vmem_shared>> -> memref<640x32xf32, #tpu.memory_space<vmem_shared>>
      %dma_start3A_237 = arith.constant 0 : i32
      %dma_start3A_238 = tpu.memref_slice %arg5[%mul3A_2, %dma_start3A_237] : memref<10240x32xf32, #tpu.memory_space<hbm>> -> memref<640x32xf32, #tpu.memory_space<hbm>>
      tpu.enqueue_dma source(%dma_start3A_238 : memref<640x32xf32, #tpu.memory_space<hbm>>) target(%dma_start3A_236 : memref<640x32xf32, #tpu.memory_space<vmem_shared>>) target_semaphore(%run_scoped3A : memref<!tpu.dma_semaphore, #tpu.memory_space<semaphore_mem>>)
      %dma_wait3A_239 = arith.constant 0 : i32
      %dma_wait3A_240 = tpu.memref_slice %arg17[%mul3A_2, %dma_wait3A_239] : memref<10240x32xf32, #tpu.memory_space<vmem_shared>> -> memref<640x32xf32, #tpu.memory_space<vmem_shared>>
      %dma_wait3A_241 = arith.constant 0 : i32
      %dma_wait3A_242 = tpu.memref_slice %arg5[%mul3A_2, %dma_wait3A_241] : memref<10240x32xf32, #tpu.memory_space<hbm>> -> memref<640x32xf32, #tpu.memory_space<hbm>>
      tpu.wait_dma2 semaphore(%run_scoped3A : memref<!tpu.dma_semaphore, #tpu.memory_space<semaphore_mem>>) src(%dma_wait3A_242 : memref<640x32xf32, #tpu.memory_space<hbm>>) dst(%dma_wait3A_240 : memref<640x32xf32, #tpu.memory_space<vmem_shared>>)
      tpu.yield
    }) : () -> ()
    %mul3A_3 = arith.constant 80 : i32
    %mul3A_4 = arith.muli %add3A, %mul3A_3 : i32
    "tpu.region"() ({
      %run_scoped3A = tpu.sem_alloc : memref<!tpu.dma_semaphore, #tpu.memory_space<semaphore_mem>>
      %dma_start3A_235 = arith.constant 0 : i32
      %dma_start3A_236 = tpu.memref_slice %arg3[%mul3A_4, %dma_start3A_235] : memref<2560x128xi32, #tpu.memory_space<hbm>> -> memref<80x128xi32, #tpu.memory_space<hbm>>
      %dma_start3A_237 = arith.constant 0 : i32
      %dma_start3A_238 = tpu.memref_slice %arg3[%mul3A_4, %dma_start3A_237] : memref<2560x128xi32, #tpu.memory_space<hbm>> -> memref<80x128xi32, #tpu.memory_space<hbm>>
      tpu.enqueue_dma source(%dma_start3A_238 : memref<80x128xi32, #tpu.memory_space<hbm>>) target(%arg7 : memref<80x128xi32, #tpu.memory_space<vmem>>) target_semaphore(%run_scoped3A : memref<!tpu.dma_semaphore, #tpu.memory_space<semaphore_mem>>)
      %dma_wait3A_239 = arith.constant 0 : i32
      %dma_wait3A_240 = tpu.memref_slice %arg3[%mul3A_4, %dma_wait3A_239] : memref<2560x128xi32, #tpu.memory_space<hbm>> -> memref<80x128xi32, #tpu.memory_space<hbm>>
      %dma_wait3A_241 = arith.constant 0 : i32
      %dma_wait3A_242 = tpu.memref_slice %arg3[%mul3A_4, %dma_wait3A_241] : memref<2560x128xi32, #tpu.memory_space<hbm>> -> memref<80x128xi32, #tpu.memory_space<hbm>>
      tpu.wait_dma2 semaphore(%run_scoped3A : memref<!tpu.dma_semaphore, #tpu.memory_space<semaphore_mem>>) src(%dma_wait3A_242 : memref<80x128xi32, #tpu.memory_space<hbm>>) dst(%arg7 : memref<80x128xi32, #tpu.memory_space<vmem>>)
      tpu.yield
    }) : () -> ()
    %mul3A_5 = arith.constant 80 : i32
    %mul3A_6 = arith.muli %add3A, %mul3A_5 : i32
    "tpu.region"() ({
      %run_scoped3A = tpu.sem_alloc : memref<!tpu.dma_semaphore, #tpu.memory_space<semaphore_mem>>
      %dma_start3A_235 = arith.constant 0 : i32
      %dma_start3A_236 = tpu.memref_slice %arg4[%mul3A_6, %dma_start3A_235] : memref<2560x128xi32, #tpu.memory_space<hbm>> -> memref<80x128xi32, #tpu.memory_space<hbm>>
      %dma_start3A_237 = arith.constant 0 : i32
      %dma_start3A_238 = tpu.memref_slice %arg4[%mul3A_6, %dma_start3A_237] : memref<2560x128xi32, #tpu.memory_space<hbm>> -> memref<80x128xi32, #tpu.memory_space<hbm>>
      tpu.enqueue_dma source(%dma_start3A_238 : memref<80x128xi32, #tpu.memory_space<hbm>>) target(%arg8 : memref<80x128xi32, #tpu.memory_space<vmem>>) target_semaphore(%run_scoped3A : memref<!tpu.dma_semaphore, #tpu.memory_space<semaphore_mem>>)
      %dma_wait3A_239 = arith.constant 0 : i32
      %dma_wait3A_240 = tpu.memref_slice %arg4[%mul3A_6, %dma_wait3A_239] : memref<2560x128xi32, #tpu.memory_space<hbm>> -> memref<80x128xi32, #tpu.memory_space<hbm>>
      %dma_wait3A_241 = arith.constant 0 : i32
      %dma_wait3A_242 = tpu.memref_slice %arg4[%mul3A_6, %dma_wait3A_241] : memref<2560x128xi32, #tpu.memory_space<hbm>> -> memref<80x128xi32, #tpu.memory_space<hbm>>
      tpu.wait_dma2 semaphore(%run_scoped3A : memref<!tpu.dma_semaphore, #tpu.memory_space<semaphore_mem>>) src(%dma_wait3A_242 : memref<80x128xi32, #tpu.memory_space<hbm>>) dst(%arg8 : memref<80x128xi32, #tpu.memory_space<vmem>>)
      tpu.yield
    }) : () -> ()
    %barrier3A = arith.constant 0 : index
    tpu.barrier barrier_id(%barrier3A)
    %dma_start3A = arith.constant 0 : i32
    %dma_start3A_7 = arith.constant 0 : i32
    %dma_start3A_8 = tpu.memref_slice %arg7[%dma_start3A, %dma_start3A_7] : memref<80x128xi32, #tpu.memory_space<vmem>> -> memref<1x128xi32, #tpu.memory_space<vmem>>
    %dma_start3A_9 = tpu.memref_squeeze %dma_start3A_8 : memref<1x128xi32, #tpu.memory_space<vmem>> -> memref<128xi32, #tpu.memory_space<vmem>>
    %dma_start3A_10 = arith.constant 0 : i32
    %dma_start3A_11 = arith.constant 0 : i32
    %dma_start3A_12 = tpu.memref_slice %arg2[%dma_start3A_10, %dma_start3A_11] : memref<10240x32xf32, #tpu.memory_space<hbm>> -> memref<10240x32xf32, #tpu.memory_space<hbm>>
    tpu.enqueue_indirect_dma source(%dma_start3A_12 : memref<10240x32xf32, #tpu.memory_space<hbm>>) target(%arg9 : memref<128x32xf32, #tpu.memory_space<vmem>>) offsets(%dma_start3A_9 : memref<128xi32, #tpu.memory_space<vmem>>) semaphore(%arg18 : memref<!tpu.dma_semaphore, #tpu.memory_space<semaphore_mem>>)
    %dma_start3A_13 = arith.constant 1 : i32
    %dma_start3A_14 = arith.constant 0 : i32
    %dma_start3A_15 = tpu.memref_slice %arg7[%dma_start3A_13, %dma_start3A_14] : memref<80x128xi32, #tpu.memory_space<vmem>> -> memref<1x128xi32, #tpu.memory_space<vmem>>
    %dma_start3A_16 = tpu.memref_squeeze %dma_start3A_15 : memref<1x128xi32, #tpu.memory_space<vmem>> -> memref<128xi32, #tpu.memory_space<vmem>>
    %dma_start3A_17 = arith.constant 0 : i32
    %dma_start3A_18 = arith.constant 0 : i32
    %dma_start3A_19 = tpu.memref_slice %arg2[%dma_start3A_17, %dma_start3A_18] : memref<10240x32xf32, #tpu.memory_space<hbm>> -> memref<10240x32xf32, #tpu.memory_space<hbm>>
    tpu.enqueue_indirect_dma source(%dma_start3A_19 : memref<10240x32xf32, #tpu.memory_space<hbm>>) target(%arg10 : memref<128x32xf32, #tpu.memory_space<vmem>>) offsets(%dma_start3A_16 : memref<128xi32, #tpu.memory_space<vmem>>) semaphore(%arg19 : memref<!tpu.dma_semaphore, #tpu.memory_space<semaphore_mem>>)
    %dma_start3A_20 = arith.constant 2 : i32
    %dma_start3A_21 = arith.constant 0 : i32
    %dma_start3A_22 = tpu.memref_slice %arg7[%dma_start3A_20, %dma_start3A_21] : memref<80x128xi32, #tpu.memory_space<vmem>> -> memref<1x128xi32, #tpu.memory_space<vmem>>
    %dma_start3A_23 = tpu.memref_squeeze %dma_start3A_22 : memref<1x128xi32, #tpu.memory_space<vmem>> -> memref<128xi32, #tpu.memory_space<vmem>>
    %dma_start3A_24 = arith.constant 0 : i32
    %dma_start3A_25 = arith.constant 0 : i32
    %dma_start3A_26 = tpu.memref_slice %arg2[%dma_start3A_24, %dma_start3A_25] : memref<10240x32xf32, #tpu.memory_space<hbm>> -> memref<10240x32xf32, #tpu.memory_space<hbm>>
    tpu.enqueue_indirect_dma source(%dma_start3A_26 : memref<10240x32xf32, #tpu.memory_space<hbm>>) target(%arg11 : memref<128x32xf32, #tpu.memory_space<vmem>>) offsets(%dma_start3A_23 : memref<128xi32, #tpu.memory_space<vmem>>) semaphore(%arg20 : memref<!tpu.dma_semaphore, #tpu.memory_space<semaphore_mem>>)
    %dma_start3A_27 = arith.constant 3 : i32
    %dma_start3A_28 = arith.constant 0 : i32
    %dma_start3A_29 = tpu.memref_slice %arg7[%dma_start3A_27, %dma_start3A_28] : memref<80x128xi32, #tpu.memory_space<vmem>> -> memref<1x128xi32, #tpu.memory_space<vmem>>
    %dma_start3A_30 = tpu.memref_squeeze %dma_start3A_29 : memref<1x128xi32, #tpu.memory_space<vmem>> -> memref<128xi32, #tpu.memory_space<vmem>>
    %dma_start3A_31 = arith.constant 0 : i32
    %dma_start3A_32 = arith.constant 0 : i32
    %dma_start3A_33 = tpu.memref_slice %arg2[%dma_start3A_31, %dma_start3A_32] : memref<10240x32xf32, #tpu.memory_space<hbm>> -> memref<10240x32xf32, #tpu.memory_space<hbm>>
    tpu.enqueue_indirect_dma source(%dma_start3A_33 : memref<10240x32xf32, #tpu.memory_space<hbm>>) target(%arg12 : memref<128x32xf32, #tpu.memory_space<vmem>>) offsets(%dma_start3A_30 : memref<128xi32, #tpu.memory_space<vmem>>) semaphore(%arg21 : memref<!tpu.dma_semaphore, #tpu.memory_space<semaphore_mem>>)
    %dma_wait3A = arith.constant 0 : i32
    %dma_wait3A_34 = arith.constant 0 : i32
    %dma_wait3A_35 = tpu.memref_slice %arg7[%dma_wait3A, %dma_wait3A_34] : memref<80x128xi32, #tpu.memory_space<vmem>> -> memref<1x128xi32, #tpu.memory_space<vmem>>
    %dma_wait3A_36 = tpu.memref_squeeze %dma_wait3A_35 : memref<1x128xi32, #tpu.memory_space<vmem>> -> memref<128xi32, #tpu.memory_space<vmem>>
    %dma_wait3A_37 = arith.constant 0 : i32
    %dma_wait3A_38 = arith.constant 0 : i32
    %dma_wait3A_39 = tpu.memref_slice %arg2[%dma_wait3A_37, %dma_wait3A_38] : memref<10240x32xf32, #tpu.memory_space<hbm>> -> memref<10240x32xf32, #tpu.memory_space<hbm>>
    tpu.wait_indirect_dma semaphore(%arg18 : memref<!tpu.dma_semaphore, #tpu.memory_space<semaphore_mem>>) src(%dma_wait3A_39 : memref<10240x32xf32, #tpu.memory_space<hbm>>) dst(%arg9 : memref<128x32xf32, #tpu.memory_space<vmem>>)
    %dma_start3A_40 = arith.constant 0 : i32
    %dma_start3A_41 = arith.constant 0 : i32
    %dma_start3A_42 = tpu.memref_slice %arg8[%dma_start3A_40, %dma_start3A_41] : memref<80x128xi32, #tpu.memory_space<vmem>> -> memref<1x128xi32, #tpu.memory_space<vmem>>
    %dma_start3A_43 = tpu.memref_squeeze %dma_start3A_42 : memref<1x128xi32, #tpu.memory_space<vmem>> -> memref<128xi32, #tpu.memory_space<vmem>>
    %dma_start3A_44 = arith.constant 0 : i32
    %dma_start3A_45 = arith.constant 0 : i32
    %dma_start3A_46 = tpu.memref_slice %arg17[%dma_start3A_44, %dma_start3A_45] : memref<10240x32xf32, #tpu.memory_space<vmem_shared>> -> memref<10240x32xf32, #tpu.memory_space<vmem_shared>>
    tpu.enqueue_indirect_dma source(%arg9 : memref<128x32xf32, #tpu.memory_space<vmem>>) target(%dma_start3A_46 : memref<10240x32xf32, #tpu.memory_space<vmem_shared>>) offsets(%dma_start3A_43 : memref<128xi32, #tpu.memory_space<vmem>>) semaphore(%arg26 : memref<!tpu.dma_semaphore, #tpu.memory_space<semaphore_mem>>) {add = true}
    %dma_start3A_47 = arith.constant 4 : i32
    %dma_start3A_48 = arith.constant 0 : i32
    %dma_start3A_49 = tpu.memref_slice %arg7[%dma_start3A_47, %dma_start3A_48] : memref<80x128xi32, #tpu.memory_space<vmem>> -> memref<1x128xi32, #tpu.memory_space<vmem>>
    %dma_start3A_50 = tpu.memref_squeeze %dma_start3A_49 : memref<1x128xi32, #tpu.memory_space<vmem>> -> memref<128xi32, #tpu.memory_space<vmem>>
    %dma_start3A_51 = arith.constant 0 : i32
    %dma_start3A_52 = arith.constant 0 : i32
    %dma_start3A_53 = tpu.memref_slice %arg2[%dma_start3A_51, %dma_start3A_52] : memref<10240x32xf32, #tpu.memory_space<hbm>> -> memref<10240x32xf32, #tpu.memory_space<hbm>>
    tpu.enqueue_indirect_dma source(%dma_start3A_53 : memref<10240x32xf32, #tpu.memory_space<hbm>>) target(%arg13 : memref<128x32xf32, #tpu.memory_space<vmem>>) offsets(%dma_start3A_50 : memref<128xi32, #tpu.memory_space<vmem>>) semaphore(%arg22 : memref<!tpu.dma_semaphore, #tpu.memory_space<semaphore_mem>>)
    %dma_wait3A_54 = arith.constant 1 : i32
    %dma_wait3A_55 = arith.constant 0 : i32
    %dma_wait3A_56 = tpu.memref_slice %arg7[%dma_wait3A_54, %dma_wait3A_55] : memref<80x128xi32, #tpu.memory_space<vmem>> -> memref<1x128xi32, #tpu.memory_space<vmem>>
    %dma_wait3A_57 = tpu.memref_squeeze %dma_wait3A_56 : memref<1x128xi32, #tpu.memory_space<vmem>> -> memref<128xi32, #tpu.memory_space<vmem>>
    %dma_wait3A_58 = arith.constant 0 : i32
    %dma_wait3A_59 = arith.constant 0 : i32
    %dma_wait3A_60 = tpu.memref_slice %arg2[%dma_wait3A_58, %dma_wait3A_59] : memref<10240x32xf32, #tpu.memory_space<hbm>> -> memref<10240x32xf32, #tpu.memory_space<hbm>>
    tpu.wait_indirect_dma semaphore(%arg19 : memref<!tpu.dma_semaphore, #tpu.memory_space<semaphore_mem>>) src(%dma_wait3A_60 : memref<10240x32xf32, #tpu.memory_space<hbm>>) dst(%arg10 : memref<128x32xf32, #tpu.memory_space<vmem>>)
    %dma_start3A_61 = arith.constant 1 : i32
    %dma_start3A_62 = arith.constant 0 : i32
    %dma_start3A_63 = tpu.memref_slice %arg8[%dma_start3A_61, %dma_start3A_62] : memref<80x128xi32, #tpu.memory_space<vmem>> -> memref<1x128xi32, #tpu.memory_space<vmem>>
    %dma_start3A_64 = tpu.memref_squeeze %dma_start3A_63 : memref<1x128xi32, #tpu.memory_space<vmem>> -> memref<128xi32, #tpu.memory_space<vmem>>
    %dma_start3A_65 = arith.constant 0 : i32
    %dma_start3A_66 = arith.constant 0 : i32
    %dma_start3A_67 = tpu.memref_slice %arg17[%dma_start3A_65, %dma_start3A_66] : memref<10240x32xf32, #tpu.memory_space<vmem_shared>> -> memref<10240x32xf32, #tpu.memory_space<vmem_shared>>
    tpu.enqueue_indirect_dma source(%arg10 : memref<128x32xf32, #tpu.memory_space<vmem>>) target(%dma_start3A_67 : memref<10240x32xf32, #tpu.memory_space<vmem_shared>>) offsets(%dma_start3A_64 : memref<128xi32, #tpu.memory_space<vmem>>) semaphore(%arg27 : memref<!tpu.dma_semaphore, #tpu.memory_space<semaphore_mem>>) {add = true}
    %dma_start3A_68 = arith.constant 5 : i32
    %dma_start3A_69 = arith.constant 0 : i32
    %dma_start3A_70 = tpu.memref_slice %arg7[%dma_start3A_68, %dma_start3A_69] : memref<80x128xi32, #tpu.memory_space<vmem>> -> memref<1x128xi32, #tpu.memory_space<vmem>>
    %dma_start3A_71 = tpu.memref_squeeze %dma_start3A_70 : memref<1x128xi32, #tpu.memory_space<vmem>> -> memref<128xi32, #tpu.memory_space<vmem>>
    %dma_start3A_72 = arith.constant 0 : i32
    %dma_start3A_73 = arith.constant 0 : i32
    %dma_start3A_74 = tpu.memref_slice %arg2[%dma_start3A_72, %dma_start3A_73] : memref<10240x32xf32, #tpu.memory_space<hbm>> -> memref<10240x32xf32, #tpu.memory_space<hbm>>
    tpu.enqueue_indirect_dma source(%dma_start3A_74 : memref<10240x32xf32, #tpu.memory_space<hbm>>) target(%arg14 : memref<128x32xf32, #tpu.memory_space<vmem>>) offsets(%dma_start3A_71 : memref<128xi32, #tpu.memory_space<vmem>>) semaphore(%arg23 : memref<!tpu.dma_semaphore, #tpu.memory_space<semaphore_mem>>)
    %dma_wait3A_75 = arith.constant 2 : i32
    %dma_wait3A_76 = arith.constant 0 : i32
    %dma_wait3A_77 = tpu.memref_slice %arg7[%dma_wait3A_75, %dma_wait3A_76] : memref<80x128xi32, #tpu.memory_space<vmem>> -> memref<1x128xi32, #tpu.memory_space<vmem>>
    %dma_wait3A_78 = tpu.memref_squeeze %dma_wait3A_77 : memref<1x128xi32, #tpu.memory_space<vmem>> -> memref<128xi32, #tpu.memory_space<vmem>>
    %dma_wait3A_79 = arith.constant 0 : i32
    %dma_wait3A_80 = arith.constant 0 : i32
    %dma_wait3A_81 = tpu.memref_slice %arg2[%dma_wait3A_79, %dma_wait3A_80] : memref<10240x32xf32, #tpu.memory_space<hbm>> -> memref<10240x32xf32, #tpu.memory_space<hbm>>
    tpu.wait_indirect_dma semaphore(%arg20 : memref<!tpu.dma_semaphore, #tpu.memory_space<semaphore_mem>>) src(%dma_wait3A_81 : memref<10240x32xf32, #tpu.memory_space<hbm>>) dst(%arg11 : memref<128x32xf32, #tpu.memory_space<vmem>>)
    %dma_start3A_82 = arith.constant 2 : i32
    %dma_start3A_83 = arith.constant 0 : i32
    %dma_start3A_84 = tpu.memref_slice %arg8[%dma_start3A_82, %dma_start3A_83] : memref<80x128xi32, #tpu.memory_space<vmem>> -> memref<1x128xi32, #tpu.memory_space<vmem>>
    %dma_start3A_85 = tpu.memref_squeeze %dma_start3A_84 : memref<1x128xi32, #tpu.memory_space<vmem>> -> memref<128xi32, #tpu.memory_space<vmem>>
    %dma_start3A_86 = arith.constant 0 : i32
    %dma_start3A_87 = arith.constant 0 : i32
    %dma_start3A_88 = tpu.memref_slice %arg17[%dma_start3A_86, %dma_start3A_87] : memref<10240x32xf32, #tpu.memory_space<vmem_shared>> -> memref<10240x32xf32, #tpu.memory_space<vmem_shared>>
    tpu.enqueue_indirect_dma source(%arg11 : memref<128x32xf32, #tpu.memory_space<vmem>>) target(%dma_start3A_88 : memref<10240x32xf32, #tpu.memory_space<vmem_shared>>) offsets(%dma_start3A_85 : memref<128xi32, #tpu.memory_space<vmem>>) semaphore(%arg28 : memref<!tpu.dma_semaphore, #tpu.memory_space<semaphore_mem>>) {add = true}
    %dma_start3A_89 = arith.constant 6 : i32
    %dma_start3A_90 = arith.constant 0 : i32
    %dma_start3A_91 = tpu.memref_slice %arg7[%dma_start3A_89, %dma_start3A_90] : memref<80x128xi32, #tpu.memory_space<vmem>> -> memref<1x128xi32, #tpu.memory_space<vmem>>
    %dma_start3A_92 = tpu.memref_squeeze %dma_start3A_91 : memref<1x128xi32, #tpu.memory_space<vmem>> -> memref<128xi32, #tpu.memory_space<vmem>>
    %dma_start3A_93 = arith.constant 0 : i32
    %dma_start3A_94 = arith.constant 0 : i32
    %dma_start3A_95 = tpu.memref_slice %arg2[%dma_start3A_93, %dma_start3A_94] : memref<10240x32xf32, #tpu.memory_space<hbm>> -> memref<10240x32xf32, #tpu.memory_space<hbm>>
    tpu.enqueue_indirect_dma source(%dma_start3A_95 : memref<10240x32xf32, #tpu.memory_space<hbm>>) target(%arg15 : memref<128x32xf32, #tpu.memory_space<vmem>>) offsets(%dma_start3A_92 : memref<128xi32, #tpu.memory_space<vmem>>) semaphore(%arg24 : memref<!tpu.dma_semaphore, #tpu.memory_space<semaphore_mem>>)
    %dma_wait3A_96 = arith.constant 3 : i32
    %dma_wait3A_97 = arith.constant 0 : i32
    %dma_wait3A_98 = tpu.memref_slice %arg7[%dma_wait3A_96, %dma_wait3A_97] : memref<80x128xi32, #tpu.memory_space<vmem>> -> memref<1x128xi32, #tpu.memory_space<vmem>>
    %dma_wait3A_99 = tpu.memref_squeeze %dma_wait3A_98 : memref<1x128xi32, #tpu.memory_space<vmem>> -> memref<128xi32, #tpu.memory_space<vmem>>
    %dma_wait3A_100 = arith.constant 0 : i32
    %dma_wait3A_101 = arith.constant 0 : i32
    %dma_wait3A_102 = tpu.memref_slice %arg2[%dma_wait3A_100, %dma_wait3A_101] : memref<10240x32xf32, #tpu.memory_space<hbm>> -> memref<10240x32xf32, #tpu.memory_space<hbm>>
    tpu.wait_indirect_dma semaphore(%arg21 : memref<!tpu.dma_semaphore, #tpu.memory_space<semaphore_mem>>) src(%dma_wait3A_102 : memref<10240x32xf32, #tpu.memory_space<hbm>>) dst(%arg12 : memref<128x32xf32, #tpu.memory_space<vmem>>)
    %dma_start3A_103 = arith.constant 3 : i32
    %dma_start3A_104 = arith.constant 0 : i32
    %dma_start3A_105 = tpu.memref_slice %arg8[%dma_start3A_103, %dma_start3A_104] : memref<80x128xi32, #tpu.memory_space<vmem>> -> memref<1x128xi32, #tpu.memory_space<vmem>>
    %dma_start3A_106 = tpu.memref_squeeze %dma_start3A_105 : memref<1x128xi32, #tpu.memory_space<vmem>> -> memref<128xi32, #tpu.memory_space<vmem>>
    %dma_start3A_107 = arith.constant 0 : i32
    %dma_start3A_108 = arith.constant 0 : i32
    %dma_start3A_109 = tpu.memref_slice %arg17[%dma_start3A_107, %dma_start3A_108] : memref<10240x32xf32, #tpu.memory_space<vmem_shared>> -> memref<10240x32xf32, #tpu.memory_space<vmem_shared>>
    tpu.enqueue_indirect_dma source(%arg12 : memref<128x32xf32, #tpu.memory_space<vmem>>) target(%dma_start3A_109 : memref<10240x32xf32, #tpu.memory_space<vmem_shared>>) offsets(%dma_start3A_106 : memref<128xi32, #tpu.memory_space<vmem>>) semaphore(%arg29 : memref<!tpu.dma_semaphore, #tpu.memory_space<semaphore_mem>>) {add = true}
    %dma_start3A_110 = arith.constant 7 : i32
    %dma_start3A_111 = arith.constant 0 : i32
    %dma_start3A_112 = tpu.memref_slice %arg7[%dma_start3A_110, %dma_start3A_111] : memref<80x128xi32, #tpu.memory_space<vmem>> -> memref<1x128xi32, #tpu.memory_space<vmem>>
    %dma_start3A_113 = tpu.memref_squeeze %dma_start3A_112 : memref<1x128xi32, #tpu.memory_space<vmem>> -> memref<128xi32, #tpu.memory_space<vmem>>
    %dma_start3A_114 = arith.constant 0 : i32
    %dma_start3A_115 = arith.constant 0 : i32
    %dma_start3A_116 = tpu.memref_slice %arg2[%dma_start3A_114, %dma_start3A_115] : memref<10240x32xf32, #tpu.memory_space<hbm>> -> memref<10240x32xf32, #tpu.memory_space<hbm>>
    tpu.enqueue_indirect_dma source(%dma_start3A_116 : memref<10240x32xf32, #tpu.memory_space<hbm>>) target(%arg16 : memref<128x32xf32, #tpu.memory_space<vmem>>) offsets(%dma_start3A_113 : memref<128xi32, #tpu.memory_space<vmem>>) semaphore(%arg25 : memref<!tpu.dma_semaphore, #tpu.memory_space<semaphore_mem>>)
    %scan3A = arith.constant 0 : i32
    %scan3A_117 = arith.constant 0 : i32
    %scan3A_118 = arith.constant 9 : i32
    %scan3A_119 = arith.addi %scan3A_117, %scan3A_118 : i32
    %scan3A_120 = arith.constant 1 : i32
    scf.for %scan3A_235 = %scan3A_117 to %scan3A_119 step %scan3A_120  : i32 {
      %mul3A_236 = arith.constant 8 : i32
      %mul3A_237 = arith.muli %scan3A_235, %mul3A_236 : i32
      %add3A_238 = arith.constant 4 : i32
      %add3A_239 = arith.addi %add3A_238, %mul3A_237 : i32
      %add3A_240 = arith.constant 0 : i32
      %add3A_241 = arith.addi %add3A_239, %add3A_240 : i32
      %dma_wait3A_242 = arith.constant 0 : i32
      %dma_wait3A_243 = tpu.memref_slice %arg7[%add3A_241, %dma_wait3A_242] : memref<80x128xi32, #tpu.memory_space<vmem>> -> memref<1x128xi32, #tpu.memory_space<vmem>>
      %dma_wait3A_244 = tpu.memref_squeeze %dma_wait3A_243 : memref<1x128xi32, #tpu.memory_space<vmem>> -> memref<128xi32, #tpu.memory_space<vmem>>
      %dma_wait3A_245 = arith.constant 0 : i32
      %dma_wait3A_246 = arith.constant 0 : i32
      %dma_wait3A_247 = tpu.memref_slice %arg2[%dma_wait3A_245, %dma_wait3A_246] : memref<10240x32xf32, #tpu.memory_space<hbm>> -> memref<10240x32xf32, #tpu.memory_space<hbm>>
      tpu.wait_indirect_dma semaphore(%arg22 : memref<!tpu.dma_semaphore, #tpu.memory_space<semaphore_mem>>) src(%dma_wait3A_247 : memref<10240x32xf32, #tpu.memory_space<hbm>>) dst(%arg13 : memref<128x32xf32, #tpu.memory_space<vmem>>)
      %dma_start3A_248 = arith.constant 0 : i32
      %dma_start3A_249 = tpu.memref_slice %arg8[%add3A_241, %dma_start3A_248] : memref<80x128xi32, #tpu.memory_space<vmem>> -> memref<1x128xi32, #tpu.memory_space<vmem>>
      %dma_start3A_250 = tpu.memref_squeeze %dma_start3A_249 : memref<1x128xi32, #tpu.memory_space<vmem>> -> memref<128xi32, #tpu.memory_space<vmem>>
      %dma_start3A_251 = arith.constant 0 : i32
      %dma_start3A_252 = arith.constant 0 : i32
      %dma_start3A_253 = tpu.memref_slice %arg17[%dma_start3A_251, %dma_start3A_252] : memref<10240x32xf32, #tpu.memory_space<vmem_shared>> -> memref<10240x32xf32, #tpu.memory_space<vmem_shared>>
      tpu.enqueue_indirect_dma source(%arg13 : memref<128x32xf32, #tpu.memory_space<vmem>>) target(%dma_start3A_253 : memref<10240x32xf32, #tpu.memory_space<vmem_shared>>) offsets(%dma_start3A_250 : memref<128xi32, #tpu.memory_space<vmem>>) semaphore(%arg30 : memref<!tpu.dma_semaphore, #tpu.memory_space<semaphore_mem>>) {add = true}
      %sub3A = arith.constant 4 : i32
      %sub3A_254 = arith.subi %add3A_241, %sub3A : i32
      %dma_wait3A_255 = arith.constant 0 : i32
      %dma_wait3A_256 = tpu.memref_slice %arg8[%sub3A_254, %dma_wait3A_255] : memref<80x128xi32, #tpu.memory_space<vmem>> -> memref<1x128xi32, #tpu.memory_space<vmem>>
      %dma_wait3A_257 = tpu.memref_squeeze %dma_wait3A_256 : memref<1x128xi32, #tpu.memory_space<vmem>> -> memref<128xi32, #tpu.memory_space<vmem>>
      %dma_wait3A_258 = arith.constant 0 : i32
      %dma_wait3A_259 = arith.constant 0 : i32
      %dma_wait3A_260 = tpu.memref_slice %arg17[%dma_wait3A_258, %dma_wait3A_259] : memref<10240x32xf32, #tpu.memory_space<vmem_shared>> -> memref<10240x32xf32, #tpu.memory_space<vmem_shared>>
      tpu.wait_indirect_dma semaphore(%arg26 : memref<!tpu.dma_semaphore, #tpu.memory_space<semaphore_mem>>) src(%arg9 : memref<128x32xf32, #tpu.memory_space<vmem>>) dst(%dma_wait3A_260 : memref<10240x32xf32, #tpu.memory_space<vmem_shared>>)
      %add3A_261 = arith.constant 4 : i32
      %add3A_262 = arith.addi %add3A_241, %add3A_261 : i32
      %dma_start3A_263 = arith.constant 0 : i32
      %dma_start3A_264 = tpu.memref_slice %arg7[%add3A_262, %dma_start3A_263] : memref<80x128xi32, #tpu.memory_space<vmem>> -> memref<1x128xi32, #tpu.memory_space<vmem>>
      %dma_start3A_265 = tpu.memref_squeeze %dma_start3A_264 : memref<1x128xi32, #tpu.memory_space<vmem>> -> memref<128xi32, #tpu.memory_space<vmem>>
      %dma_start3A_266 = arith.constant 0 : i32
      %dma_start3A_267 = arith.constant 0 : i32
      %dma_start3A_268 = tpu.memref_slice %arg2[%dma_start3A_266, %dma_start3A_267] : memref<10240x32xf32, #tpu.memory_space<hbm>> -> memref<10240x32xf32, #tpu.memory_space<hbm>>
      tpu.enqueue_indirect_dma source(%dma_start3A_268 : memref<10240x32xf32, #tpu.memory_space<hbm>>) target(%arg9 : memref<128x32xf32, #tpu.memory_space<vmem>>) offsets(%dma_start3A_265 : memref<128xi32, #tpu.memory_space<vmem>>) semaphore(%arg18 : memref<!tpu.dma_semaphore, #tpu.memory_space<semaphore_mem>>)
      %add3A_269 = arith.constant 1 : i32
      %add3A_270 = arith.addi %add3A_239, %add3A_269 : i32
      %dma_wait3A_271 = arith.constant 0 : i32
      %dma_wait3A_272 = tpu.memref_slice %arg7[%add3A_270, %dma_wait3A_271] : memref<80x128xi32, #tpu.memory_space<vmem>> -> memref<1x128xi32, #tpu.memory_space<vmem>>
      %dma_wait3A_273 = tpu.memref_squeeze %dma_wait3A_272 : memref<1x128xi32, #tpu.memory_space<vmem>> -> memref<128xi32, #tpu.memory_space<vmem>>
      %dma_wait3A_274 = arith.constant 0 : i32
      %dma_wait3A_275 = arith.constant 0 : i32
      %dma_wait3A_276 = tpu.memref_slice %arg2[%dma_wait3A_274, %dma_wait3A_275] : memref<10240x32xf32, #tpu.memory_space<hbm>> -> memref<10240x32xf32, #tpu.memory_space<hbm>>
      tpu.wait_indirect_dma semaphore(%arg23 : memref<!tpu.dma_semaphore, #tpu.memory_space<semaphore_mem>>) src(%dma_wait3A_276 : memref<10240x32xf32, #tpu.memory_space<hbm>>) dst(%arg14 : memref<128x32xf32, #tpu.memory_space<vmem>>)
      %dma_start3A_277 = arith.constant 0 : i32
      %dma_start3A_278 = tpu.memref_slice %arg8[%add3A_270, %dma_start3A_277] : memref<80x128xi32, #tpu.memory_space<vmem>> -> memref<1x128xi32, #tpu.memory_space<vmem>>
      %dma_start3A_279 = tpu.memref_squeeze %dma_start3A_278 : memref<1x128xi32, #tpu.memory_space<vmem>> -> memref<128xi32, #tpu.memory_space<vmem>>
      %dma_start3A_280 = arith.constant 0 : i32
      %dma_start3A_281 = arith.constant 0 : i32
      %dma_start3A_282 = tpu.memref_slice %arg17[%dma_start3A_280, %dma_start3A_281] : memref<10240x32xf32, #tpu.memory_space<vmem_shared>> -> memref<10240x32xf32, #tpu.memory_space<vmem_shared>>
      tpu.enqueue_indirect_dma source(%arg14 : memref<128x32xf32, #tpu.memory_space<vmem>>) target(%dma_start3A_282 : memref<10240x32xf32, #tpu.memory_space<vmem_shared>>) offsets(%dma_start3A_279 : memref<128xi32, #tpu.memory_space<vmem>>) semaphore(%arg31 : memref<!tpu.dma_semaphore, #tpu.memory_space<semaphore_mem>>) {add = true}
      %sub3A_283 = arith.constant 4 : i32
      %sub3A_284 = arith.subi %add3A_270, %sub3A_283 : i32
      %dma_wait3A_285 = arith.constant 0 : i32
      %dma_wait3A_286 = tpu.memref_slice %arg8[%sub3A_284, %dma_wait3A_285] : memref<80x128xi32, #tpu.memory_space<vmem>> -> memref<1x128xi32, #tpu.memory_space<vmem>>
      %dma_wait3A_287 = tpu.memref_squeeze %dma_wait3A_286 : memref<1x128xi32, #tpu.memory_space<vmem>> -> memref<128xi32, #tpu.memory_space<vmem>>
      %dma_wait3A_288 = arith.constant 0 : i32
      %dma_wait3A_289 = arith.constant 0 : i32
      %dma_wait3A_290 = tpu.memref_slice %arg17[%dma_wait3A_288, %dma_wait3A_289] : memref<10240x32xf32, #tpu.memory_space<vmem_shared>> -> memref<10240x32xf32, #tpu.memory_space<vmem_shared>>
      tpu.wait_indirect_dma semaphore(%arg27 : memref<!tpu.dma_semaphore, #tpu.memory_space<semaphore_mem>>) src(%arg10 : memref<128x32xf32, #tpu.memory_space<vmem>>) dst(%dma_wait3A_290 : memref<10240x32xf32, #tpu.memory_space<vmem_shared>>)
      %add3A_291 = arith.constant 4 : i32
      %add3A_292 = arith.addi %add3A_270, %add3A_291 : i32
      %dma_start3A_293 = arith.constant 0 : i32
      %dma_start3A_294 = tpu.memref_slice %arg7[%add3A_292, %dma_start3A_293] : memref<80x128xi32, #tpu.memory_space<vmem>> -> memref<1x128xi32, #tpu.memory_space<vmem>>
      %dma_start3A_295 = tpu.memref_squeeze %dma_start3A_294 : memref<1x128xi32, #tpu.memory_space<vmem>> -> memref<128xi32, #tpu.memory_space<vmem>>
      %dma_start3A_296 = arith.constant 0 : i32
      %dma_start3A_297 = arith.constant 0 : i32
      %dma_start3A_298 = tpu.memref_slice %arg2[%dma_start3A_296, %dma_start3A_297] : memref<10240x32xf32, #tpu.memory_space<hbm>> -> memref<10240x32xf32, #tpu.memory_space<hbm>>
      tpu.enqueue_indirect_dma source(%dma_start3A_298 : memref<10240x32xf32, #tpu.memory_space<hbm>>) target(%arg10 : memref<128x32xf32, #tpu.memory_space<vmem>>) offsets(%dma_start3A_295 : memref<128xi32, #tpu.memory_space<vmem>>) semaphore(%arg19 : memref<!tpu.dma_semaphore, #tpu.memory_space<semaphore_mem>>)
      %add3A_299 = arith.constant 2 : i32
      %add3A_300 = arith.addi %add3A_239, %add3A_299 : i32
      %dma_wait3A_301 = arith.constant 0 : i32
      %dma_wait3A_302 = tpu.memref_slice %arg7[%add3A_300, %dma_wait3A_301] : memref<80x128xi32, #tpu.memory_space<vmem>> -> memref<1x128xi32, #tpu.memory_space<vmem>>
      %dma_wait3A_303 = tpu.memref_squeeze %dma_wait3A_302 : memref<1x128xi32, #tpu.memory_space<vmem>> -> memref<128xi32, #tpu.memory_space<vmem>>
      %dma_wait3A_304 = arith.constant 0 : i32
      %dma_wait3A_305 = arith.constant 0 : i32
      %dma_wait3A_306 = tpu.memref_slice %arg2[%dma_wait3A_304, %dma_wait3A_305] : memref<10240x32xf32, #tpu.memory_space<hbm>> -> memref<10240x32xf32, #tpu.memory_space<hbm>>
      tpu.wait_indirect_dma semaphore(%arg24 : memref<!tpu.dma_semaphore, #tpu.memory_space<semaphore_mem>>) src(%dma_wait3A_306 : memref<10240x32xf32, #tpu.memory_space<hbm>>) dst(%arg15 : memref<128x32xf32, #tpu.memory_space<vmem>>)
      %dma_start3A_307 = arith.constant 0 : i32
      %dma_start3A_308 = tpu.memref_slice %arg8[%add3A_300, %dma_start3A_307] : memref<80x128xi32, #tpu.memory_space<vmem>> -> memref<1x128xi32, #tpu.memory_space<vmem>>
      %dma_start3A_309 = tpu.memref_squeeze %dma_start3A_308 : memref<1x128xi32, #tpu.memory_space<vmem>> -> memref<128xi32, #tpu.memory_space<vmem>>
      %dma_start3A_310 = arith.constant 0 : i32
      %dma_start3A_311 = arith.constant 0 : i32
      %dma_start3A_312 = tpu.memref_slice %arg17[%dma_start3A_310, %dma_start3A_311] : memref<10240x32xf32, #tpu.memory_space<vmem_shared>> -> memref<10240x32xf32, #tpu.memory_space<vmem_shared>>
      tpu.enqueue_indirect_dma source(%arg15 : memref<128x32xf32, #tpu.memory_space<vmem>>) target(%dma_start3A_312 : memref<10240x32xf32, #tpu.memory_space<vmem_shared>>) offsets(%dma_start3A_309 : memref<128xi32, #tpu.memory_space<vmem>>) semaphore(%arg32 : memref<!tpu.dma_semaphore, #tpu.memory_space<semaphore_mem>>) {add = true}
      %sub3A_313 = arith.constant 4 : i32
      %sub3A_314 = arith.subi %add3A_300, %sub3A_313 : i32
      %dma_wait3A_315 = arith.constant 0 : i32
      %dma_wait3A_316 = tpu.memref_slice %arg8[%sub3A_314, %dma_wait3A_315] : memref<80x128xi32, #tpu.memory_space<vmem>> -> memref<1x128xi32, #tpu.memory_space<vmem>>
      %dma_wait3A_317 = tpu.memref_squeeze %dma_wait3A_316 : memref<1x128xi32, #tpu.memory_space<vmem>> -> memref<128xi32, #tpu.memory_space<vmem>>
      %dma_wait3A_318 = arith.constant 0 : i32
      %dma_wait3A_319 = arith.constant 0 : i32
      %dma_wait3A_320 = tpu.memref_slice %arg17[%dma_wait3A_318, %dma_wait3A_319] : memref<10240x32xf32, #tpu.memory_space<vmem_shared>> -> memref<10240x32xf32, #tpu.memory_space<vmem_shared>>
      tpu.wait_indirect_dma semaphore(%arg28 : memref<!tpu.dma_semaphore, #tpu.memory_space<semaphore_mem>>) src(%arg11 : memref<128x32xf32, #tpu.memory_space<vmem>>) dst(%dma_wait3A_320 : memref<10240x32xf32, #tpu.memory_space<vmem_shared>>)
      %add3A_321 = arith.constant 4 : i32
      %add3A_322 = arith.addi %add3A_300, %add3A_321 : i32
      %dma_start3A_323 = arith.constant 0 : i32
      %dma_start3A_324 = tpu.memref_slice %arg7[%add3A_322, %dma_start3A_323] : memref<80x128xi32, #tpu.memory_space<vmem>> -> memref<1x128xi32, #tpu.memory_space<vmem>>
      %dma_start3A_325 = tpu.memref_squeeze %dma_start3A_324 : memref<1x128xi32, #tpu.memory_space<vmem>> -> memref<128xi32, #tpu.memory_space<vmem>>
      %dma_start3A_326 = arith.constant 0 : i32
      %dma_start3A_327 = arith.constant 0 : i32
      %dma_start3A_328 = tpu.memref_slice %arg2[%dma_start3A_326, %dma_start3A_327] : memref<10240x32xf32, #tpu.memory_space<hbm>> -> memref<10240x32xf32, #tpu.memory_space<hbm>>
      tpu.enqueue_indirect_dma source(%dma_start3A_328 : memref<10240x32xf32, #tpu.memory_space<hbm>>) target(%arg11 : memref<128x32xf32, #tpu.memory_space<vmem>>) offsets(%dma_start3A_325 : memref<128xi32, #tpu.memory_space<vmem>>) semaphore(%arg20 : memref<!tpu.dma_semaphore, #tpu.memory_space<semaphore_mem>>)
      %add3A_329 = arith.constant 3 : i32
      %add3A_330 = arith.addi %add3A_239, %add3A_329 : i32
      %dma_wait3A_331 = arith.constant 0 : i32
      %dma_wait3A_332 = tpu.memref_slice %arg7[%add3A_330, %dma_wait3A_331] : memref<80x128xi32, #tpu.memory_space<vmem>> -> memref<1x128xi32, #tpu.memory_space<vmem>>
      %dma_wait3A_333 = tpu.memref_squeeze %dma_wait3A_332 : memref<1x128xi32, #tpu.memory_space<vmem>> -> memref<128xi32, #tpu.memory_space<vmem>>
      %dma_wait3A_334 = arith.constant 0 : i32
      %dma_wait3A_335 = arith.constant 0 : i32
      %dma_wait3A_336 = tpu.memref_slice %arg2[%dma_wait3A_334, %dma_wait3A_335] : memref<10240x32xf32, #tpu.memory_space<hbm>> -> memref<10240x32xf32, #tpu.memory_space<hbm>>
      tpu.wait_indirect_dma semaphore(%arg25 : memref<!tpu.dma_semaphore, #tpu.memory_space<semaphore_mem>>) src(%dma_wait3A_336 : memref<10240x32xf32, #tpu.memory_space<hbm>>) dst(%arg16 : memref<128x32xf32, #tpu.memory_space<vmem>>)
      %dma_start3A_337 = arith.constant 0 : i32
      %dma_start3A_338 = tpu.memref_slice %arg8[%add3A_330, %dma_start3A_337] : memref<80x128xi32, #tpu.memory_space<vmem>> -> memref<1x128xi32, #tpu.memory_space<vmem>>
      %dma_start3A_339 = tpu.memref_squeeze %dma_start3A_338 : memref<1x128xi32, #tpu.memory_space<vmem>> -> memref<128xi32, #tpu.memory_space<vmem>>
      %dma_start3A_340 = arith.constant 0 : i32
      %dma_start3A_341 = arith.constant 0 : i32
      %dma_start3A_342 = tpu.memref_slice %arg17[%dma_start3A_340, %dma_start3A_341] : memref<10240x32xf32, #tpu.memory_space<vmem_shared>> -> memref<10240x32xf32, #tpu.memory_space<vmem_shared>>
      tpu.enqueue_indirect_dma source(%arg16 : memref<128x32xf32, #tpu.memory_space<vmem>>) target(%dma_start3A_342 : memref<10240x32xf32, #tpu.memory_space<vmem_shared>>) offsets(%dma_start3A_339 : memref<128xi32, #tpu.memory_space<vmem>>) semaphore(%arg33 : memref<!tpu.dma_semaphore, #tpu.memory_space<semaphore_mem>>) {add = true}
      %sub3A_343 = arith.constant 4 : i32
      %sub3A_344 = arith.subi %add3A_330, %sub3A_343 : i32
      %dma_wait3A_345 = arith.constant 0 : i32
      %dma_wait3A_346 = tpu.memref_slice %arg8[%sub3A_344, %dma_wait3A_345] : memref<80x128xi32, #tpu.memory_space<vmem>> -> memref<1x128xi32, #tpu.memory_space<vmem>>
      %dma_wait3A_347 = tpu.memref_squeeze %dma_wait3A_346 : memref<1x128xi32, #tpu.memory_space<vmem>> -> memref<128xi32, #tpu.memory_space<vmem>>
      %dma_wait3A_348 = arith.constant 0 : i32
      %dma_wait3A_349 = arith.constant 0 : i32
      %dma_wait3A_350 = tpu.memref_slice %arg17[%dma_wait3A_348, %dma_wait3A_349] : memref<10240x32xf32, #tpu.memory_space<vmem_shared>> -> memref<10240x32xf32, #tpu.memory_space<vmem_shared>>
      tpu.wait_indirect_dma semaphore(%arg29 : memref<!tpu.dma_semaphore, #tpu.memory_space<semaphore_mem>>) src(%arg12 : memref<128x32xf32, #tpu.memory_space<vmem>>) dst(%dma_wait3A_350 : memref<10240x32xf32, #tpu.memory_space<vmem_shared>>)
      %add3A_351 = arith.constant 4 : i32
      %add3A_352 = arith.addi %add3A_330, %add3A_351 : i32
      %dma_start3A_353 = arith.constant 0 : i32
      %dma_start3A_354 = tpu.memref_slice %arg7[%add3A_352, %dma_start3A_353] : memref<80x128xi32, #tpu.memory_space<vmem>> -> memref<1x128xi32, #tpu.memory_space<vmem>>
      %dma_start3A_355 = tpu.memref_squeeze %dma_start3A_354 : memref<1x128xi32, #tpu.memory_space<vmem>> -> memref<128xi32, #tpu.memory_space<vmem>>
      %dma_start3A_356 = arith.constant 0 : i32
      %dma_start3A_357 = arith.constant 0 : i32
      %dma_start3A_358 = tpu.memref_slice %arg2[%dma_start3A_356, %dma_start3A_357] : memref<10240x32xf32, #tpu.memory_space<hbm>> -> memref<10240x32xf32, #tpu.memory_space<hbm>>
      tpu.enqueue_indirect_dma source(%dma_start3A_358 : memref<10240x32xf32, #tpu.memory_space<hbm>>) target(%arg12 : memref<128x32xf32, #tpu.memory_space<vmem>>) offsets(%dma_start3A_355 : memref<128xi32, #tpu.memory_space<vmem>>) semaphore(%arg21 : memref<!tpu.dma_semaphore, #tpu.memory_space<semaphore_mem>>)
      %add3A_359 = arith.constant 4 : i32
      %add3A_360 = arith.addi %add3A_239, %add3A_359 : i32
      %dma_wait3A_361 = arith.constant 0 : i32
      %dma_wait3A_362 = tpu.memref_slice %arg7[%add3A_360, %dma_wait3A_361] : memref<80x128xi32, #tpu.memory_space<vmem>> -> memref<1x128xi32, #tpu.memory_space<vmem>>
      %dma_wait3A_363 = tpu.memref_squeeze %dma_wait3A_362 : memref<1x128xi32, #tpu.memory_space<vmem>> -> memref<128xi32, #tpu.memory_space<vmem>>
      %dma_wait3A_364 = arith.constant 0 : i32
      %dma_wait3A_365 = arith.constant 0 : i32
      %dma_wait3A_366 = tpu.memref_slice %arg2[%dma_wait3A_364, %dma_wait3A_365] : memref<10240x32xf32, #tpu.memory_space<hbm>> -> memref<10240x32xf32, #tpu.memory_space<hbm>>
      tpu.wait_indirect_dma semaphore(%arg18 : memref<!tpu.dma_semaphore, #tpu.memory_space<semaphore_mem>>) src(%dma_wait3A_366 : memref<10240x32xf32, #tpu.memory_space<hbm>>) dst(%arg9 : memref<128x32xf32, #tpu.memory_space<vmem>>)
      %dma_start3A_367 = arith.constant 0 : i32
      %dma_start3A_368 = tpu.memref_slice %arg8[%add3A_360, %dma_start3A_367] : memref<80x128xi32, #tpu.memory_space<vmem>> -> memref<1x128xi32, #tpu.memory_space<vmem>>
      %dma_start3A_369 = tpu.memref_squeeze %dma_start3A_368 : memref<1x128xi32, #tpu.memory_space<vmem>> -> memref<128xi32, #tpu.memory_space<vmem>>
      %dma_start3A_370 = arith.constant 0 : i32
      %dma_start3A_371 = arith.constant 0 : i32
      %dma_start3A_372 = tpu.memref_slice %arg17[%dma_start3A_370, %dma_start3A_371] : memref<10240x32xf32, #tpu.memory_space<vmem_shared>> -> memref<10240x32xf32, #tpu.memory_space<vmem_shared>>
      tpu.enqueue_indirect_dma source(%arg9 : memref<128x32xf32, #tpu.memory_space<vmem>>) target(%dma_start3A_372 : memref<10240x32xf32, #tpu.memory_space<vmem_shared>>) offsets(%dma_start3A_369 : memref<128xi32, #tpu.memory_space<vmem>>) semaphore(%arg26 : memref<!tpu.dma_semaphore, #tpu.memory_space<semaphore_mem>>) {add = true}
      %sub3A_373 = arith.constant 4 : i32
      %sub3A_374 = arith.subi %add3A_360, %sub3A_373 : i32
      %dma_wait3A_375 = arith.constant 0 : i32
      %dma_wait3A_376 = tpu.memref_slice %arg8[%sub3A_374, %dma_wait3A_375] : memref<80x128xi32, #tpu.memory_space<vmem>> -> memref<1x128xi32, #tpu.memory_space<vmem>>
      %dma_wait3A_377 = tpu.memref_squeeze %dma_wait3A_376 : memref<1x128xi32, #tpu.memory_space<vmem>> -> memref<128xi32, #tpu.memory_space<vmem>>
      %dma_wait3A_378 = arith.constant 0 : i32
      %dma_wait3A_379 = arith.constant 0 : i32
      %dma_wait3A_380 = tpu.memref_slice %arg17[%dma_wait3A_378, %dma_wait3A_379] : memref<10240x32xf32, #tpu.memory_space<vmem_shared>> -> memref<10240x32xf32, #tpu.memory_space<vmem_shared>>
      tpu.wait_indirect_dma semaphore(%arg30 : memref<!tpu.dma_semaphore, #tpu.memory_space<semaphore_mem>>) src(%arg13 : memref<128x32xf32, #tpu.memory_space<vmem>>) dst(%dma_wait3A_380 : memref<10240x32xf32, #tpu.memory_space<vmem_shared>>)
      %add3A_381 = arith.constant 4 : i32
      %add3A_382 = arith.addi %add3A_360, %add3A_381 : i32
      %dma_start3A_383 = arith.constant 0 : i32
      %dma_start3A_384 = tpu.memref_slice %arg7[%add3A_382, %dma_start3A_383] : memref<80x128xi32, #tpu.memory_space<vmem>> -> memref<1x128xi32, #tpu.memory_space<vmem>>
      %dma_start3A_385 = tpu.memref_squeeze %dma_start3A_384 : memref<1x128xi32, #tpu.memory_space<vmem>> -> memref<128xi32, #tpu.memory_space<vmem>>
      %dma_start3A_386 = arith.constant 0 : i32
      %dma_start3A_387 = arith.constant 0 : i32
      %dma_start3A_388 = tpu.memref_slice %arg2[%dma_start3A_386, %dma_start3A_387] : memref<10240x32xf32, #tpu.memory_space<hbm>> -> memref<10240x32xf32, #tpu.memory_space<hbm>>
      tpu.enqueue_indirect_dma source(%dma_start3A_388 : memref<10240x32xf32, #tpu.memory_space<hbm>>) target(%arg13 : memref<128x32xf32, #tpu.memory_space<vmem>>) offsets(%dma_start3A_385 : memref<128xi32, #tpu.memory_space<vmem>>) semaphore(%arg22 : memref<!tpu.dma_semaphore, #tpu.memory_space<semaphore_mem>>)
      %add3A_389 = arith.constant 5 : i32
      %add3A_390 = arith.addi %add3A_239, %add3A_389 : i32
      %dma_wait3A_391 = arith.constant 0 : i32
      %dma_wait3A_392 = tpu.memref_slice %arg7[%add3A_390, %dma_wait3A_391] : memref<80x128xi32, #tpu.memory_space<vmem>> -> memref<1x128xi32, #tpu.memory_space<vmem>>
      %dma_wait3A_393 = tpu.memref_squeeze %dma_wait3A_392 : memref<1x128xi32, #tpu.memory_space<vmem>> -> memref<128xi32, #tpu.memory_space<vmem>>
      %dma_wait3A_394 = arith.constant 0 : i32
      %dma_wait3A_395 = arith.constant 0 : i32
      %dma_wait3A_396 = tpu.memref_slice %arg2[%dma_wait3A_394, %dma_wait3A_395] : memref<10240x32xf32, #tpu.memory_space<hbm>> -> memref<10240x32xf32, #tpu.memory_space<hbm>>
      tpu.wait_indirect_dma semaphore(%arg19 : memref<!tpu.dma_semaphore, #tpu.memory_space<semaphore_mem>>) src(%dma_wait3A_396 : memref<10240x32xf32, #tpu.memory_space<hbm>>) dst(%arg10 : memref<128x32xf32, #tpu.memory_space<vmem>>)
      %dma_start3A_397 = arith.constant 0 : i32
      %dma_start3A_398 = tpu.memref_slice %arg8[%add3A_390, %dma_start3A_397] : memref<80x128xi32, #tpu.memory_space<vmem>> -> memref<1x128xi32, #tpu.memory_space<vmem>>
      %dma_start3A_399 = tpu.memref_squeeze %dma_start3A_398 : memref<1x128xi32, #tpu.memory_space<vmem>> -> memref<128xi32, #tpu.memory_space<vmem>>
      %dma_start3A_400 = arith.constant 0 : i32
      %dma_start3A_401 = arith.constant 0 : i32
      %dma_start3A_402 = tpu.memref_slice %arg17[%dma_start3A_400, %dma_start3A_401] : memref<10240x32xf32, #tpu.memory_space<vmem_shared>> -> memref<10240x32xf32, #tpu.memory_space<vmem_shared>>
      tpu.enqueue_indirect_dma source(%arg10 : memref<128x32xf32, #tpu.memory_space<vmem>>) target(%dma_start3A_402 : memref<10240x32xf32, #tpu.memory_space<vmem_shared>>) offsets(%dma_start3A_399 : memref<128xi32, #tpu.memory_space<vmem>>) semaphore(%arg27 : memref<!tpu.dma_semaphore, #tpu.memory_space<semaphore_mem>>) {add = true}
      %sub3A_403 = arith.constant 4 : i32
      %sub3A_404 = arith.subi %add3A_390, %sub3A_403 : i32
      %dma_wait3A_405 = arith.constant 0 : i32
      %dma_wait3A_406 = tpu.memref_slice %arg8[%sub3A_404, %dma_wait3A_405] : memref<80x128xi32, #tpu.memory_space<vmem>> -> memref<1x128xi32, #tpu.memory_space<vmem>>
      %dma_wait3A_407 = tpu.memref_squeeze %dma_wait3A_406 : memref<1x128xi32, #tpu.memory_space<vmem>> -> memref<128xi32, #tpu.memory_space<vmem>>
      %dma_wait3A_408 = arith.constant 0 : i32
      %dma_wait3A_409 = arith.constant 0 : i32
      %dma_wait3A_410 = tpu.memref_slice %arg17[%dma_wait3A_408, %dma_wait3A_409] : memref<10240x32xf32, #tpu.memory_space<vmem_shared>> -> memref<10240x32xf32, #tpu.memory_space<vmem_shared>>
      tpu.wait_indirect_dma semaphore(%arg31 : memref<!tpu.dma_semaphore, #tpu.memory_space<semaphore_mem>>) src(%arg14 : memref<128x32xf32, #tpu.memory_space<vmem>>) dst(%dma_wait3A_410 : memref<10240x32xf32, #tpu.memory_space<vmem_shared>>)
      %add3A_411 = arith.constant 4 : i32
      %add3A_412 = arith.addi %add3A_390, %add3A_411 : i32
      %dma_start3A_413 = arith.constant 0 : i32
      %dma_start3A_414 = tpu.memref_slice %arg7[%add3A_412, %dma_start3A_413] : memref<80x128xi32, #tpu.memory_space<vmem>> -> memref<1x128xi32, #tpu.memory_space<vmem>>
      %dma_start3A_415 = tpu.memref_squeeze %dma_start3A_414 : memref<1x128xi32, #tpu.memory_space<vmem>> -> memref<128xi32, #tpu.memory_space<vmem>>
      %dma_start3A_416 = arith.constant 0 : i32
      %dma_start3A_417 = arith.constant 0 : i32
      %dma_start3A_418 = tpu.memref_slice %arg2[%dma_start3A_416, %dma_start3A_417] : memref<10240x32xf32, #tpu.memory_space<hbm>> -> memref<10240x32xf32, #tpu.memory_space<hbm>>
      tpu.enqueue_indirect_dma source(%dma_start3A_418 : memref<10240x32xf32, #tpu.memory_space<hbm>>) target(%arg14 : memref<128x32xf32, #tpu.memory_space<vmem>>) offsets(%dma_start3A_415 : memref<128xi32, #tpu.memory_space<vmem>>) semaphore(%arg23 : memref<!tpu.dma_semaphore, #tpu.memory_space<semaphore_mem>>)
      %add3A_419 = arith.constant 6 : i32
      %add3A_420 = arith.addi %add3A_239, %add3A_419 : i32
      %dma_wait3A_421 = arith.constant 0 : i32
      %dma_wait3A_422 = tpu.memref_slice %arg7[%add3A_420, %dma_wait3A_421] : memref<80x128xi32, #tpu.memory_space<vmem>> -> memref<1x128xi32, #tpu.memory_space<vmem>>
      %dma_wait3A_423 = tpu.memref_squeeze %dma_wait3A_422 : memref<1x128xi32, #tpu.memory_space<vmem>> -> memref<128xi32, #tpu.memory_space<vmem>>
      %dma_wait3A_424 = arith.constant 0 : i32
      %dma_wait3A_425 = arith.constant 0 : i32
      %dma_wait3A_426 = tpu.memref_slice %arg2[%dma_wait3A_424, %dma_wait3A_425] : memref<10240x32xf32, #tpu.memory_space<hbm>> -> memref<10240x32xf32, #tpu.memory_space<hbm>>
      tpu.wait_indirect_dma semaphore(%arg20 : memref<!tpu.dma_semaphore, #tpu.memory_space<semaphore_mem>>) src(%dma_wait3A_426 : memref<10240x32xf32, #tpu.memory_space<hbm>>) dst(%arg11 : memref<128x32xf32, #tpu.memory_space<vmem>>)
      %dma_start3A_427 = arith.constant 0 : i32
      %dma_start3A_428 = tpu.memref_slice %arg8[%add3A_420, %dma_start3A_427] : memref<80x128xi32, #tpu.memory_space<vmem>> -> memref<1x128xi32, #tpu.memory_space<vmem>>
      %dma_start3A_429 = tpu.memref_squeeze %dma_start3A_428 : memref<1x128xi32, #tpu.memory_space<vmem>> -> memref<128xi32, #tpu.memory_space<vmem>>
      %dma_start3A_430 = arith.constant 0 : i32
      %dma_start3A_431 = arith.constant 0 : i32
      %dma_start3A_432 = tpu.memref_slice %arg17[%dma_start3A_430, %dma_start3A_431] : memref<10240x32xf32, #tpu.memory_space<vmem_shared>> -> memref<10240x32xf32, #tpu.memory_space<vmem_shared>>
      tpu.enqueue_indirect_dma source(%arg11 : memref<128x32xf32, #tpu.memory_space<vmem>>) target(%dma_start3A_432 : memref<10240x32xf32, #tpu.memory_space<vmem_shared>>) offsets(%dma_start3A_429 : memref<128xi32, #tpu.memory_space<vmem>>) semaphore(%arg28 : memref<!tpu.dma_semaphore, #tpu.memory_space<semaphore_mem>>) {add = true}
      %sub3A_433 = arith.constant 4 : i32
      %sub3A_434 = arith.subi %add3A_420, %sub3A_433 : i32
      %dma_wait3A_435 = arith.constant 0 : i32
      %dma_wait3A_436 = tpu.memref_slice %arg8[%sub3A_434, %dma_wait3A_435] : memref<80x128xi32, #tpu.memory_space<vmem>> -> memref<1x128xi32, #tpu.memory_space<vmem>>
      %dma_wait3A_437 = tpu.memref_squeeze %dma_wait3A_436 : memref<1x128xi32, #tpu.memory_space<vmem>> -> memref<128xi32, #tpu.memory_space<vmem>>
      %dma_wait3A_438 = arith.constant 0 : i32
      %dma_wait3A_439 = arith.constant 0 : i32
      %dma_wait3A_440 = tpu.memref_slice %arg17[%dma_wait3A_438, %dma_wait3A_439] : memref<10240x32xf32, #tpu.memory_space<vmem_shared>> -> memref<10240x32xf32, #tpu.memory_space<vmem_shared>>
      tpu.wait_indirect_dma semaphore(%arg32 : memref<!tpu.dma_semaphore, #tpu.memory_space<semaphore_mem>>) src(%arg15 : memref<128x32xf32, #tpu.memory_space<vmem>>) dst(%dma_wait3A_440 : memref<10240x32xf32, #tpu.memory_space<vmem_shared>>)
      %add3A_441 = arith.constant 4 : i32
      %add3A_442 = arith.addi %add3A_420, %add3A_441 : i32
      %dma_start3A_443 = arith.constant 0 : i32
      %dma_start3A_444 = tpu.memref_slice %arg7[%add3A_442, %dma_start3A_443] : memref<80x128xi32, #tpu.memory_space<vmem>> -> memref<1x128xi32, #tpu.memory_space<vmem>>
      %dma_start3A_445 = tpu.memref_squeeze %dma_start3A_444 : memref<1x128xi32, #tpu.memory_space<vmem>> -> memref<128xi32, #tpu.memory_space<vmem>>
      %dma_start3A_446 = arith.constant 0 : i32
      %dma_start3A_447 = arith.constant 0 : i32
      %dma_start3A_448 = tpu.memref_slice %arg2[%dma_start3A_446, %dma_start3A_447] : memref<10240x32xf32, #tpu.memory_space<hbm>> -> memref<10240x32xf32, #tpu.memory_space<hbm>>
      tpu.enqueue_indirect_dma source(%dma_start3A_448 : memref<10240x32xf32, #tpu.memory_space<hbm>>) target(%arg15 : memref<128x32xf32, #tpu.memory_space<vmem>>) offsets(%dma_start3A_445 : memref<128xi32, #tpu.memory_space<vmem>>) semaphore(%arg24 : memref<!tpu.dma_semaphore, #tpu.memory_space<semaphore_mem>>)
      %add3A_449 = arith.constant 7 : i32
      %add3A_450 = arith.addi %add3A_239, %add3A_449 : i32
      %dma_wait3A_451 = arith.constant 0 : i32
      %dma_wait3A_452 = tpu.memref_slice %arg7[%add3A_450, %dma_wait3A_451] : memref<80x128xi32, #tpu.memory_space<vmem>> -> memref<1x128xi32, #tpu.memory_space<vmem>>
      %dma_wait3A_453 = tpu.memref_squeeze %dma_wait3A_452 : memref<1x128xi32, #tpu.memory_space<vmem>> -> memref<128xi32, #tpu.memory_space<vmem>>
      %dma_wait3A_454 = arith.constant 0 : i32
      %dma_wait3A_455 = arith.constant 0 : i32
      %dma_wait3A_456 = tpu.memref_slice %arg2[%dma_wait3A_454, %dma_wait3A_455] : memref<10240x32xf32, #tpu.memory_space<hbm>> -> memref<10240x32xf32, #tpu.memory_space<hbm>>
      tpu.wait_indirect_dma semaphore(%arg21 : memref<!tpu.dma_semaphore, #tpu.memory_space<semaphore_mem>>) src(%dma_wait3A_456 : memref<10240x32xf32, #tpu.memory_space<hbm>>) dst(%arg12 : memref<128x32xf32, #tpu.memory_space<vmem>>)
      %dma_start3A_457 = arith.constant 0 : i32
      %dma_start3A_458 = tpu.memref_slice %arg8[%add3A_450, %dma_start3A_457] : memref<80x128xi32, #tpu.memory_space<vmem>> -> memref<1x128xi32, #tpu.memory_space<vmem>>
      %dma_start3A_459 = tpu.memref_squeeze %dma_start3A_458 : memref<1x128xi32, #tpu.memory_space<vmem>> -> memref<128xi32, #tpu.memory_space<vmem>>
      %dma_start3A_460 = arith.constant 0 : i32
      %dma_start3A_461 = arith.constant 0 : i32
      %dma_start3A_462 = tpu.memref_slice %arg17[%dma_start3A_460, %dma_start3A_461] : memref<10240x32xf32, #tpu.memory_space<vmem_shared>> -> memref<10240x32xf32, #tpu.memory_space<vmem_shared>>
      tpu.enqueue_indirect_dma source(%arg12 : memref<128x32xf32, #tpu.memory_space<vmem>>) target(%dma_start3A_462 : memref<10240x32xf32, #tpu.memory_space<vmem_shared>>) offsets(%dma_start3A_459 : memref<128xi32, #tpu.memory_space<vmem>>) semaphore(%arg29 : memref<!tpu.dma_semaphore, #tpu.memory_space<semaphore_mem>>) {add = true}
      %sub3A_463 = arith.constant 4 : i32
      %sub3A_464 = arith.subi %add3A_450, %sub3A_463 : i32
      %dma_wait3A_465 = arith.constant 0 : i32
      %dma_wait3A_466 = tpu.memref_slice %arg8[%sub3A_464, %dma_wait3A_465] : memref<80x128xi32, #tpu.memory_space<vmem>> -> memref<1x128xi32, #tpu.memory_space<vmem>>
      %dma_wait3A_467 = tpu.memref_squeeze %dma_wait3A_466 : memref<1x128xi32, #tpu.memory_space<vmem>> -> memref<128xi32, #tpu.memory_space<vmem>>
      %dma_wait3A_468 = arith.constant 0 : i32
      %dma_wait3A_469 = arith.constant 0 : i32
      %dma_wait3A_470 = tpu.memref_slice %arg17[%dma_wait3A_468, %dma_wait3A_469] : memref<10240x32xf32, #tpu.memory_space<vmem_shared>> -> memref<10240x32xf32, #tpu.memory_space<vmem_shared>>
      tpu.wait_indirect_dma semaphore(%arg33 : memref<!tpu.dma_semaphore, #tpu.memory_space<semaphore_mem>>) src(%arg16 : memref<128x32xf32, #tpu.memory_space<vmem>>) dst(%dma_wait3A_470 : memref<10240x32xf32, #tpu.memory_space<vmem_shared>>)
      %add3A_471 = arith.constant 4 : i32
      %add3A_472 = arith.addi %add3A_450, %add3A_471 : i32
      %dma_start3A_473 = arith.constant 0 : i32
      %dma_start3A_474 = tpu.memref_slice %arg7[%add3A_472, %dma_start3A_473] : memref<80x128xi32, #tpu.memory_space<vmem>> -> memref<1x128xi32, #tpu.memory_space<vmem>>
      %dma_start3A_475 = tpu.memref_squeeze %dma_start3A_474 : memref<1x128xi32, #tpu.memory_space<vmem>> -> memref<128xi32, #tpu.memory_space<vmem>>
      %dma_start3A_476 = arith.constant 0 : i32
      %dma_start3A_477 = arith.constant 0 : i32
      %dma_start3A_478 = tpu.memref_slice %arg2[%dma_start3A_476, %dma_start3A_477] : memref<10240x32xf32, #tpu.memory_space<hbm>> -> memref<10240x32xf32, #tpu.memory_space<hbm>>
      tpu.enqueue_indirect_dma source(%dma_start3A_478 : memref<10240x32xf32, #tpu.memory_space<hbm>>) target(%arg16 : memref<128x32xf32, #tpu.memory_space<vmem>>) offsets(%dma_start3A_475 : memref<128xi32, #tpu.memory_space<vmem>>) semaphore(%arg25 : memref<!tpu.dma_semaphore, #tpu.memory_space<semaphore_mem>>)
    }
    %scan3A_121 = arith.constant 9 : i32
    %dma_wait3A_122 = arith.constant 76 : i32
    %dma_wait3A_123 = arith.constant 0 : i32
    %dma_wait3A_124 = tpu.memref_slice %arg7[%dma_wait3A_122, %dma_wait3A_123] : memref<80x128xi32, #tpu.memory_space<vmem>> -> memref<1x128xi32, #tpu.memory_space<vmem>>
    %dma_wait3A_125 = tpu.memref_squeeze %dma_wait3A_124 : memref<1x128xi32, #tpu.memory_space<vmem>> -> memref<128xi32, #tpu.memory_space<vmem>>
    %dma_wait3A_126 = arith.constant 0 : i32
    %dma_wait3A_127 = arith.constant 0 : i32
    %dma_wait3A_128 = tpu.memref_slice %arg2[%dma_wait3A_126, %dma_wait3A_127] : memref<10240x32xf32, #tpu.memory_space<hbm>> -> memref<10240x32xf32, #tpu.memory_space<hbm>>
    tpu.wait_indirect_dma semaphore(%arg22 : memref<!tpu.dma_semaphore, #tpu.memory_space<semaphore_mem>>) src(%dma_wait3A_128 : memref<10240x32xf32, #tpu.memory_space<hbm>>) dst(%arg13 : memref<128x32xf32, #tpu.memory_space<vmem>>)
    %dma_start3A_129 = arith.constant 76 : i32
    %dma_start3A_130 = arith.constant 0 : i32
    %dma_start3A_131 = tpu.memref_slice %arg8[%dma_start3A_129, %dma_start3A_130] : memref<80x128xi32, #tpu.memory_space<vmem>> -> memref<1x128xi32, #tpu.memory_space<vmem>>
    %dma_start3A_132 = tpu.memref_squeeze %dma_start3A_131 : memref<1x128xi32, #tpu.memory_space<vmem>> -> memref<128xi32, #tpu.memory_space<vmem>>
    %dma_start3A_133 = arith.constant 0 : i32
    %dma_start3A_134 = arith.constant 0 : i32
    %dma_start3A_135 = tpu.memref_slice %arg17[%dma_start3A_133, %dma_start3A_134] : memref<10240x32xf32, #tpu.memory_space<vmem_shared>> -> memref<10240x32xf32, #tpu.memory_space<vmem_shared>>
    tpu.enqueue_indirect_dma source(%arg13 : memref<128x32xf32, #tpu.memory_space<vmem>>) target(%dma_start3A_135 : memref<10240x32xf32, #tpu.memory_space<vmem_shared>>) offsets(%dma_start3A_132 : memref<128xi32, #tpu.memory_space<vmem>>) semaphore(%arg30 : memref<!tpu.dma_semaphore, #tpu.memory_space<semaphore_mem>>) {add = true}
    %dma_wait3A_136 = arith.constant 72 : i32
    %dma_wait3A_137 = arith.constant 0 : i32
    %dma_wait3A_138 = tpu.memref_slice %arg8[%dma_wait3A_136, %dma_wait3A_137] : memref<80x128xi32, #tpu.memory_space<vmem>> -> memref<1x128xi32, #tpu.memory_space<vmem>>
    %dma_wait3A_139 = tpu.memref_squeeze %dma_wait3A_138 : memref<1x128xi32, #tpu.memory_space<vmem>> -> memref<128xi32, #tpu.memory_space<vmem>>
    %dma_wait3A_140 = arith.constant 0 : i32
    %dma_wait3A_141 = arith.constant 0 : i32
    %dma_wait3A_142 = tpu.memref_slice %arg17[%dma_wait3A_140, %dma_wait3A_141] : memref<10240x32xf32, #tpu.memory_space<vmem_shared>> -> memref<10240x32xf32, #tpu.memory_space<vmem_shared>>
    tpu.wait_indirect_dma semaphore(%arg26 : memref<!tpu.dma_semaphore, #tpu.memory_space<semaphore_mem>>) src(%arg9 : memref<128x32xf32, #tpu.memory_space<vmem>>) dst(%dma_wait3A_142 : memref<10240x32xf32, #tpu.memory_space<vmem_shared>>)
    %dma_wait3A_143 = arith.constant 77 : i32
    %dma_wait3A_144 = arith.constant 0 : i32
    %dma_wait3A_145 = tpu.memref_slice %arg7[%dma_wait3A_143, %dma_wait3A_144] : memref<80x128xi32, #tpu.memory_space<vmem>> -> memref<1x128xi32, #tpu.memory_space<vmem>>
    %dma_wait3A_146 = tpu.memref_squeeze %dma_wait3A_145 : memref<1x128xi32, #tpu.memory_space<vmem>> -> memref<128xi32, #tpu.memory_space<vmem>>
    %dma_wait3A_147 = arith.constant 0 : i32
    %dma_wait3A_148 = arith.constant 0 : i32
    %dma_wait3A_149 = tpu.memref_slice %arg2[%dma_wait3A_147, %dma_wait3A_148] : memref<10240x32xf32, #tpu.memory_space<hbm>> -> memref<10240x32xf32, #tpu.memory_space<hbm>>
    tpu.wait_indirect_dma semaphore(%arg23 : memref<!tpu.dma_semaphore, #tpu.memory_space<semaphore_mem>>) src(%dma_wait3A_149 : memref<10240x32xf32, #tpu.memory_space<hbm>>) dst(%arg14 : memref<128x32xf32, #tpu.memory_space<vmem>>)
    %dma_start3A_150 = arith.constant 77 : i32
    %dma_start3A_151 = arith.constant 0 : i32
    %dma_start3A_152 = tpu.memref_slice %arg8[%dma_start3A_150, %dma_start3A_151] : memref<80x128xi32, #tpu.memory_space<vmem>> -> memref<1x128xi32, #tpu.memory_space<vmem>>
    %dma_start3A_153 = tpu.memref_squeeze %dma_start3A_152 : memref<1x128xi32, #tpu.memory_space<vmem>> -> memref<128xi32, #tpu.memory_space<vmem>>
    %dma_start3A_154 = arith.constant 0 : i32
    %dma_start3A_155 = arith.constant 0 : i32
    %dma_start3A_156 = tpu.memref_slice %arg17[%dma_start3A_154, %dma_start3A_155] : memref<10240x32xf32, #tpu.memory_space<vmem_shared>> -> memref<10240x32xf32, #tpu.memory_space<vmem_shared>>
    tpu.enqueue_indirect_dma source(%arg14 : memref<128x32xf32, #tpu.memory_space<vmem>>) target(%dma_start3A_156 : memref<10240x32xf32, #tpu.memory_space<vmem_shared>>) offsets(%dma_start3A_153 : memref<128xi32, #tpu.memory_space<vmem>>) semaphore(%arg31 : memref<!tpu.dma_semaphore, #tpu.memory_space<semaphore_mem>>) {add = true}
    %dma_wait3A_157 = arith.constant 73 : i32
    %dma_wait3A_158 = arith.constant 0 : i32
    %dma_wait3A_159 = tpu.memref_slice %arg8[%dma_wait3A_157, %dma_wait3A_158] : memref<80x128xi32, #tpu.memory_space<vmem>> -> memref<1x128xi32, #tpu.memory_space<vmem>>
    %dma_wait3A_160 = tpu.memref_squeeze %dma_wait3A_159 : memref<1x128xi32, #tpu.memory_space<vmem>> -> memref<128xi32, #tpu.memory_space<vmem>>
    %dma_wait3A_161 = arith.constant 0 : i32
    %dma_wait3A_162 = arith.constant 0 : i32
    %dma_wait3A_163 = tpu.memref_slice %arg17[%dma_wait3A_161, %dma_wait3A_162] : memref<10240x32xf32, #tpu.memory_space<vmem_shared>> -> memref<10240x32xf32, #tpu.memory_space<vmem_shared>>
    tpu.wait_indirect_dma semaphore(%arg27 : memref<!tpu.dma_semaphore, #tpu.memory_space<semaphore_mem>>) src(%arg10 : memref<128x32xf32, #tpu.memory_space<vmem>>) dst(%dma_wait3A_163 : memref<10240x32xf32, #tpu.memory_space<vmem_shared>>)
    %dma_wait3A_164 = arith.constant 78 : i32
    %dma_wait3A_165 = arith.constant 0 : i32
    %dma_wait3A_166 = tpu.memref_slice %arg7[%dma_wait3A_164, %dma_wait3A_165] : memref<80x128xi32, #tpu.memory_space<vmem>> -> memref<1x128xi32, #tpu.memory_space<vmem>>
    %dma_wait3A_167 = tpu.memref_squeeze %dma_wait3A_166 : memref<1x128xi32, #tpu.memory_space<vmem>> -> memref<128xi32, #tpu.memory_space<vmem>>
    %dma_wait3A_168 = arith.constant 0 : i32
    %dma_wait3A_169 = arith.constant 0 : i32
    %dma_wait3A_170 = tpu.memref_slice %arg2[%dma_wait3A_168, %dma_wait3A_169] : memref<10240x32xf32, #tpu.memory_space<hbm>> -> memref<10240x32xf32, #tpu.memory_space<hbm>>
    tpu.wait_indirect_dma semaphore(%arg24 : memref<!tpu.dma_semaphore, #tpu.memory_space<semaphore_mem>>) src(%dma_wait3A_170 : memref<10240x32xf32, #tpu.memory_space<hbm>>) dst(%arg15 : memref<128x32xf32, #tpu.memory_space<vmem>>)
    %dma_start3A_171 = arith.constant 78 : i32
    %dma_start3A_172 = arith.constant 0 : i32
    %dma_start3A_173 = tpu.memref_slice %arg8[%dma_start3A_171, %dma_start3A_172] : memref<80x128xi32, #tpu.memory_space<vmem>> -> memref<1x128xi32, #tpu.memory_space<vmem>>
    %dma_start3A_174 = tpu.memref_squeeze %dma_start3A_173 : memref<1x128xi32, #tpu.memory_space<vmem>> -> memref<128xi32, #tpu.memory_space<vmem>>
    %dma_start3A_175 = arith.constant 0 : i32
    %dma_start3A_176 = arith.constant 0 : i32
    %dma_start3A_177 = tpu.memref_slice %arg17[%dma_start3A_175, %dma_start3A_176] : memref<10240x32xf32, #tpu.memory_space<vmem_shared>> -> memref<10240x32xf32, #tpu.memory_space<vmem_shared>>
    tpu.enqueue_indirect_dma source(%arg15 : memref<128x32xf32, #tpu.memory_space<vmem>>) target(%dma_start3A_177 : memref<10240x32xf32, #tpu.memory_space<vmem_shared>>) offsets(%dma_start3A_174 : memref<128xi32, #tpu.memory_space<vmem>>) semaphore(%arg32 : memref<!tpu.dma_semaphore, #tpu.memory_space<semaphore_mem>>) {add = true}
    %dma_wait3A_178 = arith.constant 74 : i32
    %dma_wait3A_179 = arith.constant 0 : i32
    %dma_wait3A_180 = tpu.memref_slice %arg8[%dma_wait3A_178, %dma_wait3A_179] : memref<80x128xi32, #tpu.memory_space<vmem>> -> memref<1x128xi32, #tpu.memory_space<vmem>>
    %dma_wait3A_181 = tpu.memref_squeeze %dma_wait3A_180 : memref<1x128xi32, #tpu.memory_space<vmem>> -> memref<128xi32, #tpu.memory_space<vmem>>
    %dma_wait3A_182 = arith.constant 0 : i32
    %dma_wait3A_183 = arith.constant 0 : i32
    %dma_wait3A_184 = tpu.memref_slice %arg17[%dma_wait3A_182, %dma_wait3A_183] : memref<10240x32xf32, #tpu.memory_space<vmem_shared>> -> memref<10240x32xf32, #tpu.memory_space<vmem_shared>>
    tpu.wait_indirect_dma semaphore(%arg28 : memref<!tpu.dma_semaphore, #tpu.memory_space<semaphore_mem>>) src(%arg11 : memref<128x32xf32, #tpu.memory_space<vmem>>) dst(%dma_wait3A_184 : memref<10240x32xf32, #tpu.memory_space<vmem_shared>>)
    %dma_wait3A_185 = arith.constant 79 : i32
    %dma_wait3A_186 = arith.constant 0 : i32
    %dma_wait3A_187 = tpu.memref_slice %arg7[%dma_wait3A_185, %dma_wait3A_186] : memref<80x128xi32, #tpu.memory_space<vmem>> -> memref<1x128xi32, #tpu.memory_space<vmem>>
    %dma_wait3A_188 = tpu.memref_squeeze %dma_wait3A_187 : memref<1x128xi32, #tpu.memory_space<vmem>> -> memref<128xi32, #tpu.memory_space<vmem>>
    %dma_wait3A_189 = arith.constant 0 : i32
    %dma_wait3A_190 = arith.constant 0 : i32
    %dma_wait3A_191 = tpu.memref_slice %arg2[%dma_wait3A_189, %dma_wait3A_190] : memref<10240x32xf32, #tpu.memory_space<hbm>> -> memref<10240x32xf32, #tpu.memory_space<hbm>>
    tpu.wait_indirect_dma semaphore(%arg25 : memref<!tpu.dma_semaphore, #tpu.memory_space<semaphore_mem>>) src(%dma_wait3A_191 : memref<10240x32xf32, #tpu.memory_space<hbm>>) dst(%arg16 : memref<128x32xf32, #tpu.memory_space<vmem>>)
    %dma_start3A_192 = arith.constant 79 : i32
    %dma_start3A_193 = arith.constant 0 : i32
    %dma_start3A_194 = tpu.memref_slice %arg8[%dma_start3A_192, %dma_start3A_193] : memref<80x128xi32, #tpu.memory_space<vmem>> -> memref<1x128xi32, #tpu.memory_space<vmem>>
    %dma_start3A_195 = tpu.memref_squeeze %dma_start3A_194 : memref<1x128xi32, #tpu.memory_space<vmem>> -> memref<128xi32, #tpu.memory_space<vmem>>
    %dma_start3A_196 = arith.constant 0 : i32
    %dma_start3A_197 = arith.constant 0 : i32
    %dma_start3A_198 = tpu.memref_slice %arg17[%dma_start3A_196, %dma_start3A_197] : memref<10240x32xf32, #tpu.memory_space<vmem_shared>> -> memref<10240x32xf32, #tpu.memory_space<vmem_shared>>
    tpu.enqueue_indirect_dma source(%arg16 : memref<128x32xf32, #tpu.memory_space<vmem>>) target(%dma_start3A_198 : memref<10240x32xf32, #tpu.memory_space<vmem_shared>>) offsets(%dma_start3A_195 : memref<128xi32, #tpu.memory_space<vmem>>) semaphore(%arg33 : memref<!tpu.dma_semaphore, #tpu.memory_space<semaphore_mem>>) {add = true}
    %dma_wait3A_199 = arith.constant 75 : i32
    %dma_wait3A_200 = arith.constant 0 : i32
    %dma_wait3A_201 = tpu.memref_slice %arg8[%dma_wait3A_199, %dma_wait3A_200] : memref<80x128xi32, #tpu.memory_space<vmem>> -> memref<1x128xi32, #tpu.memory_space<vmem>>
    %dma_wait3A_202 = tpu.memref_squeeze %dma_wait3A_201 : memref<1x128xi32, #tpu.memory_space<vmem>> -> memref<128xi32, #tpu.memory_space<vmem>>
    %dma_wait3A_203 = arith.constant 0 : i32
    %dma_wait3A_204 = arith.constant 0 : i32
    %dma_wait3A_205 = tpu.memref_slice %arg17[%dma_wait3A_203, %dma_wait3A_204] : memref<10240x32xf32, #tpu.memory_space<vmem_shared>> -> memref<10240x32xf32, #tpu.memory_space<vmem_shared>>
    tpu.wait_indirect_dma semaphore(%arg29 : memref<!tpu.dma_semaphore, #tpu.memory_space<semaphore_mem>>) src(%arg12 : memref<128x32xf32, #tpu.memory_space<vmem>>) dst(%dma_wait3A_205 : memref<10240x32xf32, #tpu.memory_space<vmem_shared>>)
    %dma_wait3A_206 = arith.constant 76 : i32
    %dma_wait3A_207 = arith.constant 0 : i32
    %dma_wait3A_208 = tpu.memref_slice %arg8[%dma_wait3A_206, %dma_wait3A_207] : memref<80x128xi32, #tpu.memory_space<vmem>> -> memref<1x128xi32, #tpu.memory_space<vmem>>
    %dma_wait3A_209 = tpu.memref_squeeze %dma_wait3A_208 : memref<1x128xi32, #tpu.memory_space<vmem>> -> memref<128xi32, #tpu.memory_space<vmem>>
    %dma_wait3A_210 = arith.constant 0 : i32
    %dma_wait3A_211 = arith.constant 0 : i32
    %dma_wait3A_212 = tpu.memref_slice %arg17[%dma_wait3A_210, %dma_wait3A_211] : memref<10240x32xf32, #tpu.memory_space<vmem_shared>> -> memref<10240x32xf32, #tpu.memory_space<vmem_shared>>
    tpu.wait_indirect_dma semaphore(%arg30 : memref<!tpu.dma_semaphore, #tpu.memory_space<semaphore_mem>>) src(%arg13 : memref<128x32xf32, #tpu.memory_space<vmem>>) dst(%dma_wait3A_212 : memref<10240x32xf32, #tpu.memory_space<vmem_shared>>)
    %dma_wait3A_213 = arith.constant 77 : i32
    %dma_wait3A_214 = arith.constant 0 : i32
    %dma_wait3A_215 = tpu.memref_slice %arg8[%dma_wait3A_213, %dma_wait3A_214] : memref<80x128xi32, #tpu.memory_space<vmem>> -> memref<1x128xi32, #tpu.memory_space<vmem>>
    %dma_wait3A_216 = tpu.memref_squeeze %dma_wait3A_215 : memref<1x128xi32, #tpu.memory_space<vmem>> -> memref<128xi32, #tpu.memory_space<vmem>>
    %dma_wait3A_217 = arith.constant 0 : i32
    %dma_wait3A_218 = arith.constant 0 : i32
    %dma_wait3A_219 = tpu.memref_slice %arg17[%dma_wait3A_217, %dma_wait3A_218] : memref<10240x32xf32, #tpu.memory_space<vmem_shared>> -> memref<10240x32xf32, #tpu.memory_space<vmem_shared>>
    tpu.wait_indirect_dma semaphore(%arg31 : memref<!tpu.dma_semaphore, #tpu.memory_space<semaphore_mem>>) src(%arg14 : memref<128x32xf32, #tpu.memory_space<vmem>>) dst(%dma_wait3A_219 : memref<10240x32xf32, #tpu.memory_space<vmem_shared>>)
    %dma_wait3A_220 = arith.constant 78 : i32
    %dma_wait3A_221 = arith.constant 0 : i32
    %dma_wait3A_222 = tpu.memref_slice %arg8[%dma_wait3A_220, %dma_wait3A_221] : memref<80x128xi32, #tpu.memory_space<vmem>> -> memref<1x128xi32, #tpu.memory_space<vmem>>
    %dma_wait3A_223 = tpu.memref_squeeze %dma_wait3A_222 : memref<1x128xi32, #tpu.memory_space<vmem>> -> memref<128xi32, #tpu.memory_space<vmem>>
    %dma_wait3A_224 = arith.constant 0 : i32
    %dma_wait3A_225 = arith.constant 0 : i32
    %dma_wait3A_226 = tpu.memref_slice %arg17[%dma_wait3A_224, %dma_wait3A_225] : memref<10240x32xf32, #tpu.memory_space<vmem_shared>> -> memref<10240x32xf32, #tpu.memory_space<vmem_shared>>
    tpu.wait_indirect_dma semaphore(%arg32 : memref<!tpu.dma_semaphore, #tpu.memory_space<semaphore_mem>>) src(%arg15 : memref<128x32xf32, #tpu.memory_space<vmem>>) dst(%dma_wait3A_226 : memref<10240x32xf32, #tpu.memory_space<vmem_shared>>)
    %dma_wait3A_227 = arith.constant 79 : i32
    %dma_wait3A_228 = arith.constant 0 : i32
    %dma_wait3A_229 = tpu.memref_slice %arg8[%dma_wait3A_227, %dma_wait3A_228] : memref<80x128xi32, #tpu.memory_space<vmem>> -> memref<1x128xi32, #tpu.memory_space<vmem>>
    %dma_wait3A_230 = tpu.memref_squeeze %dma_wait3A_229 : memref<1x128xi32, #tpu.memory_space<vmem>> -> memref<128xi32, #tpu.memory_space<vmem>>
    %dma_wait3A_231 = arith.constant 0 : i32
    %dma_wait3A_232 = arith.constant 0 : i32
    %dma_wait3A_233 = tpu.memref_slice %arg17[%dma_wait3A_231, %dma_wait3A_232] : memref<10240x32xf32, #tpu.memory_space<vmem_shared>> -> memref<10240x32xf32, #tpu.memory_space<vmem_shared>>
    tpu.wait_indirect_dma semaphore(%arg33 : memref<!tpu.dma_semaphore, #tpu.memory_space<semaphore_mem>>) src(%arg16 : memref<128x32xf32, #tpu.memory_space<vmem>>) dst(%dma_wait3A_233 : memref<10240x32xf32, #tpu.memory_space<vmem_shared>>)
    %barrier3A_234 = arith.constant 0 : index
    tpu.barrier barrier_id(%barrier3A_234)
    "tpu.region"() ({
      %run_scoped3A = tpu.sem_alloc : memref<!tpu.dma_semaphore, #tpu.memory_space<semaphore_mem>>
      %dma_start3A_235 = arith.constant 0 : i32
      %dma_start3A_236 = tpu.memref_slice %arg6[%arg0, %mul3A_2, %dma_start3A_235] : memref<2x10240x32xf32, #tpu.memory_space<hbm>> -> memref<1x640x32xf32, #tpu.memory_space<hbm>>
      %dma_start3A_237 = tpu.memref_squeeze %dma_start3A_236 : memref<1x640x32xf32, #tpu.memory_space<hbm>> -> memref<640x32xf32, #tpu.memory_space<hbm>>
      %dma_start3A_238 = arith.constant 0 : i32
      %dma_start3A_239 = tpu.memref_slice %arg17[%mul3A_2, %dma_start3A_238] : memref<10240x32xf32, #tpu.memory_space<vmem_shared>> -> memref<640x32xf32, #tpu.memory_space<vmem_shared>>
      tpu.enqueue_dma source(%dma_start3A_239 : memref<640x32xf32, #tpu.memory_space<vmem_shared>>) target(%dma_start3A_237 : memref<640x32xf32, #tpu.memory_space<hbm>>) target_semaphore(%run_scoped3A : memref<!tpu.dma_semaphore, #tpu.memory_space<semaphore_mem>>)
      %dma_wait3A_240 = arith.constant 0 : i32
      %dma_wait3A_241 = tpu.memref_slice %arg6[%arg0, %mul3A_2, %dma_wait3A_240] : memref<2x10240x32xf32, #tpu.memory_space<hbm>> -> memref<1x640x32xf32, #tpu.memory_space<hbm>>
      %dma_wait3A_242 = tpu.memref_squeeze %dma_wait3A_241 : memref<1x640x32xf32, #tpu.memory_space<hbm>> -> memref<640x32xf32, #tpu.memory_space<hbm>>
      %dma_wait3A_243 = arith.constant 0 : i32
      %dma_wait3A_244 = tpu.memref_slice %arg17[%mul3A_2, %dma_wait3A_243] : memref<10240x32xf32, #tpu.memory_space<vmem_shared>> -> memref<640x32xf32, #tpu.memory_space<vmem_shared>>
      tpu.wait_dma2 semaphore(%run_scoped3A : memref<!tpu.dma_semaphore, #tpu.memory_space<semaphore_mem>>) src(%dma_wait3A_244 : memref<640x32xf32, #tpu.memory_space<vmem_shared>>) dst(%dma_wait3A_242 : memref<640x32xf32, #tpu.memory_space<hbm>>)
      tpu.yield
    }) : () -> ()
    return
  }
}

#map = affine_map<(d0, d1) -> (0, 0)>
#map1 = affine_map<(d0, d1) -> (0, 0, 0)>
module attributes {stable_mosaic.version = 14 : i64} {
  func.func @_deg_body(%arg0: i32, %arg1: i32, %arg2: memref<2560x128xi32, #tpu.memory_space<hbm>>, %arg3: memref<128x32xf32, #tpu.memory_space<hbm>>, %arg4: memref<10240x32xf32, #tpu.memory_space<hbm>>, %arg5: memref<2x10240x32xf32, #tpu.memory_space<hbm>>, %arg6: memref<80x128xi32, #tpu.memory_space<vmem>>, %arg7: memref<128x32xf32, #tpu.memory_space<vmem>>, %arg8: memref<10240x32xf32, #tpu.memory_space<vmem_shared>>, %arg9: memref<!tpu.dma_semaphore, #tpu.memory_space<semaphore_mem>>, %arg10: memref<!tpu.dma_semaphore, #tpu.memory_space<semaphore_mem>>, %arg11: memref<!tpu.dma_semaphore, #tpu.memory_space<semaphore_mem>>, %arg12: memref<!tpu.dma_semaphore, #tpu.memory_space<semaphore_mem>>) attributes {dimension_semantics = [#tpu.dimension_semantics<core_parallel>, #tpu.dimension_semantics<subcore_parallel>], iteration_bounds = array<i64: 2, 16>, scalar_prefetch = 0 : i64, scratch_operands = 7 : i64, tpu.core_type = #tpu.core_type<sc_vector_subcore>, window_params = [{transform_indices = #map}, {transform_indices = #map}, {transform_indices = #map}, {transform_indices = #map1}]} {
    %mul3A = arith.constant 2 : i32
    %mul3A_0 = arith.muli %arg1, %mul3A : i32
    %add3A = arith.addi %mul3A_0, %arg0 : i32
    %mul3A_1 = arith.constant 640 : i32
    %mul3A_2 = arith.muli %arg1, %mul3A_1 : i32
    "tpu.region"() ({
      %run_scoped3A = tpu.sem_alloc : memref<!tpu.dma_semaphore, #tpu.memory_space<semaphore_mem>>
      %dma_start3A_65 = arith.constant 0 : i32
      %dma_start3A_66 = tpu.memref_slice %arg8[%mul3A_2, %dma_start3A_65] : memref<10240x32xf32, #tpu.memory_space<vmem_shared>> -> memref<640x32xf32, #tpu.memory_space<vmem_shared>>
      %dma_start3A_67 = arith.constant 0 : i32
      %dma_start3A_68 = tpu.memref_slice %arg4[%mul3A_2, %dma_start3A_67] : memref<10240x32xf32, #tpu.memory_space<hbm>> -> memref<640x32xf32, #tpu.memory_space<hbm>>
      tpu.enqueue_dma source(%dma_start3A_68 : memref<640x32xf32, #tpu.memory_space<hbm>>) target(%dma_start3A_66 : memref<640x32xf32, #tpu.memory_space<vmem_shared>>) target_semaphore(%run_scoped3A : memref<!tpu.dma_semaphore, #tpu.memory_space<semaphore_mem>>)
      %dma_wait3A_69 = arith.constant 0 : i32
      %dma_wait3A_70 = tpu.memref_slice %arg8[%mul3A_2, %dma_wait3A_69] : memref<10240x32xf32, #tpu.memory_space<vmem_shared>> -> memref<640x32xf32, #tpu.memory_space<vmem_shared>>
      %dma_wait3A_71 = arith.constant 0 : i32
      %dma_wait3A_72 = tpu.memref_slice %arg4[%mul3A_2, %dma_wait3A_71] : memref<10240x32xf32, #tpu.memory_space<hbm>> -> memref<640x32xf32, #tpu.memory_space<hbm>>
      tpu.wait_dma2 semaphore(%run_scoped3A : memref<!tpu.dma_semaphore, #tpu.memory_space<semaphore_mem>>) src(%dma_wait3A_72 : memref<640x32xf32, #tpu.memory_space<hbm>>) dst(%dma_wait3A_70 : memref<640x32xf32, #tpu.memory_space<vmem_shared>>)
      tpu.yield
    }) : () -> ()
    %mul3A_3 = arith.constant 80 : i32
    %mul3A_4 = arith.muli %add3A, %mul3A_3 : i32
    "tpu.region"() ({
      %run_scoped3A = tpu.sem_alloc : memref<!tpu.dma_semaphore, #tpu.memory_space<semaphore_mem>>
      %dma_start3A_65 = arith.constant 0 : i32
      %dma_start3A_66 = tpu.memref_slice %arg2[%mul3A_4, %dma_start3A_65] : memref<2560x128xi32, #tpu.memory_space<hbm>> -> memref<80x128xi32, #tpu.memory_space<hbm>>
      %dma_start3A_67 = arith.constant 0 : i32
      %dma_start3A_68 = tpu.memref_slice %arg2[%mul3A_4, %dma_start3A_67] : memref<2560x128xi32, #tpu.memory_space<hbm>> -> memref<80x128xi32, #tpu.memory_space<hbm>>
      tpu.enqueue_dma source(%dma_start3A_68 : memref<80x128xi32, #tpu.memory_space<hbm>>) target(%arg6 : memref<80x128xi32, #tpu.memory_space<vmem>>) target_semaphore(%run_scoped3A : memref<!tpu.dma_semaphore, #tpu.memory_space<semaphore_mem>>)
      %dma_wait3A_69 = arith.constant 0 : i32
      %dma_wait3A_70 = tpu.memref_slice %arg2[%mul3A_4, %dma_wait3A_69] : memref<2560x128xi32, #tpu.memory_space<hbm>> -> memref<80x128xi32, #tpu.memory_space<hbm>>
      %dma_wait3A_71 = arith.constant 0 : i32
      %dma_wait3A_72 = tpu.memref_slice %arg2[%mul3A_4, %dma_wait3A_71] : memref<2560x128xi32, #tpu.memory_space<hbm>> -> memref<80x128xi32, #tpu.memory_space<hbm>>
      tpu.wait_dma2 semaphore(%run_scoped3A : memref<!tpu.dma_semaphore, #tpu.memory_space<semaphore_mem>>) src(%dma_wait3A_72 : memref<80x128xi32, #tpu.memory_space<hbm>>) dst(%arg6 : memref<80x128xi32, #tpu.memory_space<vmem>>)
      tpu.yield
    }) : () -> ()
    "tpu.region"() ({
      %run_scoped3A = tpu.sem_alloc : memref<!tpu.dma_semaphore, #tpu.memory_space<semaphore_mem>>
      tpu.enqueue_dma source(%arg3 : memref<128x32xf32, #tpu.memory_space<hbm>>) target(%arg7 : memref<128x32xf32, #tpu.memory_space<vmem>>) target_semaphore(%run_scoped3A : memref<!tpu.dma_semaphore, #tpu.memory_space<semaphore_mem>>)
      tpu.wait_dma2 semaphore(%run_scoped3A : memref<!tpu.dma_semaphore, #tpu.memory_space<semaphore_mem>>) src(%arg3 : memref<128x32xf32, #tpu.memory_space<hbm>>) dst(%arg7 : memref<128x32xf32, #tpu.memory_space<vmem>>)
      tpu.yield
    }) : () -> ()
    %barrier3A = arith.constant 0 : index
    tpu.barrier barrier_id(%barrier3A)
    %dma_start3A = arith.constant 0 : i32
    %dma_start3A_5 = arith.constant 0 : i32
    %dma_start3A_6 = tpu.memref_slice %arg6[%dma_start3A, %dma_start3A_5] : memref<80x128xi32, #tpu.memory_space<vmem>> -> memref<1x128xi32, #tpu.memory_space<vmem>>
    %dma_start3A_7 = tpu.memref_squeeze %dma_start3A_6 : memref<1x128xi32, #tpu.memory_space<vmem>> -> memref<128xi32, #tpu.memory_space<vmem>>
    %dma_start3A_8 = arith.constant 0 : i32
    %dma_start3A_9 = arith.constant 0 : i32
    %dma_start3A_10 = tpu.memref_slice %arg8[%dma_start3A_8, %dma_start3A_9] : memref<10240x32xf32, #tpu.memory_space<vmem_shared>> -> memref<10240x32xf32, #tpu.memory_space<vmem_shared>>
    tpu.enqueue_indirect_dma source(%arg7 : memref<128x32xf32, #tpu.memory_space<vmem>>) target(%dma_start3A_10 : memref<10240x32xf32, #tpu.memory_space<vmem_shared>>) offsets(%dma_start3A_7 : memref<128xi32, #tpu.memory_space<vmem>>) semaphore(%arg9 : memref<!tpu.dma_semaphore, #tpu.memory_space<semaphore_mem>>) {add = true}
    %dma_start3A_11 = arith.constant 1 : i32
    %dma_start3A_12 = arith.constant 0 : i32
    %dma_start3A_13 = tpu.memref_slice %arg6[%dma_start3A_11, %dma_start3A_12] : memref<80x128xi32, #tpu.memory_space<vmem>> -> memref<1x128xi32, #tpu.memory_space<vmem>>
    %dma_start3A_14 = tpu.memref_squeeze %dma_start3A_13 : memref<1x128xi32, #tpu.memory_space<vmem>> -> memref<128xi32, #tpu.memory_space<vmem>>
    %dma_start3A_15 = arith.constant 0 : i32
    %dma_start3A_16 = arith.constant 0 : i32
    %dma_start3A_17 = tpu.memref_slice %arg8[%dma_start3A_15, %dma_start3A_16] : memref<10240x32xf32, #tpu.memory_space<vmem_shared>> -> memref<10240x32xf32, #tpu.memory_space<vmem_shared>>
    tpu.enqueue_indirect_dma source(%arg7 : memref<128x32xf32, #tpu.memory_space<vmem>>) target(%dma_start3A_17 : memref<10240x32xf32, #tpu.memory_space<vmem_shared>>) offsets(%dma_start3A_14 : memref<128xi32, #tpu.memory_space<vmem>>) semaphore(%arg10 : memref<!tpu.dma_semaphore, #tpu.memory_space<semaphore_mem>>) {add = true}
    %dma_start3A_18 = arith.constant 2 : i32
    %dma_start3A_19 = arith.constant 0 : i32
    %dma_start3A_20 = tpu.memref_slice %arg6[%dma_start3A_18, %dma_start3A_19] : memref<80x128xi32, #tpu.memory_space<vmem>> -> memref<1x128xi32, #tpu.memory_space<vmem>>
    %dma_start3A_21 = tpu.memref_squeeze %dma_start3A_20 : memref<1x128xi32, #tpu.memory_space<vmem>> -> memref<128xi32, #tpu.memory_space<vmem>>
    %dma_start3A_22 = arith.constant 0 : i32
    %dma_start3A_23 = arith.constant 0 : i32
    %dma_start3A_24 = tpu.memref_slice %arg8[%dma_start3A_22, %dma_start3A_23] : memref<10240x32xf32, #tpu.memory_space<vmem_shared>> -> memref<10240x32xf32, #tpu.memory_space<vmem_shared>>
    tpu.enqueue_indirect_dma source(%arg7 : memref<128x32xf32, #tpu.memory_space<vmem>>) target(%dma_start3A_24 : memref<10240x32xf32, #tpu.memory_space<vmem_shared>>) offsets(%dma_start3A_21 : memref<128xi32, #tpu.memory_space<vmem>>) semaphore(%arg11 : memref<!tpu.dma_semaphore, #tpu.memory_space<semaphore_mem>>) {add = true}
    %dma_start3A_25 = arith.constant 3 : i32
    %dma_start3A_26 = arith.constant 0 : i32
    %dma_start3A_27 = tpu.memref_slice %arg6[%dma_start3A_25, %dma_start3A_26] : memref<80x128xi32, #tpu.memory_space<vmem>> -> memref<1x128xi32, #tpu.memory_space<vmem>>
    %dma_start3A_28 = tpu.memref_squeeze %dma_start3A_27 : memref<1x128xi32, #tpu.memory_space<vmem>> -> memref<128xi32, #tpu.memory_space<vmem>>
    %dma_start3A_29 = arith.constant 0 : i32
    %dma_start3A_30 = arith.constant 0 : i32
    %dma_start3A_31 = tpu.memref_slice %arg8[%dma_start3A_29, %dma_start3A_30] : memref<10240x32xf32, #tpu.memory_space<vmem_shared>> -> memref<10240x32xf32, #tpu.memory_space<vmem_shared>>
    tpu.enqueue_indirect_dma source(%arg7 : memref<128x32xf32, #tpu.memory_space<vmem>>) target(%dma_start3A_31 : memref<10240x32xf32, #tpu.memory_space<vmem_shared>>) offsets(%dma_start3A_28 : memref<128xi32, #tpu.memory_space<vmem>>) semaphore(%arg12 : memref<!tpu.dma_semaphore, #tpu.memory_space<semaphore_mem>>) {add = true}
    %scan3A = arith.constant 0 : i32
    %scan3A_32 = arith.constant 0 : i32
    %scan3A_33 = arith.constant 19 : i32
    %scan3A_34 = arith.addi %scan3A_32, %scan3A_33 : i32
    %scan3A_35 = arith.constant 1 : i32
    scf.for %scan3A_65 = %scan3A_32 to %scan3A_34 step %scan3A_35  : i32 {
      %mul3A_66 = arith.constant 4 : i32
      %mul3A_67 = arith.muli %mul3A_66, %scan3A_65 : i32
      %add3A_68 = arith.constant 4 : i32
      %add3A_69 = arith.addi %add3A_68, %mul3A_67 : i32
      %add3A_70 = arith.constant 0 : i32
      %add3A_71 = arith.addi %add3A_69, %add3A_70 : i32
      %sub3A = arith.constant 4 : i32
      %sub3A_72 = arith.subi %add3A_71, %sub3A : i32
      %dma_wait3A_73 = arith.constant 0 : i32
      %dma_wait3A_74 = tpu.memref_slice %arg6[%sub3A_72, %dma_wait3A_73] : memref<80x128xi32, #tpu.memory_space<vmem>> -> memref<1x128xi32, #tpu.memory_space<vmem>>
      %dma_wait3A_75 = tpu.memref_squeeze %dma_wait3A_74 : memref<1x128xi32, #tpu.memory_space<vmem>> -> memref<128xi32, #tpu.memory_space<vmem>>
      %dma_wait3A_76 = arith.constant 0 : i32
      %dma_wait3A_77 = arith.constant 0 : i32
      %dma_wait3A_78 = tpu.memref_slice %arg8[%dma_wait3A_76, %dma_wait3A_77] : memref<10240x32xf32, #tpu.memory_space<vmem_shared>> -> memref<10240x32xf32, #tpu.memory_space<vmem_shared>>
      tpu.wait_indirect_dma semaphore(%arg9 : memref<!tpu.dma_semaphore, #tpu.memory_space<semaphore_mem>>) src(%arg7 : memref<128x32xf32, #tpu.memory_space<vmem>>) dst(%dma_wait3A_78 : memref<10240x32xf32, #tpu.memory_space<vmem_shared>>)
      %dma_start3A_79 = arith.constant 0 : i32
      %dma_start3A_80 = tpu.memref_slice %arg6[%add3A_71, %dma_start3A_79] : memref<80x128xi32, #tpu.memory_space<vmem>> -> memref<1x128xi32, #tpu.memory_space<vmem>>
      %dma_start3A_81 = tpu.memref_squeeze %dma_start3A_80 : memref<1x128xi32, #tpu.memory_space<vmem>> -> memref<128xi32, #tpu.memory_space<vmem>>
      %dma_start3A_82 = arith.constant 0 : i32
      %dma_start3A_83 = arith.constant 0 : i32
      %dma_start3A_84 = tpu.memref_slice %arg8[%dma_start3A_82, %dma_start3A_83] : memref<10240x32xf32, #tpu.memory_space<vmem_shared>> -> memref<10240x32xf32, #tpu.memory_space<vmem_shared>>
      tpu.enqueue_indirect_dma source(%arg7 : memref<128x32xf32, #tpu.memory_space<vmem>>) target(%dma_start3A_84 : memref<10240x32xf32, #tpu.memory_space<vmem_shared>>) offsets(%dma_start3A_81 : memref<128xi32, #tpu.memory_space<vmem>>) semaphore(%arg9 : memref<!tpu.dma_semaphore, #tpu.memory_space<semaphore_mem>>) {add = true}
      %mul3A_85 = arith.constant 4 : i32
      %mul3A_86 = arith.muli %mul3A_85, %scan3A_65 : i32
      %add3A_87 = arith.constant 4 : i32
      %add3A_88 = arith.addi %add3A_87, %mul3A_86 : i32
      %add3A_89 = arith.constant 1 : i32
      %add3A_90 = arith.addi %add3A_88, %add3A_89 : i32
      %sub3A_91 = arith.constant 4 : i32
      %sub3A_92 = arith.subi %add3A_90, %sub3A_91 : i32
      %dma_wait3A_93 = arith.constant 0 : i32
      %dma_wait3A_94 = tpu.memref_slice %arg6[%sub3A_92, %dma_wait3A_93] : memref<80x128xi32, #tpu.memory_space<vmem>> -> memref<1x128xi32, #tpu.memory_space<vmem>>
      %dma_wait3A_95 = tpu.memref_squeeze %dma_wait3A_94 : memref<1x128xi32, #tpu.memory_space<vmem>> -> memref<128xi32, #tpu.memory_space<vmem>>
      %dma_wait3A_96 = arith.constant 0 : i32
      %dma_wait3A_97 = arith.constant 0 : i32
      %dma_wait3A_98 = tpu.memref_slice %arg8[%dma_wait3A_96, %dma_wait3A_97] : memref<10240x32xf32, #tpu.memory_space<vmem_shared>> -> memref<10240x32xf32, #tpu.memory_space<vmem_shared>>
      tpu.wait_indirect_dma semaphore(%arg10 : memref<!tpu.dma_semaphore, #tpu.memory_space<semaphore_mem>>) src(%arg7 : memref<128x32xf32, #tpu.memory_space<vmem>>) dst(%dma_wait3A_98 : memref<10240x32xf32, #tpu.memory_space<vmem_shared>>)
      %dma_start3A_99 = arith.constant 0 : i32
      %dma_start3A_100 = tpu.memref_slice %arg6[%add3A_90, %dma_start3A_99] : memref<80x128xi32, #tpu.memory_space<vmem>> -> memref<1x128xi32, #tpu.memory_space<vmem>>
      %dma_start3A_101 = tpu.memref_squeeze %dma_start3A_100 : memref<1x128xi32, #tpu.memory_space<vmem>> -> memref<128xi32, #tpu.memory_space<vmem>>
      %dma_start3A_102 = arith.constant 0 : i32
      %dma_start3A_103 = arith.constant 0 : i32
      %dma_start3A_104 = tpu.memref_slice %arg8[%dma_start3A_102, %dma_start3A_103] : memref<10240x32xf32, #tpu.memory_space<vmem_shared>> -> memref<10240x32xf32, #tpu.memory_space<vmem_shared>>
      tpu.enqueue_indirect_dma source(%arg7 : memref<128x32xf32, #tpu.memory_space<vmem>>) target(%dma_start3A_104 : memref<10240x32xf32, #tpu.memory_space<vmem_shared>>) offsets(%dma_start3A_101 : memref<128xi32, #tpu.memory_space<vmem>>) semaphore(%arg10 : memref<!tpu.dma_semaphore, #tpu.memory_space<semaphore_mem>>) {add = true}
      %mul3A_105 = arith.constant 4 : i32
      %mul3A_106 = arith.muli %mul3A_105, %scan3A_65 : i32
      %add3A_107 = arith.constant 4 : i32
      %add3A_108 = arith.addi %add3A_107, %mul3A_106 : i32
      %add3A_109 = arith.constant 2 : i32
      %add3A_110 = arith.addi %add3A_108, %add3A_109 : i32
      %sub3A_111 = arith.constant 4 : i32
      %sub3A_112 = arith.subi %add3A_110, %sub3A_111 : i32
      %dma_wait3A_113 = arith.constant 0 : i32
      %dma_wait3A_114 = tpu.memref_slice %arg6[%sub3A_112, %dma_wait3A_113] : memref<80x128xi32, #tpu.memory_space<vmem>> -> memref<1x128xi32, #tpu.memory_space<vmem>>
      %dma_wait3A_115 = tpu.memref_squeeze %dma_wait3A_114 : memref<1x128xi32, #tpu.memory_space<vmem>> -> memref<128xi32, #tpu.memory_space<vmem>>
      %dma_wait3A_116 = arith.constant 0 : i32
      %dma_wait3A_117 = arith.constant 0 : i32
      %dma_wait3A_118 = tpu.memref_slice %arg8[%dma_wait3A_116, %dma_wait3A_117] : memref<10240x32xf32, #tpu.memory_space<vmem_shared>> -> memref<10240x32xf32, #tpu.memory_space<vmem_shared>>
      tpu.wait_indirect_dma semaphore(%arg11 : memref<!tpu.dma_semaphore, #tpu.memory_space<semaphore_mem>>) src(%arg7 : memref<128x32xf32, #tpu.memory_space<vmem>>) dst(%dma_wait3A_118 : memref<10240x32xf32, #tpu.memory_space<vmem_shared>>)
      %dma_start3A_119 = arith.constant 0 : i32
      %dma_start3A_120 = tpu.memref_slice %arg6[%add3A_110, %dma_start3A_119] : memref<80x128xi32, #tpu.memory_space<vmem>> -> memref<1x128xi32, #tpu.memory_space<vmem>>
      %dma_start3A_121 = tpu.memref_squeeze %dma_start3A_120 : memref<1x128xi32, #tpu.memory_space<vmem>> -> memref<128xi32, #tpu.memory_space<vmem>>
      %dma_start3A_122 = arith.constant 0 : i32
      %dma_start3A_123 = arith.constant 0 : i32
      %dma_start3A_124 = tpu.memref_slice %arg8[%dma_start3A_122, %dma_start3A_123] : memref<10240x32xf32, #tpu.memory_space<vmem_shared>> -> memref<10240x32xf32, #tpu.memory_space<vmem_shared>>
      tpu.enqueue_indirect_dma source(%arg7 : memref<128x32xf32, #tpu.memory_space<vmem>>) target(%dma_start3A_124 : memref<10240x32xf32, #tpu.memory_space<vmem_shared>>) offsets(%dma_start3A_121 : memref<128xi32, #tpu.memory_space<vmem>>) semaphore(%arg11 : memref<!tpu.dma_semaphore, #tpu.memory_space<semaphore_mem>>) {add = true}
      %mul3A_125 = arith.constant 4 : i32
      %mul3A_126 = arith.muli %mul3A_125, %scan3A_65 : i32
      %add3A_127 = arith.constant 4 : i32
      %add3A_128 = arith.addi %add3A_127, %mul3A_126 : i32
      %add3A_129 = arith.constant 3 : i32
      %add3A_130 = arith.addi %add3A_128, %add3A_129 : i32
      %sub3A_131 = arith.constant 4 : i32
      %sub3A_132 = arith.subi %add3A_130, %sub3A_131 : i32
      %dma_wait3A_133 = arith.constant 0 : i32
      %dma_wait3A_134 = tpu.memref_slice %arg6[%sub3A_132, %dma_wait3A_133] : memref<80x128xi32, #tpu.memory_space<vmem>> -> memref<1x128xi32, #tpu.memory_space<vmem>>
      %dma_wait3A_135 = tpu.memref_squeeze %dma_wait3A_134 : memref<1x128xi32, #tpu.memory_space<vmem>> -> memref<128xi32, #tpu.memory_space<vmem>>
      %dma_wait3A_136 = arith.constant 0 : i32
      %dma_wait3A_137 = arith.constant 0 : i32
      %dma_wait3A_138 = tpu.memref_slice %arg8[%dma_wait3A_136, %dma_wait3A_137] : memref<10240x32xf32, #tpu.memory_space<vmem_shared>> -> memref<10240x32xf32, #tpu.memory_space<vmem_shared>>
      tpu.wait_indirect_dma semaphore(%arg12 : memref<!tpu.dma_semaphore, #tpu.memory_space<semaphore_mem>>) src(%arg7 : memref<128x32xf32, #tpu.memory_space<vmem>>) dst(%dma_wait3A_138 : memref<10240x32xf32, #tpu.memory_space<vmem_shared>>)
      %dma_start3A_139 = arith.constant 0 : i32
      %dma_start3A_140 = tpu.memref_slice %arg6[%add3A_130, %dma_start3A_139] : memref<80x128xi32, #tpu.memory_space<vmem>> -> memref<1x128xi32, #tpu.memory_space<vmem>>
      %dma_start3A_141 = tpu.memref_squeeze %dma_start3A_140 : memref<1x128xi32, #tpu.memory_space<vmem>> -> memref<128xi32, #tpu.memory_space<vmem>>
      %dma_start3A_142 = arith.constant 0 : i32
      %dma_start3A_143 = arith.constant 0 : i32
      %dma_start3A_144 = tpu.memref_slice %arg8[%dma_start3A_142, %dma_start3A_143] : memref<10240x32xf32, #tpu.memory_space<vmem_shared>> -> memref<10240x32xf32, #tpu.memory_space<vmem_shared>>
      tpu.enqueue_indirect_dma source(%arg7 : memref<128x32xf32, #tpu.memory_space<vmem>>) target(%dma_start3A_144 : memref<10240x32xf32, #tpu.memory_space<vmem_shared>>) offsets(%dma_start3A_141 : memref<128xi32, #tpu.memory_space<vmem>>) semaphore(%arg12 : memref<!tpu.dma_semaphore, #tpu.memory_space<semaphore_mem>>) {add = true}
    }
    %scan3A_36 = arith.constant 19 : i32
    %dma_wait3A = arith.constant 76 : i32
    %dma_wait3A_37 = arith.constant 0 : i32
    %dma_wait3A_38 = tpu.memref_slice %arg6[%dma_wait3A, %dma_wait3A_37] : memref<80x128xi32, #tpu.memory_space<vmem>> -> memref<1x128xi32, #tpu.memory_space<vmem>>
    %dma_wait3A_39 = tpu.memref_squeeze %dma_wait3A_38 : memref<1x128xi32, #tpu.memory_space<vmem>> -> memref<128xi32, #tpu.memory_space<vmem>>
    %dma_wait3A_40 = arith.constant 0 : i32
    %dma_wait3A_41 = arith.constant 0 : i32
    %dma_wait3A_42 = tpu.memref_slice %arg8[%dma_wait3A_40, %dma_wait3A_41] : memref<10240x32xf32, #tpu.memory_space<vmem_shared>> -> memref<10240x32xf32, #tpu.memory_space<vmem_shared>>
    tpu.wait_indirect_dma semaphore(%arg9 : memref<!tpu.dma_semaphore, #tpu.memory_space<semaphore_mem>>) src(%arg7 : memref<128x32xf32, #tpu.memory_space<vmem>>) dst(%dma_wait3A_42 : memref<10240x32xf32, #tpu.memory_space<vmem_shared>>)
    %dma_wait3A_43 = arith.constant 77 : i32
    %dma_wait3A_44 = arith.constant 0 : i32
    %dma_wait3A_45 = tpu.memref_slice %arg6[%dma_wait3A_43, %dma_wait3A_44] : memref<80x128xi32, #tpu.memory_space<vmem>> -> memref<1x128xi32, #tpu.memory_space<vmem>>
    %dma_wait3A_46 = tpu.memref_squeeze %dma_wait3A_45 : memref<1x128xi32, #tpu.memory_space<vmem>> -> memref<128xi32, #tpu.memory_space<vmem>>
    %dma_wait3A_47 = arith.constant 0 : i32
    %dma_wait3A_48 = arith.constant 0 : i32
    %dma_wait3A_49 = tpu.memref_slice %arg8[%dma_wait3A_47, %dma_wait3A_48] : memref<10240x32xf32, #tpu.memory_space<vmem_shared>> -> memref<10240x32xf32, #tpu.memory_space<vmem_shared>>
    tpu.wait_indirect_dma semaphore(%arg10 : memref<!tpu.dma_semaphore, #tpu.memory_space<semaphore_mem>>) src(%arg7 : memref<128x32xf32, #tpu.memory_space<vmem>>) dst(%dma_wait3A_49 : memref<10240x32xf32, #tpu.memory_space<vmem_shared>>)
    %dma_wait3A_50 = arith.constant 78 : i32
    %dma_wait3A_51 = arith.constant 0 : i32
    %dma_wait3A_52 = tpu.memref_slice %arg6[%dma_wait3A_50, %dma_wait3A_51] : memref<80x128xi32, #tpu.memory_space<vmem>> -> memref<1x128xi32, #tpu.memory_space<vmem>>
    %dma_wait3A_53 = tpu.memref_squeeze %dma_wait3A_52 : memref<1x128xi32, #tpu.memory_space<vmem>> -> memref<128xi32, #tpu.memory_space<vmem>>
    %dma_wait3A_54 = arith.constant 0 : i32
    %dma_wait3A_55 = arith.constant 0 : i32
    %dma_wait3A_56 = tpu.memref_slice %arg8[%dma_wait3A_54, %dma_wait3A_55] : memref<10240x32xf32, #tpu.memory_space<vmem_shared>> -> memref<10240x32xf32, #tpu.memory_space<vmem_shared>>
    tpu.wait_indirect_dma semaphore(%arg11 : memref<!tpu.dma_semaphore, #tpu.memory_space<semaphore_mem>>) src(%arg7 : memref<128x32xf32, #tpu.memory_space<vmem>>) dst(%dma_wait3A_56 : memref<10240x32xf32, #tpu.memory_space<vmem_shared>>)
    %dma_wait3A_57 = arith.constant 79 : i32
    %dma_wait3A_58 = arith.constant 0 : i32
    %dma_wait3A_59 = tpu.memref_slice %arg6[%dma_wait3A_57, %dma_wait3A_58] : memref<80x128xi32, #tpu.memory_space<vmem>> -> memref<1x128xi32, #tpu.memory_space<vmem>>
    %dma_wait3A_60 = tpu.memref_squeeze %dma_wait3A_59 : memref<1x128xi32, #tpu.memory_space<vmem>> -> memref<128xi32, #tpu.memory_space<vmem>>
    %dma_wait3A_61 = arith.constant 0 : i32
    %dma_wait3A_62 = arith.constant 0 : i32
    %dma_wait3A_63 = tpu.memref_slice %arg8[%dma_wait3A_61, %dma_wait3A_62] : memref<10240x32xf32, #tpu.memory_space<vmem_shared>> -> memref<10240x32xf32, #tpu.memory_space<vmem_shared>>
    tpu.wait_indirect_dma semaphore(%arg12 : memref<!tpu.dma_semaphore, #tpu.memory_space<semaphore_mem>>) src(%arg7 : memref<128x32xf32, #tpu.memory_space<vmem>>) dst(%dma_wait3A_63 : memref<10240x32xf32, #tpu.memory_space<vmem_shared>>)
    %barrier3A_64 = arith.constant 0 : index
    tpu.barrier barrier_id(%barrier3A_64)
    "tpu.region"() ({
      %run_scoped3A = tpu.sem_alloc : memref<!tpu.dma_semaphore, #tpu.memory_space<semaphore_mem>>
      %dma_start3A_65 = arith.constant 0 : i32
      %dma_start3A_66 = tpu.memref_slice %arg5[%arg0, %mul3A_2, %dma_start3A_65] : memref<2x10240x32xf32, #tpu.memory_space<hbm>> -> memref<1x640x32xf32, #tpu.memory_space<hbm>>
      %dma_start3A_67 = tpu.memref_squeeze %dma_start3A_66 : memref<1x640x32xf32, #tpu.memory_space<hbm>> -> memref<640x32xf32, #tpu.memory_space<hbm>>
      %dma_start3A_68 = arith.constant 0 : i32
      %dma_start3A_69 = tpu.memref_slice %arg8[%mul3A_2, %dma_start3A_68] : memref<10240x32xf32, #tpu.memory_space<vmem_shared>> -> memref<640x32xf32, #tpu.memory_space<vmem_shared>>
      tpu.enqueue_dma source(%dma_start3A_69 : memref<640x32xf32, #tpu.memory_space<vmem_shared>>) target(%dma_start3A_67 : memref<640x32xf32, #tpu.memory_space<hbm>>) target_semaphore(%run_scoped3A : memref<!tpu.dma_semaphore, #tpu.memory_space<semaphore_mem>>)
      %dma_wait3A_70 = arith.constant 0 : i32
      %dma_wait3A_71 = tpu.memref_slice %arg5[%arg0, %mul3A_2, %dma_wait3A_70] : memref<2x10240x32xf32, #tpu.memory_space<hbm>> -> memref<1x640x32xf32, #tpu.memory_space<hbm>>
      %dma_wait3A_72 = tpu.memref_squeeze %dma_wait3A_71 : memref<1x640x32xf32, #tpu.memory_space<hbm>> -> memref<640x32xf32, #tpu.memory_space<hbm>>
      %dma_wait3A_73 = arith.constant 0 : i32
      %dma_wait3A_74 = tpu.memref_slice %arg8[%mul3A_2, %dma_wait3A_73] : memref<10240x32xf32, #tpu.memory_space<vmem_shared>> -> memref<640x32xf32, #tpu.memory_space<vmem_shared>>
      tpu.wait_dma2 semaphore(%run_scoped3A : memref<!tpu.dma_semaphore, #tpu.memory_space<semaphore_mem>>) src(%dma_wait3A_74 : memref<640x32xf32, #tpu.memory_space<vmem_shared>>) dst(%dma_wait3A_72 : memref<640x32xf32, #tpu.memory_space<hbm>>)
      tpu.yield
    }) : () -> ()
    return
  }
}

#map = affine_map<(d0, d1) -> (0, 0)>
#map1 = affine_map<(d0, d1) -> (0, 0, 0)>
module attributes {stable_mosaic.version = 14 : i64} {
  func.func @_layer_body(%arg0: i32, %arg1: i32, %arg2: memref<10240x32xf32, #tpu.memory_space<hbm>>, %arg3: memref<2560x128xi32, #tpu.memory_space<hbm>>, %arg4: memref<2560x128xi32, #tpu.memory_space<hbm>>, %arg5: memref<10240x32xf32, #tpu.memory_space<hbm>>, %arg6: memref<2x10240x32xf32, #tpu.memory_space<hbm>>, %arg7: memref<80x128xi32, #tpu.memory_space<vmem>>, %arg8: memref<80x128xi32, #tpu.memory_space<vmem>>, %arg9: memref<128x32xf32, #tpu.memory_space<vmem>>, %arg10: memref<128x32xf32, #tpu.memory_space<vmem>>, %arg11: memref<128x32xf32, #tpu.memory_space<vmem>>, %arg12: memref<128x32xf32, #tpu.memory_space<vmem>>, %arg13: memref<128x32xf32, #tpu.memory_space<vmem>>, %arg14: memref<128x32xf32, #tpu.memory_space<vmem>>, %arg15: memref<128x32xf32, #tpu.memory_space<vmem>>, %arg16: memref<128x32xf32, #tpu.memory_space<vmem>>, %arg17: memref<10240x32xf32, #tpu.memory_space<vmem_shared>>, %arg18: memref<!tpu.dma_semaphore, #tpu.memory_space<semaphore_mem>>, %arg19: memref<!tpu.dma_semaphore, #tpu.memory_space<semaphore_mem>>, %arg20: memref<!tpu.dma_semaphore, #tpu.memory_space<semaphore_mem>>, %arg21: memref<!tpu.dma_semaphore, #tpu.memory_space<semaphore_mem>>, %arg22: memref<!tpu.dma_semaphore, #tpu.memory_space<semaphore_mem>>, %arg23: memref<!tpu.dma_semaphore, #tpu.memory_space<semaphore_mem>>, %arg24: memref<!tpu.dma_semaphore, #tpu.memory_space<semaphore_mem>>, %arg25: memref<!tpu.dma_semaphore, #tpu.memory_space<semaphore_mem>>, %arg26: memref<!tpu.dma_semaphore, #tpu.memory_space<semaphore_mem>>, %arg27: memref<!tpu.dma_semaphore, #tpu.memory_space<semaphore_mem>>, %arg28: memref<!tpu.dma_semaphore, #tpu.memory_space<semaphore_mem>>, %arg29: memref<!tpu.dma_semaphore, #tpu.memory_space<semaphore_mem>>, %arg30: memref<!tpu.dma_semaphore, #tpu.memory_space<semaphore_mem>>, %arg31: memref<!tpu.dma_semaphore, #tpu.memory_space<semaphore_mem>>, %arg32: memref<!tpu.dma_semaphore, #tpu.memory_space<semaphore_mem>>, %arg33: memref<!tpu.dma_semaphore, #tpu.memory_space<semaphore_mem>>) attributes {dimension_semantics = [#tpu.dimension_semantics<core_parallel>, #tpu.dimension_semantics<subcore_parallel>], iteration_bounds = array<i64: 2, 16>, scalar_prefetch = 0 : i64, scratch_operands = 27 : i64, tpu.core_type = #tpu.core_type<sc_vector_subcore>, window_params = [{transform_indices = #map}, {transform_indices = #map}, {transform_indices = #map}, {transform_indices = #map}, {transform_indices = #map1}]} {
    %mul3A = arith.constant 2 : i32
    %mul3A_0 = arith.muli %arg1, %mul3A : i32
    %add3A = arith.addi %mul3A_0, %arg0 : i32
    %mul3A_1 = arith.constant 640 : i32
    %mul3A_2 = arith.muli %arg1, %mul3A_1 : i32
    "tpu.region"() ({
      %run_scoped3A = tpu.sem_alloc : memref<!tpu.dma_semaphore, #tpu.memory_space<semaphore_mem>>
      %dma_start3A_235 = arith.constant 0 : i32
      %dma_start3A_236 = tpu.memref_slice %arg17[%mul3A_2, %dma_start3A_235] : memref<10240x32xf32, #tpu.memory_space<vmem_shared>> -> memref<640x32xf32, #tpu.memory_space<vmem_shared>>
      %dma_start3A_237 = arith.constant 0 : i32
      %dma_start3A_238 = tpu.memref_slice %arg5[%mul3A_2, %dma_start3A_237] : memref<10240x32xf32, #tpu.memory_space<hbm>> -> memref<640x32xf32, #tpu.memory_space<hbm>>
      tpu.enqueue_dma source(%dma_start3A_238 : memref<640x32xf32, #tpu.memory_space<hbm>>) target(%dma_start3A_236 : memref<640x32xf32, #tpu.memory_space<vmem_shared>>) target_semaphore(%run_scoped3A : memref<!tpu.dma_semaphore, #tpu.memory_space<semaphore_mem>>)
      %dma_wait3A_239 = arith.constant 0 : i32
      %dma_wait3A_240 = tpu.memref_slice %arg17[%mul3A_2, %dma_wait3A_239] : memref<10240x32xf32, #tpu.memory_space<vmem_shared>> -> memref<640x32xf32, #tpu.memory_space<vmem_shared>>
      %dma_wait3A_241 = arith.constant 0 : i32
      %dma_wait3A_242 = tpu.memref_slice %arg5[%mul3A_2, %dma_wait3A_241] : memref<10240x32xf32, #tpu.memory_space<hbm>> -> memref<640x32xf32, #tpu.memory_space<hbm>>
      tpu.wait_dma2 semaphore(%run_scoped3A : memref<!tpu.dma_semaphore, #tpu.memory_space<semaphore_mem>>) src(%dma_wait3A_242 : memref<640x32xf32, #tpu.memory_space<hbm>>) dst(%dma_wait3A_240 : memref<640x32xf32, #tpu.memory_space<vmem_shared>>)
      tpu.yield
    }) : () -> ()
    %mul3A_3 = arith.constant 80 : i32
    %mul3A_4 = arith.muli %add3A, %mul3A_3 : i32
    "tpu.region"() ({
      %run_scoped3A = tpu.sem_alloc : memref<!tpu.dma_semaphore, #tpu.memory_space<semaphore_mem>>
      %dma_start3A_235 = arith.constant 0 : i32
      %dma_start3A_236 = tpu.memref_slice %arg3[%mul3A_4, %dma_start3A_235] : memref<2560x128xi32, #tpu.memory_space<hbm>> -> memref<80x128xi32, #tpu.memory_space<hbm>>
      %dma_start3A_237 = arith.constant 0 : i32
      %dma_start3A_238 = tpu.memref_slice %arg3[%mul3A_4, %dma_start3A_237] : memref<2560x128xi32, #tpu.memory_space<hbm>> -> memref<80x128xi32, #tpu.memory_space<hbm>>
      tpu.enqueue_dma source(%dma_start3A_238 : memref<80x128xi32, #tpu.memory_space<hbm>>) target(%arg7 : memref<80x128xi32, #tpu.memory_space<vmem>>) target_semaphore(%run_scoped3A : memref<!tpu.dma_semaphore, #tpu.memory_space<semaphore_mem>>)
      %dma_wait3A_239 = arith.constant 0 : i32
      %dma_wait3A_240 = tpu.memref_slice %arg3[%mul3A_4, %dma_wait3A_239] : memref<2560x128xi32, #tpu.memory_space<hbm>> -> memref<80x128xi32, #tpu.memory_space<hbm>>
      %dma_wait3A_241 = arith.constant 0 : i32
      %dma_wait3A_242 = tpu.memref_slice %arg3[%mul3A_4, %dma_wait3A_241] : memref<2560x128xi32, #tpu.memory_space<hbm>> -> memref<80x128xi32, #tpu.memory_space<hbm>>
      tpu.wait_dma2 semaphore(%run_scoped3A : memref<!tpu.dma_semaphore, #tpu.memory_space<semaphore_mem>>) src(%dma_wait3A_242 : memref<80x128xi32, #tpu.memory_space<hbm>>) dst(%arg7 : memref<80x128xi32, #tpu.memory_space<vmem>>)
      tpu.yield
    }) : () -> ()
    %mul3A_5 = arith.constant 80 : i32
    %mul3A_6 = arith.muli %add3A, %mul3A_5 : i32
    "tpu.region"() ({
      %run_scoped3A = tpu.sem_alloc : memref<!tpu.dma_semaphore, #tpu.memory_space<semaphore_mem>>
      %dma_start3A_235 = arith.constant 0 : i32
      %dma_start3A_236 = tpu.memref_slice %arg4[%mul3A_6, %dma_start3A_235] : memref<2560x128xi32, #tpu.memory_space<hbm>> -> memref<80x128xi32, #tpu.memory_space<hbm>>
      %dma_start3A_237 = arith.constant 0 : i32
      %dma_start3A_238 = tpu.memref_slice %arg4[%mul3A_6, %dma_start3A_237] : memref<2560x128xi32, #tpu.memory_space<hbm>> -> memref<80x128xi32, #tpu.memory_space<hbm>>
      tpu.enqueue_dma source(%dma_start3A_238 : memref<80x128xi32, #tpu.memory_space<hbm>>) target(%arg8 : memref<80x128xi32, #tpu.memory_space<vmem>>) target_semaphore(%run_scoped3A : memref<!tpu.dma_semaphore, #tpu.memory_space<semaphore_mem>>)
      %dma_wait3A_239 = arith.constant 0 : i32
      %dma_wait3A_240 = tpu.memref_slice %arg4[%mul3A_6, %dma_wait3A_239] : memref<2560x128xi32, #tpu.memory_space<hbm>> -> memref<80x128xi32, #tpu.memory_space<hbm>>
      %dma_wait3A_241 = arith.constant 0 : i32
      %dma_wait3A_242 = tpu.memref_slice %arg4[%mul3A_6, %dma_wait3A_241] : memref<2560x128xi32, #tpu.memory_space<hbm>> -> memref<80x128xi32, #tpu.memory_space<hbm>>
      tpu.wait_dma2 semaphore(%run_scoped3A : memref<!tpu.dma_semaphore, #tpu.memory_space<semaphore_mem>>) src(%dma_wait3A_242 : memref<80x128xi32, #tpu.memory_space<hbm>>) dst(%arg8 : memref<80x128xi32, #tpu.memory_space<vmem>>)
      tpu.yield
    }) : () -> ()
    %barrier3A = arith.constant 0 : index
    tpu.barrier barrier_id(%barrier3A)
    %dma_start3A = arith.constant 0 : i32
    %dma_start3A_7 = arith.constant 0 : i32
    %dma_start3A_8 = tpu.memref_slice %arg7[%dma_start3A, %dma_start3A_7] : memref<80x128xi32, #tpu.memory_space<vmem>> -> memref<1x128xi32, #tpu.memory_space<vmem>>
    %dma_start3A_9 = tpu.memref_squeeze %dma_start3A_8 : memref<1x128xi32, #tpu.memory_space<vmem>> -> memref<128xi32, #tpu.memory_space<vmem>>
    %dma_start3A_10 = arith.constant 0 : i32
    %dma_start3A_11 = arith.constant 0 : i32
    %dma_start3A_12 = tpu.memref_slice %arg2[%dma_start3A_10, %dma_start3A_11] : memref<10240x32xf32, #tpu.memory_space<hbm>> -> memref<10240x32xf32, #tpu.memory_space<hbm>>
    tpu.enqueue_indirect_dma source(%dma_start3A_12 : memref<10240x32xf32, #tpu.memory_space<hbm>>) target(%arg9 : memref<128x32xf32, #tpu.memory_space<vmem>>) offsets(%dma_start3A_9 : memref<128xi32, #tpu.memory_space<vmem>>) semaphore(%arg18 : memref<!tpu.dma_semaphore, #tpu.memory_space<semaphore_mem>>)
    %dma_start3A_13 = arith.constant 1 : i32
    %dma_start3A_14 = arith.constant 0 : i32
    %dma_start3A_15 = tpu.memref_slice %arg7[%dma_start3A_13, %dma_start3A_14] : memref<80x128xi32, #tpu.memory_space<vmem>> -> memref<1x128xi32, #tpu.memory_space<vmem>>
    %dma_start3A_16 = tpu.memref_squeeze %dma_start3A_15 : memref<1x128xi32, #tpu.memory_space<vmem>> -> memref<128xi32, #tpu.memory_space<vmem>>
    %dma_start3A_17 = arith.constant 0 : i32
    %dma_start3A_18 = arith.constant 0 : i32
    %dma_start3A_19 = tpu.memref_slice %arg2[%dma_start3A_17, %dma_start3A_18] : memref<10240x32xf32, #tpu.memory_space<hbm>> -> memref<10240x32xf32, #tpu.memory_space<hbm>>
    tpu.enqueue_indirect_dma source(%dma_start3A_19 : memref<10240x32xf32, #tpu.memory_space<hbm>>) target(%arg10 : memref<128x32xf32, #tpu.memory_space<vmem>>) offsets(%dma_start3A_16 : memref<128xi32, #tpu.memory_space<vmem>>) semaphore(%arg19 : memref<!tpu.dma_semaphore, #tpu.memory_space<semaphore_mem>>)
    %dma_start3A_20 = arith.constant 2 : i32
    %dma_start3A_21 = arith.constant 0 : i32
    %dma_start3A_22 = tpu.memref_slice %arg7[%dma_start3A_20, %dma_start3A_21] : memref<80x128xi32, #tpu.memory_space<vmem>> -> memref<1x128xi32, #tpu.memory_space<vmem>>
    %dma_start3A_23 = tpu.memref_squeeze %dma_start3A_22 : memref<1x128xi32, #tpu.memory_space<vmem>> -> memref<128xi32, #tpu.memory_space<vmem>>
    %dma_start3A_24 = arith.constant 0 : i32
    %dma_start3A_25 = arith.constant 0 : i32
    %dma_start3A_26 = tpu.memref_slice %arg2[%dma_start3A_24, %dma_start3A_25] : memref<10240x32xf32, #tpu.memory_space<hbm>> -> memref<10240x32xf32, #tpu.memory_space<hbm>>
    tpu.enqueue_indirect_dma source(%dma_start3A_26 : memref<10240x32xf32, #tpu.memory_space<hbm>>) target(%arg11 : memref<128x32xf32, #tpu.memory_space<vmem>>) offsets(%dma_start3A_23 : memref<128xi32, #tpu.memory_space<vmem>>) semaphore(%arg20 : memref<!tpu.dma_semaphore, #tpu.memory_space<semaphore_mem>>)
    %dma_start3A_27 = arith.constant 3 : i32
    %dma_start3A_28 = arith.constant 0 : i32
    %dma_start3A_29 = tpu.memref_slice %arg7[%dma_start3A_27, %dma_start3A_28] : memref<80x128xi32, #tpu.memory_space<vmem>> -> memref<1x128xi32, #tpu.memory_space<vmem>>
    %dma_start3A_30 = tpu.memref_squeeze %dma_start3A_29 : memref<1x128xi32, #tpu.memory_space<vmem>> -> memref<128xi32, #tpu.memory_space<vmem>>
    %dma_start3A_31 = arith.constant 0 : i32
    %dma_start3A_32 = arith.constant 0 : i32
    %dma_start3A_33 = tpu.memref_slice %arg2[%dma_start3A_31, %dma_start3A_32] : memref<10240x32xf32, #tpu.memory_space<hbm>> -> memref<10240x32xf32, #tpu.memory_space<hbm>>
    tpu.enqueue_indirect_dma source(%dma_start3A_33 : memref<10240x32xf32, #tpu.memory_space<hbm>>) target(%arg12 : memref<128x32xf32, #tpu.memory_space<vmem>>) offsets(%dma_start3A_30 : memref<128xi32, #tpu.memory_space<vmem>>) semaphore(%arg21 : memref<!tpu.dma_semaphore, #tpu.memory_space<semaphore_mem>>)
    %dma_wait3A = arith.constant 0 : i32
    %dma_wait3A_34 = arith.constant 0 : i32
    %dma_wait3A_35 = tpu.memref_slice %arg7[%dma_wait3A, %dma_wait3A_34] : memref<80x128xi32, #tpu.memory_space<vmem>> -> memref<1x128xi32, #tpu.memory_space<vmem>>
    %dma_wait3A_36 = tpu.memref_squeeze %dma_wait3A_35 : memref<1x128xi32, #tpu.memory_space<vmem>> -> memref<128xi32, #tpu.memory_space<vmem>>
    %dma_wait3A_37 = arith.constant 0 : i32
    %dma_wait3A_38 = arith.constant 0 : i32
    %dma_wait3A_39 = tpu.memref_slice %arg2[%dma_wait3A_37, %dma_wait3A_38] : memref<10240x32xf32, #tpu.memory_space<hbm>> -> memref<10240x32xf32, #tpu.memory_space<hbm>>
    tpu.wait_indirect_dma semaphore(%arg18 : memref<!tpu.dma_semaphore, #tpu.memory_space<semaphore_mem>>) src(%dma_wait3A_39 : memref<10240x32xf32, #tpu.memory_space<hbm>>) dst(%arg9 : memref<128x32xf32, #tpu.memory_space<vmem>>)
    %dma_start3A_40 = arith.constant 0 : i32
    %dma_start3A_41 = arith.constant 0 : i32
    %dma_start3A_42 = tpu.memref_slice %arg8[%dma_start3A_40, %dma_start3A_41] : memref<80x128xi32, #tpu.memory_space<vmem>> -> memref<1x128xi32, #tpu.memory_space<vmem>>
    %dma_start3A_43 = tpu.memref_squeeze %dma_start3A_42 : memref<1x128xi32, #tpu.memory_space<vmem>> -> memref<128xi32, #tpu.memory_space<vmem>>
    %dma_start3A_44 = arith.constant 0 : i32
    %dma_start3A_45 = arith.constant 0 : i32
    %dma_start3A_46 = tpu.memref_slice %arg17[%dma_start3A_44, %dma_start3A_45] : memref<10240x32xf32, #tpu.memory_space<vmem_shared>> -> memref<10240x32xf32, #tpu.memory_space<vmem_shared>>
    tpu.enqueue_indirect_dma source(%arg9 : memref<128x32xf32, #tpu.memory_space<vmem>>) target(%dma_start3A_46 : memref<10240x32xf32, #tpu.memory_space<vmem_shared>>) offsets(%dma_start3A_43 : memref<128xi32, #tpu.memory_space<vmem>>) semaphore(%arg26 : memref<!tpu.dma_semaphore, #tpu.memory_space<semaphore_mem>>) {add = true}
    %dma_start3A_47 = arith.constant 4 : i32
    %dma_start3A_48 = arith.constant 0 : i32
    %dma_start3A_49 = tpu.memref_slice %arg7[%dma_start3A_47, %dma_start3A_48] : memref<80x128xi32, #tpu.memory_space<vmem>> -> memref<1x128xi32, #tpu.memory_space<vmem>>
    %dma_start3A_50 = tpu.memref_squeeze %dma_start3A_49 : memref<1x128xi32, #tpu.memory_space<vmem>> -> memref<128xi32, #tpu.memory_space<vmem>>
    %dma_start3A_51 = arith.constant 0 : i32
    %dma_start3A_52 = arith.constant 0 : i32
    %dma_start3A_53 = tpu.memref_slice %arg2[%dma_start3A_51, %dma_start3A_52] : memref<10240x32xf32, #tpu.memory_space<hbm>> -> memref<10240x32xf32, #tpu.memory_space<hbm>>
    tpu.enqueue_indirect_dma source(%dma_start3A_53 : memref<10240x32xf32, #tpu.memory_space<hbm>>) target(%arg13 : memref<128x32xf32, #tpu.memory_space<vmem>>) offsets(%dma_start3A_50 : memref<128xi32, #tpu.memory_space<vmem>>) semaphore(%arg22 : memref<!tpu.dma_semaphore, #tpu.memory_space<semaphore_mem>>)
    %dma_wait3A_54 = arith.constant 1 : i32
    %dma_wait3A_55 = arith.constant 0 : i32
    %dma_wait3A_56 = tpu.memref_slice %arg7[%dma_wait3A_54, %dma_wait3A_55] : memref<80x128xi32, #tpu.memory_space<vmem>> -> memref<1x128xi32, #tpu.memory_space<vmem>>
    %dma_wait3A_57 = tpu.memref_squeeze %dma_wait3A_56 : memref<1x128xi32, #tpu.memory_space<vmem>> -> memref<128xi32, #tpu.memory_space<vmem>>
    %dma_wait3A_58 = arith.constant 0 : i32
    %dma_wait3A_59 = arith.constant 0 : i32
    %dma_wait3A_60 = tpu.memref_slice %arg2[%dma_wait3A_58, %dma_wait3A_59] : memref<10240x32xf32, #tpu.memory_space<hbm>> -> memref<10240x32xf32, #tpu.memory_space<hbm>>
    tpu.wait_indirect_dma semaphore(%arg19 : memref<!tpu.dma_semaphore, #tpu.memory_space<semaphore_mem>>) src(%dma_wait3A_60 : memref<10240x32xf32, #tpu.memory_space<hbm>>) dst(%arg10 : memref<128x32xf32, #tpu.memory_space<vmem>>)
    %dma_start3A_61 = arith.constant 1 : i32
    %dma_start3A_62 = arith.constant 0 : i32
    %dma_start3A_63 = tpu.memref_slice %arg8[%dma_start3A_61, %dma_start3A_62] : memref<80x128xi32, #tpu.memory_space<vmem>> -> memref<1x128xi32, #tpu.memory_space<vmem>>
    %dma_start3A_64 = tpu.memref_squeeze %dma_start3A_63 : memref<1x128xi32, #tpu.memory_space<vmem>> -> memref<128xi32, #tpu.memory_space<vmem>>
    %dma_start3A_65 = arith.constant 0 : i32
    %dma_start3A_66 = arith.constant 0 : i32
    %dma_start3A_67 = tpu.memref_slice %arg17[%dma_start3A_65, %dma_start3A_66] : memref<10240x32xf32, #tpu.memory_space<vmem_shared>> -> memref<10240x32xf32, #tpu.memory_space<vmem_shared>>
    tpu.enqueue_indirect_dma source(%arg10 : memref<128x32xf32, #tpu.memory_space<vmem>>) target(%dma_start3A_67 : memref<10240x32xf32, #tpu.memory_space<vmem_shared>>) offsets(%dma_start3A_64 : memref<128xi32, #tpu.memory_space<vmem>>) semaphore(%arg27 : memref<!tpu.dma_semaphore, #tpu.memory_space<semaphore_mem>>) {add = true}
    %dma_start3A_68 = arith.constant 5 : i32
    %dma_start3A_69 = arith.constant 0 : i32
    %dma_start3A_70 = tpu.memref_slice %arg7[%dma_start3A_68, %dma_start3A_69] : memref<80x128xi32, #tpu.memory_space<vmem>> -> memref<1x128xi32, #tpu.memory_space<vmem>>
    %dma_start3A_71 = tpu.memref_squeeze %dma_start3A_70 : memref<1x128xi32, #tpu.memory_space<vmem>> -> memref<128xi32, #tpu.memory_space<vmem>>
    %dma_start3A_72 = arith.constant 0 : i32
    %dma_start3A_73 = arith.constant 0 : i32
    %dma_start3A_74 = tpu.memref_slice %arg2[%dma_start3A_72, %dma_start3A_73] : memref<10240x32xf32, #tpu.memory_space<hbm>> -> memref<10240x32xf32, #tpu.memory_space<hbm>>
    tpu.enqueue_indirect_dma source(%dma_start3A_74 : memref<10240x32xf32, #tpu.memory_space<hbm>>) target(%arg14 : memref<128x32xf32, #tpu.memory_space<vmem>>) offsets(%dma_start3A_71 : memref<128xi32, #tpu.memory_space<vmem>>) semaphore(%arg23 : memref<!tpu.dma_semaphore, #tpu.memory_space<semaphore_mem>>)
    %dma_wait3A_75 = arith.constant 2 : i32
    %dma_wait3A_76 = arith.constant 0 : i32
    %dma_wait3A_77 = tpu.memref_slice %arg7[%dma_wait3A_75, %dma_wait3A_76] : memref<80x128xi32, #tpu.memory_space<vmem>> -> memref<1x128xi32, #tpu.memory_space<vmem>>
    %dma_wait3A_78 = tpu.memref_squeeze %dma_wait3A_77 : memref<1x128xi32, #tpu.memory_space<vmem>> -> memref<128xi32, #tpu.memory_space<vmem>>
    %dma_wait3A_79 = arith.constant 0 : i32
    %dma_wait3A_80 = arith.constant 0 : i32
    %dma_wait3A_81 = tpu.memref_slice %arg2[%dma_wait3A_79, %dma_wait3A_80] : memref<10240x32xf32, #tpu.memory_space<hbm>> -> memref<10240x32xf32, #tpu.memory_space<hbm>>
    tpu.wait_indirect_dma semaphore(%arg20 : memref<!tpu.dma_semaphore, #tpu.memory_space<semaphore_mem>>) src(%dma_wait3A_81 : memref<10240x32xf32, #tpu.memory_space<hbm>>) dst(%arg11 : memref<128x32xf32, #tpu.memory_space<vmem>>)
    %dma_start3A_82 = arith.constant 2 : i32
    %dma_start3A_83 = arith.constant 0 : i32
    %dma_start3A_84 = tpu.memref_slice %arg8[%dma_start3A_82, %dma_start3A_83] : memref<80x128xi32, #tpu.memory_space<vmem>> -> memref<1x128xi32, #tpu.memory_space<vmem>>
    %dma_start3A_85 = tpu.memref_squeeze %dma_start3A_84 : memref<1x128xi32, #tpu.memory_space<vmem>> -> memref<128xi32, #tpu.memory_space<vmem>>
    %dma_start3A_86 = arith.constant 0 : i32
    %dma_start3A_87 = arith.constant 0 : i32
    %dma_start3A_88 = tpu.memref_slice %arg17[%dma_start3A_86, %dma_start3A_87] : memref<10240x32xf32, #tpu.memory_space<vmem_shared>> -> memref<10240x32xf32, #tpu.memory_space<vmem_shared>>
    tpu.enqueue_indirect_dma source(%arg11 : memref<128x32xf32, #tpu.memory_space<vmem>>) target(%dma_start3A_88 : memref<10240x32xf32, #tpu.memory_space<vmem_shared>>) offsets(%dma_start3A_85 : memref<128xi32, #tpu.memory_space<vmem>>) semaphore(%arg28 : memref<!tpu.dma_semaphore, #tpu.memory_space<semaphore_mem>>) {add = true}
    %dma_start3A_89 = arith.constant 6 : i32
    %dma_start3A_90 = arith.constant 0 : i32
    %dma_start3A_91 = tpu.memref_slice %arg7[%dma_start3A_89, %dma_start3A_90] : memref<80x128xi32, #tpu.memory_space<vmem>> -> memref<1x128xi32, #tpu.memory_space<vmem>>
    %dma_start3A_92 = tpu.memref_squeeze %dma_start3A_91 : memref<1x128xi32, #tpu.memory_space<vmem>> -> memref<128xi32, #tpu.memory_space<vmem>>
    %dma_start3A_93 = arith.constant 0 : i32
    %dma_start3A_94 = arith.constant 0 : i32
    %dma_start3A_95 = tpu.memref_slice %arg2[%dma_start3A_93, %dma_start3A_94] : memref<10240x32xf32, #tpu.memory_space<hbm>> -> memref<10240x32xf32, #tpu.memory_space<hbm>>
    tpu.enqueue_indirect_dma source(%dma_start3A_95 : memref<10240x32xf32, #tpu.memory_space<hbm>>) target(%arg15 : memref<128x32xf32, #tpu.memory_space<vmem>>) offsets(%dma_start3A_92 : memref<128xi32, #tpu.memory_space<vmem>>) semaphore(%arg24 : memref<!tpu.dma_semaphore, #tpu.memory_space<semaphore_mem>>)
    %dma_wait3A_96 = arith.constant 3 : i32
    %dma_wait3A_97 = arith.constant 0 : i32
    %dma_wait3A_98 = tpu.memref_slice %arg7[%dma_wait3A_96, %dma_wait3A_97] : memref<80x128xi32, #tpu.memory_space<vmem>> -> memref<1x128xi32, #tpu.memory_space<vmem>>
    %dma_wait3A_99 = tpu.memref_squeeze %dma_wait3A_98 : memref<1x128xi32, #tpu.memory_space<vmem>> -> memref<128xi32, #tpu.memory_space<vmem>>
    %dma_wait3A_100 = arith.constant 0 : i32
    %dma_wait3A_101 = arith.constant 0 : i32
    %dma_wait3A_102 = tpu.memref_slice %arg2[%dma_wait3A_100, %dma_wait3A_101] : memref<10240x32xf32, #tpu.memory_space<hbm>> -> memref<10240x32xf32, #tpu.memory_space<hbm>>
    tpu.wait_indirect_dma semaphore(%arg21 : memref<!tpu.dma_semaphore, #tpu.memory_space<semaphore_mem>>) src(%dma_wait3A_102 : memref<10240x32xf32, #tpu.memory_space<hbm>>) dst(%arg12 : memref<128x32xf32, #tpu.memory_space<vmem>>)
    %dma_start3A_103 = arith.constant 3 : i32
    %dma_start3A_104 = arith.constant 0 : i32
    %dma_start3A_105 = tpu.memref_slice %arg8[%dma_start3A_103, %dma_start3A_104] : memref<80x128xi32, #tpu.memory_space<vmem>> -> memref<1x128xi32, #tpu.memory_space<vmem>>
    %dma_start3A_106 = tpu.memref_squeeze %dma_start3A_105 : memref<1x128xi32, #tpu.memory_space<vmem>> -> memref<128xi32, #tpu.memory_space<vmem>>
    %dma_start3A_107 = arith.constant 0 : i32
    %dma_start3A_108 = arith.constant 0 : i32
    %dma_start3A_109 = tpu.memref_slice %arg17[%dma_start3A_107, %dma_start3A_108] : memref<10240x32xf32, #tpu.memory_space<vmem_shared>> -> memref<10240x32xf32, #tpu.memory_space<vmem_shared>>
    tpu.enqueue_indirect_dma source(%arg12 : memref<128x32xf32, #tpu.memory_space<vmem>>) target(%dma_start3A_109 : memref<10240x32xf32, #tpu.memory_space<vmem_shared>>) offsets(%dma_start3A_106 : memref<128xi32, #tpu.memory_space<vmem>>) semaphore(%arg29 : memref<!tpu.dma_semaphore, #tpu.memory_space<semaphore_mem>>) {add = true}
    %dma_start3A_110 = arith.constant 7 : i32
    %dma_start3A_111 = arith.constant 0 : i32
    %dma_start3A_112 = tpu.memref_slice %arg7[%dma_start3A_110, %dma_start3A_111] : memref<80x128xi32, #tpu.memory_space<vmem>> -> memref<1x128xi32, #tpu.memory_space<vmem>>
    %dma_start3A_113 = tpu.memref_squeeze %dma_start3A_112 : memref<1x128xi32, #tpu.memory_space<vmem>> -> memref<128xi32, #tpu.memory_space<vmem>>
    %dma_start3A_114 = arith.constant 0 : i32
    %dma_start3A_115 = arith.constant 0 : i32
    %dma_start3A_116 = tpu.memref_slice %arg2[%dma_start3A_114, %dma_start3A_115] : memref<10240x32xf32, #tpu.memory_space<hbm>> -> memref<10240x32xf32, #tpu.memory_space<hbm>>
    tpu.enqueue_indirect_dma source(%dma_start3A_116 : memref<10240x32xf32, #tpu.memory_space<hbm>>) target(%arg16 : memref<128x32xf32, #tpu.memory_space<vmem>>) offsets(%dma_start3A_113 : memref<128xi32, #tpu.memory_space<vmem>>) semaphore(%arg25 : memref<!tpu.dma_semaphore, #tpu.memory_space<semaphore_mem>>)
    %scan3A = arith.constant 0 : i32
    %scan3A_117 = arith.constant 0 : i32
    %scan3A_118 = arith.constant 9 : i32
    %scan3A_119 = arith.addi %scan3A_117, %scan3A_118 : i32
    %scan3A_120 = arith.constant 1 : i32
    scf.for %scan3A_235 = %scan3A_117 to %scan3A_119 step %scan3A_120  : i32 {
      %mul3A_236 = arith.constant 8 : i32
      %mul3A_237 = arith.muli %scan3A_235, %mul3A_236 : i32
      %add3A_238 = arith.constant 4 : i32
      %add3A_239 = arith.addi %add3A_238, %mul3A_237 : i32
      %add3A_240 = arith.constant 0 : i32
      %add3A_241 = arith.addi %add3A_239, %add3A_240 : i32
      %dma_wait3A_242 = arith.constant 0 : i32
      %dma_wait3A_243 = tpu.memref_slice %arg7[%add3A_241, %dma_wait3A_242] : memref<80x128xi32, #tpu.memory_space<vmem>> -> memref<1x128xi32, #tpu.memory_space<vmem>>
      %dma_wait3A_244 = tpu.memref_squeeze %dma_wait3A_243 : memref<1x128xi32, #tpu.memory_space<vmem>> -> memref<128xi32, #tpu.memory_space<vmem>>
      %dma_wait3A_245 = arith.constant 0 : i32
      %dma_wait3A_246 = arith.constant 0 : i32
      %dma_wait3A_247 = tpu.memref_slice %arg2[%dma_wait3A_245, %dma_wait3A_246] : memref<10240x32xf32, #tpu.memory_space<hbm>> -> memref<10240x32xf32, #tpu.memory_space<hbm>>
      tpu.wait_indirect_dma semaphore(%arg22 : memref<!tpu.dma_semaphore, #tpu.memory_space<semaphore_mem>>) src(%dma_wait3A_247 : memref<10240x32xf32, #tpu.memory_space<hbm>>) dst(%arg13 : memref<128x32xf32, #tpu.memory_space<vmem>>)
      %dma_start3A_248 = arith.constant 0 : i32
      %dma_start3A_249 = tpu.memref_slice %arg8[%add3A_241, %dma_start3A_248] : memref<80x128xi32, #tpu.memory_space<vmem>> -> memref<1x128xi32, #tpu.memory_space<vmem>>
      %dma_start3A_250 = tpu.memref_squeeze %dma_start3A_249 : memref<1x128xi32, #tpu.memory_space<vmem>> -> memref<128xi32, #tpu.memory_space<vmem>>
      %dma_start3A_251 = arith.constant 0 : i32
      %dma_start3A_252 = arith.constant 0 : i32
      %dma_start3A_253 = tpu.memref_slice %arg17[%dma_start3A_251, %dma_start3A_252] : memref<10240x32xf32, #tpu.memory_space<vmem_shared>> -> memref<10240x32xf32, #tpu.memory_space<vmem_shared>>
      tpu.enqueue_indirect_dma source(%arg13 : memref<128x32xf32, #tpu.memory_space<vmem>>) target(%dma_start3A_253 : memref<10240x32xf32, #tpu.memory_space<vmem_shared>>) offsets(%dma_start3A_250 : memref<128xi32, #tpu.memory_space<vmem>>) semaphore(%arg30 : memref<!tpu.dma_semaphore, #tpu.memory_space<semaphore_mem>>) {add = true}
      %sub3A = arith.constant 4 : i32
      %sub3A_254 = arith.subi %add3A_241, %sub3A : i32
      %dma_wait3A_255 = arith.constant 0 : i32
      %dma_wait3A_256 = tpu.memref_slice %arg8[%sub3A_254, %dma_wait3A_255] : memref<80x128xi32, #tpu.memory_space<vmem>> -> memref<1x128xi32, #tpu.memory_space<vmem>>
      %dma_wait3A_257 = tpu.memref_squeeze %dma_wait3A_256 : memref<1x128xi32, #tpu.memory_space<vmem>> -> memref<128xi32, #tpu.memory_space<vmem>>
      %dma_wait3A_258 = arith.constant 0 : i32
      %dma_wait3A_259 = arith.constant 0 : i32
      %dma_wait3A_260 = tpu.memref_slice %arg17[%dma_wait3A_258, %dma_wait3A_259] : memref<10240x32xf32, #tpu.memory_space<vmem_shared>> -> memref<10240x32xf32, #tpu.memory_space<vmem_shared>>
      tpu.wait_indirect_dma semaphore(%arg26 : memref<!tpu.dma_semaphore, #tpu.memory_space<semaphore_mem>>) src(%arg9 : memref<128x32xf32, #tpu.memory_space<vmem>>) dst(%dma_wait3A_260 : memref<10240x32xf32, #tpu.memory_space<vmem_shared>>)
      %add3A_261 = arith.constant 4 : i32
      %add3A_262 = arith.addi %add3A_241, %add3A_261 : i32
      %dma_start3A_263 = arith.constant 0 : i32
      %dma_start3A_264 = tpu.memref_slice %arg7[%add3A_262, %dma_start3A_263] : memref<80x128xi32, #tpu.memory_space<vmem>> -> memref<1x128xi32, #tpu.memory_space<vmem>>
      %dma_start3A_265 = tpu.memref_squeeze %dma_start3A_264 : memref<1x128xi32, #tpu.memory_space<vmem>> -> memref<128xi32, #tpu.memory_space<vmem>>
      %dma_start3A_266 = arith.constant 0 : i32
      %dma_start3A_267 = arith.constant 0 : i32
      %dma_start3A_268 = tpu.memref_slice %arg2[%dma_start3A_266, %dma_start3A_267] : memref<10240x32xf32, #tpu.memory_space<hbm>> -> memref<10240x32xf32, #tpu.memory_space<hbm>>
      tpu.enqueue_indirect_dma source(%dma_start3A_268 : memref<10240x32xf32, #tpu.memory_space<hbm>>) target(%arg9 : memref<128x32xf32, #tpu.memory_space<vmem>>) offsets(%dma_start3A_265 : memref<128xi32, #tpu.memory_space<vmem>>) semaphore(%arg18 : memref<!tpu.dma_semaphore, #tpu.memory_space<semaphore_mem>>)
      %add3A_269 = arith.constant 1 : i32
      %add3A_270 = arith.addi %add3A_239, %add3A_269 : i32
      %dma_wait3A_271 = arith.constant 0 : i32
      %dma_wait3A_272 = tpu.memref_slice %arg7[%add3A_270, %dma_wait3A_271] : memref<80x128xi32, #tpu.memory_space<vmem>> -> memref<1x128xi32, #tpu.memory_space<vmem>>
      %dma_wait3A_273 = tpu.memref_squeeze %dma_wait3A_272 : memref<1x128xi32, #tpu.memory_space<vmem>> -> memref<128xi32, #tpu.memory_space<vmem>>
      %dma_wait3A_274 = arith.constant 0 : i32
      %dma_wait3A_275 = arith.constant 0 : i32
      %dma_wait3A_276 = tpu.memref_slice %arg2[%dma_wait3A_274, %dma_wait3A_275] : memref<10240x32xf32, #tpu.memory_space<hbm>> -> memref<10240x32xf32, #tpu.memory_space<hbm>>
      tpu.wait_indirect_dma semaphore(%arg23 : memref<!tpu.dma_semaphore, #tpu.memory_space<semaphore_mem>>) src(%dma_wait3A_276 : memref<10240x32xf32, #tpu.memory_space<hbm>>) dst(%arg14 : memref<128x32xf32, #tpu.memory_space<vmem>>)
      %dma_start3A_277 = arith.constant 0 : i32
      %dma_start3A_278 = tpu.memref_slice %arg8[%add3A_270, %dma_start3A_277] : memref<80x128xi32, #tpu.memory_space<vmem>> -> memref<1x128xi32, #tpu.memory_space<vmem>>
      %dma_start3A_279 = tpu.memref_squeeze %dma_start3A_278 : memref<1x128xi32, #tpu.memory_space<vmem>> -> memref<128xi32, #tpu.memory_space<vmem>>
      %dma_start3A_280 = arith.constant 0 : i32
      %dma_start3A_281 = arith.constant 0 : i32
      %dma_start3A_282 = tpu.memref_slice %arg17[%dma_start3A_280, %dma_start3A_281] : memref<10240x32xf32, #tpu.memory_space<vmem_shared>> -> memref<10240x32xf32, #tpu.memory_space<vmem_shared>>
      tpu.enqueue_indirect_dma source(%arg14 : memref<128x32xf32, #tpu.memory_space<vmem>>) target(%dma_start3A_282 : memref<10240x32xf32, #tpu.memory_space<vmem_shared>>) offsets(%dma_start3A_279 : memref<128xi32, #tpu.memory_space<vmem>>) semaphore(%arg31 : memref<!tpu.dma_semaphore, #tpu.memory_space<semaphore_mem>>) {add = true}
      %sub3A_283 = arith.constant 4 : i32
      %sub3A_284 = arith.subi %add3A_270, %sub3A_283 : i32
      %dma_wait3A_285 = arith.constant 0 : i32
      %dma_wait3A_286 = tpu.memref_slice %arg8[%sub3A_284, %dma_wait3A_285] : memref<80x128xi32, #tpu.memory_space<vmem>> -> memref<1x128xi32, #tpu.memory_space<vmem>>
      %dma_wait3A_287 = tpu.memref_squeeze %dma_wait3A_286 : memref<1x128xi32, #tpu.memory_space<vmem>> -> memref<128xi32, #tpu.memory_space<vmem>>
      %dma_wait3A_288 = arith.constant 0 : i32
      %dma_wait3A_289 = arith.constant 0 : i32
      %dma_wait3A_290 = tpu.memref_slice %arg17[%dma_wait3A_288, %dma_wait3A_289] : memref<10240x32xf32, #tpu.memory_space<vmem_shared>> -> memref<10240x32xf32, #tpu.memory_space<vmem_shared>>
      tpu.wait_indirect_dma semaphore(%arg27 : memref<!tpu.dma_semaphore, #tpu.memory_space<semaphore_mem>>) src(%arg10 : memref<128x32xf32, #tpu.memory_space<vmem>>) dst(%dma_wait3A_290 : memref<10240x32xf32, #tpu.memory_space<vmem_shared>>)
      %add3A_291 = arith.constant 4 : i32
      %add3A_292 = arith.addi %add3A_270, %add3A_291 : i32
      %dma_start3A_293 = arith.constant 0 : i32
      %dma_start3A_294 = tpu.memref_slice %arg7[%add3A_292, %dma_start3A_293] : memref<80x128xi32, #tpu.memory_space<vmem>> -> memref<1x128xi32, #tpu.memory_space<vmem>>
      %dma_start3A_295 = tpu.memref_squeeze %dma_start3A_294 : memref<1x128xi32, #tpu.memory_space<vmem>> -> memref<128xi32, #tpu.memory_space<vmem>>
      %dma_start3A_296 = arith.constant 0 : i32
      %dma_start3A_297 = arith.constant 0 : i32
      %dma_start3A_298 = tpu.memref_slice %arg2[%dma_start3A_296, %dma_start3A_297] : memref<10240x32xf32, #tpu.memory_space<hbm>> -> memref<10240x32xf32, #tpu.memory_space<hbm>>
      tpu.enqueue_indirect_dma source(%dma_start3A_298 : memref<10240x32xf32, #tpu.memory_space<hbm>>) target(%arg10 : memref<128x32xf32, #tpu.memory_space<vmem>>) offsets(%dma_start3A_295 : memref<128xi32, #tpu.memory_space<vmem>>) semaphore(%arg19 : memref<!tpu.dma_semaphore, #tpu.memory_space<semaphore_mem>>)
      %add3A_299 = arith.constant 2 : i32
      %add3A_300 = arith.addi %add3A_239, %add3A_299 : i32
      %dma_wait3A_301 = arith.constant 0 : i32
      %dma_wait3A_302 = tpu.memref_slice %arg7[%add3A_300, %dma_wait3A_301] : memref<80x128xi32, #tpu.memory_space<vmem>> -> memref<1x128xi32, #tpu.memory_space<vmem>>
      %dma_wait3A_303 = tpu.memref_squeeze %dma_wait3A_302 : memref<1x128xi32, #tpu.memory_space<vmem>> -> memref<128xi32, #tpu.memory_space<vmem>>
      %dma_wait3A_304 = arith.constant 0 : i32
      %dma_wait3A_305 = arith.constant 0 : i32
      %dma_wait3A_306 = tpu.memref_slice %arg2[%dma_wait3A_304, %dma_wait3A_305] : memref<10240x32xf32, #tpu.memory_space<hbm>> -> memref<10240x32xf32, #tpu.memory_space<hbm>>
      tpu.wait_indirect_dma semaphore(%arg24 : memref<!tpu.dma_semaphore, #tpu.memory_space<semaphore_mem>>) src(%dma_wait3A_306 : memref<10240x32xf32, #tpu.memory_space<hbm>>) dst(%arg15 : memref<128x32xf32, #tpu.memory_space<vmem>>)
      %dma_start3A_307 = arith.constant 0 : i32
      %dma_start3A_308 = tpu.memref_slice %arg8[%add3A_300, %dma_start3A_307] : memref<80x128xi32, #tpu.memory_space<vmem>> -> memref<1x128xi32, #tpu.memory_space<vmem>>
      %dma_start3A_309 = tpu.memref_squeeze %dma_start3A_308 : memref<1x128xi32, #tpu.memory_space<vmem>> -> memref<128xi32, #tpu.memory_space<vmem>>
      %dma_start3A_310 = arith.constant 0 : i32
      %dma_start3A_311 = arith.constant 0 : i32
      %dma_start3A_312 = tpu.memref_slice %arg17[%dma_start3A_310, %dma_start3A_311] : memref<10240x32xf32, #tpu.memory_space<vmem_shared>> -> memref<10240x32xf32, #tpu.memory_space<vmem_shared>>
      tpu.enqueue_indirect_dma source(%arg15 : memref<128x32xf32, #tpu.memory_space<vmem>>) target(%dma_start3A_312 : memref<10240x32xf32, #tpu.memory_space<vmem_shared>>) offsets(%dma_start3A_309 : memref<128xi32, #tpu.memory_space<vmem>>) semaphore(%arg32 : memref<!tpu.dma_semaphore, #tpu.memory_space<semaphore_mem>>) {add = true}
      %sub3A_313 = arith.constant 4 : i32
      %sub3A_314 = arith.subi %add3A_300, %sub3A_313 : i32
      %dma_wait3A_315 = arith.constant 0 : i32
      %dma_wait3A_316 = tpu.memref_slice %arg8[%sub3A_314, %dma_wait3A_315] : memref<80x128xi32, #tpu.memory_space<vmem>> -> memref<1x128xi32, #tpu.memory_space<vmem>>
      %dma_wait3A_317 = tpu.memref_squeeze %dma_wait3A_316 : memref<1x128xi32, #tpu.memory_space<vmem>> -> memref<128xi32, #tpu.memory_space<vmem>>
      %dma_wait3A_318 = arith.constant 0 : i32
      %dma_wait3A_319 = arith.constant 0 : i32
      %dma_wait3A_320 = tpu.memref_slice %arg17[%dma_wait3A_318, %dma_wait3A_319] : memref<10240x32xf32, #tpu.memory_space<vmem_shared>> -> memref<10240x32xf32, #tpu.memory_space<vmem_shared>>
      tpu.wait_indirect_dma semaphore(%arg28 : memref<!tpu.dma_semaphore, #tpu.memory_space<semaphore_mem>>) src(%arg11 : memref<128x32xf32, #tpu.memory_space<vmem>>) dst(%dma_wait3A_320 : memref<10240x32xf32, #tpu.memory_space<vmem_shared>>)
      %add3A_321 = arith.constant 4 : i32
      %add3A_322 = arith.addi %add3A_300, %add3A_321 : i32
      %dma_start3A_323 = arith.constant 0 : i32
      %dma_start3A_324 = tpu.memref_slice %arg7[%add3A_322, %dma_start3A_323] : memref<80x128xi32, #tpu.memory_space<vmem>> -> memref<1x128xi32, #tpu.memory_space<vmem>>
      %dma_start3A_325 = tpu.memref_squeeze %dma_start3A_324 : memref<1x128xi32, #tpu.memory_space<vmem>> -> memref<128xi32, #tpu.memory_space<vmem>>
      %dma_start3A_326 = arith.constant 0 : i32
      %dma_start3A_327 = arith.constant 0 : i32
      %dma_start3A_328 = tpu.memref_slice %arg2[%dma_start3A_326, %dma_start3A_327] : memref<10240x32xf32, #tpu.memory_space<hbm>> -> memref<10240x32xf32, #tpu.memory_space<hbm>>
      tpu.enqueue_indirect_dma source(%dma_start3A_328 : memref<10240x32xf32, #tpu.memory_space<hbm>>) target(%arg11 : memref<128x32xf32, #tpu.memory_space<vmem>>) offsets(%dma_start3A_325 : memref<128xi32, #tpu.memory_space<vmem>>) semaphore(%arg20 : memref<!tpu.dma_semaphore, #tpu.memory_space<semaphore_mem>>)
      %add3A_329 = arith.constant 3 : i32
      %add3A_330 = arith.addi %add3A_239, %add3A_329 : i32
      %dma_wait3A_331 = arith.constant 0 : i32
      %dma_wait3A_332 = tpu.memref_slice %arg7[%add3A_330, %dma_wait3A_331] : memref<80x128xi32, #tpu.memory_space<vmem>> -> memref<1x128xi32, #tpu.memory_space<vmem>>
      %dma_wait3A_333 = tpu.memref_squeeze %dma_wait3A_332 : memref<1x128xi32, #tpu.memory_space<vmem>> -> memref<128xi32, #tpu.memory_space<vmem>>
      %dma_wait3A_334 = arith.constant 0 : i32
      %dma_wait3A_335 = arith.constant 0 : i32
      %dma_wait3A_336 = tpu.memref_slice %arg2[%dma_wait3A_334, %dma_wait3A_335] : memref<10240x32xf32, #tpu.memory_space<hbm>> -> memref<10240x32xf32, #tpu.memory_space<hbm>>
      tpu.wait_indirect_dma semaphore(%arg25 : memref<!tpu.dma_semaphore, #tpu.memory_space<semaphore_mem>>) src(%dma_wait3A_336 : memref<10240x32xf32, #tpu.memory_space<hbm>>) dst(%arg16 : memref<128x32xf32, #tpu.memory_space<vmem>>)
      %dma_start3A_337 = arith.constant 0 : i32
      %dma_start3A_338 = tpu.memref_slice %arg8[%add3A_330, %dma_start3A_337] : memref<80x128xi32, #tpu.memory_space<vmem>> -> memref<1x128xi32, #tpu.memory_space<vmem>>
      %dma_start3A_339 = tpu.memref_squeeze %dma_start3A_338 : memref<1x128xi32, #tpu.memory_space<vmem>> -> memref<128xi32, #tpu.memory_space<vmem>>
      %dma_start3A_340 = arith.constant 0 : i32
      %dma_start3A_341 = arith.constant 0 : i32
      %dma_start3A_342 = tpu.memref_slice %arg17[%dma_start3A_340, %dma_start3A_341] : memref<10240x32xf32, #tpu.memory_space<vmem_shared>> -> memref<10240x32xf32, #tpu.memory_space<vmem_shared>>
      tpu.enqueue_indirect_dma source(%arg16 : memref<128x32xf32, #tpu.memory_space<vmem>>) target(%dma_start3A_342 : memref<10240x32xf32, #tpu.memory_space<vmem_shared>>) offsets(%dma_start3A_339 : memref<128xi32, #tpu.memory_space<vmem>>) semaphore(%arg33 : memref<!tpu.dma_semaphore, #tpu.memory_space<semaphore_mem>>) {add = true}
      %sub3A_343 = arith.constant 4 : i32
      %sub3A_344 = arith.subi %add3A_330, %sub3A_343 : i32
      %dma_wait3A_345 = arith.constant 0 : i32
      %dma_wait3A_346 = tpu.memref_slice %arg8[%sub3A_344, %dma_wait3A_345] : memref<80x128xi32, #tpu.memory_space<vmem>> -> memref<1x128xi32, #tpu.memory_space<vmem>>
      %dma_wait3A_347 = tpu.memref_squeeze %dma_wait3A_346 : memref<1x128xi32, #tpu.memory_space<vmem>> -> memref<128xi32, #tpu.memory_space<vmem>>
      %dma_wait3A_348 = arith.constant 0 : i32
      %dma_wait3A_349 = arith.constant 0 : i32
      %dma_wait3A_350 = tpu.memref_slice %arg17[%dma_wait3A_348, %dma_wait3A_349] : memref<10240x32xf32, #tpu.memory_space<vmem_shared>> -> memref<10240x32xf32, #tpu.memory_space<vmem_shared>>
      tpu.wait_indirect_dma semaphore(%arg29 : memref<!tpu.dma_semaphore, #tpu.memory_space<semaphore_mem>>) src(%arg12 : memref<128x32xf32, #tpu.memory_space<vmem>>) dst(%dma_wait3A_350 : memref<10240x32xf32, #tpu.memory_space<vmem_shared>>)
      %add3A_351 = arith.constant 4 : i32
      %add3A_352 = arith.addi %add3A_330, %add3A_351 : i32
      %dma_start3A_353 = arith.constant 0 : i32
      %dma_start3A_354 = tpu.memref_slice %arg7[%add3A_352, %dma_start3A_353] : memref<80x128xi32, #tpu.memory_space<vmem>> -> memref<1x128xi32, #tpu.memory_space<vmem>>
      %dma_start3A_355 = tpu.memref_squeeze %dma_start3A_354 : memref<1x128xi32, #tpu.memory_space<vmem>> -> memref<128xi32, #tpu.memory_space<vmem>>
      %dma_start3A_356 = arith.constant 0 : i32
      %dma_start3A_357 = arith.constant 0 : i32
      %dma_start3A_358 = tpu.memref_slice %arg2[%dma_start3A_356, %dma_start3A_357] : memref<10240x32xf32, #tpu.memory_space<hbm>> -> memref<10240x32xf32, #tpu.memory_space<hbm>>
      tpu.enqueue_indirect_dma source(%dma_start3A_358 : memref<10240x32xf32, #tpu.memory_space<hbm>>) target(%arg12 : memref<128x32xf32, #tpu.memory_space<vmem>>) offsets(%dma_start3A_355 : memref<128xi32, #tpu.memory_space<vmem>>) semaphore(%arg21 : memref<!tpu.dma_semaphore, #tpu.memory_space<semaphore_mem>>)
      %add3A_359 = arith.constant 4 : i32
      %add3A_360 = arith.addi %add3A_239, %add3A_359 : i32
      %dma_wait3A_361 = arith.constant 0 : i32
      %dma_wait3A_362 = tpu.memref_slice %arg7[%add3A_360, %dma_wait3A_361] : memref<80x128xi32, #tpu.memory_space<vmem>> -> memref<1x128xi32, #tpu.memory_space<vmem>>
      %dma_wait3A_363 = tpu.memref_squeeze %dma_wait3A_362 : memref<1x128xi32, #tpu.memory_space<vmem>> -> memref<128xi32, #tpu.memory_space<vmem>>
      %dma_wait3A_364 = arith.constant 0 : i32
      %dma_wait3A_365 = arith.constant 0 : i32
      %dma_wait3A_366 = tpu.memref_slice %arg2[%dma_wait3A_364, %dma_wait3A_365] : memref<10240x32xf32, #tpu.memory_space<hbm>> -> memref<10240x32xf32, #tpu.memory_space<hbm>>
      tpu.wait_indirect_dma semaphore(%arg18 : memref<!tpu.dma_semaphore, #tpu.memory_space<semaphore_mem>>) src(%dma_wait3A_366 : memref<10240x32xf32, #tpu.memory_space<hbm>>) dst(%arg9 : memref<128x32xf32, #tpu.memory_space<vmem>>)
      %dma_start3A_367 = arith.constant 0 : i32
      %dma_start3A_368 = tpu.memref_slice %arg8[%add3A_360, %dma_start3A_367] : memref<80x128xi32, #tpu.memory_space<vmem>> -> memref<1x128xi32, #tpu.memory_space<vmem>>
      %dma_start3A_369 = tpu.memref_squeeze %dma_start3A_368 : memref<1x128xi32, #tpu.memory_space<vmem>> -> memref<128xi32, #tpu.memory_space<vmem>>
      %dma_start3A_370 = arith.constant 0 : i32
      %dma_start3A_371 = arith.constant 0 : i32
      %dma_start3A_372 = tpu.memref_slice %arg17[%dma_start3A_370, %dma_start3A_371] : memref<10240x32xf32, #tpu.memory_space<vmem_shared>> -> memref<10240x32xf32, #tpu.memory_space<vmem_shared>>
      tpu.enqueue_indirect_dma source(%arg9 : memref<128x32xf32, #tpu.memory_space<vmem>>) target(%dma_start3A_372 : memref<10240x32xf32, #tpu.memory_space<vmem_shared>>) offsets(%dma_start3A_369 : memref<128xi32, #tpu.memory_space<vmem>>) semaphore(%arg26 : memref<!tpu.dma_semaphore, #tpu.memory_space<semaphore_mem>>) {add = true}
      %sub3A_373 = arith.constant 4 : i32
      %sub3A_374 = arith.subi %add3A_360, %sub3A_373 : i32
      %dma_wait3A_375 = arith.constant 0 : i32
      %dma_wait3A_376 = tpu.memref_slice %arg8[%sub3A_374, %dma_wait3A_375] : memref<80x128xi32, #tpu.memory_space<vmem>> -> memref<1x128xi32, #tpu.memory_space<vmem>>
      %dma_wait3A_377 = tpu.memref_squeeze %dma_wait3A_376 : memref<1x128xi32, #tpu.memory_space<vmem>> -> memref<128xi32, #tpu.memory_space<vmem>>
      %dma_wait3A_378 = arith.constant 0 : i32
      %dma_wait3A_379 = arith.constant 0 : i32
      %dma_wait3A_380 = tpu.memref_slice %arg17[%dma_wait3A_378, %dma_wait3A_379] : memref<10240x32xf32, #tpu.memory_space<vmem_shared>> -> memref<10240x32xf32, #tpu.memory_space<vmem_shared>>
      tpu.wait_indirect_dma semaphore(%arg30 : memref<!tpu.dma_semaphore, #tpu.memory_space<semaphore_mem>>) src(%arg13 : memref<128x32xf32, #tpu.memory_space<vmem>>) dst(%dma_wait3A_380 : memref<10240x32xf32, #tpu.memory_space<vmem_shared>>)
      %add3A_381 = arith.constant 4 : i32
      %add3A_382 = arith.addi %add3A_360, %add3A_381 : i32
      %dma_start3A_383 = arith.constant 0 : i32
      %dma_start3A_384 = tpu.memref_slice %arg7[%add3A_382, %dma_start3A_383] : memref<80x128xi32, #tpu.memory_space<vmem>> -> memref<1x128xi32, #tpu.memory_space<vmem>>
      %dma_start3A_385 = tpu.memref_squeeze %dma_start3A_384 : memref<1x128xi32, #tpu.memory_space<vmem>> -> memref<128xi32, #tpu.memory_space<vmem>>
      %dma_start3A_386 = arith.constant 0 : i32
      %dma_start3A_387 = arith.constant 0 : i32
      %dma_start3A_388 = tpu.memref_slice %arg2[%dma_start3A_386, %dma_start3A_387] : memref<10240x32xf32, #tpu.memory_space<hbm>> -> memref<10240x32xf32, #tpu.memory_space<hbm>>
      tpu.enqueue_indirect_dma source(%dma_start3A_388 : memref<10240x32xf32, #tpu.memory_space<hbm>>) target(%arg13 : memref<128x32xf32, #tpu.memory_space<vmem>>) offsets(%dma_start3A_385 : memref<128xi32, #tpu.memory_space<vmem>>) semaphore(%arg22 : memref<!tpu.dma_semaphore, #tpu.memory_space<semaphore_mem>>)
      %add3A_389 = arith.constant 5 : i32
      %add3A_390 = arith.addi %add3A_239, %add3A_389 : i32
      %dma_wait3A_391 = arith.constant 0 : i32
      %dma_wait3A_392 = tpu.memref_slice %arg7[%add3A_390, %dma_wait3A_391] : memref<80x128xi32, #tpu.memory_space<vmem>> -> memref<1x128xi32, #tpu.memory_space<vmem>>
      %dma_wait3A_393 = tpu.memref_squeeze %dma_wait3A_392 : memref<1x128xi32, #tpu.memory_space<vmem>> -> memref<128xi32, #tpu.memory_space<vmem>>
      %dma_wait3A_394 = arith.constant 0 : i32
      %dma_wait3A_395 = arith.constant 0 : i32
      %dma_wait3A_396 = tpu.memref_slice %arg2[%dma_wait3A_394, %dma_wait3A_395] : memref<10240x32xf32, #tpu.memory_space<hbm>> -> memref<10240x32xf32, #tpu.memory_space<hbm>>
      tpu.wait_indirect_dma semaphore(%arg19 : memref<!tpu.dma_semaphore, #tpu.memory_space<semaphore_mem>>) src(%dma_wait3A_396 : memref<10240x32xf32, #tpu.memory_space<hbm>>) dst(%arg10 : memref<128x32xf32, #tpu.memory_space<vmem>>)
      %dma_start3A_397 = arith.constant 0 : i32
      %dma_start3A_398 = tpu.memref_slice %arg8[%add3A_390, %dma_start3A_397] : memref<80x128xi32, #tpu.memory_space<vmem>> -> memref<1x128xi32, #tpu.memory_space<vmem>>
      %dma_start3A_399 = tpu.memref_squeeze %dma_start3A_398 : memref<1x128xi32, #tpu.memory_space<vmem>> -> memref<128xi32, #tpu.memory_space<vmem>>
      %dma_start3A_400 = arith.constant 0 : i32
      %dma_start3A_401 = arith.constant 0 : i32
      %dma_start3A_402 = tpu.memref_slice %arg17[%dma_start3A_400, %dma_start3A_401] : memref<10240x32xf32, #tpu.memory_space<vmem_shared>> -> memref<10240x32xf32, #tpu.memory_space<vmem_shared>>
      tpu.enqueue_indirect_dma source(%arg10 : memref<128x32xf32, #tpu.memory_space<vmem>>) target(%dma_start3A_402 : memref<10240x32xf32, #tpu.memory_space<vmem_shared>>) offsets(%dma_start3A_399 : memref<128xi32, #tpu.memory_space<vmem>>) semaphore(%arg27 : memref<!tpu.dma_semaphore, #tpu.memory_space<semaphore_mem>>) {add = true}
      %sub3A_403 = arith.constant 4 : i32
      %sub3A_404 = arith.subi %add3A_390, %sub3A_403 : i32
      %dma_wait3A_405 = arith.constant 0 : i32
      %dma_wait3A_406 = tpu.memref_slice %arg8[%sub3A_404, %dma_wait3A_405] : memref<80x128xi32, #tpu.memory_space<vmem>> -> memref<1x128xi32, #tpu.memory_space<vmem>>
      %dma_wait3A_407 = tpu.memref_squeeze %dma_wait3A_406 : memref<1x128xi32, #tpu.memory_space<vmem>> -> memref<128xi32, #tpu.memory_space<vmem>>
      %dma_wait3A_408 = arith.constant 0 : i32
      %dma_wait3A_409 = arith.constant 0 : i32
      %dma_wait3A_410 = tpu.memref_slice %arg17[%dma_wait3A_408, %dma_wait3A_409] : memref<10240x32xf32, #tpu.memory_space<vmem_shared>> -> memref<10240x32xf32, #tpu.memory_space<vmem_shared>>
      tpu.wait_indirect_dma semaphore(%arg31 : memref<!tpu.dma_semaphore, #tpu.memory_space<semaphore_mem>>) src(%arg14 : memref<128x32xf32, #tpu.memory_space<vmem>>) dst(%dma_wait3A_410 : memref<10240x32xf32, #tpu.memory_space<vmem_shared>>)
      %add3A_411 = arith.constant 4 : i32
      %add3A_412 = arith.addi %add3A_390, %add3A_411 : i32
      %dma_start3A_413 = arith.constant 0 : i32
      %dma_start3A_414 = tpu.memref_slice %arg7[%add3A_412, %dma_start3A_413] : memref<80x128xi32, #tpu.memory_space<vmem>> -> memref<1x128xi32, #tpu.memory_space<vmem>>
      %dma_start3A_415 = tpu.memref_squeeze %dma_start3A_414 : memref<1x128xi32, #tpu.memory_space<vmem>> -> memref<128xi32, #tpu.memory_space<vmem>>
      %dma_start3A_416 = arith.constant 0 : i32
      %dma_start3A_417 = arith.constant 0 : i32
      %dma_start3A_418 = tpu.memref_slice %arg2[%dma_start3A_416, %dma_start3A_417] : memref<10240x32xf32, #tpu.memory_space<hbm>> -> memref<10240x32xf32, #tpu.memory_space<hbm>>
      tpu.enqueue_indirect_dma source(%dma_start3A_418 : memref<10240x32xf32, #tpu.memory_space<hbm>>) target(%arg14 : memref<128x32xf32, #tpu.memory_space<vmem>>) offsets(%dma_start3A_415 : memref<128xi32, #tpu.memory_space<vmem>>) semaphore(%arg23 : memref<!tpu.dma_semaphore, #tpu.memory_space<semaphore_mem>>)
      %add3A_419 = arith.constant 6 : i32
      %add3A_420 = arith.addi %add3A_239, %add3A_419 : i32
      %dma_wait3A_421 = arith.constant 0 : i32
      %dma_wait3A_422 = tpu.memref_slice %arg7[%add3A_420, %dma_wait3A_421] : memref<80x128xi32, #tpu.memory_space<vmem>> -> memref<1x128xi32, #tpu.memory_space<vmem>>
      %dma_wait3A_423 = tpu.memref_squeeze %dma_wait3A_422 : memref<1x128xi32, #tpu.memory_space<vmem>> -> memref<128xi32, #tpu.memory_space<vmem>>
      %dma_wait3A_424 = arith.constant 0 : i32
      %dma_wait3A_425 = arith.constant 0 : i32
      %dma_wait3A_426 = tpu.memref_slice %arg2[%dma_wait3A_424, %dma_wait3A_425] : memref<10240x32xf32, #tpu.memory_space<hbm>> -> memref<10240x32xf32, #tpu.memory_space<hbm>>
      tpu.wait_indirect_dma semaphore(%arg20 : memref<!tpu.dma_semaphore, #tpu.memory_space<semaphore_mem>>) src(%dma_wait3A_426 : memref<10240x32xf32, #tpu.memory_space<hbm>>) dst(%arg11 : memref<128x32xf32, #tpu.memory_space<vmem>>)
      %dma_start3A_427 = arith.constant 0 : i32
      %dma_start3A_428 = tpu.memref_slice %arg8[%add3A_420, %dma_start3A_427] : memref<80x128xi32, #tpu.memory_space<vmem>> -> memref<1x128xi32, #tpu.memory_space<vmem>>
      %dma_start3A_429 = tpu.memref_squeeze %dma_start3A_428 : memref<1x128xi32, #tpu.memory_space<vmem>> -> memref<128xi32, #tpu.memory_space<vmem>>
      %dma_start3A_430 = arith.constant 0 : i32
      %dma_start3A_431 = arith.constant 0 : i32
      %dma_start3A_432 = tpu.memref_slice %arg17[%dma_start3A_430, %dma_start3A_431] : memref<10240x32xf32, #tpu.memory_space<vmem_shared>> -> memref<10240x32xf32, #tpu.memory_space<vmem_shared>>
      tpu.enqueue_indirect_dma source(%arg11 : memref<128x32xf32, #tpu.memory_space<vmem>>) target(%dma_start3A_432 : memref<10240x32xf32, #tpu.memory_space<vmem_shared>>) offsets(%dma_start3A_429 : memref<128xi32, #tpu.memory_space<vmem>>) semaphore(%arg28 : memref<!tpu.dma_semaphore, #tpu.memory_space<semaphore_mem>>) {add = true}
      %sub3A_433 = arith.constant 4 : i32
      %sub3A_434 = arith.subi %add3A_420, %sub3A_433 : i32
      %dma_wait3A_435 = arith.constant 0 : i32
      %dma_wait3A_436 = tpu.memref_slice %arg8[%sub3A_434, %dma_wait3A_435] : memref<80x128xi32, #tpu.memory_space<vmem>> -> memref<1x128xi32, #tpu.memory_space<vmem>>
      %dma_wait3A_437 = tpu.memref_squeeze %dma_wait3A_436 : memref<1x128xi32, #tpu.memory_space<vmem>> -> memref<128xi32, #tpu.memory_space<vmem>>
      %dma_wait3A_438 = arith.constant 0 : i32
      %dma_wait3A_439 = arith.constant 0 : i32
      %dma_wait3A_440 = tpu.memref_slice %arg17[%dma_wait3A_438, %dma_wait3A_439] : memref<10240x32xf32, #tpu.memory_space<vmem_shared>> -> memref<10240x32xf32, #tpu.memory_space<vmem_shared>>
      tpu.wait_indirect_dma semaphore(%arg32 : memref<!tpu.dma_semaphore, #tpu.memory_space<semaphore_mem>>) src(%arg15 : memref<128x32xf32, #tpu.memory_space<vmem>>) dst(%dma_wait3A_440 : memref<10240x32xf32, #tpu.memory_space<vmem_shared>>)
      %add3A_441 = arith.constant 4 : i32
      %add3A_442 = arith.addi %add3A_420, %add3A_441 : i32
      %dma_start3A_443 = arith.constant 0 : i32
      %dma_start3A_444 = tpu.memref_slice %arg7[%add3A_442, %dma_start3A_443] : memref<80x128xi32, #tpu.memory_space<vmem>> -> memref<1x128xi32, #tpu.memory_space<vmem>>
      %dma_start3A_445 = tpu.memref_squeeze %dma_start3A_444 : memref<1x128xi32, #tpu.memory_space<vmem>> -> memref<128xi32, #tpu.memory_space<vmem>>
      %dma_start3A_446 = arith.constant 0 : i32
      %dma_start3A_447 = arith.constant 0 : i32
      %dma_start3A_448 = tpu.memref_slice %arg2[%dma_start3A_446, %dma_start3A_447] : memref<10240x32xf32, #tpu.memory_space<hbm>> -> memref<10240x32xf32, #tpu.memory_space<hbm>>
      tpu.enqueue_indirect_dma source(%dma_start3A_448 : memref<10240x32xf32, #tpu.memory_space<hbm>>) target(%arg15 : memref<128x32xf32, #tpu.memory_space<vmem>>) offsets(%dma_start3A_445 : memref<128xi32, #tpu.memory_space<vmem>>) semaphore(%arg24 : memref<!tpu.dma_semaphore, #tpu.memory_space<semaphore_mem>>)
      %add3A_449 = arith.constant 7 : i32
      %add3A_450 = arith.addi %add3A_239, %add3A_449 : i32
      %dma_wait3A_451 = arith.constant 0 : i32
      %dma_wait3A_452 = tpu.memref_slice %arg7[%add3A_450, %dma_wait3A_451] : memref<80x128xi32, #tpu.memory_space<vmem>> -> memref<1x128xi32, #tpu.memory_space<vmem>>
      %dma_wait3A_453 = tpu.memref_squeeze %dma_wait3A_452 : memref<1x128xi32, #tpu.memory_space<vmem>> -> memref<128xi32, #tpu.memory_space<vmem>>
      %dma_wait3A_454 = arith.constant 0 : i32
      %dma_wait3A_455 = arith.constant 0 : i32
      %dma_wait3A_456 = tpu.memref_slice %arg2[%dma_wait3A_454, %dma_wait3A_455] : memref<10240x32xf32, #tpu.memory_space<hbm>> -> memref<10240x32xf32, #tpu.memory_space<hbm>>
      tpu.wait_indirect_dma semaphore(%arg21 : memref<!tpu.dma_semaphore, #tpu.memory_space<semaphore_mem>>) src(%dma_wait3A_456 : memref<10240x32xf32, #tpu.memory_space<hbm>>) dst(%arg12 : memref<128x32xf32, #tpu.memory_space<vmem>>)
      %dma_start3A_457 = arith.constant 0 : i32
      %dma_start3A_458 = tpu.memref_slice %arg8[%add3A_450, %dma_start3A_457] : memref<80x128xi32, #tpu.memory_space<vmem>> -> memref<1x128xi32, #tpu.memory_space<vmem>>
      %dma_start3A_459 = tpu.memref_squeeze %dma_start3A_458 : memref<1x128xi32, #tpu.memory_space<vmem>> -> memref<128xi32, #tpu.memory_space<vmem>>
      %dma_start3A_460 = arith.constant 0 : i32
      %dma_start3A_461 = arith.constant 0 : i32
      %dma_start3A_462 = tpu.memref_slice %arg17[%dma_start3A_460, %dma_start3A_461] : memref<10240x32xf32, #tpu.memory_space<vmem_shared>> -> memref<10240x32xf32, #tpu.memory_space<vmem_shared>>
      tpu.enqueue_indirect_dma source(%arg12 : memref<128x32xf32, #tpu.memory_space<vmem>>) target(%dma_start3A_462 : memref<10240x32xf32, #tpu.memory_space<vmem_shared>>) offsets(%dma_start3A_459 : memref<128xi32, #tpu.memory_space<vmem>>) semaphore(%arg29 : memref<!tpu.dma_semaphore, #tpu.memory_space<semaphore_mem>>) {add = true}
      %sub3A_463 = arith.constant 4 : i32
      %sub3A_464 = arith.subi %add3A_450, %sub3A_463 : i32
      %dma_wait3A_465 = arith.constant 0 : i32
      %dma_wait3A_466 = tpu.memref_slice %arg8[%sub3A_464, %dma_wait3A_465] : memref<80x128xi32, #tpu.memory_space<vmem>> -> memref<1x128xi32, #tpu.memory_space<vmem>>
      %dma_wait3A_467 = tpu.memref_squeeze %dma_wait3A_466 : memref<1x128xi32, #tpu.memory_space<vmem>> -> memref<128xi32, #tpu.memory_space<vmem>>
      %dma_wait3A_468 = arith.constant 0 : i32
      %dma_wait3A_469 = arith.constant 0 : i32
      %dma_wait3A_470 = tpu.memref_slice %arg17[%dma_wait3A_468, %dma_wait3A_469] : memref<10240x32xf32, #tpu.memory_space<vmem_shared>> -> memref<10240x32xf32, #tpu.memory_space<vmem_shared>>
      tpu.wait_indirect_dma semaphore(%arg33 : memref<!tpu.dma_semaphore, #tpu.memory_space<semaphore_mem>>) src(%arg16 : memref<128x32xf32, #tpu.memory_space<vmem>>) dst(%dma_wait3A_470 : memref<10240x32xf32, #tpu.memory_space<vmem_shared>>)
      %add3A_471 = arith.constant 4 : i32
      %add3A_472 = arith.addi %add3A_450, %add3A_471 : i32
      %dma_start3A_473 = arith.constant 0 : i32
      %dma_start3A_474 = tpu.memref_slice %arg7[%add3A_472, %dma_start3A_473] : memref<80x128xi32, #tpu.memory_space<vmem>> -> memref<1x128xi32, #tpu.memory_space<vmem>>
      %dma_start3A_475 = tpu.memref_squeeze %dma_start3A_474 : memref<1x128xi32, #tpu.memory_space<vmem>> -> memref<128xi32, #tpu.memory_space<vmem>>
      %dma_start3A_476 = arith.constant 0 : i32
      %dma_start3A_477 = arith.constant 0 : i32
      %dma_start3A_478 = tpu.memref_slice %arg2[%dma_start3A_476, %dma_start3A_477] : memref<10240x32xf32, #tpu.memory_space<hbm>> -> memref<10240x32xf32, #tpu.memory_space<hbm>>
      tpu.enqueue_indirect_dma source(%dma_start3A_478 : memref<10240x32xf32, #tpu.memory_space<hbm>>) target(%arg16 : memref<128x32xf32, #tpu.memory_space<vmem>>) offsets(%dma_start3A_475 : memref<128xi32, #tpu.memory_space<vmem>>) semaphore(%arg25 : memref<!tpu.dma_semaphore, #tpu.memory_space<semaphore_mem>>)
    }
    %scan3A_121 = arith.constant 9 : i32
    %dma_wait3A_122 = arith.constant 76 : i32
    %dma_wait3A_123 = arith.constant 0 : i32
    %dma_wait3A_124 = tpu.memref_slice %arg7[%dma_wait3A_122, %dma_wait3A_123] : memref<80x128xi32, #tpu.memory_space<vmem>> -> memref<1x128xi32, #tpu.memory_space<vmem>>
    %dma_wait3A_125 = tpu.memref_squeeze %dma_wait3A_124 : memref<1x128xi32, #tpu.memory_space<vmem>> -> memref<128xi32, #tpu.memory_space<vmem>>
    %dma_wait3A_126 = arith.constant 0 : i32
    %dma_wait3A_127 = arith.constant 0 : i32
    %dma_wait3A_128 = tpu.memref_slice %arg2[%dma_wait3A_126, %dma_wait3A_127] : memref<10240x32xf32, #tpu.memory_space<hbm>> -> memref<10240x32xf32, #tpu.memory_space<hbm>>
    tpu.wait_indirect_dma semaphore(%arg22 : memref<!tpu.dma_semaphore, #tpu.memory_space<semaphore_mem>>) src(%dma_wait3A_128 : memref<10240x32xf32, #tpu.memory_space<hbm>>) dst(%arg13 : memref<128x32xf32, #tpu.memory_space<vmem>>)
    %dma_start3A_129 = arith.constant 76 : i32
    %dma_start3A_130 = arith.constant 0 : i32
    %dma_start3A_131 = tpu.memref_slice %arg8[%dma_start3A_129, %dma_start3A_130] : memref<80x128xi32, #tpu.memory_space<vmem>> -> memref<1x128xi32, #tpu.memory_space<vmem>>
    %dma_start3A_132 = tpu.memref_squeeze %dma_start3A_131 : memref<1x128xi32, #tpu.memory_space<vmem>> -> memref<128xi32, #tpu.memory_space<vmem>>
    %dma_start3A_133 = arith.constant 0 : i32
    %dma_start3A_134 = arith.constant 0 : i32
    %dma_start3A_135 = tpu.memref_slice %arg17[%dma_start3A_133, %dma_start3A_134] : memref<10240x32xf32, #tpu.memory_space<vmem_shared>> -> memref<10240x32xf32, #tpu.memory_space<vmem_shared>>
    tpu.enqueue_indirect_dma source(%arg13 : memref<128x32xf32, #tpu.memory_space<vmem>>) target(%dma_start3A_135 : memref<10240x32xf32, #tpu.memory_space<vmem_shared>>) offsets(%dma_start3A_132 : memref<128xi32, #tpu.memory_space<vmem>>) semaphore(%arg30 : memref<!tpu.dma_semaphore, #tpu.memory_space<semaphore_mem>>) {add = true}
    %dma_wait3A_136 = arith.constant 72 : i32
    %dma_wait3A_137 = arith.constant 0 : i32
    %dma_wait3A_138 = tpu.memref_slice %arg8[%dma_wait3A_136, %dma_wait3A_137] : memref<80x128xi32, #tpu.memory_space<vmem>> -> memref<1x128xi32, #tpu.memory_space<vmem>>
    %dma_wait3A_139 = tpu.memref_squeeze %dma_wait3A_138 : memref<1x128xi32, #tpu.memory_space<vmem>> -> memref<128xi32, #tpu.memory_space<vmem>>
    %dma_wait3A_140 = arith.constant 0 : i32
    %dma_wait3A_141 = arith.constant 0 : i32
    %dma_wait3A_142 = tpu.memref_slice %arg17[%dma_wait3A_140, %dma_wait3A_141] : memref<10240x32xf32, #tpu.memory_space<vmem_shared>> -> memref<10240x32xf32, #tpu.memory_space<vmem_shared>>
    tpu.wait_indirect_dma semaphore(%arg26 : memref<!tpu.dma_semaphore, #tpu.memory_space<semaphore_mem>>) src(%arg9 : memref<128x32xf32, #tpu.memory_space<vmem>>) dst(%dma_wait3A_142 : memref<10240x32xf32, #tpu.memory_space<vmem_shared>>)
    %dma_wait3A_143 = arith.constant 77 : i32
    %dma_wait3A_144 = arith.constant 0 : i32
    %dma_wait3A_145 = tpu.memref_slice %arg7[%dma_wait3A_143, %dma_wait3A_144] : memref<80x128xi32, #tpu.memory_space<vmem>> -> memref<1x128xi32, #tpu.memory_space<vmem>>
    %dma_wait3A_146 = tpu.memref_squeeze %dma_wait3A_145 : memref<1x128xi32, #tpu.memory_space<vmem>> -> memref<128xi32, #tpu.memory_space<vmem>>
    %dma_wait3A_147 = arith.constant 0 : i32
    %dma_wait3A_148 = arith.constant 0 : i32
    %dma_wait3A_149 = tpu.memref_slice %arg2[%dma_wait3A_147, %dma_wait3A_148] : memref<10240x32xf32, #tpu.memory_space<hbm>> -> memref<10240x32xf32, #tpu.memory_space<hbm>>
    tpu.wait_indirect_dma semaphore(%arg23 : memref<!tpu.dma_semaphore, #tpu.memory_space<semaphore_mem>>) src(%dma_wait3A_149 : memref<10240x32xf32, #tpu.memory_space<hbm>>) dst(%arg14 : memref<128x32xf32, #tpu.memory_space<vmem>>)
    %dma_start3A_150 = arith.constant 77 : i32
    %dma_start3A_151 = arith.constant 0 : i32
    %dma_start3A_152 = tpu.memref_slice %arg8[%dma_start3A_150, %dma_start3A_151] : memref<80x128xi32, #tpu.memory_space<vmem>> -> memref<1x128xi32, #tpu.memory_space<vmem>>
    %dma_start3A_153 = tpu.memref_squeeze %dma_start3A_152 : memref<1x128xi32, #tpu.memory_space<vmem>> -> memref<128xi32, #tpu.memory_space<vmem>>
    %dma_start3A_154 = arith.constant 0 : i32
    %dma_start3A_155 = arith.constant 0 : i32
    %dma_start3A_156 = tpu.memref_slice %arg17[%dma_start3A_154, %dma_start3A_155] : memref<10240x32xf32, #tpu.memory_space<vmem_shared>> -> memref<10240x32xf32, #tpu.memory_space<vmem_shared>>
    tpu.enqueue_indirect_dma source(%arg14 : memref<128x32xf32, #tpu.memory_space<vmem>>) target(%dma_start3A_156 : memref<10240x32xf32, #tpu.memory_space<vmem_shared>>) offsets(%dma_start3A_153 : memref<128xi32, #tpu.memory_space<vmem>>) semaphore(%arg31 : memref<!tpu.dma_semaphore, #tpu.memory_space<semaphore_mem>>) {add = true}
    %dma_wait3A_157 = arith.constant 73 : i32
    %dma_wait3A_158 = arith.constant 0 : i32
    %dma_wait3A_159 = tpu.memref_slice %arg8[%dma_wait3A_157, %dma_wait3A_158] : memref<80x128xi32, #tpu.memory_space<vmem>> -> memref<1x128xi32, #tpu.memory_space<vmem>>
    %dma_wait3A_160 = tpu.memref_squeeze %dma_wait3A_159 : memref<1x128xi32, #tpu.memory_space<vmem>> -> memref<128xi32, #tpu.memory_space<vmem>>
    %dma_wait3A_161 = arith.constant 0 : i32
    %dma_wait3A_162 = arith.constant 0 : i32
    %dma_wait3A_163 = tpu.memref_slice %arg17[%dma_wait3A_161, %dma_wait3A_162] : memref<10240x32xf32, #tpu.memory_space<vmem_shared>> -> memref<10240x32xf32, #tpu.memory_space<vmem_shared>>
    tpu.wait_indirect_dma semaphore(%arg27 : memref<!tpu.dma_semaphore, #tpu.memory_space<semaphore_mem>>) src(%arg10 : memref<128x32xf32, #tpu.memory_space<vmem>>) dst(%dma_wait3A_163 : memref<10240x32xf32, #tpu.memory_space<vmem_shared>>)
    %dma_wait3A_164 = arith.constant 78 : i32
    %dma_wait3A_165 = arith.constant 0 : i32
    %dma_wait3A_166 = tpu.memref_slice %arg7[%dma_wait3A_164, %dma_wait3A_165] : memref<80x128xi32, #tpu.memory_space<vmem>> -> memref<1x128xi32, #tpu.memory_space<vmem>>
    %dma_wait3A_167 = tpu.memref_squeeze %dma_wait3A_166 : memref<1x128xi32, #tpu.memory_space<vmem>> -> memref<128xi32, #tpu.memory_space<vmem>>
    %dma_wait3A_168 = arith.constant 0 : i32
    %dma_wait3A_169 = arith.constant 0 : i32
    %dma_wait3A_170 = tpu.memref_slice %arg2[%dma_wait3A_168, %dma_wait3A_169] : memref<10240x32xf32, #tpu.memory_space<hbm>> -> memref<10240x32xf32, #tpu.memory_space<hbm>>
    tpu.wait_indirect_dma semaphore(%arg24 : memref<!tpu.dma_semaphore, #tpu.memory_space<semaphore_mem>>) src(%dma_wait3A_170 : memref<10240x32xf32, #tpu.memory_space<hbm>>) dst(%arg15 : memref<128x32xf32, #tpu.memory_space<vmem>>)
    %dma_start3A_171 = arith.constant 78 : i32
    %dma_start3A_172 = arith.constant 0 : i32
    %dma_start3A_173 = tpu.memref_slice %arg8[%dma_start3A_171, %dma_start3A_172] : memref<80x128xi32, #tpu.memory_space<vmem>> -> memref<1x128xi32, #tpu.memory_space<vmem>>
    %dma_start3A_174 = tpu.memref_squeeze %dma_start3A_173 : memref<1x128xi32, #tpu.memory_space<vmem>> -> memref<128xi32, #tpu.memory_space<vmem>>
    %dma_start3A_175 = arith.constant 0 : i32
    %dma_start3A_176 = arith.constant 0 : i32
    %dma_start3A_177 = tpu.memref_slice %arg17[%dma_start3A_175, %dma_start3A_176] : memref<10240x32xf32, #tpu.memory_space<vmem_shared>> -> memref<10240x32xf32, #tpu.memory_space<vmem_shared>>
    tpu.enqueue_indirect_dma source(%arg15 : memref<128x32xf32, #tpu.memory_space<vmem>>) target(%dma_start3A_177 : memref<10240x32xf32, #tpu.memory_space<vmem_shared>>) offsets(%dma_start3A_174 : memref<128xi32, #tpu.memory_space<vmem>>) semaphore(%arg32 : memref<!tpu.dma_semaphore, #tpu.memory_space<semaphore_mem>>) {add = true}
    %dma_wait3A_178 = arith.constant 74 : i32
    %dma_wait3A_179 = arith.constant 0 : i32
    %dma_wait3A_180 = tpu.memref_slice %arg8[%dma_wait3A_178, %dma_wait3A_179] : memref<80x128xi32, #tpu.memory_space<vmem>> -> memref<1x128xi32, #tpu.memory_space<vmem>>
    %dma_wait3A_181 = tpu.memref_squeeze %dma_wait3A_180 : memref<1x128xi32, #tpu.memory_space<vmem>> -> memref<128xi32, #tpu.memory_space<vmem>>
    %dma_wait3A_182 = arith.constant 0 : i32
    %dma_wait3A_183 = arith.constant 0 : i32
    %dma_wait3A_184 = tpu.memref_slice %arg17[%dma_wait3A_182, %dma_wait3A_183] : memref<10240x32xf32, #tpu.memory_space<vmem_shared>> -> memref<10240x32xf32, #tpu.memory_space<vmem_shared>>
    tpu.wait_indirect_dma semaphore(%arg28 : memref<!tpu.dma_semaphore, #tpu.memory_space<semaphore_mem>>) src(%arg11 : memref<128x32xf32, #tpu.memory_space<vmem>>) dst(%dma_wait3A_184 : memref<10240x32xf32, #tpu.memory_space<vmem_shared>>)
    %dma_wait3A_185 = arith.constant 79 : i32
    %dma_wait3A_186 = arith.constant 0 : i32
    %dma_wait3A_187 = tpu.memref_slice %arg7[%dma_wait3A_185, %dma_wait3A_186] : memref<80x128xi32, #tpu.memory_space<vmem>> -> memref<1x128xi32, #tpu.memory_space<vmem>>
    %dma_wait3A_188 = tpu.memref_squeeze %dma_wait3A_187 : memref<1x128xi32, #tpu.memory_space<vmem>> -> memref<128xi32, #tpu.memory_space<vmem>>
    %dma_wait3A_189 = arith.constant 0 : i32
    %dma_wait3A_190 = arith.constant 0 : i32
    %dma_wait3A_191 = tpu.memref_slice %arg2[%dma_wait3A_189, %dma_wait3A_190] : memref<10240x32xf32, #tpu.memory_space<hbm>> -> memref<10240x32xf32, #tpu.memory_space<hbm>>
    tpu.wait_indirect_dma semaphore(%arg25 : memref<!tpu.dma_semaphore, #tpu.memory_space<semaphore_mem>>) src(%dma_wait3A_191 : memref<10240x32xf32, #tpu.memory_space<hbm>>) dst(%arg16 : memref<128x32xf32, #tpu.memory_space<vmem>>)
    %dma_start3A_192 = arith.constant 79 : i32
    %dma_start3A_193 = arith.constant 0 : i32
    %dma_start3A_194 = tpu.memref_slice %arg8[%dma_start3A_192, %dma_start3A_193] : memref<80x128xi32, #tpu.memory_space<vmem>> -> memref<1x128xi32, #tpu.memory_space<vmem>>
    %dma_start3A_195 = tpu.memref_squeeze %dma_start3A_194 : memref<1x128xi32, #tpu.memory_space<vmem>> -> memref<128xi32, #tpu.memory_space<vmem>>
    %dma_start3A_196 = arith.constant 0 : i32
    %dma_start3A_197 = arith.constant 0 : i32
    %dma_start3A_198 = tpu.memref_slice %arg17[%dma_start3A_196, %dma_start3A_197] : memref<10240x32xf32, #tpu.memory_space<vmem_shared>> -> memref<10240x32xf32, #tpu.memory_space<vmem_shared>>
    tpu.enqueue_indirect_dma source(%arg16 : memref<128x32xf32, #tpu.memory_space<vmem>>) target(%dma_start3A_198 : memref<10240x32xf32, #tpu.memory_space<vmem_shared>>) offsets(%dma_start3A_195 : memref<128xi32, #tpu.memory_space<vmem>>) semaphore(%arg33 : memref<!tpu.dma_semaphore, #tpu.memory_space<semaphore_mem>>) {add = true}
    %dma_wait3A_199 = arith.constant 75 : i32
    %dma_wait3A_200 = arith.constant 0 : i32
    %dma_wait3A_201 = tpu.memref_slice %arg8[%dma_wait3A_199, %dma_wait3A_200] : memref<80x128xi32, #tpu.memory_space<vmem>> -> memref<1x128xi32, #tpu.memory_space<vmem>>
    %dma_wait3A_202 = tpu.memref_squeeze %dma_wait3A_201 : memref<1x128xi32, #tpu.memory_space<vmem>> -> memref<128xi32, #tpu.memory_space<vmem>>
    %dma_wait3A_203 = arith.constant 0 : i32
    %dma_wait3A_204 = arith.constant 0 : i32
    %dma_wait3A_205 = tpu.memref_slice %arg17[%dma_wait3A_203, %dma_wait3A_204] : memref<10240x32xf32, #tpu.memory_space<vmem_shared>> -> memref<10240x32xf32, #tpu.memory_space<vmem_shared>>
    tpu.wait_indirect_dma semaphore(%arg29 : memref<!tpu.dma_semaphore, #tpu.memory_space<semaphore_mem>>) src(%arg12 : memref<128x32xf32, #tpu.memory_space<vmem>>) dst(%dma_wait3A_205 : memref<10240x32xf32, #tpu.memory_space<vmem_shared>>)
    %dma_wait3A_206 = arith.constant 76 : i32
    %dma_wait3A_207 = arith.constant 0 : i32
    %dma_wait3A_208 = tpu.memref_slice %arg8[%dma_wait3A_206, %dma_wait3A_207] : memref<80x128xi32, #tpu.memory_space<vmem>> -> memref<1x128xi32, #tpu.memory_space<vmem>>
    %dma_wait3A_209 = tpu.memref_squeeze %dma_wait3A_208 : memref<1x128xi32, #tpu.memory_space<vmem>> -> memref<128xi32, #tpu.memory_space<vmem>>
    %dma_wait3A_210 = arith.constant 0 : i32
    %dma_wait3A_211 = arith.constant 0 : i32
    %dma_wait3A_212 = tpu.memref_slice %arg17[%dma_wait3A_210, %dma_wait3A_211] : memref<10240x32xf32, #tpu.memory_space<vmem_shared>> -> memref<10240x32xf32, #tpu.memory_space<vmem_shared>>
    tpu.wait_indirect_dma semaphore(%arg30 : memref<!tpu.dma_semaphore, #tpu.memory_space<semaphore_mem>>) src(%arg13 : memref<128x32xf32, #tpu.memory_space<vmem>>) dst(%dma_wait3A_212 : memref<10240x32xf32, #tpu.memory_space<vmem_shared>>)
    %dma_wait3A_213 = arith.constant 77 : i32
    %dma_wait3A_214 = arith.constant 0 : i32
    %dma_wait3A_215 = tpu.memref_slice %arg8[%dma_wait3A_213, %dma_wait3A_214] : memref<80x128xi32, #tpu.memory_space<vmem>> -> memref<1x128xi32, #tpu.memory_space<vmem>>
    %dma_wait3A_216 = tpu.memref_squeeze %dma_wait3A_215 : memref<1x128xi32, #tpu.memory_space<vmem>> -> memref<128xi32, #tpu.memory_space<vmem>>
    %dma_wait3A_217 = arith.constant 0 : i32
    %dma_wait3A_218 = arith.constant 0 : i32
    %dma_wait3A_219 = tpu.memref_slice %arg17[%dma_wait3A_217, %dma_wait3A_218] : memref<10240x32xf32, #tpu.memory_space<vmem_shared>> -> memref<10240x32xf32, #tpu.memory_space<vmem_shared>>
    tpu.wait_indirect_dma semaphore(%arg31 : memref<!tpu.dma_semaphore, #tpu.memory_space<semaphore_mem>>) src(%arg14 : memref<128x32xf32, #tpu.memory_space<vmem>>) dst(%dma_wait3A_219 : memref<10240x32xf32, #tpu.memory_space<vmem_shared>>)
    %dma_wait3A_220 = arith.constant 78 : i32
    %dma_wait3A_221 = arith.constant 0 : i32
    %dma_wait3A_222 = tpu.memref_slice %arg8[%dma_wait3A_220, %dma_wait3A_221] : memref<80x128xi32, #tpu.memory_space<vmem>> -> memref<1x128xi32, #tpu.memory_space<vmem>>
    %dma_wait3A_223 = tpu.memref_squeeze %dma_wait3A_222 : memref<1x128xi32, #tpu.memory_space<vmem>> -> memref<128xi32, #tpu.memory_space<vmem>>
    %dma_wait3A_224 = arith.constant 0 : i32
    %dma_wait3A_225 = arith.constant 0 : i32
    %dma_wait3A_226 = tpu.memref_slice %arg17[%dma_wait3A_224, %dma_wait3A_225] : memref<10240x32xf32, #tpu.memory_space<vmem_shared>> -> memref<10240x32xf32, #tpu.memory_space<vmem_shared>>
    tpu.wait_indirect_dma semaphore(%arg32 : memref<!tpu.dma_semaphore, #tpu.memory_space<semaphore_mem>>) src(%arg15 : memref<128x32xf32, #tpu.memory_space<vmem>>) dst(%dma_wait3A_226 : memref<10240x32xf32, #tpu.memory_space<vmem_shared>>)
    %dma_wait3A_227 = arith.constant 79 : i32
    %dma_wait3A_228 = arith.constant 0 : i32
    %dma_wait3A_229 = tpu.memref_slice %arg8[%dma_wait3A_227, %dma_wait3A_228] : memref<80x128xi32, #tpu.memory_space<vmem>> -> memref<1x128xi32, #tpu.memory_space<vmem>>
    %dma_wait3A_230 = tpu.memref_squeeze %dma_wait3A_229 : memref<1x128xi32, #tpu.memory_space<vmem>> -> memref<128xi32, #tpu.memory_space<vmem>>
    %dma_wait3A_231 = arith.constant 0 : i32
    %dma_wait3A_232 = arith.constant 0 : i32
    %dma_wait3A_233 = tpu.memref_slice %arg17[%dma_wait3A_231, %dma_wait3A_232] : memref<10240x32xf32, #tpu.memory_space<vmem_shared>> -> memref<10240x32xf32, #tpu.memory_space<vmem_shared>>
    tpu.wait_indirect_dma semaphore(%arg33 : memref<!tpu.dma_semaphore, #tpu.memory_space<semaphore_mem>>) src(%arg16 : memref<128x32xf32, #tpu.memory_space<vmem>>) dst(%dma_wait3A_233 : memref<10240x32xf32, #tpu.memory_space<vmem_shared>>)
    %barrier3A_234 = arith.constant 0 : index
    tpu.barrier barrier_id(%barrier3A_234)
    "tpu.region"() ({
      %run_scoped3A = tpu.sem_alloc : memref<!tpu.dma_semaphore, #tpu.memory_space<semaphore_mem>>
      %dma_start3A_235 = arith.constant 0 : i32
      %dma_start3A_236 = tpu.memref_slice %arg6[%arg0, %mul3A_2, %dma_start3A_235] : memref<2x10240x32xf32, #tpu.memory_space<hbm>> -> memref<1x640x32xf32, #tpu.memory_space<hbm>>
      %dma_start3A_237 = tpu.memref_squeeze %dma_start3A_236 : memref<1x640x32xf32, #tpu.memory_space<hbm>> -> memref<640x32xf32, #tpu.memory_space<hbm>>
      %dma_start3A_238 = arith.constant 0 : i32
      %dma_start3A_239 = tpu.memref_slice %arg17[%mul3A_2, %dma_start3A_238] : memref<10240x32xf32, #tpu.memory_space<vmem_shared>> -> memref<640x32xf32, #tpu.memory_space<vmem_shared>>
      tpu.enqueue_dma source(%dma_start3A_239 : memref<640x32xf32, #tpu.memory_space<vmem_shared>>) target(%dma_start3A_237 : memref<640x32xf32, #tpu.memory_space<hbm>>) target_semaphore(%run_scoped3A : memref<!tpu.dma_semaphore, #tpu.memory_space<semaphore_mem>>)
      %dma_wait3A_240 = arith.constant 0 : i32
      %dma_wait3A_241 = tpu.memref_slice %arg6[%arg0, %mul3A_2, %dma_wait3A_240] : memref<2x10240x32xf32, #tpu.memory_space<hbm>> -> memref<1x640x32xf32, #tpu.memory_space<hbm>>
      %dma_wait3A_242 = tpu.memref_squeeze %dma_wait3A_241 : memref<1x640x32xf32, #tpu.memory_space<hbm>> -> memref<640x32xf32, #tpu.memory_space<hbm>>
      %dma_wait3A_243 = arith.constant 0 : i32
      %dma_wait3A_244 = tpu.memref_slice %arg17[%mul3A_2, %dma_wait3A_243] : memref<10240x32xf32, #tpu.memory_space<vmem_shared>> -> memref<640x32xf32, #tpu.memory_space<vmem_shared>>
      tpu.wait_dma2 semaphore(%run_scoped3A : memref<!tpu.dma_semaphore, #tpu.memory_space<semaphore_mem>>) src(%dma_wait3A_244 : memref<640x32xf32, #tpu.memory_space<vmem_shared>>) dst(%dma_wait3A_242 : memref<640x32xf32, #tpu.memory_space<hbm>>)
      tpu.yield
    }) : () -> ()
    return
  }
}

#map = affine_map<(d0, d1) -> (0, 0)>
#map1 = affine_map<(d0, d1) -> (0, 0, 0)>
module attributes {stable_mosaic.version = 14 : i64} {
  func.func @_layer_body(%arg0: i32, %arg1: i32, %arg2: memref<10240x32xf32, #tpu.memory_space<hbm>>, %arg3: memref<2560x128xi32, #tpu.memory_space<hbm>>, %arg4: memref<2560x128xi32, #tpu.memory_space<hbm>>, %arg5: memref<10240x32xf32, #tpu.memory_space<hbm>>, %arg6: memref<2x10240x32xf32, #tpu.memory_space<hbm>>, %arg7: memref<80x128xi32, #tpu.memory_space<vmem>>, %arg8: memref<80x128xi32, #tpu.memory_space<vmem>>, %arg9: memref<128x32xf32, #tpu.memory_space<vmem>>, %arg10: memref<128x32xf32, #tpu.memory_space<vmem>>, %arg11: memref<128x32xf32, #tpu.memory_space<vmem>>, %arg12: memref<128x32xf32, #tpu.memory_space<vmem>>, %arg13: memref<128x32xf32, #tpu.memory_space<vmem>>, %arg14: memref<128x32xf32, #tpu.memory_space<vmem>>, %arg15: memref<128x32xf32, #tpu.memory_space<vmem>>, %arg16: memref<128x32xf32, #tpu.memory_space<vmem>>, %arg17: memref<10240x32xf32, #tpu.memory_space<vmem_shared>>, %arg18: memref<!tpu.dma_semaphore, #tpu.memory_space<semaphore_mem>>, %arg19: memref<!tpu.dma_semaphore, #tpu.memory_space<semaphore_mem>>, %arg20: memref<!tpu.dma_semaphore, #tpu.memory_space<semaphore_mem>>, %arg21: memref<!tpu.dma_semaphore, #tpu.memory_space<semaphore_mem>>, %arg22: memref<!tpu.dma_semaphore, #tpu.memory_space<semaphore_mem>>, %arg23: memref<!tpu.dma_semaphore, #tpu.memory_space<semaphore_mem>>, %arg24: memref<!tpu.dma_semaphore, #tpu.memory_space<semaphore_mem>>, %arg25: memref<!tpu.dma_semaphore, #tpu.memory_space<semaphore_mem>>, %arg26: memref<!tpu.dma_semaphore, #tpu.memory_space<semaphore_mem>>, %arg27: memref<!tpu.dma_semaphore, #tpu.memory_space<semaphore_mem>>, %arg28: memref<!tpu.dma_semaphore, #tpu.memory_space<semaphore_mem>>, %arg29: memref<!tpu.dma_semaphore, #tpu.memory_space<semaphore_mem>>, %arg30: memref<!tpu.dma_semaphore, #tpu.memory_space<semaphore_mem>>, %arg31: memref<!tpu.dma_semaphore, #tpu.memory_space<semaphore_mem>>, %arg32: memref<!tpu.dma_semaphore, #tpu.memory_space<semaphore_mem>>, %arg33: memref<!tpu.dma_semaphore, #tpu.memory_space<semaphore_mem>>) attributes {dimension_semantics = [#tpu.dimension_semantics<core_parallel>, #tpu.dimension_semantics<subcore_parallel>], iteration_bounds = array<i64: 2, 16>, scalar_prefetch = 0 : i64, scratch_operands = 27 : i64, tpu.core_type = #tpu.core_type<sc_vector_subcore>, window_params = [{transform_indices = #map}, {transform_indices = #map}, {transform_indices = #map}, {transform_indices = #map}, {transform_indices = #map1}]} {
    %mul3A = arith.constant 2 : i32
    %mul3A_0 = arith.muli %arg1, %mul3A : i32
    %add3A = arith.addi %mul3A_0, %arg0 : i32
    %mul3A_1 = arith.constant 640 : i32
    %mul3A_2 = arith.muli %arg1, %mul3A_1 : i32
    "tpu.region"() ({
      %run_scoped3A = tpu.sem_alloc : memref<!tpu.dma_semaphore, #tpu.memory_space<semaphore_mem>>
      %dma_start3A_235 = arith.constant 0 : i32
      %dma_start3A_236 = tpu.memref_slice %arg17[%mul3A_2, %dma_start3A_235] : memref<10240x32xf32, #tpu.memory_space<vmem_shared>> -> memref<640x32xf32, #tpu.memory_space<vmem_shared>>
      %dma_start3A_237 = arith.constant 0 : i32
      %dma_start3A_238 = tpu.memref_slice %arg5[%mul3A_2, %dma_start3A_237] : memref<10240x32xf32, #tpu.memory_space<hbm>> -> memref<640x32xf32, #tpu.memory_space<hbm>>
      tpu.enqueue_dma source(%dma_start3A_238 : memref<640x32xf32, #tpu.memory_space<hbm>>) target(%dma_start3A_236 : memref<640x32xf32, #tpu.memory_space<vmem_shared>>) target_semaphore(%run_scoped3A : memref<!tpu.dma_semaphore, #tpu.memory_space<semaphore_mem>>)
      %dma_wait3A_239 = arith.constant 0 : i32
      %dma_wait3A_240 = tpu.memref_slice %arg17[%mul3A_2, %dma_wait3A_239] : memref<10240x32xf32, #tpu.memory_space<vmem_shared>> -> memref<640x32xf32, #tpu.memory_space<vmem_shared>>
      %dma_wait3A_241 = arith.constant 0 : i32
      %dma_wait3A_242 = tpu.memref_slice %arg5[%mul3A_2, %dma_wait3A_241] : memref<10240x32xf32, #tpu.memory_space<hbm>> -> memref<640x32xf32, #tpu.memory_space<hbm>>
      tpu.wait_dma2 semaphore(%run_scoped3A : memref<!tpu.dma_semaphore, #tpu.memory_space<semaphore_mem>>) src(%dma_wait3A_242 : memref<640x32xf32, #tpu.memory_space<hbm>>) dst(%dma_wait3A_240 : memref<640x32xf32, #tpu.memory_space<vmem_shared>>)
      tpu.yield
    }) : () -> ()
    %mul3A_3 = arith.constant 80 : i32
    %mul3A_4 = arith.muli %add3A, %mul3A_3 : i32
    "tpu.region"() ({
      %run_scoped3A = tpu.sem_alloc : memref<!tpu.dma_semaphore, #tpu.memory_space<semaphore_mem>>
      %dma_start3A_235 = arith.constant 0 : i32
      %dma_start3A_236 = tpu.memref_slice %arg3[%mul3A_4, %dma_start3A_235] : memref<2560x128xi32, #tpu.memory_space<hbm>> -> memref<80x128xi32, #tpu.memory_space<hbm>>
      %dma_start3A_237 = arith.constant 0 : i32
      %dma_start3A_238 = tpu.memref_slice %arg3[%mul3A_4, %dma_start3A_237] : memref<2560x128xi32, #tpu.memory_space<hbm>> -> memref<80x128xi32, #tpu.memory_space<hbm>>
      tpu.enqueue_dma source(%dma_start3A_238 : memref<80x128xi32, #tpu.memory_space<hbm>>) target(%arg7 : memref<80x128xi32, #tpu.memory_space<vmem>>) target_semaphore(%run_scoped3A : memref<!tpu.dma_semaphore, #tpu.memory_space<semaphore_mem>>)
      %dma_wait3A_239 = arith.constant 0 : i32
      %dma_wait3A_240 = tpu.memref_slice %arg3[%mul3A_4, %dma_wait3A_239] : memref<2560x128xi32, #tpu.memory_space<hbm>> -> memref<80x128xi32, #tpu.memory_space<hbm>>
      %dma_wait3A_241 = arith.constant 0 : i32
      %dma_wait3A_242 = tpu.memref_slice %arg3[%mul3A_4, %dma_wait3A_241] : memref<2560x128xi32, #tpu.memory_space<hbm>> -> memref<80x128xi32, #tpu.memory_space<hbm>>
      tpu.wait_dma2 semaphore(%run_scoped3A : memref<!tpu.dma_semaphore, #tpu.memory_space<semaphore_mem>>) src(%dma_wait3A_242 : memref<80x128xi32, #tpu.memory_space<hbm>>) dst(%arg7 : memref<80x128xi32, #tpu.memory_space<vmem>>)
      tpu.yield
    }) : () -> ()
    %mul3A_5 = arith.constant 80 : i32
    %mul3A_6 = arith.muli %add3A, %mul3A_5 : i32
    "tpu.region"() ({
      %run_scoped3A = tpu.sem_alloc : memref<!tpu.dma_semaphore, #tpu.memory_space<semaphore_mem>>
      %dma_start3A_235 = arith.constant 0 : i32
      %dma_start3A_236 = tpu.memref_slice %arg4[%mul3A_6, %dma_start3A_235] : memref<2560x128xi32, #tpu.memory_space<hbm>> -> memref<80x128xi32, #tpu.memory_space<hbm>>
      %dma_start3A_237 = arith.constant 0 : i32
      %dma_start3A_238 = tpu.memref_slice %arg4[%mul3A_6, %dma_start3A_237] : memref<2560x128xi32, #tpu.memory_space<hbm>> -> memref<80x128xi32, #tpu.memory_space<hbm>>
      tpu.enqueue_dma source(%dma_start3A_238 : memref<80x128xi32, #tpu.memory_space<hbm>>) target(%arg8 : memref<80x128xi32, #tpu.memory_space<vmem>>) target_semaphore(%run_scoped3A : memref<!tpu.dma_semaphore, #tpu.memory_space<semaphore_mem>>)
      %dma_wait3A_239 = arith.constant 0 : i32
      %dma_wait3A_240 = tpu.memref_slice %arg4[%mul3A_6, %dma_wait3A_239] : memref<2560x128xi32, #tpu.memory_space<hbm>> -> memref<80x128xi32, #tpu.memory_space<hbm>>
      %dma_wait3A_241 = arith.constant 0 : i32
      %dma_wait3A_242 = tpu.memref_slice %arg4[%mul3A_6, %dma_wait3A_241] : memref<2560x128xi32, #tpu.memory_space<hbm>> -> memref<80x128xi32, #tpu.memory_space<hbm>>
      tpu.wait_dma2 semaphore(%run_scoped3A : memref<!tpu.dma_semaphore, #tpu.memory_space<semaphore_mem>>) src(%dma_wait3A_242 : memref<80x128xi32, #tpu.memory_space<hbm>>) dst(%arg8 : memref<80x128xi32, #tpu.memory_space<vmem>>)
      tpu.yield
    }) : () -> ()
    %barrier3A = arith.constant 0 : index
    tpu.barrier barrier_id(%barrier3A)
    %dma_start3A = arith.constant 0 : i32
    %dma_start3A_7 = arith.constant 0 : i32
    %dma_start3A_8 = tpu.memref_slice %arg7[%dma_start3A, %dma_start3A_7] : memref<80x128xi32, #tpu.memory_space<vmem>> -> memref<1x128xi32, #tpu.memory_space<vmem>>
    %dma_start3A_9 = tpu.memref_squeeze %dma_start3A_8 : memref<1x128xi32, #tpu.memory_space<vmem>> -> memref<128xi32, #tpu.memory_space<vmem>>
    %dma_start3A_10 = arith.constant 0 : i32
    %dma_start3A_11 = arith.constant 0 : i32
    %dma_start3A_12 = tpu.memref_slice %arg2[%dma_start3A_10, %dma_start3A_11] : memref<10240x32xf32, #tpu.memory_space<hbm>> -> memref<10240x32xf32, #tpu.memory_space<hbm>>
    tpu.enqueue_indirect_dma source(%dma_start3A_12 : memref<10240x32xf32, #tpu.memory_space<hbm>>) target(%arg9 : memref<128x32xf32, #tpu.memory_space<vmem>>) offsets(%dma_start3A_9 : memref<128xi32, #tpu.memory_space<vmem>>) semaphore(%arg18 : memref<!tpu.dma_semaphore, #tpu.memory_space<semaphore_mem>>)
    %dma_start3A_13 = arith.constant 1 : i32
    %dma_start3A_14 = arith.constant 0 : i32
    %dma_start3A_15 = tpu.memref_slice %arg7[%dma_start3A_13, %dma_start3A_14] : memref<80x128xi32, #tpu.memory_space<vmem>> -> memref<1x128xi32, #tpu.memory_space<vmem>>
    %dma_start3A_16 = tpu.memref_squeeze %dma_start3A_15 : memref<1x128xi32, #tpu.memory_space<vmem>> -> memref<128xi32, #tpu.memory_space<vmem>>
    %dma_start3A_17 = arith.constant 0 : i32
    %dma_start3A_18 = arith.constant 0 : i32
    %dma_start3A_19 = tpu.memref_slice %arg2[%dma_start3A_17, %dma_start3A_18] : memref<10240x32xf32, #tpu.memory_space<hbm>> -> memref<10240x32xf32, #tpu.memory_space<hbm>>
    tpu.enqueue_indirect_dma source(%dma_start3A_19 : memref<10240x32xf32, #tpu.memory_space<hbm>>) target(%arg10 : memref<128x32xf32, #tpu.memory_space<vmem>>) offsets(%dma_start3A_16 : memref<128xi32, #tpu.memory_space<vmem>>) semaphore(%arg19 : memref<!tpu.dma_semaphore, #tpu.memory_space<semaphore_mem>>)
    %dma_start3A_20 = arith.constant 2 : i32
    %dma_start3A_21 = arith.constant 0 : i32
    %dma_start3A_22 = tpu.memref_slice %arg7[%dma_start3A_20, %dma_start3A_21] : memref<80x128xi32, #tpu.memory_space<vmem>> -> memref<1x128xi32, #tpu.memory_space<vmem>>
    %dma_start3A_23 = tpu.memref_squeeze %dma_start3A_22 : memref<1x128xi32, #tpu.memory_space<vmem>> -> memref<128xi32, #tpu.memory_space<vmem>>
    %dma_start3A_24 = arith.constant 0 : i32
    %dma_start3A_25 = arith.constant 0 : i32
    %dma_start3A_26 = tpu.memref_slice %arg2[%dma_start3A_24, %dma_start3A_25] : memref<10240x32xf32, #tpu.memory_space<hbm>> -> memref<10240x32xf32, #tpu.memory_space<hbm>>
    tpu.enqueue_indirect_dma source(%dma_start3A_26 : memref<10240x32xf32, #tpu.memory_space<hbm>>) target(%arg11 : memref<128x32xf32, #tpu.memory_space<vmem>>) offsets(%dma_start3A_23 : memref<128xi32, #tpu.memory_space<vmem>>) semaphore(%arg20 : memref<!tpu.dma_semaphore, #tpu.memory_space<semaphore_mem>>)
    %dma_start3A_27 = arith.constant 3 : i32
    %dma_start3A_28 = arith.constant 0 : i32
    %dma_start3A_29 = tpu.memref_slice %arg7[%dma_start3A_27, %dma_start3A_28] : memref<80x128xi32, #tpu.memory_space<vmem>> -> memref<1x128xi32, #tpu.memory_space<vmem>>
    %dma_start3A_30 = tpu.memref_squeeze %dma_start3A_29 : memref<1x128xi32, #tpu.memory_space<vmem>> -> memref<128xi32, #tpu.memory_space<vmem>>
    %dma_start3A_31 = arith.constant 0 : i32
    %dma_start3A_32 = arith.constant 0 : i32
    %dma_start3A_33 = tpu.memref_slice %arg2[%dma_start3A_31, %dma_start3A_32] : memref<10240x32xf32, #tpu.memory_space<hbm>> -> memref<10240x32xf32, #tpu.memory_space<hbm>>
    tpu.enqueue_indirect_dma source(%dma_start3A_33 : memref<10240x32xf32, #tpu.memory_space<hbm>>) target(%arg12 : memref<128x32xf32, #tpu.memory_space<vmem>>) offsets(%dma_start3A_30 : memref<128xi32, #tpu.memory_space<vmem>>) semaphore(%arg21 : memref<!tpu.dma_semaphore, #tpu.memory_space<semaphore_mem>>)
    %dma_wait3A = arith.constant 0 : i32
    %dma_wait3A_34 = arith.constant 0 : i32
    %dma_wait3A_35 = tpu.memref_slice %arg7[%dma_wait3A, %dma_wait3A_34] : memref<80x128xi32, #tpu.memory_space<vmem>> -> memref<1x128xi32, #tpu.memory_space<vmem>>
    %dma_wait3A_36 = tpu.memref_squeeze %dma_wait3A_35 : memref<1x128xi32, #tpu.memory_space<vmem>> -> memref<128xi32, #tpu.memory_space<vmem>>
    %dma_wait3A_37 = arith.constant 0 : i32
    %dma_wait3A_38 = arith.constant 0 : i32
    %dma_wait3A_39 = tpu.memref_slice %arg2[%dma_wait3A_37, %dma_wait3A_38] : memref<10240x32xf32, #tpu.memory_space<hbm>> -> memref<10240x32xf32, #tpu.memory_space<hbm>>
    tpu.wait_indirect_dma semaphore(%arg18 : memref<!tpu.dma_semaphore, #tpu.memory_space<semaphore_mem>>) src(%dma_wait3A_39 : memref<10240x32xf32, #tpu.memory_space<hbm>>) dst(%arg9 : memref<128x32xf32, #tpu.memory_space<vmem>>)
    %dma_start3A_40 = arith.constant 0 : i32
    %dma_start3A_41 = arith.constant 0 : i32
    %dma_start3A_42 = tpu.memref_slice %arg8[%dma_start3A_40, %dma_start3A_41] : memref<80x128xi32, #tpu.memory_space<vmem>> -> memref<1x128xi32, #tpu.memory_space<vmem>>
    %dma_start3A_43 = tpu.memref_squeeze %dma_start3A_42 : memref<1x128xi32, #tpu.memory_space<vmem>> -> memref<128xi32, #tpu.memory_space<vmem>>
    %dma_start3A_44 = arith.constant 0 : i32
    %dma_start3A_45 = arith.constant 0 : i32
    %dma_start3A_46 = tpu.memref_slice %arg17[%dma_start3A_44, %dma_start3A_45] : memref<10240x32xf32, #tpu.memory_space<vmem_shared>> -> memref<10240x32xf32, #tpu.memory_space<vmem_shared>>
    tpu.enqueue_indirect_dma source(%arg9 : memref<128x32xf32, #tpu.memory_space<vmem>>) target(%dma_start3A_46 : memref<10240x32xf32, #tpu.memory_space<vmem_shared>>) offsets(%dma_start3A_43 : memref<128xi32, #tpu.memory_space<vmem>>) semaphore(%arg26 : memref<!tpu.dma_semaphore, #tpu.memory_space<semaphore_mem>>) {add = true}
    %dma_start3A_47 = arith.constant 4 : i32
    %dma_start3A_48 = arith.constant 0 : i32
    %dma_start3A_49 = tpu.memref_slice %arg7[%dma_start3A_47, %dma_start3A_48] : memref<80x128xi32, #tpu.memory_space<vmem>> -> memref<1x128xi32, #tpu.memory_space<vmem>>
    %dma_start3A_50 = tpu.memref_squeeze %dma_start3A_49 : memref<1x128xi32, #tpu.memory_space<vmem>> -> memref<128xi32, #tpu.memory_space<vmem>>
    %dma_start3A_51 = arith.constant 0 : i32
    %dma_start3A_52 = arith.constant 0 : i32
    %dma_start3A_53 = tpu.memref_slice %arg2[%dma_start3A_51, %dma_start3A_52] : memref<10240x32xf32, #tpu.memory_space<hbm>> -> memref<10240x32xf32, #tpu.memory_space<hbm>>
    tpu.enqueue_indirect_dma source(%dma_start3A_53 : memref<10240x32xf32, #tpu.memory_space<hbm>>) target(%arg13 : memref<128x32xf32, #tpu.memory_space<vmem>>) offsets(%dma_start3A_50 : memref<128xi32, #tpu.memory_space<vmem>>) semaphore(%arg22 : memref<!tpu.dma_semaphore, #tpu.memory_space<semaphore_mem>>)
    %dma_wait3A_54 = arith.constant 1 : i32
    %dma_wait3A_55 = arith.constant 0 : i32
    %dma_wait3A_56 = tpu.memref_slice %arg7[%dma_wait3A_54, %dma_wait3A_55] : memref<80x128xi32, #tpu.memory_space<vmem>> -> memref<1x128xi32, #tpu.memory_space<vmem>>
    %dma_wait3A_57 = tpu.memref_squeeze %dma_wait3A_56 : memref<1x128xi32, #tpu.memory_space<vmem>> -> memref<128xi32, #tpu.memory_space<vmem>>
    %dma_wait3A_58 = arith.constant 0 : i32
    %dma_wait3A_59 = arith.constant 0 : i32
    %dma_wait3A_60 = tpu.memref_slice %arg2[%dma_wait3A_58, %dma_wait3A_59] : memref<10240x32xf32, #tpu.memory_space<hbm>> -> memref<10240x32xf32, #tpu.memory_space<hbm>>
    tpu.wait_indirect_dma semaphore(%arg19 : memref<!tpu.dma_semaphore, #tpu.memory_space<semaphore_mem>>) src(%dma_wait3A_60 : memref<10240x32xf32, #tpu.memory_space<hbm>>) dst(%arg10 : memref<128x32xf32, #tpu.memory_space<vmem>>)
    %dma_start3A_61 = arith.constant 1 : i32
    %dma_start3A_62 = arith.constant 0 : i32
    %dma_start3A_63 = tpu.memref_slice %arg8[%dma_start3A_61, %dma_start3A_62] : memref<80x128xi32, #tpu.memory_space<vmem>> -> memref<1x128xi32, #tpu.memory_space<vmem>>
    %dma_start3A_64 = tpu.memref_squeeze %dma_start3A_63 : memref<1x128xi32, #tpu.memory_space<vmem>> -> memref<128xi32, #tpu.memory_space<vmem>>
    %dma_start3A_65 = arith.constant 0 : i32
    %dma_start3A_66 = arith.constant 0 : i32
    %dma_start3A_67 = tpu.memref_slice %arg17[%dma_start3A_65, %dma_start3A_66] : memref<10240x32xf32, #tpu.memory_space<vmem_shared>> -> memref<10240x32xf32, #tpu.memory_space<vmem_shared>>
    tpu.enqueue_indirect_dma source(%arg10 : memref<128x32xf32, #tpu.memory_space<vmem>>) target(%dma_start3A_67 : memref<10240x32xf32, #tpu.memory_space<vmem_shared>>) offsets(%dma_start3A_64 : memref<128xi32, #tpu.memory_space<vmem>>) semaphore(%arg27 : memref<!tpu.dma_semaphore, #tpu.memory_space<semaphore_mem>>) {add = true}
    %dma_start3A_68 = arith.constant 5 : i32
    %dma_start3A_69 = arith.constant 0 : i32
    %dma_start3A_70 = tpu.memref_slice %arg7[%dma_start3A_68, %dma_start3A_69] : memref<80x128xi32, #tpu.memory_space<vmem>> -> memref<1x128xi32, #tpu.memory_space<vmem>>
    %dma_start3A_71 = tpu.memref_squeeze %dma_start3A_70 : memref<1x128xi32, #tpu.memory_space<vmem>> -> memref<128xi32, #tpu.memory_space<vmem>>
    %dma_start3A_72 = arith.constant 0 : i32
    %dma_start3A_73 = arith.constant 0 : i32
    %dma_start3A_74 = tpu.memref_slice %arg2[%dma_start3A_72, %dma_start3A_73] : memref<10240x32xf32, #tpu.memory_space<hbm>> -> memref<10240x32xf32, #tpu.memory_space<hbm>>
    tpu.enqueue_indirect_dma source(%dma_start3A_74 : memref<10240x32xf32, #tpu.memory_space<hbm>>) target(%arg14 : memref<128x32xf32, #tpu.memory_space<vmem>>) offsets(%dma_start3A_71 : memref<128xi32, #tpu.memory_space<vmem>>) semaphore(%arg23 : memref<!tpu.dma_semaphore, #tpu.memory_space<semaphore_mem>>)
    %dma_wait3A_75 = arith.constant 2 : i32
    %dma_wait3A_76 = arith.constant 0 : i32
    %dma_wait3A_77 = tpu.memref_slice %arg7[%dma_wait3A_75, %dma_wait3A_76] : memref<80x128xi32, #tpu.memory_space<vmem>> -> memref<1x128xi32, #tpu.memory_space<vmem>>
    %dma_wait3A_78 = tpu.memref_squeeze %dma_wait3A_77 : memref<1x128xi32, #tpu.memory_space<vmem>> -> memref<128xi32, #tpu.memory_space<vmem>>
    %dma_wait3A_79 = arith.constant 0 : i32
    %dma_wait3A_80 = arith.constant 0 : i32
    %dma_wait3A_81 = tpu.memref_slice %arg2[%dma_wait3A_79, %dma_wait3A_80] : memref<10240x32xf32, #tpu.memory_space<hbm>> -> memref<10240x32xf32, #tpu.memory_space<hbm>>
    tpu.wait_indirect_dma semaphore(%arg20 : memref<!tpu.dma_semaphore, #tpu.memory_space<semaphore_mem>>) src(%dma_wait3A_81 : memref<10240x32xf32, #tpu.memory_space<hbm>>) dst(%arg11 : memref<128x32xf32, #tpu.memory_space<vmem>>)
    %dma_start3A_82 = arith.constant 2 : i32
    %dma_start3A_83 = arith.constant 0 : i32
    %dma_start3A_84 = tpu.memref_slice %arg8[%dma_start3A_82, %dma_start3A_83] : memref<80x128xi32, #tpu.memory_space<vmem>> -> memref<1x128xi32, #tpu.memory_space<vmem>>
    %dma_start3A_85 = tpu.memref_squeeze %dma_start3A_84 : memref<1x128xi32, #tpu.memory_space<vmem>> -> memref<128xi32, #tpu.memory_space<vmem>>
    %dma_start3A_86 = arith.constant 0 : i32
    %dma_start3A_87 = arith.constant 0 : i32
    %dma_start3A_88 = tpu.memref_slice %arg17[%dma_start3A_86, %dma_start3A_87] : memref<10240x32xf32, #tpu.memory_space<vmem_shared>> -> memref<10240x32xf32, #tpu.memory_space<vmem_shared>>
    tpu.enqueue_indirect_dma source(%arg11 : memref<128x32xf32, #tpu.memory_space<vmem>>) target(%dma_start3A_88 : memref<10240x32xf32, #tpu.memory_space<vmem_shared>>) offsets(%dma_start3A_85 : memref<128xi32, #tpu.memory_space<vmem>>) semaphore(%arg28 : memref<!tpu.dma_semaphore, #tpu.memory_space<semaphore_mem>>) {add = true}
    %dma_start3A_89 = arith.constant 6 : i32
    %dma_start3A_90 = arith.constant 0 : i32
    %dma_start3A_91 = tpu.memref_slice %arg7[%dma_start3A_89, %dma_start3A_90] : memref<80x128xi32, #tpu.memory_space<vmem>> -> memref<1x128xi32, #tpu.memory_space<vmem>>
    %dma_start3A_92 = tpu.memref_squeeze %dma_start3A_91 : memref<1x128xi32, #tpu.memory_space<vmem>> -> memref<128xi32, #tpu.memory_space<vmem>>
    %dma_start3A_93 = arith.constant 0 : i32
    %dma_start3A_94 = arith.constant 0 : i32
    %dma_start3A_95 = tpu.memref_slice %arg2[%dma_start3A_93, %dma_start3A_94] : memref<10240x32xf32, #tpu.memory_space<hbm>> -> memref<10240x32xf32, #tpu.memory_space<hbm>>
    tpu.enqueue_indirect_dma source(%dma_start3A_95 : memref<10240x32xf32, #tpu.memory_space<hbm>>) target(%arg15 : memref<128x32xf32, #tpu.memory_space<vmem>>) offsets(%dma_start3A_92 : memref<128xi32, #tpu.memory_space<vmem>>) semaphore(%arg24 : memref<!tpu.dma_semaphore, #tpu.memory_space<semaphore_mem>>)
    %dma_wait3A_96 = arith.constant 3 : i32
    %dma_wait3A_97 = arith.constant 0 : i32
    %dma_wait3A_98 = tpu.memref_slice %arg7[%dma_wait3A_96, %dma_wait3A_97] : memref<80x128xi32, #tpu.memory_space<vmem>> -> memref<1x128xi32, #tpu.memory_space<vmem>>
    %dma_wait3A_99 = tpu.memref_squeeze %dma_wait3A_98 : memref<1x128xi32, #tpu.memory_space<vmem>> -> memref<128xi32, #tpu.memory_space<vmem>>
    %dma_wait3A_100 = arith.constant 0 : i32
    %dma_wait3A_101 = arith.constant 0 : i32
    %dma_wait3A_102 = tpu.memref_slice %arg2[%dma_wait3A_100, %dma_wait3A_101] : memref<10240x32xf32, #tpu.memory_space<hbm>> -> memref<10240x32xf32, #tpu.memory_space<hbm>>
    tpu.wait_indirect_dma semaphore(%arg21 : memref<!tpu.dma_semaphore, #tpu.memory_space<semaphore_mem>>) src(%dma_wait3A_102 : memref<10240x32xf32, #tpu.memory_space<hbm>>) dst(%arg12 : memref<128x32xf32, #tpu.memory_space<vmem>>)
    %dma_start3A_103 = arith.constant 3 : i32
    %dma_start3A_104 = arith.constant 0 : i32
    %dma_start3A_105 = tpu.memref_slice %arg8[%dma_start3A_103, %dma_start3A_104] : memref<80x128xi32, #tpu.memory_space<vmem>> -> memref<1x128xi32, #tpu.memory_space<vmem>>
    %dma_start3A_106 = tpu.memref_squeeze %dma_start3A_105 : memref<1x128xi32, #tpu.memory_space<vmem>> -> memref<128xi32, #tpu.memory_space<vmem>>
    %dma_start3A_107 = arith.constant 0 : i32
    %dma_start3A_108 = arith.constant 0 : i32
    %dma_start3A_109 = tpu.memref_slice %arg17[%dma_start3A_107, %dma_start3A_108] : memref<10240x32xf32, #tpu.memory_space<vmem_shared>> -> memref<10240x32xf32, #tpu.memory_space<vmem_shared>>
    tpu.enqueue_indirect_dma source(%arg12 : memref<128x32xf32, #tpu.memory_space<vmem>>) target(%dma_start3A_109 : memref<10240x32xf32, #tpu.memory_space<vmem_shared>>) offsets(%dma_start3A_106 : memref<128xi32, #tpu.memory_space<vmem>>) semaphore(%arg29 : memref<!tpu.dma_semaphore, #tpu.memory_space<semaphore_mem>>) {add = true}
    %dma_start3A_110 = arith.constant 7 : i32
    %dma_start3A_111 = arith.constant 0 : i32
    %dma_start3A_112 = tpu.memref_slice %arg7[%dma_start3A_110, %dma_start3A_111] : memref<80x128xi32, #tpu.memory_space<vmem>> -> memref<1x128xi32, #tpu.memory_space<vmem>>
    %dma_start3A_113 = tpu.memref_squeeze %dma_start3A_112 : memref<1x128xi32, #tpu.memory_space<vmem>> -> memref<128xi32, #tpu.memory_space<vmem>>
    %dma_start3A_114 = arith.constant 0 : i32
    %dma_start3A_115 = arith.constant 0 : i32
    %dma_start3A_116 = tpu.memref_slice %arg2[%dma_start3A_114, %dma_start3A_115] : memref<10240x32xf32, #tpu.memory_space<hbm>> -> memref<10240x32xf32, #tpu.memory_space<hbm>>
    tpu.enqueue_indirect_dma source(%dma_start3A_116 : memref<10240x32xf32, #tpu.memory_space<hbm>>) target(%arg16 : memref<128x32xf32, #tpu.memory_space<vmem>>) offsets(%dma_start3A_113 : memref<128xi32, #tpu.memory_space<vmem>>) semaphore(%arg25 : memref<!tpu.dma_semaphore, #tpu.memory_space<semaphore_mem>>)
    %scan3A = arith.constant 0 : i32
    %scan3A_117 = arith.constant 0 : i32
    %scan3A_118 = arith.constant 9 : i32
    %scan3A_119 = arith.addi %scan3A_117, %scan3A_118 : i32
    %scan3A_120 = arith.constant 1 : i32
    scf.for %scan3A_235 = %scan3A_117 to %scan3A_119 step %scan3A_120  : i32 {
      %mul3A_236 = arith.constant 8 : i32
      %mul3A_237 = arith.muli %scan3A_235, %mul3A_236 : i32
      %add3A_238 = arith.constant 4 : i32
      %add3A_239 = arith.addi %add3A_238, %mul3A_237 : i32
      %add3A_240 = arith.constant 0 : i32
      %add3A_241 = arith.addi %add3A_239, %add3A_240 : i32
      %dma_wait3A_242 = arith.constant 0 : i32
      %dma_wait3A_243 = tpu.memref_slice %arg7[%add3A_241, %dma_wait3A_242] : memref<80x128xi32, #tpu.memory_space<vmem>> -> memref<1x128xi32, #tpu.memory_space<vmem>>
      %dma_wait3A_244 = tpu.memref_squeeze %dma_wait3A_243 : memref<1x128xi32, #tpu.memory_space<vmem>> -> memref<128xi32, #tpu.memory_space<vmem>>
      %dma_wait3A_245 = arith.constant 0 : i32
      %dma_wait3A_246 = arith.constant 0 : i32
      %dma_wait3A_247 = tpu.memref_slice %arg2[%dma_wait3A_245, %dma_wait3A_246] : memref<10240x32xf32, #tpu.memory_space<hbm>> -> memref<10240x32xf32, #tpu.memory_space<hbm>>
      tpu.wait_indirect_dma semaphore(%arg22 : memref<!tpu.dma_semaphore, #tpu.memory_space<semaphore_mem>>) src(%dma_wait3A_247 : memref<10240x32xf32, #tpu.memory_space<hbm>>) dst(%arg13 : memref<128x32xf32, #tpu.memory_space<vmem>>)
      %dma_start3A_248 = arith.constant 0 : i32
      %dma_start3A_249 = tpu.memref_slice %arg8[%add3A_241, %dma_start3A_248] : memref<80x128xi32, #tpu.memory_space<vmem>> -> memref<1x128xi32, #tpu.memory_space<vmem>>
      %dma_start3A_250 = tpu.memref_squeeze %dma_start3A_249 : memref<1x128xi32, #tpu.memory_space<vmem>> -> memref<128xi32, #tpu.memory_space<vmem>>
      %dma_start3A_251 = arith.constant 0 : i32
      %dma_start3A_252 = arith.constant 0 : i32
      %dma_start3A_253 = tpu.memref_slice %arg17[%dma_start3A_251, %dma_start3A_252] : memref<10240x32xf32, #tpu.memory_space<vmem_shared>> -> memref<10240x32xf32, #tpu.memory_space<vmem_shared>>
      tpu.enqueue_indirect_dma source(%arg13 : memref<128x32xf32, #tpu.memory_space<vmem>>) target(%dma_start3A_253 : memref<10240x32xf32, #tpu.memory_space<vmem_shared>>) offsets(%dma_start3A_250 : memref<128xi32, #tpu.memory_space<vmem>>) semaphore(%arg30 : memref<!tpu.dma_semaphore, #tpu.memory_space<semaphore_mem>>) {add = true}
      %sub3A = arith.constant 4 : i32
      %sub3A_254 = arith.subi %add3A_241, %sub3A : i32
      %dma_wait3A_255 = arith.constant 0 : i32
      %dma_wait3A_256 = tpu.memref_slice %arg8[%sub3A_254, %dma_wait3A_255] : memref<80x128xi32, #tpu.memory_space<vmem>> -> memref<1x128xi32, #tpu.memory_space<vmem>>
      %dma_wait3A_257 = tpu.memref_squeeze %dma_wait3A_256 : memref<1x128xi32, #tpu.memory_space<vmem>> -> memref<128xi32, #tpu.memory_space<vmem>>
      %dma_wait3A_258 = arith.constant 0 : i32
      %dma_wait3A_259 = arith.constant 0 : i32
      %dma_wait3A_260 = tpu.memref_slice %arg17[%dma_wait3A_258, %dma_wait3A_259] : memref<10240x32xf32, #tpu.memory_space<vmem_shared>> -> memref<10240x32xf32, #tpu.memory_space<vmem_shared>>
      tpu.wait_indirect_dma semaphore(%arg26 : memref<!tpu.dma_semaphore, #tpu.memory_space<semaphore_mem>>) src(%arg9 : memref<128x32xf32, #tpu.memory_space<vmem>>) dst(%dma_wait3A_260 : memref<10240x32xf32, #tpu.memory_space<vmem_shared>>)
      %add3A_261 = arith.constant 4 : i32
      %add3A_262 = arith.addi %add3A_241, %add3A_261 : i32
      %dma_start3A_263 = arith.constant 0 : i32
      %dma_start3A_264 = tpu.memref_slice %arg7[%add3A_262, %dma_start3A_263] : memref<80x128xi32, #tpu.memory_space<vmem>> -> memref<1x128xi32, #tpu.memory_space<vmem>>
      %dma_start3A_265 = tpu.memref_squeeze %dma_start3A_264 : memref<1x128xi32, #tpu.memory_space<vmem>> -> memref<128xi32, #tpu.memory_space<vmem>>
      %dma_start3A_266 = arith.constant 0 : i32
      %dma_start3A_267 = arith.constant 0 : i32
      %dma_start3A_268 = tpu.memref_slice %arg2[%dma_start3A_266, %dma_start3A_267] : memref<10240x32xf32, #tpu.memory_space<hbm>> -> memref<10240x32xf32, #tpu.memory_space<hbm>>
      tpu.enqueue_indirect_dma source(%dma_start3A_268 : memref<10240x32xf32, #tpu.memory_space<hbm>>) target(%arg9 : memref<128x32xf32, #tpu.memory_space<vmem>>) offsets(%dma_start3A_265 : memref<128xi32, #tpu.memory_space<vmem>>) semaphore(%arg18 : memref<!tpu.dma_semaphore, #tpu.memory_space<semaphore_mem>>)
      %add3A_269 = arith.constant 1 : i32
      %add3A_270 = arith.addi %add3A_239, %add3A_269 : i32
      %dma_wait3A_271 = arith.constant 0 : i32
      %dma_wait3A_272 = tpu.memref_slice %arg7[%add3A_270, %dma_wait3A_271] : memref<80x128xi32, #tpu.memory_space<vmem>> -> memref<1x128xi32, #tpu.memory_space<vmem>>
      %dma_wait3A_273 = tpu.memref_squeeze %dma_wait3A_272 : memref<1x128xi32, #tpu.memory_space<vmem>> -> memref<128xi32, #tpu.memory_space<vmem>>
      %dma_wait3A_274 = arith.constant 0 : i32
      %dma_wait3A_275 = arith.constant 0 : i32
      %dma_wait3A_276 = tpu.memref_slice %arg2[%dma_wait3A_274, %dma_wait3A_275] : memref<10240x32xf32, #tpu.memory_space<hbm>> -> memref<10240x32xf32, #tpu.memory_space<hbm>>
      tpu.wait_indirect_dma semaphore(%arg23 : memref<!tpu.dma_semaphore, #tpu.memory_space<semaphore_mem>>) src(%dma_wait3A_276 : memref<10240x32xf32, #tpu.memory_space<hbm>>) dst(%arg14 : memref<128x32xf32, #tpu.memory_space<vmem>>)
      %dma_start3A_277 = arith.constant 0 : i32
      %dma_start3A_278 = tpu.memref_slice %arg8[%add3A_270, %dma_start3A_277] : memref<80x128xi32, #tpu.memory_space<vmem>> -> memref<1x128xi32, #tpu.memory_space<vmem>>
      %dma_start3A_279 = tpu.memref_squeeze %dma_start3A_278 : memref<1x128xi32, #tpu.memory_space<vmem>> -> memref<128xi32, #tpu.memory_space<vmem>>
      %dma_start3A_280 = arith.constant 0 : i32
      %dma_start3A_281 = arith.constant 0 : i32
      %dma_start3A_282 = tpu.memref_slice %arg17[%dma_start3A_280, %dma_start3A_281] : memref<10240x32xf32, #tpu.memory_space<vmem_shared>> -> memref<10240x32xf32, #tpu.memory_space<vmem_shared>>
      tpu.enqueue_indirect_dma source(%arg14 : memref<128x32xf32, #tpu.memory_space<vmem>>) target(%dma_start3A_282 : memref<10240x32xf32, #tpu.memory_space<vmem_shared>>) offsets(%dma_start3A_279 : memref<128xi32, #tpu.memory_space<vmem>>) semaphore(%arg31 : memref<!tpu.dma_semaphore, #tpu.memory_space<semaphore_mem>>) {add = true}
      %sub3A_283 = arith.constant 4 : i32
      %sub3A_284 = arith.subi %add3A_270, %sub3A_283 : i32
      %dma_wait3A_285 = arith.constant 0 : i32
      %dma_wait3A_286 = tpu.memref_slice %arg8[%sub3A_284, %dma_wait3A_285] : memref<80x128xi32, #tpu.memory_space<vmem>> -> memref<1x128xi32, #tpu.memory_space<vmem>>
      %dma_wait3A_287 = tpu.memref_squeeze %dma_wait3A_286 : memref<1x128xi32, #tpu.memory_space<vmem>> -> memref<128xi32, #tpu.memory_space<vmem>>
      %dma_wait3A_288 = arith.constant 0 : i32
      %dma_wait3A_289 = arith.constant 0 : i32
      %dma_wait3A_290 = tpu.memref_slice %arg17[%dma_wait3A_288, %dma_wait3A_289] : memref<10240x32xf32, #tpu.memory_space<vmem_shared>> -> memref<10240x32xf32, #tpu.memory_space<vmem_shared>>
      tpu.wait_indirect_dma semaphore(%arg27 : memref<!tpu.dma_semaphore, #tpu.memory_space<semaphore_mem>>) src(%arg10 : memref<128x32xf32, #tpu.memory_space<vmem>>) dst(%dma_wait3A_290 : memref<10240x32xf32, #tpu.memory_space<vmem_shared>>)
      %add3A_291 = arith.constant 4 : i32
      %add3A_292 = arith.addi %add3A_270, %add3A_291 : i32
      %dma_start3A_293 = arith.constant 0 : i32
      %dma_start3A_294 = tpu.memref_slice %arg7[%add3A_292, %dma_start3A_293] : memref<80x128xi32, #tpu.memory_space<vmem>> -> memref<1x128xi32, #tpu.memory_space<vmem>>
      %dma_start3A_295 = tpu.memref_squeeze %dma_start3A_294 : memref<1x128xi32, #tpu.memory_space<vmem>> -> memref<128xi32, #tpu.memory_space<vmem>>
      %dma_start3A_296 = arith.constant 0 : i32
      %dma_start3A_297 = arith.constant 0 : i32
      %dma_start3A_298 = tpu.memref_slice %arg2[%dma_start3A_296, %dma_start3A_297] : memref<10240x32xf32, #tpu.memory_space<hbm>> -> memref<10240x32xf32, #tpu.memory_space<hbm>>
      tpu.enqueue_indirect_dma source(%dma_start3A_298 : memref<10240x32xf32, #tpu.memory_space<hbm>>) target(%arg10 : memref<128x32xf32, #tpu.memory_space<vmem>>) offsets(%dma_start3A_295 : memref<128xi32, #tpu.memory_space<vmem>>) semaphore(%arg19 : memref<!tpu.dma_semaphore, #tpu.memory_space<semaphore_mem>>)
      %add3A_299 = arith.constant 2 : i32
      %add3A_300 = arith.addi %add3A_239, %add3A_299 : i32
      %dma_wait3A_301 = arith.constant 0 : i32
      %dma_wait3A_302 = tpu.memref_slice %arg7[%add3A_300, %dma_wait3A_301] : memref<80x128xi32, #tpu.memory_space<vmem>> -> memref<1x128xi32, #tpu.memory_space<vmem>>
      %dma_wait3A_303 = tpu.memref_squeeze %dma_wait3A_302 : memref<1x128xi32, #tpu.memory_space<vmem>> -> memref<128xi32, #tpu.memory_space<vmem>>
      %dma_wait3A_304 = arith.constant 0 : i32
      %dma_wait3A_305 = arith.constant 0 : i32
      %dma_wait3A_306 = tpu.memref_slice %arg2[%dma_wait3A_304, %dma_wait3A_305] : memref<10240x32xf32, #tpu.memory_space<hbm>> -> memref<10240x32xf32, #tpu.memory_space<hbm>>
      tpu.wait_indirect_dma semaphore(%arg24 : memref<!tpu.dma_semaphore, #tpu.memory_space<semaphore_mem>>) src(%dma_wait3A_306 : memref<10240x32xf32, #tpu.memory_space<hbm>>) dst(%arg15 : memref<128x32xf32, #tpu.memory_space<vmem>>)
      %dma_start3A_307 = arith.constant 0 : i32
      %dma_start3A_308 = tpu.memref_slice %arg8[%add3A_300, %dma_start3A_307] : memref<80x128xi32, #tpu.memory_space<vmem>> -> memref<1x128xi32, #tpu.memory_space<vmem>>
      %dma_start3A_309 = tpu.memref_squeeze %dma_start3A_308 : memref<1x128xi32, #tpu.memory_space<vmem>> -> memref<128xi32, #tpu.memory_space<vmem>>
      %dma_start3A_310 = arith.constant 0 : i32
      %dma_start3A_311 = arith.constant 0 : i32
      %dma_start3A_312 = tpu.memref_slice %arg17[%dma_start3A_310, %dma_start3A_311] : memref<10240x32xf32, #tpu.memory_space<vmem_shared>> -> memref<10240x32xf32, #tpu.memory_space<vmem_shared>>
      tpu.enqueue_indirect_dma source(%arg15 : memref<128x32xf32, #tpu.memory_space<vmem>>) target(%dma_start3A_312 : memref<10240x32xf32, #tpu.memory_space<vmem_shared>>) offsets(%dma_start3A_309 : memref<128xi32, #tpu.memory_space<vmem>>) semaphore(%arg32 : memref<!tpu.dma_semaphore, #tpu.memory_space<semaphore_mem>>) {add = true}
      %sub3A_313 = arith.constant 4 : i32
      %sub3A_314 = arith.subi %add3A_300, %sub3A_313 : i32
      %dma_wait3A_315 = arith.constant 0 : i32
      %dma_wait3A_316 = tpu.memref_slice %arg8[%sub3A_314, %dma_wait3A_315] : memref<80x128xi32, #tpu.memory_space<vmem>> -> memref<1x128xi32, #tpu.memory_space<vmem>>
      %dma_wait3A_317 = tpu.memref_squeeze %dma_wait3A_316 : memref<1x128xi32, #tpu.memory_space<vmem>> -> memref<128xi32, #tpu.memory_space<vmem>>
      %dma_wait3A_318 = arith.constant 0 : i32
      %dma_wait3A_319 = arith.constant 0 : i32
      %dma_wait3A_320 = tpu.memref_slice %arg17[%dma_wait3A_318, %dma_wait3A_319] : memref<10240x32xf32, #tpu.memory_space<vmem_shared>> -> memref<10240x32xf32, #tpu.memory_space<vmem_shared>>
      tpu.wait_indirect_dma semaphore(%arg28 : memref<!tpu.dma_semaphore, #tpu.memory_space<semaphore_mem>>) src(%arg11 : memref<128x32xf32, #tpu.memory_space<vmem>>) dst(%dma_wait3A_320 : memref<10240x32xf32, #tpu.memory_space<vmem_shared>>)
      %add3A_321 = arith.constant 4 : i32
      %add3A_322 = arith.addi %add3A_300, %add3A_321 : i32
      %dma_start3A_323 = arith.constant 0 : i32
      %dma_start3A_324 = tpu.memref_slice %arg7[%add3A_322, %dma_start3A_323] : memref<80x128xi32, #tpu.memory_space<vmem>> -> memref<1x128xi32, #tpu.memory_space<vmem>>
      %dma_start3A_325 = tpu.memref_squeeze %dma_start3A_324 : memref<1x128xi32, #tpu.memory_space<vmem>> -> memref<128xi32, #tpu.memory_space<vmem>>
      %dma_start3A_326 = arith.constant 0 : i32
      %dma_start3A_327 = arith.constant 0 : i32
      %dma_start3A_328 = tpu.memref_slice %arg2[%dma_start3A_326, %dma_start3A_327] : memref<10240x32xf32, #tpu.memory_space<hbm>> -> memref<10240x32xf32, #tpu.memory_space<hbm>>
      tpu.enqueue_indirect_dma source(%dma_start3A_328 : memref<10240x32xf32, #tpu.memory_space<hbm>>) target(%arg11 : memref<128x32xf32, #tpu.memory_space<vmem>>) offsets(%dma_start3A_325 : memref<128xi32, #tpu.memory_space<vmem>>) semaphore(%arg20 : memref<!tpu.dma_semaphore, #tpu.memory_space<semaphore_mem>>)
      %add3A_329 = arith.constant 3 : i32
      %add3A_330 = arith.addi %add3A_239, %add3A_329 : i32
      %dma_wait3A_331 = arith.constant 0 : i32
      %dma_wait3A_332 = tpu.memref_slice %arg7[%add3A_330, %dma_wait3A_331] : memref<80x128xi32, #tpu.memory_space<vmem>> -> memref<1x128xi32, #tpu.memory_space<vmem>>
      %dma_wait3A_333 = tpu.memref_squeeze %dma_wait3A_332 : memref<1x128xi32, #tpu.memory_space<vmem>> -> memref<128xi32, #tpu.memory_space<vmem>>
      %dma_wait3A_334 = arith.constant 0 : i32
      %dma_wait3A_335 = arith.constant 0 : i32
      %dma_wait3A_336 = tpu.memref_slice %arg2[%dma_wait3A_334, %dma_wait3A_335] : memref<10240x32xf32, #tpu.memory_space<hbm>> -> memref<10240x32xf32, #tpu.memory_space<hbm>>
      tpu.wait_indirect_dma semaphore(%arg25 : memref<!tpu.dma_semaphore, #tpu.memory_space<semaphore_mem>>) src(%dma_wait3A_336 : memref<10240x32xf32, #tpu.memory_space<hbm>>) dst(%arg16 : memref<128x32xf32, #tpu.memory_space<vmem>>)
      %dma_start3A_337 = arith.constant 0 : i32
      %dma_start3A_338 = tpu.memref_slice %arg8[%add3A_330, %dma_start3A_337] : memref<80x128xi32, #tpu.memory_space<vmem>> -> memref<1x128xi32, #tpu.memory_space<vmem>>
      %dma_start3A_339 = tpu.memref_squeeze %dma_start3A_338 : memref<1x128xi32, #tpu.memory_space<vmem>> -> memref<128xi32, #tpu.memory_space<vmem>>
      %dma_start3A_340 = arith.constant 0 : i32
      %dma_start3A_341 = arith.constant 0 : i32
      %dma_start3A_342 = tpu.memref_slice %arg17[%dma_start3A_340, %dma_start3A_341] : memref<10240x32xf32, #tpu.memory_space<vmem_shared>> -> memref<10240x32xf32, #tpu.memory_space<vmem_shared>>
      tpu.enqueue_indirect_dma source(%arg16 : memref<128x32xf32, #tpu.memory_space<vmem>>) target(%dma_start3A_342 : memref<10240x32xf32, #tpu.memory_space<vmem_shared>>) offsets(%dma_start3A_339 : memref<128xi32, #tpu.memory_space<vmem>>) semaphore(%arg33 : memref<!tpu.dma_semaphore, #tpu.memory_space<semaphore_mem>>) {add = true}
      %sub3A_343 = arith.constant 4 : i32
      %sub3A_344 = arith.subi %add3A_330, %sub3A_343 : i32
      %dma_wait3A_345 = arith.constant 0 : i32
      %dma_wait3A_346 = tpu.memref_slice %arg8[%sub3A_344, %dma_wait3A_345] : memref<80x128xi32, #tpu.memory_space<vmem>> -> memref<1x128xi32, #tpu.memory_space<vmem>>
      %dma_wait3A_347 = tpu.memref_squeeze %dma_wait3A_346 : memref<1x128xi32, #tpu.memory_space<vmem>> -> memref<128xi32, #tpu.memory_space<vmem>>
      %dma_wait3A_348 = arith.constant 0 : i32
      %dma_wait3A_349 = arith.constant 0 : i32
      %dma_wait3A_350 = tpu.memref_slice %arg17[%dma_wait3A_348, %dma_wait3A_349] : memref<10240x32xf32, #tpu.memory_space<vmem_shared>> -> memref<10240x32xf32, #tpu.memory_space<vmem_shared>>
      tpu.wait_indirect_dma semaphore(%arg29 : memref<!tpu.dma_semaphore, #tpu.memory_space<semaphore_mem>>) src(%arg12 : memref<128x32xf32, #tpu.memory_space<vmem>>) dst(%dma_wait3A_350 : memref<10240x32xf32, #tpu.memory_space<vmem_shared>>)
      %add3A_351 = arith.constant 4 : i32
      %add3A_352 = arith.addi %add3A_330, %add3A_351 : i32
      %dma_start3A_353 = arith.constant 0 : i32
      %dma_start3A_354 = tpu.memref_slice %arg7[%add3A_352, %dma_start3A_353] : memref<80x128xi32, #tpu.memory_space<vmem>> -> memref<1x128xi32, #tpu.memory_space<vmem>>
      %dma_start3A_355 = tpu.memref_squeeze %dma_start3A_354 : memref<1x128xi32, #tpu.memory_space<vmem>> -> memref<128xi32, #tpu.memory_space<vmem>>
      %dma_start3A_356 = arith.constant 0 : i32
      %dma_start3A_357 = arith.constant 0 : i32
      %dma_start3A_358 = tpu.memref_slice %arg2[%dma_start3A_356, %dma_start3A_357] : memref<10240x32xf32, #tpu.memory_space<hbm>> -> memref<10240x32xf32, #tpu.memory_space<hbm>>
      tpu.enqueue_indirect_dma source(%dma_start3A_358 : memref<10240x32xf32, #tpu.memory_space<hbm>>) target(%arg12 : memref<128x32xf32, #tpu.memory_space<vmem>>) offsets(%dma_start3A_355 : memref<128xi32, #tpu.memory_space<vmem>>) semaphore(%arg21 : memref<!tpu.dma_semaphore, #tpu.memory_space<semaphore_mem>>)
      %add3A_359 = arith.constant 4 : i32
      %add3A_360 = arith.addi %add3A_239, %add3A_359 : i32
      %dma_wait3A_361 = arith.constant 0 : i32
      %dma_wait3A_362 = tpu.memref_slice %arg7[%add3A_360, %dma_wait3A_361] : memref<80x128xi32, #tpu.memory_space<vmem>> -> memref<1x128xi32, #tpu.memory_space<vmem>>
      %dma_wait3A_363 = tpu.memref_squeeze %dma_wait3A_362 : memref<1x128xi32, #tpu.memory_space<vmem>> -> memref<128xi32, #tpu.memory_space<vmem>>
      %dma_wait3A_364 = arith.constant 0 : i32
      %dma_wait3A_365 = arith.constant 0 : i32
      %dma_wait3A_366 = tpu.memref_slice %arg2[%dma_wait3A_364, %dma_wait3A_365] : memref<10240x32xf32, #tpu.memory_space<hbm>> -> memref<10240x32xf32, #tpu.memory_space<hbm>>
      tpu.wait_indirect_dma semaphore(%arg18 : memref<!tpu.dma_semaphore, #tpu.memory_space<semaphore_mem>>) src(%dma_wait3A_366 : memref<10240x32xf32, #tpu.memory_space<hbm>>) dst(%arg9 : memref<128x32xf32, #tpu.memory_space<vmem>>)
      %dma_start3A_367 = arith.constant 0 : i32
      %dma_start3A_368 = tpu.memref_slice %arg8[%add3A_360, %dma_start3A_367] : memref<80x128xi32, #tpu.memory_space<vmem>> -> memref<1x128xi32, #tpu.memory_space<vmem>>
      %dma_start3A_369 = tpu.memref_squeeze %dma_start3A_368 : memref<1x128xi32, #tpu.memory_space<vmem>> -> memref<128xi32, #tpu.memory_space<vmem>>
      %dma_start3A_370 = arith.constant 0 : i32
      %dma_start3A_371 = arith.constant 0 : i32
      %dma_start3A_372 = tpu.memref_slice %arg17[%dma_start3A_370, %dma_start3A_371] : memref<10240x32xf32, #tpu.memory_space<vmem_shared>> -> memref<10240x32xf32, #tpu.memory_space<vmem_shared>>
      tpu.enqueue_indirect_dma source(%arg9 : memref<128x32xf32, #tpu.memory_space<vmem>>) target(%dma_start3A_372 : memref<10240x32xf32, #tpu.memory_space<vmem_shared>>) offsets(%dma_start3A_369 : memref<128xi32, #tpu.memory_space<vmem>>) semaphore(%arg26 : memref<!tpu.dma_semaphore, #tpu.memory_space<semaphore_mem>>) {add = true}
      %sub3A_373 = arith.constant 4 : i32
      %sub3A_374 = arith.subi %add3A_360, %sub3A_373 : i32
      %dma_wait3A_375 = arith.constant 0 : i32
      %dma_wait3A_376 = tpu.memref_slice %arg8[%sub3A_374, %dma_wait3A_375] : memref<80x128xi32, #tpu.memory_space<vmem>> -> memref<1x128xi32, #tpu.memory_space<vmem>>
      %dma_wait3A_377 = tpu.memref_squeeze %dma_wait3A_376 : memref<1x128xi32, #tpu.memory_space<vmem>> -> memref<128xi32, #tpu.memory_space<vmem>>
      %dma_wait3A_378 = arith.constant 0 : i32
      %dma_wait3A_379 = arith.constant 0 : i32
      %dma_wait3A_380 = tpu.memref_slice %arg17[%dma_wait3A_378, %dma_wait3A_379] : memref<10240x32xf32, #tpu.memory_space<vmem_shared>> -> memref<10240x32xf32, #tpu.memory_space<vmem_shared>>
      tpu.wait_indirect_dma semaphore(%arg30 : memref<!tpu.dma_semaphore, #tpu.memory_space<semaphore_mem>>) src(%arg13 : memref<128x32xf32, #tpu.memory_space<vmem>>) dst(%dma_wait3A_380 : memref<10240x32xf32, #tpu.memory_space<vmem_shared>>)
      %add3A_381 = arith.constant 4 : i32
      %add3A_382 = arith.addi %add3A_360, %add3A_381 : i32
      %dma_start3A_383 = arith.constant 0 : i32
      %dma_start3A_384 = tpu.memref_slice %arg7[%add3A_382, %dma_start3A_383] : memref<80x128xi32, #tpu.memory_space<vmem>> -> memref<1x128xi32, #tpu.memory_space<vmem>>
      %dma_start3A_385 = tpu.memref_squeeze %dma_start3A_384 : memref<1x128xi32, #tpu.memory_space<vmem>> -> memref<128xi32, #tpu.memory_space<vmem>>
      %dma_start3A_386 = arith.constant 0 : i32
      %dma_start3A_387 = arith.constant 0 : i32
      %dma_start3A_388 = tpu.memref_slice %arg2[%dma_start3A_386, %dma_start3A_387] : memref<10240x32xf32, #tpu.memory_space<hbm>> -> memref<10240x32xf32, #tpu.memory_space<hbm>>
      tpu.enqueue_indirect_dma source(%dma_start3A_388 : memref<10240x32xf32, #tpu.memory_space<hbm>>) target(%arg13 : memref<128x32xf32, #tpu.memory_space<vmem>>) offsets(%dma_start3A_385 : memref<128xi32, #tpu.memory_space<vmem>>) semaphore(%arg22 : memref<!tpu.dma_semaphore, #tpu.memory_space<semaphore_mem>>)
      %add3A_389 = arith.constant 5 : i32
      %add3A_390 = arith.addi %add3A_239, %add3A_389 : i32
      %dma_wait3A_391 = arith.constant 0 : i32
      %dma_wait3A_392 = tpu.memref_slice %arg7[%add3A_390, %dma_wait3A_391] : memref<80x128xi32, #tpu.memory_space<vmem>> -> memref<1x128xi32, #tpu.memory_space<vmem>>
      %dma_wait3A_393 = tpu.memref_squeeze %dma_wait3A_392 : memref<1x128xi32, #tpu.memory_space<vmem>> -> memref<128xi32, #tpu.memory_space<vmem>>
      %dma_wait3A_394 = arith.constant 0 : i32
      %dma_wait3A_395 = arith.constant 0 : i32
      %dma_wait3A_396 = tpu.memref_slice %arg2[%dma_wait3A_394, %dma_wait3A_395] : memref<10240x32xf32, #tpu.memory_space<hbm>> -> memref<10240x32xf32, #tpu.memory_space<hbm>>
      tpu.wait_indirect_dma semaphore(%arg19 : memref<!tpu.dma_semaphore, #tpu.memory_space<semaphore_mem>>) src(%dma_wait3A_396 : memref<10240x32xf32, #tpu.memory_space<hbm>>) dst(%arg10 : memref<128x32xf32, #tpu.memory_space<vmem>>)
      %dma_start3A_397 = arith.constant 0 : i32
      %dma_start3A_398 = tpu.memref_slice %arg8[%add3A_390, %dma_start3A_397] : memref<80x128xi32, #tpu.memory_space<vmem>> -> memref<1x128xi32, #tpu.memory_space<vmem>>
      %dma_start3A_399 = tpu.memref_squeeze %dma_start3A_398 : memref<1x128xi32, #tpu.memory_space<vmem>> -> memref<128xi32, #tpu.memory_space<vmem>>
      %dma_start3A_400 = arith.constant 0 : i32
      %dma_start3A_401 = arith.constant 0 : i32
      %dma_start3A_402 = tpu.memref_slice %arg17[%dma_start3A_400, %dma_start3A_401] : memref<10240x32xf32, #tpu.memory_space<vmem_shared>> -> memref<10240x32xf32, #tpu.memory_space<vmem_shared>>
      tpu.enqueue_indirect_dma source(%arg10 : memref<128x32xf32, #tpu.memory_space<vmem>>) target(%dma_start3A_402 : memref<10240x32xf32, #tpu.memory_space<vmem_shared>>) offsets(%dma_start3A_399 : memref<128xi32, #tpu.memory_space<vmem>>) semaphore(%arg27 : memref<!tpu.dma_semaphore, #tpu.memory_space<semaphore_mem>>) {add = true}
      %sub3A_403 = arith.constant 4 : i32
      %sub3A_404 = arith.subi %add3A_390, %sub3A_403 : i32
      %dma_wait3A_405 = arith.constant 0 : i32
      %dma_wait3A_406 = tpu.memref_slice %arg8[%sub3A_404, %dma_wait3A_405] : memref<80x128xi32, #tpu.memory_space<vmem>> -> memref<1x128xi32, #tpu.memory_space<vmem>>
      %dma_wait3A_407 = tpu.memref_squeeze %dma_wait3A_406 : memref<1x128xi32, #tpu.memory_space<vmem>> -> memref<128xi32, #tpu.memory_space<vmem>>
      %dma_wait3A_408 = arith.constant 0 : i32
      %dma_wait3A_409 = arith.constant 0 : i32
      %dma_wait3A_410 = tpu.memref_slice %arg17[%dma_wait3A_408, %dma_wait3A_409] : memref<10240x32xf32, #tpu.memory_space<vmem_shared>> -> memref<10240x32xf32, #tpu.memory_space<vmem_shared>>
      tpu.wait_indirect_dma semaphore(%arg31 : memref<!tpu.dma_semaphore, #tpu.memory_space<semaphore_mem>>) src(%arg14 : memref<128x32xf32, #tpu.memory_space<vmem>>) dst(%dma_wait3A_410 : memref<10240x32xf32, #tpu.memory_space<vmem_shared>>)
      %add3A_411 = arith.constant 4 : i32
      %add3A_412 = arith.addi %add3A_390, %add3A_411 : i32
      %dma_start3A_413 = arith.constant 0 : i32
      %dma_start3A_414 = tpu.memref_slice %arg7[%add3A_412, %dma_start3A_413] : memref<80x128xi32, #tpu.memory_space<vmem>> -> memref<1x128xi32, #tpu.memory_space<vmem>>
      %dma_start3A_415 = tpu.memref_squeeze %dma_start3A_414 : memref<1x128xi32, #tpu.memory_space<vmem>> -> memref<128xi32, #tpu.memory_space<vmem>>
      %dma_start3A_416 = arith.constant 0 : i32
      %dma_start3A_417 = arith.constant 0 : i32
      %dma_start3A_418 = tpu.memref_slice %arg2[%dma_start3A_416, %dma_start3A_417] : memref<10240x32xf32, #tpu.memory_space<hbm>> -> memref<10240x32xf32, #tpu.memory_space<hbm>>
      tpu.enqueue_indirect_dma source(%dma_start3A_418 : memref<10240x32xf32, #tpu.memory_space<hbm>>) target(%arg14 : memref<128x32xf32, #tpu.memory_space<vmem>>) offsets(%dma_start3A_415 : memref<128xi32, #tpu.memory_space<vmem>>) semaphore(%arg23 : memref<!tpu.dma_semaphore, #tpu.memory_space<semaphore_mem>>)
      %add3A_419 = arith.constant 6 : i32
      %add3A_420 = arith.addi %add3A_239, %add3A_419 : i32
      %dma_wait3A_421 = arith.constant 0 : i32
      %dma_wait3A_422 = tpu.memref_slice %arg7[%add3A_420, %dma_wait3A_421] : memref<80x128xi32, #tpu.memory_space<vmem>> -> memref<1x128xi32, #tpu.memory_space<vmem>>
      %dma_wait3A_423 = tpu.memref_squeeze %dma_wait3A_422 : memref<1x128xi32, #tpu.memory_space<vmem>> -> memref<128xi32, #tpu.memory_space<vmem>>
      %dma_wait3A_424 = arith.constant 0 : i32
      %dma_wait3A_425 = arith.constant 0 : i32
      %dma_wait3A_426 = tpu.memref_slice %arg2[%dma_wait3A_424, %dma_wait3A_425] : memref<10240x32xf32, #tpu.memory_space<hbm>> -> memref<10240x32xf32, #tpu.memory_space<hbm>>
      tpu.wait_indirect_dma semaphore(%arg20 : memref<!tpu.dma_semaphore, #tpu.memory_space<semaphore_mem>>) src(%dma_wait3A_426 : memref<10240x32xf32, #tpu.memory_space<hbm>>) dst(%arg11 : memref<128x32xf32, #tpu.memory_space<vmem>>)
      %dma_start3A_427 = arith.constant 0 : i32
      %dma_start3A_428 = tpu.memref_slice %arg8[%add3A_420, %dma_start3A_427] : memref<80x128xi32, #tpu.memory_space<vmem>> -> memref<1x128xi32, #tpu.memory_space<vmem>>
      %dma_start3A_429 = tpu.memref_squeeze %dma_start3A_428 : memref<1x128xi32, #tpu.memory_space<vmem>> -> memref<128xi32, #tpu.memory_space<vmem>>
      %dma_start3A_430 = arith.constant 0 : i32
      %dma_start3A_431 = arith.constant 0 : i32
      %dma_start3A_432 = tpu.memref_slice %arg17[%dma_start3A_430, %dma_start3A_431] : memref<10240x32xf32, #tpu.memory_space<vmem_shared>> -> memref<10240x32xf32, #tpu.memory_space<vmem_shared>>
      tpu.enqueue_indirect_dma source(%arg11 : memref<128x32xf32, #tpu.memory_space<vmem>>) target(%dma_start3A_432 : memref<10240x32xf32, #tpu.memory_space<vmem_shared>>) offsets(%dma_start3A_429 : memref<128xi32, #tpu.memory_space<vmem>>) semaphore(%arg28 : memref<!tpu.dma_semaphore, #tpu.memory_space<semaphore_mem>>) {add = true}
      %sub3A_433 = arith.constant 4 : i32
      %sub3A_434 = arith.subi %add3A_420, %sub3A_433 : i32
      %dma_wait3A_435 = arith.constant 0 : i32
      %dma_wait3A_436 = tpu.memref_slice %arg8[%sub3A_434, %dma_wait3A_435] : memref<80x128xi32, #tpu.memory_space<vmem>> -> memref<1x128xi32, #tpu.memory_space<vmem>>
      %dma_wait3A_437 = tpu.memref_squeeze %dma_wait3A_436 : memref<1x128xi32, #tpu.memory_space<vmem>> -> memref<128xi32, #tpu.memory_space<vmem>>
      %dma_wait3A_438 = arith.constant 0 : i32
      %dma_wait3A_439 = arith.constant 0 : i32
      %dma_wait3A_440 = tpu.memref_slice %arg17[%dma_wait3A_438, %dma_wait3A_439] : memref<10240x32xf32, #tpu.memory_space<vmem_shared>> -> memref<10240x32xf32, #tpu.memory_space<vmem_shared>>
      tpu.wait_indirect_dma semaphore(%arg32 : memref<!tpu.dma_semaphore, #tpu.memory_space<semaphore_mem>>) src(%arg15 : memref<128x32xf32, #tpu.memory_space<vmem>>) dst(%dma_wait3A_440 : memref<10240x32xf32, #tpu.memory_space<vmem_shared>>)
      %add3A_441 = arith.constant 4 : i32
      %add3A_442 = arith.addi %add3A_420, %add3A_441 : i32
      %dma_start3A_443 = arith.constant 0 : i32
      %dma_start3A_444 = tpu.memref_slice %arg7[%add3A_442, %dma_start3A_443] : memref<80x128xi32, #tpu.memory_space<vmem>> -> memref<1x128xi32, #tpu.memory_space<vmem>>
      %dma_start3A_445 = tpu.memref_squeeze %dma_start3A_444 : memref<1x128xi32, #tpu.memory_space<vmem>> -> memref<128xi32, #tpu.memory_space<vmem>>
      %dma_start3A_446 = arith.constant 0 : i32
      %dma_start3A_447 = arith.constant 0 : i32
      %dma_start3A_448 = tpu.memref_slice %arg2[%dma_start3A_446, %dma_start3A_447] : memref<10240x32xf32, #tpu.memory_space<hbm>> -> memref<10240x32xf32, #tpu.memory_space<hbm>>
      tpu.enqueue_indirect_dma source(%dma_start3A_448 : memref<10240x32xf32, #tpu.memory_space<hbm>>) target(%arg15 : memref<128x32xf32, #tpu.memory_space<vmem>>) offsets(%dma_start3A_445 : memref<128xi32, #tpu.memory_space<vmem>>) semaphore(%arg24 : memref<!tpu.dma_semaphore, #tpu.memory_space<semaphore_mem>>)
      %add3A_449 = arith.constant 7 : i32
      %add3A_450 = arith.addi %add3A_239, %add3A_449 : i32
      %dma_wait3A_451 = arith.constant 0 : i32
      %dma_wait3A_452 = tpu.memref_slice %arg7[%add3A_450, %dma_wait3A_451] : memref<80x128xi32, #tpu.memory_space<vmem>> -> memref<1x128xi32, #tpu.memory_space<vmem>>
      %dma_wait3A_453 = tpu.memref_squeeze %dma_wait3A_452 : memref<1x128xi32, #tpu.memory_space<vmem>> -> memref<128xi32, #tpu.memory_space<vmem>>
      %dma_wait3A_454 = arith.constant 0 : i32
      %dma_wait3A_455 = arith.constant 0 : i32
      %dma_wait3A_456 = tpu.memref_slice %arg2[%dma_wait3A_454, %dma_wait3A_455] : memref<10240x32xf32, #tpu.memory_space<hbm>> -> memref<10240x32xf32, #tpu.memory_space<hbm>>
      tpu.wait_indirect_dma semaphore(%arg21 : memref<!tpu.dma_semaphore, #tpu.memory_space<semaphore_mem>>) src(%dma_wait3A_456 : memref<10240x32xf32, #tpu.memory_space<hbm>>) dst(%arg12 : memref<128x32xf32, #tpu.memory_space<vmem>>)
      %dma_start3A_457 = arith.constant 0 : i32
      %dma_start3A_458 = tpu.memref_slice %arg8[%add3A_450, %dma_start3A_457] : memref<80x128xi32, #tpu.memory_space<vmem>> -> memref<1x128xi32, #tpu.memory_space<vmem>>
      %dma_start3A_459 = tpu.memref_squeeze %dma_start3A_458 : memref<1x128xi32, #tpu.memory_space<vmem>> -> memref<128xi32, #tpu.memory_space<vmem>>
      %dma_start3A_460 = arith.constant 0 : i32
      %dma_start3A_461 = arith.constant 0 : i32
      %dma_start3A_462 = tpu.memref_slice %arg17[%dma_start3A_460, %dma_start3A_461] : memref<10240x32xf32, #tpu.memory_space<vmem_shared>> -> memref<10240x32xf32, #tpu.memory_space<vmem_shared>>
      tpu.enqueue_indirect_dma source(%arg12 : memref<128x32xf32, #tpu.memory_space<vmem>>) target(%dma_start3A_462 : memref<10240x32xf32, #tpu.memory_space<vmem_shared>>) offsets(%dma_start3A_459 : memref<128xi32, #tpu.memory_space<vmem>>) semaphore(%arg29 : memref<!tpu.dma_semaphore, #tpu.memory_space<semaphore_mem>>) {add = true}
      %sub3A_463 = arith.constant 4 : i32
      %sub3A_464 = arith.subi %add3A_450, %sub3A_463 : i32
      %dma_wait3A_465 = arith.constant 0 : i32
      %dma_wait3A_466 = tpu.memref_slice %arg8[%sub3A_464, %dma_wait3A_465] : memref<80x128xi32, #tpu.memory_space<vmem>> -> memref<1x128xi32, #tpu.memory_space<vmem>>
      %dma_wait3A_467 = tpu.memref_squeeze %dma_wait3A_466 : memref<1x128xi32, #tpu.memory_space<vmem>> -> memref<128xi32, #tpu.memory_space<vmem>>
      %dma_wait3A_468 = arith.constant 0 : i32
      %dma_wait3A_469 = arith.constant 0 : i32
      %dma_wait3A_470 = tpu.memref_slice %arg17[%dma_wait3A_468, %dma_wait3A_469] : memref<10240x32xf32, #tpu.memory_space<vmem_shared>> -> memref<10240x32xf32, #tpu.memory_space<vmem_shared>>
      tpu.wait_indirect_dma semaphore(%arg33 : memref<!tpu.dma_semaphore, #tpu.memory_space<semaphore_mem>>) src(%arg16 : memref<128x32xf32, #tpu.memory_space<vmem>>) dst(%dma_wait3A_470 : memref<10240x32xf32, #tpu.memory_space<vmem_shared>>)
      %add3A_471 = arith.constant 4 : i32
      %add3A_472 = arith.addi %add3A_450, %add3A_471 : i32
      %dma_start3A_473 = arith.constant 0 : i32
      %dma_start3A_474 = tpu.memref_slice %arg7[%add3A_472, %dma_start3A_473] : memref<80x128xi32, #tpu.memory_space<vmem>> -> memref<1x128xi32, #tpu.memory_space<vmem>>
      %dma_start3A_475 = tpu.memref_squeeze %dma_start3A_474 : memref<1x128xi32, #tpu.memory_space<vmem>> -> memref<128xi32, #tpu.memory_space<vmem>>
      %dma_start3A_476 = arith.constant 0 : i32
      %dma_start3A_477 = arith.constant 0 : i32
      %dma_start3A_478 = tpu.memref_slice %arg2[%dma_start3A_476, %dma_start3A_477] : memref<10240x32xf32, #tpu.memory_space<hbm>> -> memref<10240x32xf32, #tpu.memory_space<hbm>>
      tpu.enqueue_indirect_dma source(%dma_start3A_478 : memref<10240x32xf32, #tpu.memory_space<hbm>>) target(%arg16 : memref<128x32xf32, #tpu.memory_space<vmem>>) offsets(%dma_start3A_475 : memref<128xi32, #tpu.memory_space<vmem>>) semaphore(%arg25 : memref<!tpu.dma_semaphore, #tpu.memory_space<semaphore_mem>>)
    }
    %scan3A_121 = arith.constant 9 : i32
    %dma_wait3A_122 = arith.constant 76 : i32
    %dma_wait3A_123 = arith.constant 0 : i32
    %dma_wait3A_124 = tpu.memref_slice %arg7[%dma_wait3A_122, %dma_wait3A_123] : memref<80x128xi32, #tpu.memory_space<vmem>> -> memref<1x128xi32, #tpu.memory_space<vmem>>
    %dma_wait3A_125 = tpu.memref_squeeze %dma_wait3A_124 : memref<1x128xi32, #tpu.memory_space<vmem>> -> memref<128xi32, #tpu.memory_space<vmem>>
    %dma_wait3A_126 = arith.constant 0 : i32
    %dma_wait3A_127 = arith.constant 0 : i32
    %dma_wait3A_128 = tpu.memref_slice %arg2[%dma_wait3A_126, %dma_wait3A_127] : memref<10240x32xf32, #tpu.memory_space<hbm>> -> memref<10240x32xf32, #tpu.memory_space<hbm>>
    tpu.wait_indirect_dma semaphore(%arg22 : memref<!tpu.dma_semaphore, #tpu.memory_space<semaphore_mem>>) src(%dma_wait3A_128 : memref<10240x32xf32, #tpu.memory_space<hbm>>) dst(%arg13 : memref<128x32xf32, #tpu.memory_space<vmem>>)
    %dma_start3A_129 = arith.constant 76 : i32
    %dma_start3A_130 = arith.constant 0 : i32
    %dma_start3A_131 = tpu.memref_slice %arg8[%dma_start3A_129, %dma_start3A_130] : memref<80x128xi32, #tpu.memory_space<vmem>> -> memref<1x128xi32, #tpu.memory_space<vmem>>
    %dma_start3A_132 = tpu.memref_squeeze %dma_start3A_131 : memref<1x128xi32, #tpu.memory_space<vmem>> -> memref<128xi32, #tpu.memory_space<vmem>>
    %dma_start3A_133 = arith.constant 0 : i32
    %dma_start3A_134 = arith.constant 0 : i32
    %dma_start3A_135 = tpu.memref_slice %arg17[%dma_start3A_133, %dma_start3A_134] : memref<10240x32xf32, #tpu.memory_space<vmem_shared>> -> memref<10240x32xf32, #tpu.memory_space<vmem_shared>>
    tpu.enqueue_indirect_dma source(%arg13 : memref<128x32xf32, #tpu.memory_space<vmem>>) target(%dma_start3A_135 : memref<10240x32xf32, #tpu.memory_space<vmem_shared>>) offsets(%dma_start3A_132 : memref<128xi32, #tpu.memory_space<vmem>>) semaphore(%arg30 : memref<!tpu.dma_semaphore, #tpu.memory_space<semaphore_mem>>) {add = true}
    %dma_wait3A_136 = arith.constant 72 : i32
    %dma_wait3A_137 = arith.constant 0 : i32
    %dma_wait3A_138 = tpu.memref_slice %arg8[%dma_wait3A_136, %dma_wait3A_137] : memref<80x128xi32, #tpu.memory_space<vmem>> -> memref<1x128xi32, #tpu.memory_space<vmem>>
    %dma_wait3A_139 = tpu.memref_squeeze %dma_wait3A_138 : memref<1x128xi32, #tpu.memory_space<vmem>> -> memref<128xi32, #tpu.memory_space<vmem>>
    %dma_wait3A_140 = arith.constant 0 : i32
    %dma_wait3A_141 = arith.constant 0 : i32
    %dma_wait3A_142 = tpu.memref_slice %arg17[%dma_wait3A_140, %dma_wait3A_141] : memref<10240x32xf32, #tpu.memory_space<vmem_shared>> -> memref<10240x32xf32, #tpu.memory_space<vmem_shared>>
    tpu.wait_indirect_dma semaphore(%arg26 : memref<!tpu.dma_semaphore, #tpu.memory_space<semaphore_mem>>) src(%arg9 : memref<128x32xf32, #tpu.memory_space<vmem>>) dst(%dma_wait3A_142 : memref<10240x32xf32, #tpu.memory_space<vmem_shared>>)
    %dma_wait3A_143 = arith.constant 77 : i32
    %dma_wait3A_144 = arith.constant 0 : i32
    %dma_wait3A_145 = tpu.memref_slice %arg7[%dma_wait3A_143, %dma_wait3A_144] : memref<80x128xi32, #tpu.memory_space<vmem>> -> memref<1x128xi32, #tpu.memory_space<vmem>>
    %dma_wait3A_146 = tpu.memref_squeeze %dma_wait3A_145 : memref<1x128xi32, #tpu.memory_space<vmem>> -> memref<128xi32, #tpu.memory_space<vmem>>
    %dma_wait3A_147 = arith.constant 0 : i32
    %dma_wait3A_148 = arith.constant 0 : i32
    %dma_wait3A_149 = tpu.memref_slice %arg2[%dma_wait3A_147, %dma_wait3A_148] : memref<10240x32xf32, #tpu.memory_space<hbm>> -> memref<10240x32xf32, #tpu.memory_space<hbm>>
    tpu.wait_indirect_dma semaphore(%arg23 : memref<!tpu.dma_semaphore, #tpu.memory_space<semaphore_mem>>) src(%dma_wait3A_149 : memref<10240x32xf32, #tpu.memory_space<hbm>>) dst(%arg14 : memref<128x32xf32, #tpu.memory_space<vmem>>)
    %dma_start3A_150 = arith.constant 77 : i32
    %dma_start3A_151 = arith.constant 0 : i32
    %dma_start3A_152 = tpu.memref_slice %arg8[%dma_start3A_150, %dma_start3A_151] : memref<80x128xi32, #tpu.memory_space<vmem>> -> memref<1x128xi32, #tpu.memory_space<vmem>>
    %dma_start3A_153 = tpu.memref_squeeze %dma_start3A_152 : memref<1x128xi32, #tpu.memory_space<vmem>> -> memref<128xi32, #tpu.memory_space<vmem>>
    %dma_start3A_154 = arith.constant 0 : i32
    %dma_start3A_155 = arith.constant 0 : i32
    %dma_start3A_156 = tpu.memref_slice %arg17[%dma_start3A_154, %dma_start3A_155] : memref<10240x32xf32, #tpu.memory_space<vmem_shared>> -> memref<10240x32xf32, #tpu.memory_space<vmem_shared>>
    tpu.enqueue_indirect_dma source(%arg14 : memref<128x32xf32, #tpu.memory_space<vmem>>) target(%dma_start3A_156 : memref<10240x32xf32, #tpu.memory_space<vmem_shared>>) offsets(%dma_start3A_153 : memref<128xi32, #tpu.memory_space<vmem>>) semaphore(%arg31 : memref<!tpu.dma_semaphore, #tpu.memory_space<semaphore_mem>>) {add = true}
    %dma_wait3A_157 = arith.constant 73 : i32
    %dma_wait3A_158 = arith.constant 0 : i32
    %dma_wait3A_159 = tpu.memref_slice %arg8[%dma_wait3A_157, %dma_wait3A_158] : memref<80x128xi32, #tpu.memory_space<vmem>> -> memref<1x128xi32, #tpu.memory_space<vmem>>
    %dma_wait3A_160 = tpu.memref_squeeze %dma_wait3A_159 : memref<1x128xi32, #tpu.memory_space<vmem>> -> memref<128xi32, #tpu.memory_space<vmem>>
    %dma_wait3A_161 = arith.constant 0 : i32
    %dma_wait3A_162 = arith.constant 0 : i32
    %dma_wait3A_163 = tpu.memref_slice %arg17[%dma_wait3A_161, %dma_wait3A_162] : memref<10240x32xf32, #tpu.memory_space<vmem_shared>> -> memref<10240x32xf32, #tpu.memory_space<vmem_shared>>
    tpu.wait_indirect_dma semaphore(%arg27 : memref<!tpu.dma_semaphore, #tpu.memory_space<semaphore_mem>>) src(%arg10 : memref<128x32xf32, #tpu.memory_space<vmem>>) dst(%dma_wait3A_163 : memref<10240x32xf32, #tpu.memory_space<vmem_shared>>)
    %dma_wait3A_164 = arith.constant 78 : i32
    %dma_wait3A_165 = arith.constant 0 : i32
    %dma_wait3A_166 = tpu.memref_slice %arg7[%dma_wait3A_164, %dma_wait3A_165] : memref<80x128xi32, #tpu.memory_space<vmem>> -> memref<1x128xi32, #tpu.memory_space<vmem>>
    %dma_wait3A_167 = tpu.memref_squeeze %dma_wait3A_166 : memref<1x128xi32, #tpu.memory_space<vmem>> -> memref<128xi32, #tpu.memory_space<vmem>>
    %dma_wait3A_168 = arith.constant 0 : i32
    %dma_wait3A_169 = arith.constant 0 : i32
    %dma_wait3A_170 = tpu.memref_slice %arg2[%dma_wait3A_168, %dma_wait3A_169] : memref<10240x32xf32, #tpu.memory_space<hbm>> -> memref<10240x32xf32, #tpu.memory_space<hbm>>
    tpu.wait_indirect_dma semaphore(%arg24 : memref<!tpu.dma_semaphore, #tpu.memory_space<semaphore_mem>>) src(%dma_wait3A_170 : memref<10240x32xf32, #tpu.memory_space<hbm>>) dst(%arg15 : memref<128x32xf32, #tpu.memory_space<vmem>>)
    %dma_start3A_171 = arith.constant 78 : i32
    %dma_start3A_172 = arith.constant 0 : i32
    %dma_start3A_173 = tpu.memref_slice %arg8[%dma_start3A_171, %dma_start3A_172] : memref<80x128xi32, #tpu.memory_space<vmem>> -> memref<1x128xi32, #tpu.memory_space<vmem>>
    %dma_start3A_174 = tpu.memref_squeeze %dma_start3A_173 : memref<1x128xi32, #tpu.memory_space<vmem>> -> memref<128xi32, #tpu.memory_space<vmem>>
    %dma_start3A_175 = arith.constant 0 : i32
    %dma_start3A_176 = arith.constant 0 : i32
    %dma_start3A_177 = tpu.memref_slice %arg17[%dma_start3A_175, %dma_start3A_176] : memref<10240x32xf32, #tpu.memory_space<vmem_shared>> -> memref<10240x32xf32, #tpu.memory_space<vmem_shared>>
    tpu.enqueue_indirect_dma source(%arg15 : memref<128x32xf32, #tpu.memory_space<vmem>>) target(%dma_start3A_177 : memref<10240x32xf32, #tpu.memory_space<vmem_shared>>) offsets(%dma_start3A_174 : memref<128xi32, #tpu.memory_space<vmem>>) semaphore(%arg32 : memref<!tpu.dma_semaphore, #tpu.memory_space<semaphore_mem>>) {add = true}
    %dma_wait3A_178 = arith.constant 74 : i32
    %dma_wait3A_179 = arith.constant 0 : i32
    %dma_wait3A_180 = tpu.memref_slice %arg8[%dma_wait3A_178, %dma_wait3A_179] : memref<80x128xi32, #tpu.memory_space<vmem>> -> memref<1x128xi32, #tpu.memory_space<vmem>>
    %dma_wait3A_181 = tpu.memref_squeeze %dma_wait3A_180 : memref<1x128xi32, #tpu.memory_space<vmem>> -> memref<128xi32, #tpu.memory_space<vmem>>
    %dma_wait3A_182 = arith.constant 0 : i32
    %dma_wait3A_183 = arith.constant 0 : i32
    %dma_wait3A_184 = tpu.memref_slice %arg17[%dma_wait3A_182, %dma_wait3A_183] : memref<10240x32xf32, #tpu.memory_space<vmem_shared>> -> memref<10240x32xf32, #tpu.memory_space<vmem_shared>>
    tpu.wait_indirect_dma semaphore(%arg28 : memref<!tpu.dma_semaphore, #tpu.memory_space<semaphore_mem>>) src(%arg11 : memref<128x32xf32, #tpu.memory_space<vmem>>) dst(%dma_wait3A_184 : memref<10240x32xf32, #tpu.memory_space<vmem_shared>>)
    %dma_wait3A_185 = arith.constant 79 : i32
    %dma_wait3A_186 = arith.constant 0 : i32
    %dma_wait3A_187 = tpu.memref_slice %arg7[%dma_wait3A_185, %dma_wait3A_186] : memref<80x128xi32, #tpu.memory_space<vmem>> -> memref<1x128xi32, #tpu.memory_space<vmem>>
    %dma_wait3A_188 = tpu.memref_squeeze %dma_wait3A_187 : memref<1x128xi32, #tpu.memory_space<vmem>> -> memref<128xi32, #tpu.memory_space<vmem>>
    %dma_wait3A_189 = arith.constant 0 : i32
    %dma_wait3A_190 = arith.constant 0 : i32
    %dma_wait3A_191 = tpu.memref_slice %arg2[%dma_wait3A_189, %dma_wait3A_190] : memref<10240x32xf32, #tpu.memory_space<hbm>> -> memref<10240x32xf32, #tpu.memory_space<hbm>>
    tpu.wait_indirect_dma semaphore(%arg25 : memref<!tpu.dma_semaphore, #tpu.memory_space<semaphore_mem>>) src(%dma_wait3A_191 : memref<10240x32xf32, #tpu.memory_space<hbm>>) dst(%arg16 : memref<128x32xf32, #tpu.memory_space<vmem>>)
    %dma_start3A_192 = arith.constant 79 : i32
    %dma_start3A_193 = arith.constant 0 : i32
    %dma_start3A_194 = tpu.memref_slice %arg8[%dma_start3A_192, %dma_start3A_193] : memref<80x128xi32, #tpu.memory_space<vmem>> -> memref<1x128xi32, #tpu.memory_space<vmem>>
    %dma_start3A_195 = tpu.memref_squeeze %dma_start3A_194 : memref<1x128xi32, #tpu.memory_space<vmem>> -> memref<128xi32, #tpu.memory_space<vmem>>
    %dma_start3A_196 = arith.constant 0 : i32
    %dma_start3A_197 = arith.constant 0 : i32
    %dma_start3A_198 = tpu.memref_slice %arg17[%dma_start3A_196, %dma_start3A_197] : memref<10240x32xf32, #tpu.memory_space<vmem_shared>> -> memref<10240x32xf32, #tpu.memory_space<vmem_shared>>
    tpu.enqueue_indirect_dma source(%arg16 : memref<128x32xf32, #tpu.memory_space<vmem>>) target(%dma_start3A_198 : memref<10240x32xf32, #tpu.memory_space<vmem_shared>>) offsets(%dma_start3A_195 : memref<128xi32, #tpu.memory_space<vmem>>) semaphore(%arg33 : memref<!tpu.dma_semaphore, #tpu.memory_space<semaphore_mem>>) {add = true}
    %dma_wait3A_199 = arith.constant 75 : i32
    %dma_wait3A_200 = arith.constant 0 : i32
    %dma_wait3A_201 = tpu.memref_slice %arg8[%dma_wait3A_199, %dma_wait3A_200] : memref<80x128xi32, #tpu.memory_space<vmem>> -> memref<1x128xi32, #tpu.memory_space<vmem>>
    %dma_wait3A_202 = tpu.memref_squeeze %dma_wait3A_201 : memref<1x128xi32, #tpu.memory_space<vmem>> -> memref<128xi32, #tpu.memory_space<vmem>>
    %dma_wait3A_203 = arith.constant 0 : i32
    %dma_wait3A_204 = arith.constant 0 : i32
    %dma_wait3A_205 = tpu.memref_slice %arg17[%dma_wait3A_203, %dma_wait3A_204] : memref<10240x32xf32, #tpu.memory_space<vmem_shared>> -> memref<10240x32xf32, #tpu.memory_space<vmem_shared>>
    tpu.wait_indirect_dma semaphore(%arg29 : memref<!tpu.dma_semaphore, #tpu.memory_space<semaphore_mem>>) src(%arg12 : memref<128x32xf32, #tpu.memory_space<vmem>>) dst(%dma_wait3A_205 : memref<10240x32xf32, #tpu.memory_space<vmem_shared>>)
    %dma_wait3A_206 = arith.constant 76 : i32
    %dma_wait3A_207 = arith.constant 0 : i32
    %dma_wait3A_208 = tpu.memref_slice %arg8[%dma_wait3A_206, %dma_wait3A_207] : memref<80x128xi32, #tpu.memory_space<vmem>> -> memref<1x128xi32, #tpu.memory_space<vmem>>
    %dma_wait3A_209 = tpu.memref_squeeze %dma_wait3A_208 : memref<1x128xi32, #tpu.memory_space<vmem>> -> memref<128xi32, #tpu.memory_space<vmem>>
    %dma_wait3A_210 = arith.constant 0 : i32
    %dma_wait3A_211 = arith.constant 0 : i32
    %dma_wait3A_212 = tpu.memref_slice %arg17[%dma_wait3A_210, %dma_wait3A_211] : memref<10240x32xf32, #tpu.memory_space<vmem_shared>> -> memref<10240x32xf32, #tpu.memory_space<vmem_shared>>
    tpu.wait_indirect_dma semaphore(%arg30 : memref<!tpu.dma_semaphore, #tpu.memory_space<semaphore_mem>>) src(%arg13 : memref<128x32xf32, #tpu.memory_space<vmem>>) dst(%dma_wait3A_212 : memref<10240x32xf32, #tpu.memory_space<vmem_shared>>)
    %dma_wait3A_213 = arith.constant 77 : i32
    %dma_wait3A_214 = arith.constant 0 : i32
    %dma_wait3A_215 = tpu.memref_slice %arg8[%dma_wait3A_213, %dma_wait3A_214] : memref<80x128xi32, #tpu.memory_space<vmem>> -> memref<1x128xi32, #tpu.memory_space<vmem>>
    %dma_wait3A_216 = tpu.memref_squeeze %dma_wait3A_215 : memref<1x128xi32, #tpu.memory_space<vmem>> -> memref<128xi32, #tpu.memory_space<vmem>>
    %dma_wait3A_217 = arith.constant 0 : i32
    %dma_wait3A_218 = arith.constant 0 : i32
    %dma_wait3A_219 = tpu.memref_slice %arg17[%dma_wait3A_217, %dma_wait3A_218] : memref<10240x32xf32, #tpu.memory_space<vmem_shared>> -> memref<10240x32xf32, #tpu.memory_space<vmem_shared>>
    tpu.wait_indirect_dma semaphore(%arg31 : memref<!tpu.dma_semaphore, #tpu.memory_space<semaphore_mem>>) src(%arg14 : memref<128x32xf32, #tpu.memory_space<vmem>>) dst(%dma_wait3A_219 : memref<10240x32xf32, #tpu.memory_space<vmem_shared>>)
    %dma_wait3A_220 = arith.constant 78 : i32
    %dma_wait3A_221 = arith.constant 0 : i32
    %dma_wait3A_222 = tpu.memref_slice %arg8[%dma_wait3A_220, %dma_wait3A_221] : memref<80x128xi32, #tpu.memory_space<vmem>> -> memref<1x128xi32, #tpu.memory_space<vmem>>
    %dma_wait3A_223 = tpu.memref_squeeze %dma_wait3A_222 : memref<1x128xi32, #tpu.memory_space<vmem>> -> memref<128xi32, #tpu.memory_space<vmem>>
    %dma_wait3A_224 = arith.constant 0 : i32
    %dma_wait3A_225 = arith.constant 0 : i32
    %dma_wait3A_226 = tpu.memref_slice %arg17[%dma_wait3A_224, %dma_wait3A_225] : memref<10240x32xf32, #tpu.memory_space<vmem_shared>> -> memref<10240x32xf32, #tpu.memory_space<vmem_shared>>
    tpu.wait_indirect_dma semaphore(%arg32 : memref<!tpu.dma_semaphore, #tpu.memory_space<semaphore_mem>>) src(%arg15 : memref<128x32xf32, #tpu.memory_space<vmem>>) dst(%dma_wait3A_226 : memref<10240x32xf32, #tpu.memory_space<vmem_shared>>)
    %dma_wait3A_227 = arith.constant 79 : i32
    %dma_wait3A_228 = arith.constant 0 : i32
    %dma_wait3A_229 = tpu.memref_slice %arg8[%dma_wait3A_227, %dma_wait3A_228] : memref<80x128xi32, #tpu.memory_space<vmem>> -> memref<1x128xi32, #tpu.memory_space<vmem>>
    %dma_wait3A_230 = tpu.memref_squeeze %dma_wait3A_229 : memref<1x128xi32, #tpu.memory_space<vmem>> -> memref<128xi32, #tpu.memory_space<vmem>>
    %dma_wait3A_231 = arith.constant 0 : i32
    %dma_wait3A_232 = arith.constant 0 : i32
    %dma_wait3A_233 = tpu.memref_slice %arg17[%dma_wait3A_231, %dma_wait3A_232] : memref<10240x32xf32, #tpu.memory_space<vmem_shared>> -> memref<10240x32xf32, #tpu.memory_space<vmem_shared>>
    tpu.wait_indirect_dma semaphore(%arg33 : memref<!tpu.dma_semaphore, #tpu.memory_space<semaphore_mem>>) src(%arg16 : memref<128x32xf32, #tpu.memory_space<vmem>>) dst(%dma_wait3A_233 : memref<10240x32xf32, #tpu.memory_space<vmem_shared>>)
    %barrier3A_234 = arith.constant 0 : index
    tpu.barrier barrier_id(%barrier3A_234)
    "tpu.region"() ({
      %run_scoped3A = tpu.sem_alloc : memref<!tpu.dma_semaphore, #tpu.memory_space<semaphore_mem>>
      %dma_start3A_235 = arith.constant 0 : i32
      %dma_start3A_236 = tpu.memref_slice %arg6[%arg0, %mul3A_2, %dma_start3A_235] : memref<2x10240x32xf32, #tpu.memory_space<hbm>> -> memref<1x640x32xf32, #tpu.memory_space<hbm>>
      %dma_start3A_237 = tpu.memref_squeeze %dma_start3A_236 : memref<1x640x32xf32, #tpu.memory_space<hbm>> -> memref<640x32xf32, #tpu.memory_space<hbm>>
      %dma_start3A_238 = arith.constant 0 : i32
      %dma_start3A_239 = tpu.memref_slice %arg17[%mul3A_2, %dma_start3A_238] : memref<10240x32xf32, #tpu.memory_space<vmem_shared>> -> memref<640x32xf32, #tpu.memory_space<vmem_shared>>
      tpu.enqueue_dma source(%dma_start3A_239 : memref<640x32xf32, #tpu.memory_space<vmem_shared>>) target(%dma_start3A_237 : memref<640x32xf32, #tpu.memory_space<hbm>>) target_semaphore(%run_scoped3A : memref<!tpu.dma_semaphore, #tpu.memory_space<semaphore_mem>>)
      %dma_wait3A_240 = arith.constant 0 : i32
      %dma_wait3A_241 = tpu.memref_slice %arg6[%arg0, %mul3A_2, %dma_wait3A_240] : memref<2x10240x32xf32, #tpu.memory_space<hbm>> -> memref<1x640x32xf32, #tpu.memory_space<hbm>>
      %dma_wait3A_242 = tpu.memref_squeeze %dma_wait3A_241 : memref<1x640x32xf32, #tpu.memory_space<hbm>> -> memref<640x32xf32, #tpu.memory_space<hbm>>
      %dma_wait3A_243 = arith.constant 0 : i32
      %dma_wait3A_244 = tpu.memref_slice %arg17[%mul3A_2, %dma_wait3A_243] : memref<10240x32xf32, #tpu.memory_space<vmem_shared>> -> memref<640x32xf32, #tpu.memory_space<vmem_shared>>
      tpu.wait_dma2 semaphore(%run_scoped3A : memref<!tpu.dma_semaphore, #tpu.memory_space<semaphore_mem>>) src(%dma_wait3A_244 : memref<640x32xf32, #tpu.memory_space<vmem_shared>>) dst(%dma_wait3A_242 : memref<640x32xf32, #tpu.memory_space<hbm>>)
      tpu.yield
    }) : () -> ()
    return
  }
}

module attributes {stable_mosaic.version = 14 : i64} {
  func.func @_tc_matmul_body(%arg0: i32, %arg1: memref<512x512xf32, #tpu.memory_space<vmem>>, %arg2: memref<512x128xf32, #tpu.memory_space<vmem>>, %arg3: memref<512x128xf32, #tpu.memory_space<vmem>>) attributes {dimension_semantics = [#tpu.dimension_semantics<arbitrary>], iteration_bounds = array<i64: 5>, scalar_prefetch = 0 : i64, scratch_operands = 0 : i64, tpu.core_type = #tpu.core_type<tc>, window_params = [{transform_indices = @transform_0, window_bounds = array<i64: 512, 512>}, {pipeline_mode = #tpu.pipeline_mode<synchronous>, transform_indices = @transform_1, window_bounds = array<i64: 512, 128>}, {transform_indices = @transform_2, window_bounds = array<i64: 512, 128>}]} {
    %get3A = arith.constant 0 : index
    %get3A_0 = arith.constant 0 : index
    %get3A_1 = vector.load %arg1[%get3A, %get3A_0] : memref<512x512xf32, #tpu.memory_space<vmem>>, vector<512x512xf32>
    %get3A_2 = arith.constant 0 : index
    %get3A_3 = arith.constant 0 : index
    %get3A_4 = vector.load %arg2[%get3A_2, %get3A_3] : memref<512x128xf32, #tpu.memory_space<vmem>>, vector<512x128xf32>
    %dot_general3A = arith.constant dense<0.000000e+00> : vector<512x128xf32>
    %dot_general3A_5 = tpu.matmul %get3A_1, %get3A_4, %dot_general3A {dimension_numbers = #tpu.dot_dimension_numbers<[1], [0], [0], [1], [0, 0, 1, 1], [], []>, transpose_lhs_hint = false} : vector<512x512xf32>, vector<512x128xf32>, vector<512x128xf32> -> vector<512x128xf32>
    %swap3A = arith.constant 0 : index
    %swap3A_6 = arith.constant 0 : index
    %swap3A_7 = vector.load %arg3[%swap3A, %swap3A_6] : memref<512x128xf32, #tpu.memory_space<vmem>>, vector<512x128xf32>
    tpu.vector_store %arg3[%swap3A, %swap3A_6], %dot_general3A_5 {strides = array<i32>} : memref<512x128xf32, #tpu.memory_space<vmem>>, vector<512x128xf32>,
    return
  }
  func.func @transform_0(%arg0: i32) -> (i32, i32) {
    %c0_i32 = arith.constant 0 : i32
    %c0_i32_0 = arith.constant 0 : i32
    return %arg0, %c0_i32 : i32, i32
  }
  func.func @transform_1(%arg0: i32) -> (i32, i32) {
    %c0_i32 = arith.constant 0 : i32
    %c0_i32_0 = arith.constant 0 : i32
    %c0_i32_1 = arith.constant 0 : i32
    return %c0_i32, %c0_i32_0 : i32, i32
  }
  func.func @transform_2(%arg0: i32) -> (i32, i32) {
    %c0_i32 = arith.constant 0 : i32
    %c0_i32_0 = arith.constant 0 : i32
    return %arg0, %c0_i32 : i32, i32
  }
}

module attributes {stable_mosaic.version = 14 : i64} {
  func.func @_tc_scale_body(%arg0: i32, %arg1: memref<512x128xf32, #tpu.memory_space<vmem>>, %arg2: memref<2x512x128xf32, #tpu.memory_space<vmem>>, %arg3: memref<512x128xf32, #tpu.memory_space<vmem>>) attributes {dimension_semantics = [#tpu.dimension_semantics<arbitrary>], iteration_bounds = array<i64: 5>, scalar_prefetch = 0 : i64, scratch_operands = 0 : i64, tpu.core_type = #tpu.core_type<tc>, window_params = [{transform_indices = @transform_0, window_bounds = array<i64: 512, 128>}, {transform_indices = @transform_1, window_bounds = array<i64: 2, 512, 128>}, {transform_indices = @transform_2, window_bounds = array<i64: 512, 128>}]} {
    %get3A = arith.constant 0 : index
    %get3A_0 = arith.constant 0 : index
    %get3A_1 = vector.load %arg1[%get3A, %get3A_0] : memref<512x128xf32, #tpu.memory_space<vmem>>, vector<512x128xf32>
    %get3A_2 = arith.constant 0 : index
    %get3A_3 = arith.constant 0 : index
    %get3A_4 = arith.constant 0 : index
    %get3A_5 = vector.load %arg2[%get3A_2, %get3A_3, %get3A_4] : memref<2x512x128xf32, #tpu.memory_space<vmem>>, vector<2x512x128xf32>
    %slice3A = vector.extract_strided_slice %get3A_5 {offsets = [0, 0, 0], sizes = [1, 512, 128], strides = [1, 1, 1]} : vector<2x512x128xf32> to vector<1x512x128xf32>
    %squeeze3A = vector.shape_cast %slice3A : vector<1x512x128xf32> to vector<512x128xf32>
    %add3A = arith.constant 1.000000e+00 : f32
    %add3A_6 = vector.broadcast %add3A : f32 to vector<512x128xf32>
    %add3A_7 = arith.addf %add3A_6, %squeeze3A : vector<512x128xf32>
    %slice3A_8 = vector.extract_strided_slice %get3A_5 {offsets = [1, 0, 0], sizes = [1, 512, 128], strides = [1, 1, 1]} : vector<2x512x128xf32> to vector<1x512x128xf32>
    %squeeze3A_9 = vector.shape_cast %slice3A_8 : vector<1x512x128xf32> to vector<512x128xf32>
    %add3A_10 = arith.addf %add3A_7, %squeeze3A_9 : vector<512x128xf32>
    %rsqrt3A = math.rsqrt %add3A_10 : vector<512x128xf32>
    %mul3A = arith.mulf %get3A_1, %rsqrt3A : vector<512x128xf32>
    %swap3A = arith.constant 0 : index
    %swap3A_11 = arith.constant 0 : index
    %swap3A_12 = vector.load %arg3[%swap3A, %swap3A_11] : memref<512x128xf32, #tpu.memory_space<vmem>>, vector<512x128xf32>
    tpu.vector_store %arg3[%swap3A, %swap3A_11], %mul3A {strides = array<i32>} : memref<512x128xf32, #tpu.memory_space<vmem>>, vector<512x128xf32>,
    return
  }
  func.func @transform_0(%arg0: i32) -> (i32, i32) {
    %c0_i32 = arith.constant 0 : i32
    %c0_i32_0 = arith.constant 0 : i32
    return %arg0, %c0_i32 : i32, i32
  }
  func.func @transform_1(%arg0: i32) -> (i32, i32, i32) {
    %c0_i32 = arith.constant 0 : i32
    %c0_i32_0 = arith.constant 0 : i32
    %c0_i32_1 = arith.constant 0 : i32
    return %c0_i32, %arg0, %c0_i32_0 : i32, i32, i32
  }
  func.func @transform_2(%arg0: i32) -> (i32, i32) {
    %c0_i32 = arith.constant 0 : i32
    %c0_i32_0 = arith.constant 0 : i32
    return %arg0, %c0_i32 : i32, i32
  }
}

module attributes {stable_mosaic.version = 14 : i64} {
  func.func @_tc_mid_body(%arg0: i32, %arg1: memref<512x128xf32, #tpu.memory_space<vmem>>, %arg2: memref<2x512x128xf32, #tpu.memory_space<vmem>>, %arg3: memref<2x512x128xf32, #tpu.memory_space<vmem>>, %arg4: memref<8x128xf32, #tpu.memory_space<vmem>>, %arg5: memref<128x128xf32, #tpu.memory_space<vmem>>, %arg6: memref<512x128xf32, #tpu.memory_space<vmem>>) attributes {dimension_semantics = [#tpu.dimension_semantics<arbitrary>], iteration_bounds = array<i64: 5>, scalar_prefetch = 0 : i64, scratch_operands = 0 : i64, tpu.core_type = #tpu.core_type<tc>, window_params = [{transform_indices = @transform_0, window_bounds = array<i64: 512, 128>}, {transform_indices = @transform_1, window_bounds = array<i64: 2, 512, 128>}, {transform_indices = @transform_2, window_bounds = array<i64: 2, 512, 128>}, {pipeline_mode = #tpu.pipeline_mode<synchronous>, transform_indices = @transform_3, window_bounds = array<i64: 8, 128>}, {pipeline_mode = #tpu.pipeline_mode<synchronous>, transform_indices = @transform_4, window_bounds = array<i64: 128, 128>}, {transform_indices = @transform_5, window_bounds = array<i64: 512, 128>}]} {
    %get3A = arith.constant 0 : index
    %get3A_0 = arith.constant 0 : index
    %get3A_1 = arith.constant 0 : index
    %get3A_2 = vector.load %arg3[%get3A, %get3A_0, %get3A_1] : memref<2x512x128xf32, #tpu.memory_space<vmem>>, vector<2x512x128xf32>
    %slice3A = vector.extract_strided_slice %get3A_2 {offsets = [0, 0, 0], sizes = [1, 512, 128], strides = [1, 1, 1]} : vector<2x512x128xf32> to vector<1x512x128xf32>
    %squeeze3A = vector.shape_cast %slice3A : vector<1x512x128xf32> to vector<512x128xf32>
    %add3A = arith.constant 1.000000e+00 : f32
    %add3A_3 = vector.broadcast %add3A : f32 to vector<512x128xf32>
    %add3A_4 = arith.addf %add3A_3, %squeeze3A : vector<512x128xf32>
    %slice3A_5 = vector.extract_strided_slice %get3A_2 {offsets = [1, 0, 0], sizes = [1, 512, 128], strides = [1, 1, 1]} : vector<2x512x128xf32> to vector<1x512x128xf32>
    %squeeze3A_6 = vector.shape_cast %slice3A_5 : vector<1x512x128xf32> to vector<512x128xf32>
    %add3A_7 = arith.addf %add3A_4, %squeeze3A_6 : vector<512x128xf32>
    %rsqrt3A = math.rsqrt %add3A_7 : vector<512x128xf32>
    %get3A_8 = arith.constant 0 : index
    %get3A_9 = arith.constant 0 : index
    %get3A_10 = arith.constant 0 : index
    %get3A_11 = vector.load %arg2[%get3A_8, %get3A_9, %get3A_10] : memref<2x512x128xf32, #tpu.memory_space<vmem>>, vector<2x512x128xf32>
    %get3A_12 = arith.constant 0 : index
    %get3A_13 = arith.constant 0 : index
    %get3A_14 = vector.load %arg1[%get3A_12, %get3A_13] : memref<512x128xf32, #tpu.memory_space<vmem>>, vector<512x128xf32>
    %slice3A_15 = vector.extract_strided_slice %get3A_11 {offsets = [0, 0, 0], sizes = [1, 512, 128], strides = [1, 1, 1]} : vector<2x512x128xf32> to vector<1x512x128xf32>
    %squeeze3A_16 = vector.shape_cast %slice3A_15 : vector<1x512x128xf32> to vector<512x128xf32>
    %add3A_17 = arith.addf %get3A_14, %squeeze3A_16 : vector<512x128xf32>
    %slice3A_18 = vector.extract_strided_slice %get3A_11 {offsets = [1, 0, 0], sizes = [1, 512, 128], strides = [1, 1, 1]} : vector<2x512x128xf32> to vector<1x512x128xf32>
    %squeeze3A_19 = vector.shape_cast %slice3A_18 : vector<1x512x128xf32> to vector<512x128xf32>
    %add3A_20 = arith.addf %add3A_17, %squeeze3A_19 : vector<512x128xf32>
    %mul3A = arith.mulf %add3A_20, %rsqrt3A : vector<512x128xf32>
    %get3A_21 = arith.constant 0 : index
    %get3A_22 = arith.constant 0 : index
    %get3A_23 = vector.load %arg4[%get3A_21, %get3A_22] : memref<8x128xf32, #tpu.memory_space<vmem>>, vector<1x128xf32>
    %add3A_24 = vector.broadcast %get3A_23 : vector<1x128xf32> to vector<512x128xf32>
    %add3A_25 = arith.addf %mul3A, %add3A_24 : vector<512x128xf32>
    %max3A = arith.constant 0.000000e+00 : f32
    %max3A_26 = vector.broadcast %max3A : f32 to vector<512x128xf32>
    %max3A_27 = arith.maximumf %add3A_25, %max3A_26 : vector<512x128xf32>
    %get3A_28 = arith.constant 0 : index
    %get3A_29 = arith.constant 0 : index
    %get3A_30 = vector.load %arg5[%get3A_28, %get3A_29] : memref<128x128xf32, #tpu.memory_space<vmem>>, vector<128x128xf32>
    %dot_general3A = arith.constant dense<0.000000e+00> : vector<512x128xf32>
    %dot_general3A_31 = tpu.matmul %max3A_27, %get3A_30, %dot_general3A {dimension_numbers = #tpu.dot_dimension_numbers<[1], [0], [0], [1], [0, 0, 1, 1], [], []>, transpose_lhs_hint = false} : vector<512x128xf32>, vector<128x128xf32>, vector<512x128xf32> -> vector<512x128xf32>
    %mul3A_32 = arith.mulf %dot_general3A_31, %rsqrt3A : vector<512x128xf32>
    %swap3A = arith.constant 0 : index
    %swap3A_33 = arith.constant 0 : index
    %swap3A_34 = vector.load %arg6[%swap3A, %swap3A_33] : memref<512x128xf32, #tpu.memory_space<vmem>>, vector<512x128xf32>
    tpu.vector_store %arg6[%swap3A, %swap3A_33], %mul3A_32 {strides = array<i32>} : memref<512x128xf32, #tpu.memory_space<vmem>>, vector<512x128xf32>,
    return
  }
  func.func @transform_0(%arg0: i32) -> (i32, i32) {
    %c0_i32 = arith.constant 0 : i32
    %c0_i32_0 = arith.constant 0 : i32
    return %arg0, %c0_i32 : i32, i32
  }
  func.func @transform_1(%arg0: i32) -> (i32, i32, i32) {
    %c0_i32 = arith.constant 0 : i32
    %c0_i32_0 = arith.constant 0 : i32
    %c0_i32_1 = arith.constant 0 : i32
    return %c0_i32, %arg0, %c0_i32_0 : i32, i32, i32
  }
  func.func @transform_2(%arg0: i32) -> (i32, i32, i32) {
    %c0_i32 = arith.constant 0 : i32
    %c0_i32_0 = arith.constant 0 : i32
    %c0_i32_1 = arith.constant 0 : i32
    return %c0_i32, %arg0, %c0_i32_0 : i32, i32, i32
  }
  func.func @transform_3(%arg0: i32) -> (i32, i32) {
    %c0_i32 = arith.constant 0 : i32
    %c0_i32_0 = arith.constant 0 : i32
    %c0_i32_1 = arith.constant 0 : i32
    return %c0_i32, %c0_i32_0 : i32, i32
  }
  func.func @transform_4(%arg0: i32) -> (i32, i32) {
    %c0_i32 = arith.constant 0 : i32
    %c0_i32_0 = arith.constant 0 : i32
    %c0_i32_1 = arith.constant 0 : i32
    return %c0_i32, %c0_i32_0 : i32, i32
  }
  func.func @transform_5(%arg0: i32) -> (i32, i32) {
    %c0_i32 = arith.constant 0 : i32
    %c0_i32_0 = arith.constant 0 : i32
    return %arg0, %c0_i32 : i32, i32
  }
}

module attributes {stable_mosaic.version = 14 : i64} {
  func.func @_tc_last_body(%arg0: i32, %arg1: memref<512x128xf32, #tpu.memory_space<vmem>>, %arg2: memref<2x512x128xf32, #tpu.memory_space<vmem>>, %arg3: memref<2x512x128xf32, #tpu.memory_space<vmem>>, %arg4: memref<8x128xf32, #tpu.memory_space<vmem>>, %arg5: memref<128x128xf32, #tpu.memory_space<vmem>>, %arg6: memref<512x128xf32, #tpu.memory_space<vmem>>) attributes {dimension_semantics = [#tpu.dimension_semantics<arbitrary>], iteration_bounds = array<i64: 5>, scalar_prefetch = 0 : i64, scratch_operands = 0 : i64, tpu.core_type = #tpu.core_type<tc>, window_params = [{transform_indices = @transform_0, window_bounds = array<i64: 512, 128>}, {transform_indices = @transform_1, window_bounds = array<i64: 2, 512, 128>}, {transform_indices = @transform_2, window_bounds = array<i64: 2, 512, 128>}, {pipeline_mode = #tpu.pipeline_mode<synchronous>, transform_indices = @transform_3, window_bounds = array<i64: 8, 128>}, {pipeline_mode = #tpu.pipeline_mode<synchronous>, transform_indices = @transform_4, window_bounds = array<i64: 128, 128>}, {transform_indices = @transform_5, window_bounds = array<i64: 512, 128>}]} {
    %get3A = arith.constant 0 : index
    %get3A_0 = arith.constant 0 : index
    %get3A_1 = arith.constant 0 : index
    %get3A_2 = vector.load %arg3[%get3A, %get3A_0, %get3A_1] : memref<2x512x128xf32, #tpu.memory_space<vmem>>, vector<2x512x128xf32>
    %slice3A = vector.extract_strided_slice %get3A_2 {offsets = [0, 0, 0], sizes = [1, 512, 128], strides = [1, 1, 1]} : vector<2x512x128xf32> to vector<1x512x128xf32>
    %squeeze3A = vector.shape_cast %slice3A : vector<1x512x128xf32> to vector<512x128xf32>
    %add3A = arith.constant 1.000000e+00 : f32
    %add3A_3 = vector.broadcast %add3A : f32 to vector<512x128xf32>
    %add3A_4 = arith.addf %add3A_3, %squeeze3A : vector<512x128xf32>
    %slice3A_5 = vector.extract_strided_slice %get3A_2 {offsets = [1, 0, 0], sizes = [1, 512, 128], strides = [1, 1, 1]} : vector<2x512x128xf32> to vector<1x512x128xf32>
    %squeeze3A_6 = vector.shape_cast %slice3A_5 : vector<1x512x128xf32> to vector<512x128xf32>
    %add3A_7 = arith.addf %add3A_4, %squeeze3A_6 : vector<512x128xf32>
    %rsqrt3A = math.rsqrt %add3A_7 : vector<512x128xf32>
    %get3A_8 = arith.constant 0 : index
    %get3A_9 = arith.constant 0 : index
    %get3A_10 = arith.constant 0 : index
    %get3A_11 = vector.load %arg2[%get3A_8, %get3A_9, %get3A_10] : memref<2x512x128xf32, #tpu.memory_space<vmem>>, vector<2x512x128xf32>
    %get3A_12 = arith.constant 0 : index
    %get3A_13 = arith.constant 0 : index
    %get3A_14 = vector.load %arg1[%get3A_12, %get3A_13] : memref<512x128xf32, #tpu.memory_space<vmem>>, vector<512x128xf32>
    %slice3A_15 = vector.extract_strided_slice %get3A_11 {offsets = [0, 0, 0], sizes = [1, 512, 128], strides = [1, 1, 1]} : vector<2x512x128xf32> to vector<1x512x128xf32>
    %squeeze3A_16 = vector.shape_cast %slice3A_15 : vector<1x512x128xf32> to vector<512x128xf32>
    %add3A_17 = arith.addf %get3A_14, %squeeze3A_16 : vector<512x128xf32>
    %slice3A_18 = vector.extract_strided_slice %get3A_11 {offsets = [1, 0, 0], sizes = [1, 512, 128], strides = [1, 1, 1]} : vector<2x512x128xf32> to vector<1x512x128xf32>
    %squeeze3A_19 = vector.shape_cast %slice3A_18 : vector<1x512x128xf32> to vector<512x128xf32>
    %add3A_20 = arith.addf %add3A_17, %squeeze3A_19 : vector<512x128xf32>
    %mul3A = arith.mulf %add3A_20, %rsqrt3A : vector<512x128xf32>
    %get3A_21 = arith.constant 0 : index
    %get3A_22 = arith.constant 0 : index
    %get3A_23 = vector.load %arg4[%get3A_21, %get3A_22] : memref<8x128xf32, #tpu.memory_space<vmem>>, vector<1x128xf32>
    %add3A_24 = vector.broadcast %get3A_23 : vector<1x128xf32> to vector<512x128xf32>
    %add3A_25 = arith.addf %mul3A, %add3A_24 : vector<512x128xf32>
    %get3A_26 = arith.constant 0 : index
    %get3A_27 = arith.constant 0 : index
    %get3A_28 = vector.load %arg5[%get3A_26, %get3A_27] : memref<128x128xf32, #tpu.memory_space<vmem>>, vector<128x128xf32>
    %dot_general3A = arith.constant dense<0.000000e+00> : vector<512x128xf32>
    %dot_general3A_29 = tpu.matmul %add3A_25, %get3A_28, %dot_general3A {dimension_numbers = #tpu.dot_dimension_numbers<[1], [0], [0], [1], [0, 0, 1, 1], [], []>, transpose_lhs_hint = false} : vector<512x128xf32>, vector<128x128xf32>, vector<512x128xf32> -> vector<512x128xf32>
    %mul3A_30 = arith.constant 3.125000e-02 : f32
    %mul3A_31 = vector.broadcast %mul3A_30 : f32 to vector<512x128xf32>
    %mul3A_32 = arith.mulf %dot_general3A_29, %mul3A_31 : vector<512x128xf32>
    %sub3A = arith.subf %add3A_25, %mul3A_32 : vector<512x128xf32>
    %iota3A = tpu.iota {dimensions = array<i32: 1>} : vector<512x128xi32>
    %jit3A = arith.constant 32 : i32
    %eq3A = arith.constant 0 : i32
    %eq3A_33 = arith.cmpi eq, %jit3A, %eq3A : i32
    %jit3A_34 = arith.constant 1 : i32
    %select_n3A = arith.select %eq3A_33, %jit3A_34, %jit3A : i32
    %rem3A = vector.broadcast %select_n3A : i32 to vector<512x128xi32>
    %rem3A_35 = arith.remsi %iota3A, %rem3A : vector<512x128xi32>
    %ne3A = arith.constant 0 : i32
    %ne3A_36 = vector.broadcast %ne3A : i32 to vector<512x128xi32>
    %ne3A_37 = arith.cmpi ne, %rem3A_35, %ne3A_36 : vector<512x128xi32>
    %lt3A = arith.constant 0 : i32
    %lt3A_38 = vector.broadcast %lt3A : i32 to vector<512x128xi32>
    %lt3A_39 = arith.cmpi slt, %rem3A_35, %lt3A_38 : vector<512x128xi32>
    %lt3A_40 = arith.constant 0 : i32
    %lt3A_41 = arith.cmpi slt, %select_n3A, %lt3A_40 : i32
    %ne3A_42 = vector.broadcast %lt3A_41 : i1 to vector<512x128xi1>
    %ne3A_43 = vector.broadcast %ne3A_42 : vector<512x128xi1> to vector<512x128xi1>
    %ne3A_44 = arith.xori %lt3A_39, %ne3A_43 : vector<512x128xi1>
    %and3A = arith.andi %ne3A_44, %ne3A_37 : vector<512x128xi1>
    %add3A_45 = vector.broadcast %select_n3A : i32 to vector<512x128xi32>
    %add3A_46 = arith.addi %rem3A_35, %add3A_45 : vector<512x128xi32>
    %select_n3A_47 = arith.select %and3A, %add3A_46, %rem3A_35 : vector<512x128xi1>, vector<512x128xi32>
    %lt3A_48 = arith.constant 10 : i32
    %lt3A_49 = vector.broadcast %lt3A_48 : i32 to vector<512x128xi32>
    %lt3A_50 = arith.cmpi slt, %select_n3A_47, %lt3A_49 : vector<512x128xi32>
    %exp3A = math.exp %sub3A : vector<512x128xf32>
    %jit3A_51 = arith.constant 0.000000e+00 : f32
    %broadcast_in_dim3A = vector.broadcast %jit3A_51 : f32 to vector<512x128xf32>
    %select_n3A_52 = arith.select %lt3A_50, %exp3A, %broadcast_in_dim3A : vector<512x128xi1>, vector<512x128xf32>
    %dot_general3A_53 = arith.constant dense<0.000000e+00> : vector<512x128xf32>
    %dot_general3A_54 = tpu.matmul %select_n3A_52, %get3A_28, %dot_general3A_53 {dimension_numbers = #tpu.dot_dimension_numbers<[1], [0], [0], [1], [0, 0, 1, 1], [], []>, transpose_lhs_hint = false} : vector<512x128xf32>, vector<128x128xf32>, vector<512x128xf32> -> vector<512x128xf32>
    %log3A = math.log %dot_general3A_54 : vector<512x128xf32>
    %sub3A_55 = arith.subf %sub3A, %log3A : vector<512x128xf32>
    %swap3A = arith.constant 0 : index
    %swap3A_56 = arith.constant 0 : index
    %swap3A_57 = vector.load %arg6[%swap3A, %swap3A_56] : memref<512x128xf32, #tpu.memory_space<vmem>>, vector<512x128xf32>
    tpu.vector_store %arg6[%swap3A, %swap3A_56], %sub3A_55 {strides = array<i32>} : memref<512x128xf32, #tpu.memory_space<vmem>>, vector<512x128xf32>,
    return
  }
  func.func @transform_0(%arg0: i32) -> (i32, i32) {
    %c0_i32 = arith.constant 0 : i32
    %c0_i32_0 = arith.constant 0 : i32
    return %arg0, %c0_i32 : i32, i32
  }
  func.func @transform_1(%arg0: i32) -> (i32, i32, i32) {
    %c0_i32 = arith.constant 0 : i32
    %c0_i32_0 = arith.constant 0 : i32
    %c0_i32_1 = arith.constant 0 : i32
    return %c0_i32, %arg0, %c0_i32_0 : i32, i32, i32
  }
  func.func @transform_2(%arg0: i32) -> (i32, i32, i32) {
    %c0_i32 = arith.constant 0 : i32
    %c0_i32_0 = arith.constant 0 : i32
    %c0_i32_1 = arith.constant 0 : i32
    return %c0_i32, %arg0, %c0_i32_0 : i32, i32, i32
  }
  func.func @transform_3(%arg0: i32) -> (i32, i32) {
    %c0_i32 = arith.constant 0 : i32
    %c0_i32_0 = arith.constant 0 : i32
    %c0_i32_1 = arith.constant 0 : i32
    return %c0_i32, %c0_i32_0 : i32, i32
  }
  func.func @transform_4(%arg0: i32) -> (i32, i32) {
    %c0_i32 = arith.constant 0 : i32
    %c0_i32_0 = arith.constant 0 : i32
    %c0_i32_1 = arith.constant 0 : i32
    return %c0_i32, %c0_i32_0 : i32, i32
  }
  func.func @transform_5(%arg0: i32) -> (i32, i32) {
    %c0_i32 = arith.constant 0 : i32
    %c0_i32_0 = arith.constant 0 : i32
    return %arg0, %c0_i32 : i32, i32
  }
}

</mosaic_0001>

<sc_bundles>
// kernel: kernel.11.cloned.1.call-start
scs
__scs_entry_jumppad:
0x0: {  	(pc) =	sbr.rel $0x88, $3  }
0x1: {  	(tag) =	ssettag $0x0;
	lr =	simm.s32 $0x1  }
0x2: {  	[smem:$0x3F99] =	sst lr;
	_ =	strace $0xD0000000  }
0x3: {  	_ = 	snop  }
0x4: {  	_ = 	snop  }
0x5: {  	_ = 	snop  }
0x6: {  	_ = 	snop  }
0x7: {  	_ = 	snop  }
__scs_overlays_trampoline_lowered:
0x8: {  	[smem:$0x3FA8] =	sst s0  }
0x9: {  	[smem:$0x3FA9] =	sst s1  }
0xa: {  	[smem:$0x3FAA] =	sst s2  }
0xb: {  	[smem:$0x3FAB] =	sst s3  }
0xc: {  	[smem:$0x3FAC] =	sst s4  }
0xd: {  	[smem:$0x3FAD] =	sst s5  }
0xe: {  	[smem:$0x3FAE] =	sst s6  }
0xf: {  	[smem:$0x3FAF] =	sst s7  }
0x10: {  	[smem:$0x3FB0] =	sst s8  }
0x11: {  	[smem:$0x3FB1] =	sst s9;
	s0 =	simm.s32 @!p0 $0x0  }
0x12: {  	s1 =	sld [smem:$0x3F97];
	s0 =	simm.s32 @p0 $0x1  }
0x13: {  	[smem:$0x3FB2] =	sst s0;
	s0 =	simm.s32 @!p1 $0x0  }
0x14: {  	s2 =	sld [smem:$0x3F96];
	s0 =	simm.s32 @p1 $0x1  }
0x15: {  	[smem:$0x3FB3] =	sst s0;
	s0 =	simm.s32 @!p2 $0x0  }
0x16: {  	s3 =	sld [smem:$0x3FDB];
	s0 =	simm.s32 @p2 $0x1  }
0x17: {  	s4 =	simm.s32 $0x1BF5;
	[smem:$0x3FB5] =	sst s0  }
0x18: {  	s0 =	sld [smem:$0x3F98];
	_ =	swait.ge [sflag:s4], $0x0  }
0x19: {  	s7 =	sld [smem:$0x3F99]  }
0x1a: {  	s8 =	sadd.s32 $0xFFFFE003, lr  }
0x1b: {  	s9 =	sadd.s32 $0xFFFFFEF7, lr;
	s5 =	simm.s32 $0xFFFFFFFF;
	p2 =	slt.u32 s8, $0xFFFFF086  }
0x1c: {  	p1 =	slt.u32 s9, $0xF7A;
	s5 =	simm.s32 @!p2 $0x0  }
0x1d: {  	s5 =	simm.s32 @p1 $0x1;
	p0 =	seq.s32 s7, s2  }
0x1e: {  	s7 =	smul.u32 @!p0 $0xF7A, s2;
	p2 =	seq.s32 @!p0 s5, $0x0  }
0x1f: {  	s9 =	smul.u32 $0xF7A, s1;
	s8 =	simm.s32 @!p0 $0x1BF5;
	p2 =	por !p2, p0  }
0x20: {  	[sflag:s8] =	ssyncset.s32 @!p0 $0xFFFFF086;
	s6 =	sadd.s32 @!p0 s3, s7;
	s7 =	simm.s32 @!p0 $0x108  }
0x21: {  	s3 =	sadd.s32 s3, s9;
	s6 =	sadd.s32 @!p0 $0x88, s6;
	s7 =	simm.s32 @p2 $0x1082  }
0x22: {  	[simem:s7], [sflag:s8] =	dma.local @!p0 [hbm:s6], $0xF7A  }
0x23: {  	s9 =	sor.u32 $0xD0000000, s2;
	s6 =	simm.s32 $0x108;
	_ =	swait.ge @!p0 [sflag:s8], $0x0  }
0x24: {  	s3 =	sadd.s32 $0x88, s3;
	s6 =	simm.s32 @!p1 $0x1082;
	[sflag:s4] =	ssyncset.s32 $0xFFFFF086  }
0x25: {  	[simem:s6], [sflag:s4] =	dma.local [hbm:s3], $0xF7A  }
0x26: {  	[smem:$0x3F99] =	sst s1;
	(tag) =	ssettag s2;
	_ =	strace s9  }
0x27: {  	s1 =	sld [smem:$0x3FA9]  }
0x28: {  	s2 =	sld [smem:$0x3FAA]  }
0x29: {  	s4 =	sld [smem:$0x3FAC]  }
0x2a: {  	p0 =	seq.s32 s5, $0x0;
	s5 =	sld [smem:$0x3FAD]  }
0x2b: {  	s6 =	sld [smem:$0x3FAE]  }
0x2c: {  	s7 =	sld [smem:$0x3FAF]  }
0x2d: {  	s3 =	simm.s32 $0x108;
	s8 =	sld [smem:$0x3FB0]  }
0x2e: {  	s3 =	simm.s32 @!p0 $0x1082;
	s9 =	sld [smem:$0x3FB1]  }
0x2f: {  	lr =	sadd.s32 s0, s3;
	s0 =	sld [smem:$0x3FA8]  }
0x30: {  	s3 =	sld [smem:$0x3FAB]  }
0x31: {  	[smem:$0x3FB4] =	sst s10  }
0x32: {  	s10 =	sld [smem:$0x3FB2];
	_ =	sdelay $0x3  }
0x33: {  	p0 =	seq.s32 s10, $0x1;
	s10 =	sld [smem:$0x3FB4];
	_ =	sdelay $0x3  }
0x34: {  	[smem:$0x3FB4] =	sst s10  }
0x35: {  	s10 =	sld [smem:$0x3FB3];
	_ =	sdelay $0x3  }
0x36: {  	p1 =	seq.s32 s10, $0x1;
	s10 =	sld [smem:$0x3FB4];
	_ =	sdelay $0x3  }
0x37: {  	[smem:$0x3FB4] =	sst s10  }
0x38: {  	s10 =	sld [smem:$0x3FB5]  }
0x39: {  	_ = 	snop;
	(pc) =	sbr.ind lr, $3  }
0x3a: {  	_ = 	snop  }
0x3b: {  	_ = 	snop  }
0x3c: {  	p2 =	seq.s32 s10, $0x1;
	s10 =	sld [smem:$0x3FB4]  }
0x3d: {  	_ =	shalt  }
0x3e: {  	_ =	shalt  }
0x3f: {  	_ =	shalt  }
0x40: {  	_ =	shalt  }
0x41: {  	_ =	shalt  }
0x42: {  	_ =	shalt  }
0x43: {  	_ =	shalt  }
0x44: {  	_ =	shalt  }
0x45: {  	_ =	shalt  }
0x46: {  	_ =	shalt  }
0x47: {  	_ =	shalt  }
0x48: {  	_ =	shalt  }
0x49: {  	_ =	shalt  }
0x4a: {  	_ =	shalt  }
0x4b: {  	_ =	shalt  }
0x4c: {  	_ =	shalt  }
0x4d: {  	_ =	shalt  }
0x4e: {  	_ =	shalt  }
0x4f: {  	_ =	shalt  }
0x50: {  	_ =	shalt  }
0x51: {  	_ =	shalt  }
0x52: {  	_ =	shalt  }
0x53: {  	_ =	shalt  }
0x54: {  	_ =	shalt  }
0x55: {  	_ =	shalt  }
0x56: {  	_ =	shalt  }
0x57: {  	_ =	shalt  }
0x58: {  	_ =	shalt  }
0x59: {  	_ =	shalt  }
0x5a: {  	_ =	shalt  }
0x5b: {  	_ =	shalt  }
0x5c: {  	_ =	shalt  }
0x5d: {  	_ =	shalt  }
0x5e: {  	_ =	shalt  }
0x5f: {  	_ =	shalt  }
0x60: {  	_ =	shalt  }
0x61: {  	_ =	shalt  }
0x62: {  	_ =	shalt  }
0x63: {  	_ =	shalt  }
0x64: {  	_ =	shalt  }
0x65: {  	_ =	shalt  }
0x66: {  	_ =	shalt  }
0x67: {  	_ =	shalt  }
0x68: {  	_ =	shalt  }
0x69: {  	_ =	shalt  }
0x6a: {  	_ =	shalt  }
0x6b: {  	_ =	shalt  }
0x6c: {  	_ =	shalt  }
0x6d: {  	_ =	shalt  }
0x6e: {  	_ =	shalt  }
0x6f: {  	_ =	shalt  }
0x70: {  	_ =	shalt  }
0x71: {  	_ =	shalt  }
0x72: {  	_ =	shalt  }
0x73: {  	_ =	shalt  }
0x74: {  	_ =	shalt  }
0x75: {  	_ =	shalt  }
0x76: {  	_ =	shalt  }
0x77: {  	_ =	shalt  }
0x78: {  	_ =	shalt  }
0x79: {  	_ =	shalt  }
0x7a: {  	_ =	shalt  }
0x7b: {  	_ =	shalt  }
0x7c: {  	_ =	shalt  }
0x7d: {  	_ =	shalt  }
0x7e: {  	_ =	shalt  }
0x7f: {  	_ =	shalt  }
0x80: {  	_ =	shalt  }
0x81: {  	_ =	shalt  }
0x82: {  	_ =	shalt  }
0x83: {  	_ =	shalt  }
0x84: {  	_ =	shalt  }
0x85: {  	_ =	shalt  }
0x86: {  	_ =	shalt  }
0x87: {  	_ =	shalt  }
.Lfunc_end0:
.L_simem_size_0:
called_computation_lowered:
.L_overlay_start_0:
0x88: {  	s2 =	sld [smem:$0x3FD9]  }
0x89: {  	s3 =	sld [smem:$0x3FFE];
	_ =	sdelay $0x1  }
0x8a: {  	s1 =	srdreg.scid  }
0x8b: {  	s0 =	sand.u32 $0x1, s1  }
0x8c: {  	s17 =	sshll.u32 s0, $0xA;
	s2 =	sadd.s32 s3, s2  }
0x8d: {  	s2 =	sadd.s32 s2, s17  }
0x8e: {  	[smem:$0x3FC0] =	sst s2  }
0x8f: {  	_ = 	snop  }
0x90: {  	s2 =	sld [smem:$0x3FD0];
	(tm) =	ssettm $0x1  }
0x91: {  	s18 =	sld [smem:$0x3FFB];
	_ =	sdelay $0x3  }
0x92: {  	_ =	strace s18  }
0x93: {  	s3 =	sld [smem:$0x3FFC];
	_ =	sdelay $0x3  }
0x94: {  	_ =	strace s3  }
0x95: {  	s3 =	sld [smem:$0x3FFD];
	_ =	sdelay $0x3  }
0x96: {  	_ =	strace s3  }
0x97: {  	_ =	strace $0x8FFFFFFF  }
0x98: {  	s19 =	sld [smem:$0x3FDB];
	_ =	sdelay $0x1  }
0x99: {  	s4 =	simm.s32 $_scs_section_size  }
0x9a: {  	s5 =	simm.s32 $_size__tile_overlayer_lowered;
	s6 =	simm.s32 $_tile_overlayer_lowered  }
0x9b: {  	s22 =	simm.s32 $0x1BFF;
	s21 =	sshll.u32 s6, $0x1;
	s3 =	sadd.s32 s4, s19  }
0x9c: {  	s7 =	simm.s32 $0x0;
	s20 =	sshll.u32 s5, $0x1;
	s5 =	sadd.s32 s21, s3  }
0x9d: {  	[timem:s7], [sflag:s22] =	dma.local [hbm:s5], s20  }
0x9e: {  	_ =	swait.ge [sflag:s22], s20  }
0x9f: {  	s4 =	ssub.s32 $0x0, s20;
	[sflag:s22] =	ssyncset.done $0x0  }
0xa0: {  	[sflag:s22] =	ssyncadd.s32 s4;
	_ =	sdelay $0x1  }
0xa1: {  	s23 =	simm.s32 $0x1B8B  }
0xa2: {  	_ =	swait.ge [sflag:s23], $0x1  }
0xa3: {  	[sflag:s23] =	ssyncset.done $0x0  }
0xa4: {  	s25 =	simm.s32 $0x1B8E;
	s24 =	sld [smem:$0x3FFE];
	[sflag:s23] =	ssyncadd.s32 $0xFFFFFFFF  }
0xa5: {  	s26 =	simm.s32 $execute0_lowered;
	[smem:$0x3FD2] =	sst s25  }
0xa6: {  	s5 =	sshll.u32 s26, $0x1;
	_ =	strace $0x80000046;
	[dreg:$0x1] =	wrdreg $0xFFFFFFFF  }
0xa7: {  	s28 =	simm.s32 $_size_execute0_lowered;
	s3 =	sadd.s32 s3, s5;
	[dreg:$0x0] =	wrdreg $0x0  }
0xa8: {  	s5 =	sshll.u32 s28, $0x1;
	[dreg:$0x2] =	wrdreg s3  }
0xa9: {  	[dreg:$0x3] =	wrdreg s5  }
0xaa: {  	[dreg:$0x4] =	wrdreg $0xC0  }
0xab: {  	_ =	task [dreg:s7], $0x5FFFF  }
0xac: {  	[dreg:$0x1] =	wrdreg $0xFFFFFFFF  }
0xad: {  	[dreg:$0x0] =	wrdreg $0x60  }
0xae: {  	[dreg:$0x2] =	wrdreg s24  }
0xaf: {  	[dreg:$0x3] =	wrdreg s2  }
0xb0: {  	[dreg:$0x4] =	wrdreg $0x38000  }
0xb1: {  	[dreg:$0x5] =	wrdreg $0x9  }
0xb2: {  	_ =	task.clear_ibuf [dreg:s7], $0x6FFFF;
	_ =	strace $0x90000046  }
0xb3: {  	s29 =	simm.s32 $0x9;
	_ =	strace $0x80000048  }
0xb4: {  	_ =	swait.ge [sflag:s29], $0x1  }
0xb5: {  	[sflag:s29] =	ssyncadd.s32 $0xFFFFFFFF  }
0xb6: {  	_ =	strace $0x90000048  }
0xb7: {  	_ =	sfence  }
0xb8: {  	s30 =	sld [smem:$0x0];
	_ =	sdelay $0x2  }
0xb9: {  	s31 =	sshll.u32 s1, $0xD;
	s1 =	sshrl.u32 s1, $0x2  }
0xba: {  	s3 =	sand.u32 $0x4000, s31;
	s1 =	sadd.s32 s1, s30  }
0xbb: {  	s0 =	sor.u32 s3, s0;
	s1 =	sshll.u32 s1, $0x11  }
0xbc: {  	s0 =	sor.u32 s1, s0  }
0xbd: {  	s0 =	sadd.s32 $0x8F2B, s0  }
0xbe: {  	[sflag:s0] =	ssyncadd.remote.s32 $0x1  }
0xbf: {  	_ =	sfence.sel $0xFFFF  }
0xc0: {  	[dreg:$0x0] =	wrdreg $0xFFFFFFFF;
	(pc) =	sbr.abs _section_cstart, $3  }
0xc1: {  	[dreg:$0x1] =	wrdreg $0xFFFFFFFF  }
0xc2: {  	_ =	task.clear_ibuf [dreg:s7], $0x2FFFF;
	_ =	strace $0x9FFFFFFF  }
0xc3: {  	(tm) =	ssettm $0x7FFFFFFF  }
tec
execute0_lowered:
.L_overlay_start_1:
0x0: {  	(tag) =	ssettag $0x1  }
0x1: {  	s5 =	rddreg [dreg:$0x0]  }
0x2: {  	s1 =	srdreg.scid;
	s2 =	rddreg [dreg:$0x1]  }
0x3: {  	s0 =	stileid.u32;
	s3 =	rddreg [dreg:$0x2];
	s4 =	simm.s32 $0x0  }
0x4: {  	s13 =	simm.s32 $0x80;
	s14 =	simm.s32 $0x100;
	s15 =	simm.s32 $0x180  }
0x5: {  	s16 =	simm.s32 $0x1;
	s17 =	simm.s32 $0x2;
	s18 =	simm.s32 $0x3  }
0x6: {  	s19 =	simm.s32 $0x4;
	s20 =	simm.s32 $0x0;
	s6 =	sand.u32 $0x1, s1  }
0x7: {  	s30 =	sshll.u32 s0, $0x1;
	s8 =	smul.u32 $0x5000, s0;
	[smem:$0x7FF] =	sst s4  }
0x8: {  	s31 =	sshll.u32 s0, $0x6;
	s1 =	sor.u32 s6, s30;
	s9 =	smul.u32 $0x50000, s6  }
0x9: {  	s6 =	ssub.s32 $0x2, s6;
	s7 =	smul.u32 $0x500, s1;
	s1 =	rddreg [dreg:$0x3]  }
0xa: {  	_ =	strace $0x80000047;
	s10 =	sshrl.u32 s8, $0x3;
	s11 =	sshrl.u32 s6, $0x1  }
0xb: {  	s12 =	sadd.s32 s8, s3;
	s9 =	sadd.s32 s8, s9;
	s10 =	sadd.s32 s10, s5  }
0xc: {  	s11 =	ssub.s32 s6, s11;
	s6 =	sor.u32 $0x1C05, s31;
	s9 =	sshrl.u32 s9, $0x3  }
0xd: {  	s7 =	sadd.s32 s7, s5;
	s9 =	sadd.s32 s9, s5;
	s5 =	sadd.s32 $0x17400, s10  }
0xe: {  	s7 =	sadd.s32 $0x3400, s7;
	s10 =	sshrl.u32 s12, $0x3;
	s12 =	simm.s32 $0x2800  }
0xf: {  	s8 =	sadd.s32 $0x21400, s9;
	s9 =	smax.u32 s11, $0x1;
	s11 =	simm.s32 $0x5  }
.LBB2_1:
0x10: {  	[spmem:s10], [sflag:s6] =	dma.local [hbm:s5], $0xA00  }
0x11: {  	_ =	swait.ge [sflag:s11], $0xA00  }
0x12: {  	[sflag:s11] =	ssyncset.done $0x0  }
0x13: {  	[sflag:s11] =	ssyncadd.s32 $0xFFFFF600  }
0x14: {  	[tilespmem:s4], [sflag:$0x5] =	stream.linear.gather [hbm4b:s7+s4], $0x2800, $0x38;
	[tilespmem:$0x8800] =	vst v63  }
0x15: {  	_ =	swait.ge [sflag:s11], $0x2800  }
0x16: {  	[sflag:s11] =	ssyncset.done $0x0  }
0x17: {  	[sflag:s11] =	ssyncadd.s32 $0xFFFFD800  }
0x18: {  	[tilespmem:s12], [sflag:$0x5] =	stream.linear.gather [hbm4b:s2+s4], $0x1000, $0x38;
	[tilespmem:$0x8800] =	vst v63  }
0x19: {  	_ =	swait.ge [sflag:s11], $0x1000  }
0x1a: {  	[sflag:s11] =	ssyncset.done $0x0  }
0x1b: {  	[sflag:s11] =	ssyncadd.s32 $0xFFFFF000  }
0x1c: {  	[bflag:$0x0] =	sbarrier.arrive $0xFFFF  }
0x1d: {  	[spmem:s3] =	stream.indirect.scatter.add.f32 [tilespmem:s12], [sflag:$0x1], $0x20, s4, s13, $0xb8;
	[tilespmem:$0x8800] =	vst v63  }
0x1e: {  	_ = 	snop  }
0x1f: {  	[spmem:s3] =	stream.indirect.scatter.add.f32 [tilespmem:s12], [sflag:$0x2], $0x20, s13, s13, $0xb8;
	[tilespmem:$0x8800] =	vst v63  }
0x20: {  	_ = 	snop  }
0x21: {  	[spmem:s3] =	stream.indirect.scatter.add.f32 [tilespmem:s12], [sflag:$0x3], $0x20, s14, s13, $0xb8;
	[tilespmem:$0x8800] =	vst v63  }
0x22: {  	_ = 	snop  }
0x23: {  	[spmem:s3] =	stream.indirect.scatter.add.f32 [tilespmem:s12], [sflag:$0x4], $0x20, s15, s13, $0xb8;
	[tilespmem:$0x8800] =	vst v63  }
0x24: {  	_ =	swait.ge [sflag:s16], $0x1000  }
0x25: {  	[sflag:s16] =	ssyncset.done $0x0  }
0x26: {  	s21 =	simm.s32 $0x200;
	[sflag:s16] =	ssyncadd.s32 $0xFFFFF000  }
0x27: {  	[spmem:s3] =	stream.indirect.scatter.add.f32 [tilespmem:s12], [sflag:$0x1], $0x20, s21, s13, $0xb8;
	[tilespmem:$0x8800] =	vst v63  }
0x28: {  	_ =	swait.ge [sflag:s17], $0x1000  }
0x29: {  	[sflag:s17] =	ssyncset.done $0x0  }
0x2a: {  	s30 =	simm.s32 $0x280;
	[sflag:s17] =	ssyncadd.s32 $0xFFFFF000  }
0x2b: {  	[spmem:s3] =	stream.indirect.scatter.add.f32 [tilespmem:s12], [sflag:$0x2], $0x20, s30, s13, $0xb8;
	[tilespmem:$0x8800] =	vst v63  }
0x2c: {  	_ =	swait.ge [sflag:s18], $0x1000  }
0x2d: {  	[sflag:s18] =	ssyncset.done $0x0  }
0x2e: {  	s31 =	simm.s32 $0x300;
	[sflag:s18] =	ssyncadd.s32 $0xFFFFF000  }
0x2f: {  	[spmem:s3] =	stream.indirect.scatter.add.f32 [tilespmem:s12], [sflag:$0x3], $0x20, s31, s13, $0xb8;
	[tilespmem:$0x8800] =	vst v63  }
0x30: {  	_ =	swait.ge [sflag:s19], $0x1000  }
0x31: {  	[sflag:s19] =	ssyncset.done $0x0  }
0x32: {  	s22 =	simm.s32 $0x380;
	s21 =	simm.s32 $0xFFFF7000;
	[sflag:s19] =	ssyncadd.s32 $0xFFFFF000  }
.LBB2_2:
0x33: {  	[spmem:s3] =	stream.indirect.scatter.add.f32 [tilespmem:s12], [sflag:$0x4], $0x20, s22, s13, $0xb8;
	[tilespmem:$0x8800] =	vst v63  }
0x34: {  	s22 =	smov.u32 s21  }
0x35: {  	p0 =	sne.s32 s21, $0xFFFFF800;
	s21 =	sadd.s32 $0x800, s21;
	_ =	swait.ge [sflag:s16], $0x1000  }
0x36: {  	s22 =	sshra.s32 s22, $0x2;
	[sflag:s16] =	ssyncset.done $0x0  }
0x37: {  	s23 =	sadd.s32 $0x2800, s22;
	[sflag:s16] =	ssyncadd.s32 $0xFFFFF000  }
0x38: {  	[spmem:s3] =	stream.indirect.scatter.add.f32 [tilespmem:s12], [sflag:$0x1], $0x20, s23, s13, $0xb8;
	[tilespmem:$0x8800] =	vst v63  }
0x39: {  	_ =	swait.ge [sflag:s17], $0x1000  }
0x3a: {  	[sflag:s17] =	ssyncset.done $0x0  }
0x3b: {  	s23 =	sadd.s32 $0x2880, s22;
	[sflag:s17] =	ssyncadd.s32 $0xFFFFF000  }
0x3c: {  	[spmem:s3] =	stream.indirect.scatter.add.f32 [tilespmem:s12], [sflag:$0x2], $0x20, s23, s13, $0xb8;
	[tilespmem:$0x8800] =	vst v63  }
0x3d: {  	_ =	swait.ge [sflag:s18], $0x1000  }
0x3e: {  	[sflag:s18] =	ssyncset.done $0x0  }
.Ltmp0:
0x3f: {  	s23 =	sadd.s32 $0x2900, s22;
	[sflag:s18] =	ssyncadd.s32 $0xFFFFF000;
	(pc) =	sbr.rel @p0 .LBB2_2-.Ltmp0, $4  }
0x40: {  	[spmem:s3] =	stream.indirect.scatter.add.f32 [tilespmem:s12], [sflag:$0x3], $0x20, s23, s13, $0xb8;
	[tilespmem:$0x8800] =	vst v63  }
0x41: {  	_ =	swait.ge [sflag:s19], $0x1000  }
0x42: {  	[sflag:s19] =	ssyncset.done $0x0  }
0x43: {  	s22 =	sadd.s32 $0x2980, s22;
	[sflag:s19] =	ssyncadd.s32 $0xFFFFF000  }
0x44: {  	[spmem:s3] =	stream.indirect.scatter.add.f32 [tilespmem:s12], [sflag:$0x4], $0x20, s22, s13, $0xb8;
	[tilespmem:$0x8800] =	vst v63  }
0x45: {  	_ =	swait.ge [sflag:s16], $0x1000  }
0x46: {  	[sflag:s16] =	ssyncset.done $0x0  }
0x47: {  	[sflag:s16] =	ssyncadd.s32 $0xFFFFF000  }
0x48: {  	_ =	swait.ge [sflag:s17], $0x1000  }
0x49: {  	[sflag:s17] =	ssyncset.done $0x0  }
0x4a: {  	[sflag:s17] =	ssyncadd.s32 $0xFFFFF000  }
0x4b: {  	_ =	swait.ge [sflag:s18], $0x1000  }
0x4c: {  	[sflag:s18] =	ssyncset.done $0x0  }
0x4d: {  	[sflag:s18] =	ssyncadd.s32 $0xFFFFF000  }
0x4e: {  	_ =	swait.ge [sflag:s19], $0x1000  }
0x4f: {  	s20 =	sadd.s32 $0x1, s20;
	[sflag:s19] =	ssyncset.done $0x0  }
0x50: {  	p0 =	sne.s32 s20, s9;
	[sflag:s19] =	ssyncadd.s32 $0xFFFFF000  }
.Ltmp1:
0x51: {  	[bflag:$0x0] =	sbarrier.arrive $0xFFFF;
	(pc) =	sbr.rel @p0 .LBB2_1-.Ltmp1, $4  }
0x52: {  	[hbm:s8], [sflag:s6] =	dma.local [spmem:s10], $0xA00  }
0x53: {  	_ =	swait.ge [sflag:s11], $0xA00  }
0x54: {  	[sflag:s11] =	ssyncset.done $0x0  }
0x55: {  	[sflag:s11] =	ssyncadd.s32 $0xFFFFF600  }
0x56: {  	_ =	sfence.sel $0x180000  }
0x57: {  	[bflag:$0x0] =	sbarrier.arrive $0xFFFF  }
0x58: {  	p0 =	sne.s32 s0, $0x0;
	_ =	strace $0x90000047  }
0x59: {  	s0 =	sadd.s32 @!p0 $0x100000, s1;
	[bflag:$0x2] =	sbarrier.arrive $0xFFFF  }
0x5a: {  	[sflag:s0] =	ssyncadd.tile.s32 @!p0 $0x1;
	_ =	shalt  }
.Lfunc_end2:
_tile_overlayer_lowered:
.L_overlay_start_2:
0x5b: {  	(tag) =	ssettag $0x2  }
0x5c: {  	s0 =	rddreg [dreg:$0x0];
	s2 =	stileid.u32  }
0x5d: {  	s1 =	rddreg [dreg:$0x1];
	p0 =	sne.s32 s2, $0x0  }
0x5e: {  	s3 =	rddreg [dreg:$0x2];
	[bflag:$0x3] =	sbarrier.arrive $0xFFFF;
	s2 =	simm.s32 @!p0 $0x1C05  }
0x5f: {  	[timem:s3], [sflag:s2] =	dma.local @!p0 [hbm:s0], s1  }
0x60: {  	s0 =	simm.s32 @!p0 $0x5  }
0x61: {  	_ =	swait.ge @!p0 [sflag:s0], s1  }
0x62: {  	s1 =	ssub.s32 @!p0 $0x0, s1;
	[sflag:s0] =	ssyncset.done @!p0 $0x0  }
0x63: {  	[sflag:s0] =	ssyncadd.s32 @!p0 s1  }
0x64: {  	[bflag:$0x3] =	sbarrier.arrive $0xFFFF  }
0x65: {  	_ =	shalt  }

// kernel: kernel.14.cloned.1.call-start
scs
__scs_entry_jumppad:
0x0: {  	(pc) =	sbr.rel $0x88, $3  }
0x1: {  	(tag) =	ssettag $0x0;
	lr =	simm.s32 $0x1  }
0x2: {  	[smem:$0x3F99] =	sst lr;
	_ =	strace $0xD0000000  }
0x3: {  	_ = 	snop  }
0x4: {  	_ = 	snop  }
0x5: {  	_ = 	snop  }
0x6: {  	_ = 	snop  }
0x7: {  	_ = 	snop  }
__scs_overlays_trampoline_lowered:
0x8: {  	[smem:$0x3FA8] =	sst s0  }
0x9: {  	[smem:$0x3FA9] =	sst s1  }
0xa: {  	[smem:$0x3FAA] =	sst s2  }
0xb: {  	[smem:$0x3FAB] =	sst s3  }
0xc: {  	[smem:$0x3FAC] =	sst s4  }
0xd: {  	[smem:$0x3FAD] =	sst s5  }
0xe: {  	[smem:$0x3FAE] =	sst s6  }
0xf: {  	[smem:$0x3FAF] =	sst s7  }
0x10: {  	[smem:$0x3FB0] =	sst s8  }
0x11: {  	[smem:$0x3FB1] =	sst s9;
	s0 =	simm.s32 @!p0 $0x0  }
0x12: {  	s1 =	sld [smem:$0x3F97];
	s0 =	simm.s32 @p0 $0x1  }
0x13: {  	[smem:$0x3FB2] =	sst s0;
	s0 =	simm.s32 @!p1 $0x0  }
0x14: {  	s2 =	sld [smem:$0x3F96];
	s0 =	simm.s32 @p1 $0x1  }
0x15: {  	[smem:$0x3FB3] =	sst s0;
	s0 =	simm.s32 @!p2 $0x0  }
0x16: {  	s3 =	sld [smem:$0x3FDB];
	s0 =	simm.s32 @p2 $0x1  }
0x17: {  	s4 =	simm.s32 $0x1BF5;
	[smem:$0x3FB5] =	sst s0  }
0x18: {  	s0 =	sld [smem:$0x3F98];
	_ =	swait.ge [sflag:s4], $0x0  }
0x19: {  	s7 =	sld [smem:$0x3F99]  }
0x1a: {  	s8 =	sadd.s32 $0xFFFFE003, lr  }
0x1b: {  	s9 =	sadd.s32 $0xFFFFFEF7, lr;
	s5 =	simm.s32 $0xFFFFFFFF;
	p2 =	slt.u32 s8, $0xFFFFF086  }
0x1c: {  	p1 =	slt.u32 s9, $0xF7A;
	s5 =	simm.s32 @!p2 $0x0  }
0x1d: {  	s5 =	simm.s32 @p1 $0x1;
	p0 =	seq.s32 s7, s2  }
0x1e: {  	s7 =	smul.u32 @!p0 $0xF7A, s2;
	p2 =	seq.s32 @!p0 s5, $0x0  }
0x1f: {  	s9 =	smul.u32 $0xF7A, s1;
	s8 =	simm.s32 @!p0 $0x1BF5;
	p2 =	por !p2, p0  }
0x20: {  	[sflag:s8] =	ssyncset.s32 @!p0 $0xFFFFF086;
	s6 =	sadd.s32 @!p0 s3, s7;
	s7 =	simm.s32 @!p0 $0x108  }
0x21: {  	s3 =	sadd.s32 s3, s9;
	s6 =	sadd.s32 @!p0 $0x88, s6;
	s7 =	simm.s32 @p2 $0x1082  }
0x22: {  	[simem:s7], [sflag:s8] =	dma.local @!p0 [hbm:s6], $0xF7A  }
0x23: {  	s9 =	sor.u32 $0xD0000000, s2;
	s6 =	simm.s32 $0x108;
	_ =	swait.ge @!p0 [sflag:s8], $0x0  }
0x24: {  	s3 =	sadd.s32 $0x88, s3;
	s6 =	simm.s32 @!p1 $0x1082;
	[sflag:s4] =	ssyncset.s32 $0xFFFFF086  }
0x25: {  	[simem:s6], [sflag:s4] =	dma.local [hbm:s3], $0xF7A  }
0x26: {  	[smem:$0x3F99] =	sst s1;
	(tag) =	ssettag s2;
	_ =	strace s9  }
0x27: {  	s1 =	sld [smem:$0x3FA9]  }
0x28: {  	s2 =	sld [smem:$0x3FAA]  }
0x29: {  	s4 =	sld [smem:$0x3FAC]  }
0x2a: {  	p0 =	seq.s32 s5, $0x0;
	s5 =	sld [smem:$0x3FAD]  }
0x2b: {  	s6 =	sld [smem:$0x3FAE]  }
0x2c: {  	s7 =	sld [smem:$0x3FAF]  }
0x2d: {  	s3 =	simm.s32 $0x108;
	s8 =	sld [smem:$0x3FB0]  }
0x2e: {  	s3 =	simm.s32 @!p0 $0x1082;
	s9 =	sld [smem:$0x3FB1]  }
0x2f: {  	lr =	sadd.s32 s0, s3;
	s0 =	sld [smem:$0x3FA8]  }
0x30: {  	s3 =	sld [smem:$0x3FAB]  }
0x31: {  	[smem:$0x3FB4] =	sst s10  }
0x32: {  	s10 =	sld [smem:$0x3FB2];
	_ =	sdelay $0x3  }
0x33: {  	p0 =	seq.s32 s10, $0x1;
	s10 =	sld [smem:$0x3FB4];
	_ =	sdelay $0x3  }
0x34: {  	[smem:$0x3FB4] =	sst s10  }
0x35: {  	s10 =	sld [smem:$0x3FB3];
	_ =	sdelay $0x3  }
0x36: {  	p1 =	seq.s32 s10, $0x1;
	s10 =	sld [smem:$0x3FB4];
	_ =	sdelay $0x3  }
0x37: {  	[smem:$0x3FB4] =	sst s10  }
0x38: {  	s10 =	sld [smem:$0x3FB5]  }
0x39: {  	_ = 	snop;
	(pc) =	sbr.ind lr, $3  }
0x3a: {  	_ = 	snop  }
0x3b: {  	_ = 	snop  }
0x3c: {  	p2 =	seq.s32 s10, $0x1;
	s10 =	sld [smem:$0x3FB4]  }
0x3d: {  	_ =	shalt  }
0x3e: {  	_ =	shalt  }
0x3f: {  	_ =	shalt  }
0x40: {  	_ =	shalt  }
0x41: {  	_ =	shalt  }
0x42: {  	_ =	shalt  }
0x43: {  	_ =	shalt  }
0x44: {  	_ =	shalt  }
0x45: {  	_ =	shalt  }
0x46: {  	_ =	shalt  }
0x47: {  	_ =	shalt  }
0x48: {  	_ =	shalt  }
0x49: {  	_ =	shalt  }
0x4a: {  	_ =	shalt  }
0x4b: {  	_ =	shalt  }
0x4c: {  	_ =	shalt  }
0x4d: {  	_ =	shalt  }
0x4e: {  	_ =	shalt  }
0x4f: {  	_ =	shalt  }
0x50: {  	_ =	shalt  }
0x51: {  	_ =	shalt  }
0x52: {  	_ =	shalt  }
0x53: {  	_ =	shalt  }
0x54: {  	_ =	shalt  }
0x55: {  	_ =	shalt  }
0x56: {  	_ =	shalt  }
0x57: {  	_ =	shalt  }
0x58: {  	_ =	shalt  }
0x59: {  	_ =	shalt  }
0x5a: {  	_ =	shalt  }
0x5b: {  	_ =	shalt  }
0x5c: {  	_ =	shalt  }
0x5d: {  	_ =	shalt  }
0x5e: {  	_ =	shalt  }
0x5f: {  	_ =	shalt  }
0x60: {  	_ =	shalt  }
0x61: {  	_ =	shalt  }
0x62: {  	_ =	shalt  }
0x63: {  	_ =	shalt  }
0x64: {  	_ =	shalt  }
0x65: {  	_ =	shalt  }
0x66: {  	_ =	shalt  }
0x67: {  	_ =	shalt  }
0x68: {  	_ =	shalt  }
0x69: {  	_ =	shalt  }
0x6a: {  	_ =	shalt  }
0x6b: {  	_ =	shalt  }
0x6c: {  	_ =	shalt  }
0x6d: {  	_ =	shalt  }
0x6e: {  	_ =	shalt  }
0x6f: {  	_ =	shalt  }
0x70: {  	_ =	shalt  }
0x71: {  	_ =	shalt  }
0x72: {  	_ =	shalt  }
0x73: {  	_ =	shalt  }
0x74: {  	_ =	shalt  }
0x75: {  	_ =	shalt  }
0x76: {  	_ =	shalt  }
0x77: {  	_ =	shalt  }
0x78: {  	_ =	shalt  }
0x79: {  	_ =	shalt  }
0x7a: {  	_ =	shalt  }
0x7b: {  	_ =	shalt  }
0x7c: {  	_ =	shalt  }
0x7d: {  	_ =	shalt  }
0x7e: {  	_ =	shalt  }
0x7f: {  	_ =	shalt  }
0x80: {  	_ =	shalt  }
0x81: {  	_ =	shalt  }
0x82: {  	_ =	shalt  }
0x83: {  	_ =	shalt  }
0x84: {  	_ =	shalt  }
0x85: {  	_ =	shalt  }
0x86: {  	_ =	shalt  }
0x87: {  	_ =	shalt  }
.Lfunc_end0:
.L_simem_size_0:
called_computation.1_lowered:
.L_overlay_start_0:
0x88: {  	s2 =	sld [smem:$0x3FD9]  }
0x89: {  	s3 =	sld [smem:$0x3FFE];
	_ =	sdelay $0x1  }
0x8a: {  	s1 =	srdreg.scid  }
0x8b: {  	s0 =	sand.u32 $0x1, s1  }
0x8c: {  	s16 =	sshll.u32 s0, $0xA;
	s2 =	sadd.s32 s3, s2  }
0x8d: {  	s2 =	sadd.s32 s2, s16  }
0x8e: {  	[smem:$0x3FC0] =	sst s2  }
0x8f: {  	_ = 	snop  }
0x90: {  	(tm) =	ssettm $0x1  }
0x91: {  	s17 =	sld [smem:$0x3FFB];
	_ =	sdelay $0x3  }
0x92: {  	_ =	strace s17  }
0x93: {  	s2 =	sld [smem:$0x3FFC];
	_ =	sdelay $0x3  }
0x94: {  	_ =	strace s2  }
0x95: {  	s2 =	sld [smem:$0x3FFD];
	_ =	sdelay $0x3  }
0x96: {  	_ =	strace s2  }
0x97: {  	_ =	strace $0x8FFFFFFF  }
0x98: {  	s18 =	sld [smem:$0x3FDB];
	_ =	sdelay $0x1  }
0x99: {  	s19 =	simm.s32 $_scs_section_size  }
0x9a: {  	s4 =	simm.s32 $_size__tile_overlayer_lowered;
	s5 =	simm.s32 $_tile_overlayer_lowered  }
0x9b: {  	s22 =	simm.s32 $0x1BFF;
	s21 =	sshll.u32 s5, $0x1;
	s2 =	sadd.s32 s19, s18  }
0x9c: {  	s6 =	simm.s32 $0x0;
	s20 =	sshll.u32 s4, $0x1;
	s4 =	sadd.s32 s21, s2  }
0x9d: {  	[timem:s6], [sflag:s22] =	dma.local [hbm:s4], s20  }
0x9e: {  	_ =	swait.ge [sflag:s22], s20  }
0x9f: {  	s3 =	ssub.s32 $0x0, s20;
	[sflag:s22] =	ssyncset.done $0x0  }
0xa0: {  	[sflag:s22] =	ssyncadd.s32 s3;
	_ =	sdelay $0x1  }
0xa1: {  	s23 =	simm.s32 $0x1B8B  }
0xa2: {  	_ =	swait.ge [sflag:s23], $0x1  }
0xa3: {  	[sflag:s23] =	ssyncset.done $0x0  }
0xa4: {  	s25 =	simm.s32 $0x1B8E;
	s24 =	sld [smem:$0x3FFE];
	[sflag:s23] =	ssyncadd.s32 $0xFFFFFFFF  }
0xa5: {  	s26 =	simm.s32 $execute0_lowered;
	[smem:$0x3FD2] =	sst s25  }
0xa6: {  	s4 =	sshll.u32 s26, $0x1;
	_ =	strace $0x80000049;
	[dreg:$0x1] =	wrdreg $0xFFFFFFFF  }
0xa7: {  	s28 =	simm.s32 $_size_execute0_lowered;
	s2 =	sadd.s32 s2, s4;
	[dreg:$0x0] =	wrdreg $0x0  }
0xa8: {  	s4 =	sshll.u32 s28, $0x1;
	[dreg:$0x2] =	wrdreg s2  }
0xa9: {  	[dreg:$0x3] =	wrdreg s4  }
0xaa: {  	[dreg:$0x4] =	wrdreg $0xC0  }
0xab: {  	_ =	task [dreg:s6], $0x5FFFF  }
0xac: {  	[dreg:$0x1] =	wrdreg $0xFFFFFFFF  }
0xad: {  	[dreg:$0x0] =	wrdreg $0x60  }
0xae: {  	[dreg:$0x2] =	wrdreg s24  }
0xaf: {  	[dreg:$0x3] =	wrdreg $0xD0000  }
0xb0: {  	[dreg:$0x4] =	wrdreg $0x9  }
0xb1: {  	_ =	task.clear_ibuf [dreg:s6], $0x5FFFF;
	_ =	strace $0x90000049  }
0xb2: {  	s29 =	simm.s32 $0x9;
	_ =	strace $0x8000004B  }
0xb3: {  	_ =	swait.ge [sflag:s29], $0x1  }
0xb4: {  	[sflag:s29] =	ssyncadd.s32 $0xFFFFFFFF  }
0xb5: {  	_ =	strace $0x9000004B  }
0xb6: {  	_ =	sfence  }
0xb7: {  	s30 =	sld [smem:$0x0];
	_ =	sdelay $0x2  }
0xb8: {  	s31 =	sshll.u32 s1, $0xD;
	s1 =	sshrl.u32 s1, $0x2  }
0xb9: {  	s3 =	sand.u32 $0x4000, s31;
	s1 =	sadd.s32 s1, s30  }
0xba: {  	s0 =	sor.u32 s3, s0;
	s1 =	sshll.u32 s1, $0x11  }
0xbb: {  	s0 =	sor.u32 s1, s0  }
0xbc: {  	s0 =	sadd.s32 $0x8F2B, s0  }
0xbd: {  	[sflag:s0] =	ssyncadd.remote.s32 $0x1  }
0xbe: {  	_ =	sfence.sel $0xFFFF  }
0xbf: {  	[dreg:$0x0] =	wrdreg $0xFFFFFFFF;
	(pc) =	sbr.abs _section_cstart, $3  }
0xc0: {  	[dreg:$0x1] =	wrdreg $0xFFFFFFFF  }
0xc1: {  	_ =	task.clear_ibuf [dreg:s6], $0x2FFFF;
	_ =	strace $0x9FFFFFFF  }
0xc2: {  	(tm) =	ssettm $0x7FFFFFFF  }
0xc3: {  	_ =	shalt  }
tec
execute0_lowered:
.L_overlay_start_1:
0x0: {  	(tag) =	ssettag $0x1  }
0x1: {  	s0 =	srdreg.scid  }
0x2: {  	s8 =	stileid.u32;
	s3 =	rddreg [dreg:$0x0]  }
0x3: {  	s2 =	rddreg [dreg:$0x1];
	s4 =	simm.s32 $0x0;
	s14 =	simm.s32 $0x80  }
0x4: {  	s15 =	simm.s32 $0x5000;
	s16 =	simm.s32 $0x6000;
	s18 =	simm.s32 $0x7000  }
0x5: {  	s20 =	simm.s32 $0x8000;
	s21 =	simm.s32 $0x1;
	s23 =	simm.s32 $0x9000  }
0x6: {  	s28 =	simm.s32 $0xA000;
	s29 =	simm.s32 $0x3;
	s22 =	simm.s32 $0xC000  }
0x7: {  	s30 =	simm.s32 $0x6;
	s31 =	simm.s32 $0xA;
	s17 =	simm.s32 $0x7  }
0x8: {  	s19 =	simm.s32 $0xB;
	s13 =	simm.s32 $0xD;
	s9 =	simm.s32 $0xF  }
0x9: {  	s10 =	simm.s32 $0x10;
	s0 =	sand.u32 $0x1, s0;
	s1 =	sshll.u32 s8, $0x1  }
0xa: {  	s5 =	smul.u32 $0x5000, s8;
	[smem:$0x7FF] =	sst s4;
	s4 =	sadd.s32 $0x21400, s3  }
0xb: {  	s25 =	sshll.u32 s8, $0x6;
	s8 =	simm.s32 $0xE;
	s1 =	sor.u32 s0, s1  }
0xc: {  	s6 =	smul.u32 $0x50000, s0;
	_ =	strace $0x8000004A;
	s0 =	ssub.s32 $0x2, s0  }
0xd: {  	s11 =	sor.u32 $0x1C11, s25;
	s25 =	simm.s32 $0x5;
	s1 =	smul.u32 $0x500, s1  }
0xe: {  	s7 =	sshrl.u32 s5, $0x3;
	s24 =	sshrl.u32 s0, $0x1;
	[dreg:$0x4] =	wrdreg s11  }
0xf: {  	s6 =	sadd.s32 s5, s6;
	s7 =	sadd.s32 s7, s3;
	s0 =	ssub.s32 s0, s24  }
0x10: {  	s5 =	sadd.s32 s5, s2;
	s24 =	simm.s32 $0x2;
	s7 =	sadd.s32 $0x17400, s7  }
0x11: {  	s1 =	sadd.s32 s1, s3;
	s0 =	smax.u32 s0, $0x1;
	[dreg:$0x3] =	wrdreg s7  }
0x12: {  	s6 =	sshrl.u32 s6, $0x3;
	s12 =	sshrl.u32 s5, $0x3;
	[dreg:$0x8] =	wrdreg s0  }
0x13: {  	s5 =	simm.s32 $0x8;
	s26 =	sadd.s32 $0xD400, s1;
	[dreg:$0x9] =	wrdreg s12  }
0x14: {  	s3 =	sadd.s32 s6, s3;
	s1 =	sadd.s32 $0x3400, s1;
	[dreg:$0x5] =	wrdreg s26  }
0x15: {  	s0 =	simm.s32 $0x4;
	s6 =	simm.s32 $0x0;
	[dreg:$0x6] =	wrdreg s1  }
0x16: {  	s7 =	simm.s32 $0xC;
	s3 =	sadd.s32 $0x2B400, s3;
	[dreg:$0xa] =	wrdreg s6  }
0x17: {  	s1 =	simm.s32 $0xB000;
	s26 =	simm.s32 $0x9;
	[dreg:$0x7] =	wrdreg s3  }
.LBB2_1:
0x18: {  	s3 =	simm.s32 $0x11;
	s6 =	rddreg [dreg:$0x3]  }
0x19: {  	[spmem:s12], [sflag:s11] =	dma.local [hbm:s6], $0xA00  }
0x1a: {  	_ =	swait.ge [sflag:s3], $0xA00  }
0x1b: {  	[sflag:s3] =	ssyncset.done $0x0  }
0x1c: {  	s6 =	simm.s32 $0x0;
	s12 =	rddreg [dreg:$0x5];
	[sflag:s3] =	ssyncadd.s32 $0xFFFFF600  }
0x1d: {  	[tilespmem:s6], [sflag:$0x11] =	stream.linear.gather [hbm4b:s12+s6], $0x2800, $0x38;
	[tilespmem:$0x12000] =	vst v63  }
0x1e: {  	_ =	swait.ge [sflag:s3], $0x2800  }
0x1f: {  	[sflag:s3] =	ssyncset.done $0x0  }
0x20: {  	s12 =	simm.s32 $0x2800;
	s11 =	rddreg [dreg:$0x6];
	[sflag:s3] =	ssyncadd.s32 $0xFFFFD800  }
0x21: {  	[tilespmem:s12], [sflag:$0x11] =	stream.linear.gather [hbm4b:s11+s6], $0x2800, $0x38;
	[tilespmem:$0x12000] =	vst v63  }
0x22: {  	_ =	swait.ge [sflag:s3], $0x2800  }
0x23: {  	[sflag:s3] =	ssyncset.done $0x0  }
0x24: {  	[sflag:s3] =	ssyncadd.s32 $0xFFFFD800  }
0x25: {  	[bflag:$0x0] =	sbarrier.arrive $0xFFFF  }
0x26: {  	[tilespmem:s15], [sflag:$0x1] =	stream.indirect.gather [hbm4b:s4+s14], $0x20, s6, s14, $0xb8;
	[tilespmem:$0x12000] =	vst v63  }
0x27: {  	_ = 	snop  }
0x28: {  	[tilespmem:s16], [sflag:$0x2] =	stream.indirect.gather [hbm4b:s4+s14], $0x20, s14, s14, $0xb8;
	[tilespmem:$0x12000] =	vst v63  }
0x29: {  	s6 =	simm.s32 $0x100  }
0x2a: {  	[tilespmem:s18], [sflag:$0x3] =	stream.indirect.gather [hbm4b:s4+s14], $0x20, s6, s14, $0xb8;
	[tilespmem:$0x12000] =	vst v63  }
0x2b: {  	s11 =	simm.s32 $0x180  }
0x2c: {  	[tilespmem:s20], [sflag:$0x4] =	stream.indirect.gather [hbm4b:s4+s14], $0x20, s11, s14, $0xb8;
	[tilespmem:$0x12000] =	vst v63  }
0x2d: {  	_ =	swait.ge [sflag:s21], $0x1000  }
0x2e: {  	[sflag:s21] =	ssyncset.done $0x0  }
0x2f: {  	[sflag:s21] =	ssyncadd.s32 $0xFFFFF000  }
0x30: {  	[spmem:s2] =	stream.indirect.scatter.add.f32 [tilespmem:s15], [sflag:$0x9], $0x20, s12, s14, $0xb8;
	[tilespmem:$0x12000] =	vst v63  }
0x31: {  	s12 =	simm.s32 $0x200  }
0x32: {  	[tilespmem:s23], [sflag:$0x5] =	stream.indirect.gather [hbm4b:s4+s14], $0x20, s12, s14, $0xb8;
	[tilespmem:$0x12000] =	vst v63  }
0x33: {  	_ =	swait.ge [sflag:s24], $0x1000  }
0x34: {  	[sflag:s24] =	ssyncset.done $0x0  }
0x35: {  	s6 =	simm.s32 $0x2880;
	[sflag:s24] =	ssyncadd.s32 $0xFFFFF000  }
0x36: {  	[spmem:s2] =	stream.indirect.scatter.add.f32 [tilespmem:s16], [sflag:$0xA], $0x20, s6, s14, $0xb8;
	[tilespmem:$0x12000] =	vst v63  }
0x37: {  	s11 =	simm.s32 $0x280  }
0x38: {  	[tilespmem:s28], [sflag:$0x6] =	stream.indirect.gather [hbm4b:s4+s14], $0x20, s11, s14, $0xb8;
	[tilespmem:$0x12000] =	vst v63  }
0x39: {  	_ =	swait.ge [sflag:s29], $0x1000  }
0x3a: {  	[sflag:s29] =	ssyncset.done $0x0  }
0x3b: {  	s12 =	simm.s32 $0x2900;
	[sflag:s29] =	ssyncadd.s32 $0xFFFFF000  }
0x3c: {  	[spmem:s2] =	stream.indirect.scatter.add.f32 [tilespmem:s18], [sflag:$0xB], $0x20, s12, s14, $0xb8;
	[tilespmem:$0x12000] =	vst v63  }
0x3d: {  	s6 =	simm.s32 $0x300  }
0x3e: {  	[tilespmem:s1], [sflag:$0x7] =	stream.indirect.gather [hbm4b:s4+s14], $0x20, s6, s14, $0xb8;
	[tilespmem:$0x12000] =	vst v63  }
0x3f: {  	_ =	swait.ge [sflag:s0], $0x1000  }
0x40: {  	[sflag:s0] =	ssyncset.done $0x0  }
0x41: {  	s11 =	simm.s32 $0x2980;
	[sflag:s0] =	ssyncadd.s32 $0xFFFFF000  }
0x42: {  	[spmem:s2] =	stream.indirect.scatter.add.f32 [tilespmem:s20], [sflag:$0xC], $0x20, s11, s14, $0xb8;
	[tilespmem:$0x12000] =	vst v63  }
0x43: {  	s12 =	simm.s32 $0x380  }
0x44: {  	[tilespmem:s22], [sflag:$0x8] =	stream.indirect.gather [hbm4b:s4+s14], $0x20, s12, s14, $0xb8;
	[tilespmem:$0x12000] =	vst v63  }
0x45: {  	_ =	swait.ge [sflag:s25], $0x1000  }
0x46: {  	[sflag:s25] =	ssyncset.done $0x0  }
0x47: {  	s3 =	simm.s32 $0x2A00;
	[sflag:s25] =	ssyncadd.s32 $0xFFFFF000  }
0x48: {  	[spmem:s2] =	stream.indirect.scatter.add.f32 [tilespmem:s23], [sflag:$0xD], $0x20, s3, s14, $0xb8;
	[tilespmem:$0x12000] =	vst v63  }
0x49: {  	_ =	swait.ge [sflag:s26], $0x1000  }
0x4a: {  	[sflag:s26] =	ssyncset.done $0x0  }
0x4b: {  	s11 =	simm.s32 $0x400;
	[sflag:s26] =	ssyncadd.s32 $0xFFFFF000  }
0x4c: {  	[tilespmem:s15], [sflag:$0x1] =	stream.indirect.gather [hbm4b:s4+s14], $0x20, s11, s14, $0xb8;
	[tilespmem:$0x12000] =	vst v63  }
0x4d: {  	_ =	swait.ge [sflag:s30], $0x1000  }
0x4e: {  	[sflag:s30] =	ssyncset.done $0x0  }
0x4f: {  	s12 =	simm.s32 $0x2A80;
	[sflag:s30] =	ssyncadd.s32 $0xFFFFF000  }
0x50: {  	[spmem:s2] =	stream.indirect.scatter.add.f32 [tilespmem:s28], [sflag:$0xE], $0x20, s12, s14, $0xb8;
	[tilespmem:$0x12000] =	vst v63  }
0x51: {  	_ =	swait.ge [sflag:s31], $0x1000  }
0x52: {  	[sflag:s31] =	ssyncset.done $0x0  }
0x53: {  	s3 =	simm.s32 $0x480;
	[sflag:s31] =	ssyncadd.s32 $0xFFFFF000  }
0x54: {  	[tilespmem:s16], [sflag:$0x2] =	stream.indirect.gather [hbm4b:s4+s14], $0x20, s3, s14, $0xb8;
	[tilespmem:$0x12000] =	vst v63  }
0x55: {  	_ =	swait.ge [sflag:s17], $0x1000  }
0x56: {  	[sflag:s17] =	ssyncset.done $0x0  }
0x57: {  	s11 =	simm.s32 $0x2B00;
	[sflag:s17] =	ssyncadd.s32 $0xFFFFF000  }
0x58: {  	[spmem:s2] =	stream.indirect.scatter.add.f32 [tilespmem:s1], [sflag:$0xF], $0x20, s11, s14, $0xb8;
	[tilespmem:$0x12000] =	vst v63  }
0x59: {  	_ =	swait.ge [sflag:s19], $0x1000  }
0x5a: {  	[sflag:s19] =	ssyncset.done $0x0  }
0x5b: {  	s12 =	simm.s32 $0x500;
	[sflag:s19] =	ssyncadd.s32 $0xFFFFF000  }
0x5c: {  	[tilespmem:s18], [sflag:$0x3] =	stream.indirect.gather [hbm4b:s4+s14], $0x20, s12, s14, $0xb8;
	[tilespmem:$0x12000] =	vst v63  }
0x5d: {  	_ =	swait.ge [sflag:s5], $0x1000  }
0x5e: {  	[sflag:s5] =	ssyncset.done $0x0  }
0x5f: {  	s3 =	simm.s32 $0x2B80;
	[sflag:s5] =	ssyncadd.s32 $0xFFFFF000  }
0x60: {  	[spmem:s2] =	stream.indirect.scatter.add.f32 [tilespmem:s22], [sflag:$0x10], $0x20, s3, s14, $0xb8;
	[tilespmem:$0x12000] =	vst v63  }
0x61: {  	_ =	swait.ge [sflag:s7], $0x1000  }
0x62: {  	[sflag:s7] =	ssyncset.done $0x0  }
0x63: {  	s11 =	simm.s32 $0x580;
	[sflag:s7] =	ssyncadd.s32 $0xFFFFF000  }
0x64: {  	[tilespmem:s20], [sflag:$0x4] =	stream.indirect.gather [hbm4b:s4+s14], $0x20, s11, s14, $0xb8;
	[tilespmem:$0x12000] =	vst v63  }
0x65: {  	_ =	swait.ge [sflag:s21], $0x1000  }
0x66: {  	[sflag:s21] =	ssyncset.done $0x0  }
0x67: {  	s12 =	simm.s32 $0x2C00;
	[sflag:s21] =	ssyncadd.s32 $0xFFFFF000  }
0x68: {  	[spmem:s2] =	stream.indirect.scatter.add.f32 [tilespmem:s15], [sflag:$0x9], $0x20, s12, s14, $0xb8;
	[tilespmem:$0x12000] =	vst v63  }
0x69: {  	_ =	swait.ge [sflag:s13], $0x1000  }
0x6a: {  	[sflag:s13] =	ssyncset.done $0x0  }
0x6b: {  	s3 =	simm.s32 $0x600;
	[sflag:s13] =	ssyncadd.s32 $0xFFFFF000  }
0x6c: {  	[tilespmem:s23], [sflag:$0x5] =	stream.indirect.gather [hbm4b:s4+s14], $0x20, s3, s14, $0xb8;
	[tilespmem:$0x12000] =	vst v63  }
0x6d: {  	_ =	swait.ge [sflag:s24], $0x1000  }
0x6e: {  	[sflag:s24] =	ssyncset.done $0x0  }
0x6f: {  	s11 =	simm.s32 $0x2C80;
	[sflag:s24] =	ssyncadd.s32 $0xFFFFF000  }
0x70: {  	[spmem:s2] =	stream.indirect.scatter.add.f32 [tilespmem:s16], [sflag:$0xA], $0x20, s11, s14, $0xb8;
	[tilespmem:$0x12000] =	vst v63  }
0x71: {  	_ =	swait.ge [sflag:s8], $0x1000  }
0x72: {  	[sflag:s8] =	ssyncset.done $0x0  }
0x73: {  	s12 =	simm.s32 $0x680;
	[sflag:s8] =	ssyncadd.s32 $0xFFFFF000  }
0x74: {  	[tilespmem:s28], [sflag:$0x6] =	stream.indirect.gather [hbm4b:s4+s14], $0x20, s12, s14, $0xb8;
	[tilespmem:$0x12000] =	vst v63  }
0x75: {  	_ =	swait.ge [sflag:s29], $0x1000  }
0x76: {  	[sflag:s29] =	ssyncset.done $0x0  }
0x77: {  	s3 =	simm.s32 $0x2D00;
	[sflag:s29] =	ssyncadd.s32 $0xFFFFF000  }
0x78: {  	[spmem:s2] =	stream.indirect.scatter.add.f32 [tilespmem:s18], [sflag:$0xB], $0x20, s3, s14, $0xb8;
	[tilespmem:$0x12000] =	vst v63  }
0x79: {  	_ =	swait.ge [sflag:s9], $0x1000  }
0x7a: {  	[sflag:s9] =	ssyncset.done $0x0  }
0x7b: {  	s11 =	simm.s32 $0x700;
	[sflag:s9] =	ssyncadd.s32 $0xFFFFF000  }
0x7c: {  	[tilespmem:s1], [sflag:$0x7] =	stream.indirect.gather [hbm4b:s4+s14], $0x20, s11, s14, $0xb8;
	[tilespmem:$0x12000] =	vst v63  }
0x7d: {  	_ =	swait.ge [sflag:s0], $0x1000  }
0x7e: {  	[sflag:s0] =	ssyncset.done $0x0  }
0x7f: {  	s12 =	simm.s32 $0x2D80;
	[sflag:s0] =	ssyncadd.s32 $0xFFFFF000  }
0x80: {  	[spmem:s2] =	stream.indirect.scatter.add.f32 [tilespmem:s20], [sflag:$0xC], $0x20, s12, s14, $0xb8;
	[tilespmem:$0x12000] =	vst v63  }
0x81: {  	_ =	swait.ge [sflag:s10], $0x1000  }
0x82: {  	[sflag:s10] =	ssyncset.done $0x0  }
0x83: {  	s6 =	simm.s32 $0x1000;
	s11 =	simm.s32 $0x780;
	[sflag:s10] =	ssyncadd.s32 $0xFFFFF000  }
.LBB2_2:
0x84: {  	[tilespmem:s22], [sflag:$0x8] =	stream.indirect.gather [hbm4b:s4+s14], $0x20, s11, s14, $0xb8;
	[tilespmem:$0x12000] =	vst v63  }
0x85: {  	s11 =	smov.u32 s6  }
0x86: {  	p0 =	sne.s32 s6, $0x8000;
	s6 =	sadd.s32 $0x1000, s6;
	_ =	swait.ge [sflag:s25], $0x1000  }
0x87: {  	s11 =	sshra.s32 s11, $0x2;
	[sflag:s25] =	ssyncset.done $0x0  }
0x88: {  	s12 =	sadd.s32 $0x2A00, s11;
	[sflag:s25] =	ssyncadd.s32 $0xFFFFF000  }
0x89: {  	[spmem:s2] =	stream.indirect.scatter.add.f32 [tilespmem:s23], [sflag:$0xD], $0x20, s12, s14, $0xb8;
	[tilespmem:$0x12000] =	vst v63  }
0x8a: {  	_ =	swait.ge [sflag:s26], $0x1000  }
0x8b: {  	[sflag:s26] =	ssyncset.done $0x0  }
0x8c: {  	s12 =	sadd.s32 $0x400, s11;
	[sflag:s26] =	ssyncadd.s32 $0xFFFFF000  }
0x8d: {  	[tilespmem:s15], [sflag:$0x1] =	stream.indirect.gather [hbm4b:s4+s14], $0x20, s12, s14, $0xb8;
	[tilespmem:$0x12000] =	vst v63  }
0x8e: {  	_ =	swait.ge [sflag:s30], $0x1000  }
0x8f: {  	[sflag:s30] =	ssyncset.done $0x0  }
0x90: {  	s12 =	sadd.s32 $0x2A80, s11;
	[sflag:s30] =	ssyncadd.s32 $0xFFFFF000  }
0x91: {  	[spmem:s2] =	stream.indirect.scatter.add.f32 [tilespmem:s28], [sflag:$0xE], $0x20, s12, s14, $0xb8;
	[tilespmem:$0x12000] =	vst v63  }
0x92: {  	_ =	swait.ge [sflag:s31], $0x1000  }
0x93: {  	[sflag:s31] =	ssyncset.done $0x0  }
0x94: {  	s12 =	sadd.s32 $0x480, s11;
	[sflag:s31] =	ssyncadd.s32 $0xFFFFF000  }
0x95: {  	[tilespmem:s16], [sflag:$0x2] =	stream.indirect.gather [hbm4b:s4+s14], $0x20, s12, s14, $0xb8;
	[tilespmem:$0x12000] =	vst v63  }
0x96: {  	_ =	swait.ge [sflag:s17], $0x1000  }
0x97: {  	[sflag:s17] =	ssyncset.done $0x0  }
0x98: {  	s12 =	sadd.s32 $0x2B00, s11;
	[sflag:s17] =	ssyncadd.s32 $0xFFFFF000  }
0x99: {  	[spmem:s2] =	stream.indirect.scatter.add.f32 [tilespmem:s1], [sflag:$0xF], $0x20, s12, s14, $0xb8;
	[tilespmem:$0x12000] =	vst v63  }
0x9a: {  	_ =	swait.ge [sflag:s19], $0x1000  }
0x9b: {  	[sflag:s19] =	ssyncset.done $0x0  }
0x9c: {  	s12 =	sadd.s32 $0x500, s11;
	[sflag:s19] =	ssyncadd.s32 $0xFFFFF000  }
0x9d: {  	[tilespmem:s18], [sflag:$0x3] =	stream.indirect.gather [hbm4b:s4+s14], $0x20, s12, s14, $0xb8;
	[tilespmem:$0x12000] =	vst v63  }
0x9e: {  	_ =	swait.ge [sflag:s5], $0x1000  }
0x9f: {  	[sflag:s5] =	ssyncset.done $0x0  }
0xa0: {  	s12 =	sadd.s32 $0x2B80, s11;
	[sflag:s5] =	ssyncadd.s32 $0xFFFFF000  }
0xa1: {  	[spmem:s2] =	stream.indirect.scatter.add.f32 [tilespmem:s22], [sflag:$0x10], $0x20, s12, s14, $0xb8;
	[tilespmem:$0x12000] =	vst v63  }
0xa2: {  	_ =	swait.ge [sflag:s7], $0x1000  }
0xa3: {  	[sflag:s7] =	ssyncset.done $0x0  }
0xa4: {  	s12 =	sadd.s32 $0x580, s11;
	[sflag:s7] =	ssyncadd.s32 $0xFFFFF000  }
0xa5: {  	[tilespmem:s20], [sflag:$0x4] =	stream.indirect.gather [hbm4b:s4+s14], $0x20, s12, s14, $0xb8;
	[tilespmem:$0x12000] =	vst v63  }
0xa6: {  	_ =	swait.ge [sflag:s21], $0x1000  }
0xa7: {  	[sflag:s21] =	ssyncset.done $0x0  }
0xa8: {  	s12 =	sadd.s32 $0x2C00, s11;
	[sflag:s21] =	ssyncadd.s32 $0xFFFFF000  }
0xa9: {  	[spmem:s2] =	stream.indirect.scatter.add.f32 [tilespmem:s15], [sflag:$0x9], $0x20, s12, s14, $0xb8;
	[tilespmem:$0x12000] =	vst v63  }
0xaa: {  	_ =	swait.ge [sflag:s13], $0x1000  }
0xab: {  	[sflag:s13] =	ssyncset.done $0x0  }
0xac: {  	s12 =	sadd.s32 $0x600, s11;
	[sflag:s13] =	ssyncadd.s32 $0xFFFFF000  }
0xad: {  	[tilespmem:s23], [sflag:$0x5] =	stream.indirect.gather [hbm4b:s4+s14], $0x20, s12, s14, $0xb8;
	[tilespmem:$0x12000] =	vst v63  }
0xae: {  	_ =	swait.ge [sflag:s24], $0x1000  }
0xaf: {  	[sflag:s24] =	ssyncset.done $0x0  }
0xb0: {  	s12 =	sadd.s32 $0x2C80, s11;
	[sflag:s24] =	ssyncadd.s32 $0xFFFFF000  }
0xb1: {  	[spmem:s2] =	stream.indirect.scatter.add.f32 [tilespmem:s16], [sflag:$0xA], $0x20, s12, s14, $0xb8;
	[tilespmem:$0x12000] =	vst v63  }
0xb2: {  	_ =	swait.ge [sflag:s8], $0x1000  }
0xb3: {  	[sflag:s8] =	ssyncset.done $0x0  }
0xb4: {  	s12 =	sadd.s32 $0x680, s11;
	[sflag:s8] =	ssyncadd.s32 $0xFFFFF000  }
0xb5: {  	[tilespmem:s28], [sflag:$0x6] =	stream.indirect.gather [hbm4b:s4+s14], $0x20, s12, s14, $0xb8;
	[tilespmem:$0x12000] =	vst v63  }
0xb6: {  	_ =	swait.ge [sflag:s29], $0x1000  }
0xb7: {  	[sflag:s29] =	ssyncset.done $0x0  }
0xb8: {  	s12 =	sadd.s32 $0x2D00, s11;
	[sflag:s29] =	ssyncadd.s32 $0xFFFFF000  }
0xb9: {  	[spmem:s2] =	stream.indirect.scatter.add.f32 [tilespmem:s18], [sflag:$0xB], $0x20, s12, s14, $0xb8;
	[tilespmem:$0x12000] =	vst v63  }
0xba: {  	_ =	swait.ge [sflag:s9], $0x1000  }
0xbb: {  	[sflag:s9] =	ssyncset.done $0x0  }
0xbc: {  	s12 =	sadd.s32 $0x700, s11;
	[sflag:s9] =	ssyncadd.s32 $0xFFFFF000  }
0xbd: {  	[tilespmem:s1], [sflag:$0x7] =	stream.indirect.gather [hbm4b:s4+s14], $0x20, s12, s14, $0xb8;
	[tilespmem:$0x12000] =	vst v63  }
0xbe: {  	_ =	swait.ge [sflag:s0], $0x1000  }
0xbf: {  	[sflag:s0] =	ssyncset.done $0x0  }
.Ltmp0:
0xc0: {  	s12 =	sadd.s32 $0x2D80, s11;
	[sflag:s0] =	ssyncadd.s32 $0xFFFFF000;
	(pc) =	sbr.rel @p0 .LBB2_2-.Ltmp0, $4  }
0xc1: {  	[spmem:s2] =	stream.indirect.scatter.add.f32 [tilespmem:s20], [sflag:$0xC], $0x20, s12, s14, $0xb8;
	[tilespmem:$0x12000] =	vst v63  }
0xc2: {  	_ =	swait.ge [sflag:s10], $0x1000  }
0xc3: {  	[sflag:s10] =	ssyncset.done $0x0  }
0xc4: {  	s11 =	sadd.s32 $0x780, s11;
	[sflag:s10] =	ssyncadd.s32 $0xFFFFF000  }
0xc5: {  	[tilespmem:s22], [sflag:$0x8] =	stream.indirect.gather [hbm4b:s4+s14], $0x20, s11, s14, $0xb8;
	[tilespmem:$0x12000] =	vst v63  }
0xc6: {  	_ =	swait.ge [sflag:s25], $0x1000  }
0xc7: {  	[sflag:s25] =	ssyncset.done $0x0  }
0xc8: {  	s3 =	simm.s32 $0x4E00;
	[sflag:s25] =	ssyncadd.s32 $0xFFFFF000  }
0xc9: {  	[spmem:s2] =	stream.indirect.scatter.add.f32 [tilespmem:s23], [sflag:$0xD], $0x20, s3, s14, $0xb8;
	[tilespmem:$0x12000] =	vst v63  }
0xca: {  	_ =	swait.ge [sflag:s26], $0x1000  }
0xcb: {  	[sflag:s26] =	ssyncset.done $0x0  }
0xcc: {  	[sflag:s26] =	ssyncadd.s32 $0xFFFFF000  }
0xcd: {  	_ =	swait.ge [sflag:s30], $0x1000  }
0xce: {  	[sflag:s30] =	ssyncset.done $0x0  }
0xcf: {  	s6 =	simm.s32 $0x4E80;
	[sflag:s30] =	ssyncadd.s32 $0xFFFFF000  }
0xd0: {  	[spmem:s2] =	stream.indirect.scatter.add.f32 [tilespmem:s28], [sflag:$0xE], $0x20, s6, s14, $0xb8;
	[tilespmem:$0x12000] =	vst v63  }
0xd1: {  	_ =	swait.ge [sflag:s31], $0x1000  }
0xd2: {  	[sflag:s31] =	ssyncset.done $0x0  }
0xd3: {  	[sflag:s31] =	ssyncadd.s32 $0xFFFFF000  }
0xd4: {  	_ =	swait.ge [sflag:s17], $0x1000  }
0xd5: {  	[sflag:s17] =	ssyncset.done $0x0  }
0xd6: {  	s11 =	simm.s32 $0x4F00;
	[sflag:s17] =	ssyncadd.s32 $0xFFFFF000  }
0xd7: {  	[spmem:s2] =	stream.indirect.scatter.add.f32 [tilespmem:s1], [sflag:$0xF], $0x20, s11, s14, $0xb8;
	[tilespmem:$0x12000] =	vst v63  }
0xd8: {  	_ =	swait.ge [sflag:s19], $0x1000  }
0xd9: {  	[sflag:s19] =	ssyncset.done $0x0  }
0xda: {  	[sflag:s19] =	ssyncadd.s32 $0xFFFFF000  }
0xdb: {  	_ =	swait.ge [sflag:s5], $0x1000  }
0xdc: {  	[sflag:s5] =	ssyncset.done $0x0  }
0xdd: {  	s12 =	simm.s32 $0x4F80;
	[sflag:s5] =	ssyncadd.s32 $0xFFFFF000  }
0xde: {  	[spmem:s2] =	stream.indirect.scatter.add.f32 [tilespmem:s22], [sflag:$0x10], $0x20, s12, s14, $0xb8;
	[tilespmem:$0x12000] =	vst v63  }
0xdf: {  	_ =	swait.ge [sflag:s7], $0x1000  }
0xe0: {  	[sflag:s7] =	ssyncset.done $0x0  }
0xe1: {  	[sflag:s7] =	ssyncadd.s32 $0xFFFFF000  }
0xe2: {  	_ =	swait.ge [sflag:s13], $0x1000  }
0xe3: {  	[sflag:s13] =	ssyncset.done $0x0  }
0xe4: {  	[sflag:s13] =	ssyncadd.s32 $0xFFFFF000  }
0xe5: {  	_ =	swait.ge [sflag:s8], $0x1000  }
0xe6: {  	[sflag:s8] =	ssyncset.done $0x0  }
0xe7: {  	[sflag:s8] =	ssyncadd.s32 $0xFFFFF000  }
0xe8: {  	_ =	swait.ge [sflag:s9], $0x1000  }
0xe9: {  	[sflag:s9] =	ssyncset.done $0x0  }
0xea: {  	[sflag:s9] =	ssyncadd.s32 $0xFFFFF000  }
0xeb: {  	_ =	swait.ge [sflag:s10], $0x1000  }
0xec: {  	[sflag:s10] =	ssyncset.done $0x0  }
0xed: {  	[sflag:s10] =	ssyncadd.s32 $0xFFFFF000  }
0xee: {  	[bflag:$0x0] =	sbarrier.arrive $0xFFFF  }
0xef: {  	s11 =	rddreg [dreg:$0x4]  }
0xf0: {  	s6 =	rddreg [dreg:$0x7]  }
0xf1: {  	s12 =	rddreg [dreg:$0x9]  }
0xf2: {  	[hbm:s6], [sflag:s11] =	dma.local [spmem:s12], $0xA00  }
0xf3: {  	s6 =	simm.s32 $0x11  }
0xf4: {  	_ =	swait.ge [sflag:s6], $0xA00  }
0xf5: {  	s3 =	rddreg [dreg:$0xa]  }
0xf6: {  	[sflag:s6] =	ssyncset.done $0x0;
	s6 =	rddreg [dreg:$0x8];
	s3 =	sadd.s32 $0x1, s3  }
0xf7: {  	p0 =	sne.s32 s3, s6  }
.Ltmp1:
0xf8: {  	_ = 	snop;
	(pc) =	sbr.rel @p0 .LBB2_1-.Ltmp1, $3  }
0xf9: {  	_ =	sdelay $0x1  }
0xfa: {  	s6 =	simm.s32 $0x11  }
0xfb: {  	[dreg:$0xa] =	wrdreg s3;
	[sflag:s6] =	ssyncadd.s32 $0xFFFFF600  }
0xfc: {  	_ =	sfence.sel $0x180000  }
0xfd: {  	[bflag:$0x0] =	sbarrier.arrive $0xFFFF  }
0xfe: {  	_ =	strace $0x9000004A  }
0xff: {  	s0 =	stileid.u32;
	[bflag:$0x2] =	sbarrier.arrive $0xFFFF  }
0x100: {  	p0 =	sne.s32 s0, $0x0;
	s0 =	rddreg [dreg:$0x2]  }
0x101: {  	s0 =	sadd.s32 @!p0 $0x100000, s0  }
0x102: {  	[sflag:s0] =	ssyncadd.tile.s32 @!p0 $0x1;
	_ =	shalt  }
.Lfunc_end2:
_tile_overlayer_lowered:
.L_overlay_start_2:
0x103: {  	(tag) =	ssettag $0x2  }
0x104: {  	s0 =	rddreg [dreg:$0x0];
	s2 =	stileid.u32  }
0x105: {  	s1 =	rddreg [dreg:$0x1];
	p0 =	sne.s32 s2, $0x0  }
0x106: {  	s3 =	rddreg [dreg:$0x2];
	[bflag:$0x3] =	sbarrier.arrive $0xFFFF;
	s2 =	simm.s32 @!p0 $0x1C11  }
0x107: {  	[timem:s3], [sflag:s2] =	dma.local @!p0 [hbm:s0], s1  }
0x108: {  	s0 =	simm.s32 @!p0 $0x11  }
0x109: {  	_ =	swait.ge @!p0 [sflag:s0], s1  }
0x10a: {  	s1 =	ssub.s32 @!p0 $0x0, s1;
	[sflag:s0] =	ssyncset.done @!p0 $0x0  }
0x10b: {  	[sflag:s0] =	ssyncadd.s32 @!p0 s1  }
0x10c: {  	[bflag:$0x3] =	sbarrier.arrive $0xFFFF  }
0x10d: {  	_ =	shalt  }

// kernel: kernel.17.cloned.1.call-start
scs
__scs_entry_jumppad:
0x0: {  	(pc) =	sbr.rel $0x88, $3  }
0x1: {  	(tag) =	ssettag $0x0;
	lr =	simm.s32 $0x1  }
0x2: {  	[smem:$0x3F99] =	sst lr;
	_ =	strace $0xD0000000  }
0x3: {  	_ = 	snop  }
0x4: {  	_ = 	snop  }
0x5: {  	_ = 	snop  }
0x6: {  	_ = 	snop  }
0x7: {  	_ = 	snop  }
__scs_overlays_trampoline_lowered:
0x8: {  	[smem:$0x3FA8] =	sst s0  }
0x9: {  	[smem:$0x3FA9] =	sst s1  }
0xa: {  	[smem:$0x3FAA] =	sst s2  }
0xb: {  	[smem:$0x3FAB] =	sst s3  }
0xc: {  	[smem:$0x3FAC] =	sst s4  }
0xd: {  	[smem:$0x3FAD] =	sst s5  }
0xe: {  	[smem:$0x3FAE] =	sst s6  }
0xf: {  	[smem:$0x3FAF] =	sst s7  }
0x10: {  	[smem:$0x3FB0] =	sst s8  }
0x11: {  	[smem:$0x3FB1] =	sst s9;
	s0 =	simm.s32 @!p0 $0x0  }
0x12: {  	s1 =	sld [smem:$0x3F97];
	s0 =	simm.s32 @p0 $0x1  }
0x13: {  	[smem:$0x3FB2] =	sst s0;
	s0 =	simm.s32 @!p1 $0x0  }
0x14: {  	s2 =	sld [smem:$0x3F96];
	s0 =	simm.s32 @p1 $0x1  }
0x15: {  	[smem:$0x3FB3] =	sst s0;
	s0 =	simm.s32 @!p2 $0x0  }
0x16: {  	s3 =	sld [smem:$0x3FDB];
	s0 =	simm.s32 @p2 $0x1  }
0x17: {  	s4 =	simm.s32 $0x1BF5;
	[smem:$0x3FB5] =	sst s0  }
0x18: {  	s0 =	sld [smem:$0x3F98];
	_ =	swait.ge [sflag:s4], $0x0  }
0x19: {  	s7 =	sld [smem:$0x3F99]  }
0x1a: {  	s8 =	sadd.s32 $0xFFFFE003, lr  }
0x1b: {  	s9 =	sadd.s32 $0xFFFFFEF7, lr;
	s5 =	simm.s32 $0xFFFFFFFF;
	p2 =	slt.u32 s8, $0xFFFFF086  }
0x1c: {  	p1 =	slt.u32 s9, $0xF7A;
	s5 =	simm.s32 @!p2 $0x0  }
0x1d: {  	s5 =	simm.s32 @p1 $0x1;
	p0 =	seq.s32 s7, s2  }
0x1e: {  	s7 =	smul.u32 @!p0 $0xF7A, s2;
	p2 =	seq.s32 @!p0 s5, $0x0  }
0x1f: {  	s9 =	smul.u32 $0xF7A, s1;
	s8 =	simm.s32 @!p0 $0x1BF5;
	p2 =	por !p2, p0  }
0x20: {  	[sflag:s8] =	ssyncset.s32 @!p0 $0xFFFFF086;
	s6 =	sadd.s32 @!p0 s3, s7;
	s7 =	simm.s32 @!p0 $0x108  }
0x21: {  	s3 =	sadd.s32 s3, s9;
	s6 =	sadd.s32 @!p0 $0x88, s6;
	s7 =	simm.s32 @p2 $0x1082  }
0x22: {  	[simem:s7], [sflag:s8] =	dma.local @!p0 [hbm:s6], $0xF7A  }
0x23: {  	s9 =	sor.u32 $0xD0000000, s2;
	s6 =	simm.s32 $0x108;
	_ =	swait.ge @!p0 [sflag:s8], $0x0  }
0x24: {  	s3 =	sadd.s32 $0x88, s3;
	s6 =	simm.s32 @!p1 $0x1082;
	[sflag:s4] =	ssyncset.s32 $0xFFFFF086  }
0x25: {  	[simem:s6], [sflag:s4] =	dma.local [hbm:s3], $0xF7A  }
0x26: {  	[smem:$0x3F99] =	sst s1;
	(tag) =	ssettag s2;
	_ =	strace s9  }
0x27: {  	s1 =	sld [smem:$0x3FA9]  }
0x28: {  	s2 =	sld [smem:$0x3FAA]  }
0x29: {  	s4 =	sld [smem:$0x3FAC]  }
0x2a: {  	p0 =	seq.s32 s5, $0x0;
	s5 =	sld [smem:$0x3FAD]  }
0x2b: {  	s6 =	sld [smem:$0x3FAE]  }
0x2c: {  	s7 =	sld [smem:$0x3FAF]  }
0x2d: {  	s3 =	simm.s32 $0x108;
	s8 =	sld [smem:$0x3FB0]  }
0x2e: {  	s3 =	simm.s32 @!p0 $0x1082;
	s9 =	sld [smem:$0x3FB1]  }
0x2f: {  	lr =	sadd.s32 s0, s3;
	s0 =	sld [smem:$0x3FA8]  }
0x30: {  	s3 =	sld [smem:$0x3FAB]  }
0x31: {  	[smem:$0x3FB4] =	sst s10  }
0x32: {  	s10 =	sld [smem:$0x3FB2];
	_ =	sdelay $0x3  }
0x33: {  	p0 =	seq.s32 s10, $0x1;
	s10 =	sld [smem:$0x3FB4];
	_ =	sdelay $0x3  }
0x34: {  	[smem:$0x3FB4] =	sst s10  }
0x35: {  	s10 =	sld [smem:$0x3FB3];
	_ =	sdelay $0x3  }
0x36: {  	p1 =	seq.s32 s10, $0x1;
	s10 =	sld [smem:$0x3FB4];
	_ =	sdelay $0x3  }
0x37: {  	[smem:$0x3FB4] =	sst s10  }
0x38: {  	s10 =	sld [smem:$0x3FB5]  }
0x39: {  	_ = 	snop;
	(pc) =	sbr.ind lr, $3  }
0x3a: {  	_ = 	snop  }
0x3b: {  	_ = 	snop  }
0x3c: {  	p2 =	seq.s32 s10, $0x1;
	s10 =	sld [smem:$0x3FB4]  }
0x3d: {  	_ =	shalt  }
0x3e: {  	_ =	shalt  }
0x3f: {  	_ =	shalt  }
0x40: {  	_ =	shalt  }
0x41: {  	_ =	shalt  }
0x42: {  	_ =	shalt  }
0x43: {  	_ =	shalt  }
0x44: {  	_ =	shalt  }
0x45: {  	_ =	shalt  }
0x46: {  	_ =	shalt  }
0x47: {  	_ =	shalt  }
0x48: {  	_ =	shalt  }
0x49: {  	_ =	shalt  }
0x4a: {  	_ =	shalt  }
0x4b: {  	_ =	shalt  }
0x4c: {  	_ =	shalt  }
0x4d: {  	_ =	shalt  }
0x4e: {  	_ =	shalt  }
0x4f: {  	_ =	shalt  }
0x50: {  	_ =	shalt  }
0x51: {  	_ =	shalt  }
0x52: {  	_ =	shalt  }
0x53: {  	_ =	shalt  }
0x54: {  	_ =	shalt  }
0x55: {  	_ =	shalt  }
0x56: {  	_ =	shalt  }
0x57: {  	_ =	shalt  }
0x58: {  	_ =	shalt  }
0x59: {  	_ =	shalt  }
0x5a: {  	_ =	shalt  }
0x5b: {  	_ =	shalt  }
0x5c: {  	_ =	shalt  }
0x5d: {  	_ =	shalt  }
0x5e: {  	_ =	shalt  }
0x5f: {  	_ =	shalt  }
0x60: {  	_ =	shalt  }
0x61: {  	_ =	shalt  }
0x62: {  	_ =	shalt  }
0x63: {  	_ =	shalt  }
0x64: {  	_ =	shalt  }
0x65: {  	_ =	shalt  }
0x66: {  	_ =	shalt  }
0x67: {  	_ =	shalt  }
0x68: {  	_ =	shalt  }
0x69: {  	_ =	shalt  }
0x6a: {  	_ =	shalt  }
0x6b: {  	_ =	shalt  }
0x6c: {  	_ =	shalt  }
0x6d: {  	_ =	shalt  }
0x6e: {  	_ =	shalt  }
0x6f: {  	_ =	shalt  }
0x70: {  	_ =	shalt  }
0x71: {  	_ =	shalt  }
0x72: {  	_ =	shalt  }
0x73: {  	_ =	shalt  }
0x74: {  	_ =	shalt  }
0x75: {  	_ =	shalt  }
0x76: {  	_ =	shalt  }
0x77: {  	_ =	shalt  }
0x78: {  	_ =	shalt  }
0x79: {  	_ =	shalt  }
0x7a: {  	_ =	shalt  }
0x7b: {  	_ =	shalt  }
0x7c: {  	_ =	shalt  }
0x7d: {  	_ =	shalt  }
0x7e: {  	_ =	shalt  }
0x7f: {  	_ =	shalt  }
0x80: {  	_ =	shalt  }
0x81: {  	_ =	shalt  }
0x82: {  	_ =	shalt  }
0x83: {  	_ =	shalt  }
0x84: {  	_ =	shalt  }
0x85: {  	_ =	shalt  }
0x86: {  	_ =	shalt  }
0x87: {  	_ =	shalt  }
.Lfunc_end0:
.L_simem_size_0:
called_computation.2_lowered:
.L_overlay_start_0:
0x88: {  	s2 =	sld [smem:$0x3FD9]  }
0x89: {  	s3 =	sld [smem:$0x3FFE];
	_ =	sdelay $0x1  }
0x8a: {  	s1 =	srdreg.scid  }
0x8b: {  	s0 =	sand.u32 $0x1, s1  }
0x8c: {  	s16 =	sshll.u32 s0, $0xA;
	s2 =	sadd.s32 s3, s2  }
0x8d: {  	s2 =	sadd.s32 s2, s16  }
0x8e: {  	[smem:$0x3FC0] =	sst s2  }
0x8f: {  	_ = 	snop  }
0x90: {  	(tm) =	ssettm $0x1  }
0x91: {  	s17 =	sld [smem:$0x3FFB];
	_ =	sdelay $0x3  }
0x92: {  	_ =	strace s17  }
0x93: {  	s2 =	sld [smem:$0x3FFC];
	_ =	sdelay $0x3  }
0x94: {  	_ =	strace s2  }
0x95: {  	s2 =	sld [smem:$0x3FFD];
	_ =	sdelay $0x3  }
0x96: {  	_ =	strace s2  }
0x97: {  	_ =	strace $0x8FFFFFFF  }
0x98: {  	s18 =	sld [smem:$0x3FDB];
	_ =	sdelay $0x1  }
0x99: {  	s19 =	simm.s32 $_scs_section_size  }
0x9a: {  	s4 =	simm.s32 $_size__tile_overlayer_lowered;
	s5 =	simm.s32 $_tile_overlayer_lowered  }
0x9b: {  	s22 =	simm.s32 $0x1BFF;
	s21 =	sshll.u32 s5, $0x1;
	s2 =	sadd.s32 s19, s18  }
0x9c: {  	s6 =	simm.s32 $0x0;
	s20 =	sshll.u32 s4, $0x1;
	s4 =	sadd.s32 s21, s2  }
0x9d: {  	[timem:s6], [sflag:s22] =	dma.local [hbm:s4], s20  }
0x9e: {  	_ =	swait.ge [sflag:s22], s20  }
0x9f: {  	s3 =	ssub.s32 $0x0, s20;
	[sflag:s22] =	ssyncset.done $0x0  }
0xa0: {  	[sflag:s22] =	ssyncadd.s32 s3;
	_ =	sdelay $0x1  }
0xa1: {  	s23 =	simm.s32 $0x1B8B  }
0xa2: {  	_ =	swait.ge [sflag:s23], $0x1  }
0xa3: {  	[sflag:s23] =	ssyncset.done $0x0  }
0xa4: {  	s25 =	simm.s32 $0x1B8E;
	s24 =	sld [smem:$0x3FFE];
	[sflag:s23] =	ssyncadd.s32 $0xFFFFFFFF  }
0xa5: {  	s26 =	simm.s32 $execute0_lowered;
	[smem:$0x3FD2] =	sst s25  }
0xa6: {  	s4 =	sshll.u32 s26, $0x1;
	_ =	strace $0x8000004C;
	[dreg:$0x1] =	wrdreg $0xFFFFFFFF  }
0xa7: {  	s28 =	simm.s32 $_size_execute0_lowered;
	s2 =	sadd.s32 s2, s4;
	[dreg:$0x0] =	wrdreg $0x0  }
0xa8: {  	s4 =	sshll.u32 s28, $0x1;
	[dreg:$0x2] =	wrdreg s2  }
0xa9: {  	[dreg:$0x3] =	wrdreg s4  }
0xaa: {  	[dreg:$0x4] =	wrdreg $0xC0  }
0xab: {  	_ =	task [dreg:s6], $0x5FFFF  }
0xac: {  	[dreg:$0x1] =	wrdreg $0xFFFFFFFF  }
0xad: {  	[dreg:$0x0] =	wrdreg $0x60  }
0xae: {  	[dreg:$0x2] =	wrdreg s24  }
0xaf: {  	[dreg:$0x3] =	wrdreg $0xD0000  }
0xb0: {  	[dreg:$0x4] =	wrdreg $0x9  }
0xb1: {  	_ =	task.clear_ibuf [dreg:s6], $0x5FFFF;
	_ =	strace $0x9000004C  }
0xb2: {  	s29 =	simm.s32 $0x9;
	_ =	strace $0x8000004E  }
0xb3: {  	_ =	swait.ge [sflag:s29], $0x1  }
0xb4: {  	[sflag:s29] =	ssyncadd.s32 $0xFFFFFFFF  }
0xb5: {  	_ =	strace $0x9000004E  }
0xb6: {  	_ =	sfence  }
0xb7: {  	s30 =	sld [smem:$0x0];
	_ =	sdelay $0x2  }
0xb8: {  	s31 =	sshll.u32 s1, $0xD;
	s1 =	sshrl.u32 s1, $0x2  }
0xb9: {  	s3 =	sand.u32 $0x4000, s31;
	s1 =	sadd.s32 s1, s30  }
0xba: {  	s0 =	sor.u32 s3, s0;
	s1 =	sshll.u32 s1, $0x11  }
0xbb: {  	s0 =	sor.u32 s1, s0  }
0xbc: {  	s0 =	sadd.s32 $0x8F2B, s0  }
0xbd: {  	[sflag:s0] =	ssyncadd.remote.s32 $0x1  }
0xbe: {  	_ =	sfence.sel $0xFFFF  }
0xbf: {  	[dreg:$0x0] =	wrdreg $0xFFFFFFFF;
	(pc) =	sbr.abs _section_cstart, $3  }
0xc0: {  	[dreg:$0x1] =	wrdreg $0xFFFFFFFF  }
0xc1: {  	_ =	task.clear_ibuf [dreg:s6], $0x2FFFF;
	_ =	strace $0x9FFFFFFF  }
0xc2: {  	(tm) =	ssettm $0x7FFFFFFF  }
0xc3: {  	_ =	shalt  }
tec
execute0_lowered:
.L_overlay_start_1:
0x0: {  	(tag) =	ssettag $0x1  }
0x1: {  	s0 =	srdreg.scid  }
0x2: {  	s8 =	stileid.u32;
	s3 =	rddreg [dreg:$0x0]  }
0x3: {  	s2 =	rddreg [dreg:$0x1];
	s4 =	simm.s32 $0x0;
	s14 =	simm.s32 $0x80  }
0x4: {  	s15 =	simm.s32 $0x5000;
	s16 =	simm.s32 $0x6000;
	s18 =	simm.s32 $0x7000  }
0x5: {  	s20 =	simm.s32 $0x8000;
	s21 =	simm.s32 $0x1;
	s23 =	simm.s32 $0x9000  }
0x6: {  	s28 =	simm.s32 $0xA000;
	s29 =	simm.s32 $0x3;
	s22 =	simm.s32 $0xC000  }
0x7: {  	s30 =	simm.s32 $0x6;
	s31 =	simm.s32 $0xA;
	s17 =	simm.s32 $0x7  }
0x8: {  	s19 =	simm.s32 $0xB;
	s13 =	simm.s32 $0xD;
	s9 =	simm.s32 $0xF  }
0x9: {  	s10 =	simm.s32 $0x10;
	s0 =	sand.u32 $0x1, s0;
	s1 =	sshll.u32 s8, $0x1  }
0xa: {  	s5 =	smul.u32 $0x5000, s8;
	[smem:$0x7FF] =	sst s4;
	s4 =	sadd.s32 $0x21400, s3  }
0xb: {  	s25 =	sshll.u32 s8, $0x6;
	s8 =	simm.s32 $0xE;
	s1 =	sor.u32 s0, s1  }
0xc: {  	s6 =	smul.u32 $0x50000, s0;
	_ =	strace $0x8000004D;
	s0 =	ssub.s32 $0x2, s0  }
0xd: {  	s11 =	sor.u32 $0x1C11, s25;
	s25 =	simm.s32 $0x5;
	s1 =	smul.u32 $0x500, s1  }
0xe: {  	s7 =	sshrl.u32 s5, $0x3;
	s24 =	sshrl.u32 s0, $0x1;
	[dreg:$0x4] =	wrdreg s11  }
0xf: {  	s6 =	sadd.s32 s5, s6;
	s7 =	sadd.s32 s7, s3;
	s0 =	ssub.s32 s0, s24  }
0x10: {  	s5 =	sadd.s32 s5, s2;
	s24 =	simm.s32 $0x2;
	s7 =	sadd.s32 $0x17400, s7  }
0x11: {  	s1 =	sadd.s32 s1, s3;
	s0 =	smax.u32 s0, $0x1;
	[dreg:$0x3] =	wrdreg s7  }
0x12: {  	s6 =	sshrl.u32 s6, $0x3;
	s12 =	sshrl.u32 s5, $0x3;
	[dreg:$0x8] =	wrdreg s0  }
0x13: {  	s5 =	simm.s32 $0x8;
	s26 =	sadd.s32 $0xD400, s1;
	[dreg:$0x9] =	wrdreg s12  }
0x14: {  	s3 =	sadd.s32 s6, s3;
	s1 =	sadd.s32 $0x3400, s1;
	[dreg:$0x5] =	wrdreg s26  }
0x15: {  	s0 =	simm.s32 $0x4;
	s6 =	simm.s32 $0x0;
	[dreg:$0x6] =	wrdreg s1  }
0x16: {  	s7 =	simm.s32 $0xC;
	s3 =	sadd.s32 $0x2B400, s3;
	[dreg:$0xa] =	wrdreg s6  }
0x17: {  	s1 =	simm.s32 $0xB000;
	s26 =	simm.s32 $0x9;
	[dreg:$0x7] =	wrdreg s3  }
.LBB2_1:
0x18: {  	s3 =	simm.s32 $0x11;
	s6 =	rddreg [dreg:$0x3]  }
0x19: {  	[spmem:s12], [sflag:s11] =	dma.local [hbm:s6], $0xA00  }
0x1a: {  	_ =	swait.ge [sflag:s3], $0xA00  }
0x1b: {  	[sflag:s3] =	ssyncset.done $0x0  }
0x1c: {  	s6 =	simm.s32 $0x0;
	s12 =	rddreg [dreg:$0x5];
	[sflag:s3] =	ssyncadd.s32 $0xFFFFF600  }
0x1d: {  	[tilespmem:s6], [sflag:$0x11] =	stream.linear.gather [hbm4b:s12+s6], $0x2800, $0x38;
	[tilespmem:$0x12000] =	vst v63  }
0x1e: {  	_ =	swait.ge [sflag:s3], $0x2800  }
0x1f: {  	[sflag:s3] =	ssyncset.done $0x0  }
0x20: {  	s12 =	simm.s32 $0x2800;
	s11 =	rddreg [dreg:$0x6];
	[sflag:s3] =	ssyncadd.s32 $0xFFFFD800  }
0x21: {  	[tilespmem:s12], [sflag:$0x11] =	stream.linear.gather [hbm4b:s11+s6], $0x2800, $0x38;
	[tilespmem:$0x12000] =	vst v63  }
0x22: {  	_ =	swait.ge [sflag:s3], $0x2800  }
0x23: {  	[sflag:s3] =	ssyncset.done $0x0  }
0x24: {  	[sflag:s3] =	ssyncadd.s32 $0xFFFFD800  }
0x25: {  	[bflag:$0x0] =	sbarrier.arrive $0xFFFF  }
0x26: {  	[tilespmem:s15], [sflag:$0x1] =	stream.indirect.gather [hbm4b:s4+s14], $0x20, s6, s14, $0xb8;
	[tilespmem:$0x12000] =	vst v63  }
0x27: {  	_ = 	snop  }
0x28: {  	[tilespmem:s16], [sflag:$0x2] =	stream.indirect.gather [hbm4b:s4+s14], $0x20, s14, s14, $0xb8;
	[tilespmem:$0x12000] =	vst v63  }
0x29: {  	s6 =	simm.s32 $0x100  }
0x2a: {  	[tilespmem:s18], [sflag:$0x3] =	stream.indirect.gather [hbm4b:s4+s14], $0x20, s6, s14, $0xb8;
	[tilespmem:$0x12000] =	vst v63  }
0x2b: {  	s11 =	simm.s32 $0x180  }
0x2c: {  	[tilespmem:s20], [sflag:$0x4] =	stream.indirect.gather [hbm4b:s4+s14], $0x20, s11, s14, $0xb8;
	[tilespmem:$0x12000] =	vst v63  }
0x2d: {  	_ =	swait.ge [sflag:s21], $0x1000  }
0x2e: {  	[sflag:s21] =	ssyncset.done $0x0  }
0x2f: {  	[sflag:s21] =	ssyncadd.s32 $0xFFFFF000  }
0x30: {  	[spmem:s2] =	stream.indirect.scatter.add.f32 [tilespmem:s15], [sflag:$0x9], $0x20, s12, s14, $0xb8;
	[tilespmem:$0x12000] =	vst v63  }
0x31: {  	s12 =	simm.s32 $0x200  }
0x32: {  	[tilespmem:s23], [sflag:$0x5] =	stream.indirect.gather [hbm4b:s4+s14], $0x20, s12, s14, $0xb8;
	[tilespmem:$0x12000] =	vst v63  }
0x33: {  	_ =	swait.ge [sflag:s24], $0x1000  }
0x34: {  	[sflag:s24] =	ssyncset.done $0x0  }
0x35: {  	s6 =	simm.s32 $0x2880;
	[sflag:s24] =	ssyncadd.s32 $0xFFFFF000  }
0x36: {  	[spmem:s2] =	stream.indirect.scatter.add.f32 [tilespmem:s16], [sflag:$0xA], $0x20, s6, s14, $0xb8;
	[tilespmem:$0x12000] =	vst v63  }
0x37: {  	s11 =	simm.s32 $0x280  }
0x38: {  	[tilespmem:s28], [sflag:$0x6] =	stream.indirect.gather [hbm4b:s4+s14], $0x20, s11, s14, $0xb8;
	[tilespmem:$0x12000] =	vst v63  }
0x39: {  	_ =	swait.ge [sflag:s29], $0x1000  }
0x3a: {  	[sflag:s29] =	ssyncset.done $0x0  }
0x3b: {  	s12 =	simm.s32 $0x2900;
	[sflag:s29] =	ssyncadd.s32 $0xFFFFF000  }
0x3c: {  	[spmem:s2] =	stream.indirect.scatter.add.f32 [tilespmem:s18], [sflag:$0xB], $0x20, s12, s14, $0xb8;
	[tilespmem:$0x12000] =	vst v63  }
0x3d: {  	s6 =	simm.s32 $0x300  }
0x3e: {  	[tilespmem:s1], [sflag:$0x7] =	stream.indirect.gather [hbm4b:s4+s14], $0x20, s6, s14, $0xb8;
	[tilespmem:$0x12000] =	vst v63  }
0x3f: {  	_ =	swait.ge [sflag:s0], $0x1000  }
0x40: {  	[sflag:s0] =	ssyncset.done $0x0  }
0x41: {  	s11 =	simm.s32 $0x2980;
	[sflag:s0] =	ssyncadd.s32 $0xFFFFF000  }
0x42: {  	[spmem:s2] =	stream.indirect.scatter.add.f32 [tilespmem:s20], [sflag:$0xC], $0x20, s11, s14, $0xb8;
	[tilespmem:$0x12000] =	vst v63  }
0x43: {  	s12 =	simm.s32 $0x380  }
0x44: {  	[tilespmem:s22], [sflag:$0x8] =	stream.indirect.gather [hbm4b:s4+s14], $0x20, s12, s14, $0xb8;
	[tilespmem:$0x12000] =	vst v63  }
0x45: {  	_ =	swait.ge [sflag:s25], $0x1000  }
0x46: {  	[sflag:s25] =	ssyncset.done $0x0  }
0x47: {  	s3 =	simm.s32 $0x2A00;
	[sflag:s25] =	ssyncadd.s32 $0xFFFFF000  }
0x48: {  	[spmem:s2] =	stream.indirect.scatter.add.f32 [tilespmem:s23], [sflag:$0xD], $0x20, s3, s14, $0xb8;
	[tilespmem:$0x12000] =	vst v63  }
0x49: {  	_ =	swait.ge [sflag:s26], $0x1000  }
0x4a: {  	[sflag:s26] =	ssyncset.done $0x0  }
0x4b: {  	s11 =	simm.s32 $0x400;
	[sflag:s26] =	ssyncadd.s32 $0xFFFFF000  }
0x4c: {  	[tilespmem:s15], [sflag:$0x1] =	stream.indirect.gather [hbm4b:s4+s14], $0x20, s11, s14, $0xb8;
	[tilespmem:$0x12000] =	vst v63  }
0x4d: {  	_ =	swait.ge [sflag:s30], $0x1000  }
0x4e: {  	[sflag:s30] =	ssyncset.done $0x0  }
0x4f: {  	s12 =	simm.s32 $0x2A80;
	[sflag:s30] =	ssyncadd.s32 $0xFFFFF000  }
0x50: {  	[spmem:s2] =	stream.indirect.scatter.add.f32 [tilespmem:s28], [sflag:$0xE], $0x20, s12, s14, $0xb8;
	[tilespmem:$0x12000] =	vst v63  }
0x51: {  	_ =	swait.ge [sflag:s31], $0x1000  }
0x52: {  	[sflag:s31] =	ssyncset.done $0x0  }
0x53: {  	s3 =	simm.s32 $0x480;
	[sflag:s31] =	ssyncadd.s32 $0xFFFFF000  }
0x54: {  	[tilespmem:s16], [sflag:$0x2] =	stream.indirect.gather [hbm4b:s4+s14], $0x20, s3, s14, $0xb8;
	[tilespmem:$0x12000] =	vst v63  }
0x55: {  	_ =	swait.ge [sflag:s17], $0x1000  }
0x56: {  	[sflag:s17] =	ssyncset.done $0x0  }
0x57: {  	s11 =	simm.s32 $0x2B00;
	[sflag:s17] =	ssyncadd.s32 $0xFFFFF000  }
0x58: {  	[spmem:s2] =	stream.indirect.scatter.add.f32 [tilespmem:s1], [sflag:$0xF], $0x20, s11, s14, $0xb8;
	[tilespmem:$0x12000] =	vst v63  }
0x59: {  	_ =	swait.ge [sflag:s19], $0x1000  }
0x5a: {  	[sflag:s19] =	ssyncset.done $0x0  }
0x5b: {  	s12 =	simm.s32 $0x500;
	[sflag:s19] =	ssyncadd.s32 $0xFFFFF000  }
0x5c: {  	[tilespmem:s18], [sflag:$0x3] =	stream.indirect.gather [hbm4b:s4+s14], $0x20, s12, s14, $0xb8;
	[tilespmem:$0x12000] =	vst v63  }
0x5d: {  	_ =	swait.ge [sflag:s5], $0x1000  }
0x5e: {  	[sflag:s5] =	ssyncset.done $0x0  }
0x5f: {  	s3 =	simm.s32 $0x2B80;
	[sflag:s5] =	ssyncadd.s32 $0xFFFFF000  }
0x60: {  	[spmem:s2] =	stream.indirect.scatter.add.f32 [tilespmem:s22], [sflag:$0x10], $0x20, s3, s14, $0xb8;
	[tilespmem:$0x12000] =	vst v63  }
0x61: {  	_ =	swait.ge [sflag:s7], $0x1000  }
0x62: {  	[sflag:s7] =	ssyncset.done $0x0  }
0x63: {  	s11 =	simm.s32 $0x580;
	[sflag:s7] =	ssyncadd.s32 $0xFFFFF000  }
0x64: {  	[tilespmem:s20], [sflag:$0x4] =	stream.indirect.gather [hbm4b:s4+s14], $0x20, s11, s14, $0xb8;
	[tilespmem:$0x12000] =	vst v63  }
0x65: {  	_ =	swait.ge [sflag:s21], $0x1000  }
0x66: {  	[sflag:s21] =	ssyncset.done $0x0  }
0x67: {  	s12 =	simm.s32 $0x2C00;
	[sflag:s21] =	ssyncadd.s32 $0xFFFFF000  }
0x68: {  	[spmem:s2] =	stream.indirect.scatter.add.f32 [tilespmem:s15], [sflag:$0x9], $0x20, s12, s14, $0xb8;
	[tilespmem:$0x12000] =	vst v63  }
0x69: {  	_ =	swait.ge [sflag:s13], $0x1000  }
0x6a: {  	[sflag:s13] =	ssyncset.done $0x0  }
0x6b: {  	s3 =	simm.s32 $0x600;
	[sflag:s13] =	ssyncadd.s32 $0xFFFFF000  }
0x6c: {  	[tilespmem:s23], [sflag:$0x5] =	stream.indirect.gather [hbm4b:s4+s14], $0x20, s3, s14, $0xb8;
	[tilespmem:$0x12000] =	vst v63  }
0x6d: {  	_ =	swait.ge [sflag:s24], $0x1000  }
0x6e: {  	[sflag:s24] =	ssyncset.done $0x0  }
0x6f: {  	s11 =	simm.s32 $0x2C80;
	[sflag:s24] =	ssyncadd.s32 $0xFFFFF000  }
0x70: {  	[spmem:s2] =	stream.indirect.scatter.add.f32 [tilespmem:s16], [sflag:$0xA], $0x20, s11, s14, $0xb8;
	[tilespmem:$0x12000] =	vst v63  }
0x71: {  	_ =	swait.ge [sflag:s8], $0x1000  }
0x72: {  	[sflag:s8] =	ssyncset.done $0x0  }
0x73: {  	s12 =	simm.s32 $0x680;
	[sflag:s8] =	ssyncadd.s32 $0xFFFFF000  }
0x74: {  	[tilespmem:s28], [sflag:$0x6] =	stream.indirect.gather [hbm4b:s4+s14], $0x20, s12, s14, $0xb8;
	[tilespmem:$0x12000] =	vst v63  }
0x75: {  	_ =	swait.ge [sflag:s29], $0x1000  }
0x76: {  	[sflag:s29] =	ssyncset.done $0x0  }
0x77: {  	s3 =	simm.s32 $0x2D00;
	[sflag:s29] =	ssyncadd.s32 $0xFFFFF000  }
0x78: {  	[spmem:s2] =	stream.indirect.scatter.add.f32 [tilespmem:s18], [sflag:$0xB], $0x20, s3, s14, $0xb8;
	[tilespmem:$0x12000] =	vst v63  }
0x79: {  	_ =	swait.ge [sflag:s9], $0x1000  }
0x7a: {  	[sflag:s9] =	ssyncset.done $0x0  }
0x7b: {  	s11 =	simm.s32 $0x700;
	[sflag:s9] =	ssyncadd.s32 $0xFFFFF000  }
0x7c: {  	[tilespmem:s1], [sflag:$0x7] =	stream.indirect.gather [hbm4b:s4+s14], $0x20, s11, s14, $0xb8;
	[tilespmem:$0x12000] =	vst v63  }
0x7d: {  	_ =	swait.ge [sflag:s0], $0x1000  }
0x7e: {  	[sflag:s0] =	ssyncset.done $0x0  }
0x7f: {  	s12 =	simm.s32 $0x2D80;
	[sflag:s0] =	ssyncadd.s32 $0xFFFFF000  }
0x80: {  	[spmem:s2] =	stream.indirect.scatter.add.f32 [tilespmem:s20], [sflag:$0xC], $0x20, s12, s14, $0xb8;
	[tilespmem:$0x12000] =	vst v63  }
0x81: {  	_ =	swait.ge [sflag:s10], $0x1000  }
0x82: {  	[sflag:s10] =	ssyncset.done $0x0  }
0x83: {  	s6 =	simm.s32 $0x1000;
	s11 =	simm.s32 $0x780;
	[sflag:s10] =	ssyncadd.s32 $0xFFFFF000  }
.LBB2_2:
0x84: {  	[tilespmem:s22], [sflag:$0x8] =	stream.indirect.gather [hbm4b:s4+s14], $0x20, s11, s14, $0xb8;
	[tilespmem:$0x12000] =	vst v63  }
0x85: {  	s11 =	smov.u32 s6  }
0x86: {  	p0 =	sne.s32 s6, $0x8000;
	s6 =	sadd.s32 $0x1000, s6;
	_ =	swait.ge [sflag:s25], $0x1000  }
0x87: {  	s11 =	sshra.s32 s11, $0x2;
	[sflag:s25] =	ssyncset.done $0x0  }
0x88: {  	s12 =	sadd.s32 $0x2A00, s11;
	[sflag:s25] =	ssyncadd.s32 $0xFFFFF000  }
0x89: {  	[spmem:s2] =	stream.indirect.scatter.add.f32 [tilespmem:s23], [sflag:$0xD], $0x20, s12, s14, $0xb8;
	[tilespmem:$0x12000] =	vst v63  }
0x8a: {  	_ =	swait.ge [sflag:s26], $0x1000  }
0x8b: {  	[sflag:s26] =	ssyncset.done $0x0  }
0x8c: {  	s12 =	sadd.s32 $0x400, s11;
	[sflag:s26] =	ssyncadd.s32 $0xFFFFF000  }
0x8d: {  	[tilespmem:s15], [sflag:$0x1] =	stream.indirect.gather [hbm4b:s4+s14], $0x20, s12, s14, $0xb8;
	[tilespmem:$0x12000] =	vst v63  }
0x8e: {  	_ =	swait.ge [sflag:s30], $0x1000  }
0x8f: {  	[sflag:s30] =	ssyncset.done $0x0  }
0x90: {  	s12 =	sadd.s32 $0x2A80, s11;
	[sflag:s30] =	ssyncadd.s32 $0xFFFFF000  }
0x91: {  	[spmem:s2] =	stream.indirect.scatter.add.f32 [tilespmem:s28], [sflag:$0xE], $0x20, s12, s14, $0xb8;
	[tilespmem:$0x12000] =	vst v63  }
0x92: {  	_ =	swait.ge [sflag:s31], $0x1000  }
0x93: {  	[sflag:s31] =	ssyncset.done $0x0  }
0x94: {  	s12 =	sadd.s32 $0x480, s11;
	[sflag:s31] =	ssyncadd.s32 $0xFFFFF000  }
0x95: {  	[tilespmem:s16], [sflag:$0x2] =	stream.indirect.gather [hbm4b:s4+s14], $0x20, s12, s14, $0xb8;
	[tilespmem:$0x12000] =	vst v63  }
0x96: {  	_ =	swait.ge [sflag:s17], $0x1000  }
0x97: {  	[sflag:s17] =	ssyncset.done $0x0  }
0x98: {  	s12 =	sadd.s32 $0x2B00, s11;
	[sflag:s17] =	ssyncadd.s32 $0xFFFFF000  }
0x99: {  	[spmem:s2] =	stream.indirect.scatter.add.f32 [tilespmem:s1], [sflag:$0xF], $0x20, s12, s14, $0xb8;
	[tilespmem:$0x12000] =	vst v63  }
0x9a: {  	_ =	swait.ge [sflag:s19], $0x1000  }
0x9b: {  	[sflag:s19] =	ssyncset.done $0x0  }
0x9c: {  	s12 =	sadd.s32 $0x500, s11;
	[sflag:s19] =	ssyncadd.s32 $0xFFFFF000  }
0x9d: {  	[tilespmem:s18], [sflag:$0x3] =	stream.indirect.gather [hbm4b:s4+s14], $0x20, s12, s14, $0xb8;
	[tilespmem:$0x12000] =	vst v63  }
0x9e: {  	_ =	swait.ge [sflag:s5], $0x1000  }
0x9f: {  	[sflag:s5] =	ssyncset.done $0x0  }
0xa0: {  	s12 =	sadd.s32 $0x2B80, s11;
	[sflag:s5] =	ssyncadd.s32 $0xFFFFF000  }
0xa1: {  	[spmem:s2] =	stream.indirect.scatter.add.f32 [tilespmem:s22], [sflag:$0x10], $0x20, s12, s14, $0xb8;
	[tilespmem:$0x12000] =	vst v63  }
0xa2: {  	_ =	swait.ge [sflag:s7], $0x1000  }
0xa3: {  	[sflag:s7] =	ssyncset.done $0x0  }
0xa4: {  	s12 =	sadd.s32 $0x580, s11;
	[sflag:s7] =	ssyncadd.s32 $0xFFFFF000  }
0xa5: {  	[tilespmem:s20], [sflag:$0x4] =	stream.indirect.gather [hbm4b:s4+s14], $0x20, s12, s14, $0xb8;
	[tilespmem:$0x12000] =	vst v63  }
0xa6: {  	_ =	swait.ge [sflag:s21], $0x1000  }
0xa7: {  	[sflag:s21] =	ssyncset.done $0x0  }
0xa8: {  	s12 =	sadd.s32 $0x2C00, s11;
	[sflag:s21] =	ssyncadd.s32 $0xFFFFF000  }
0xa9: {  	[spmem:s2] =	stream.indirect.scatter.add.f32 [tilespmem:s15], [sflag:$0x9], $0x20, s12, s14, $0xb8;
	[tilespmem:$0x12000] =	vst v63  }
0xaa: {  	_ =	swait.ge [sflag:s13], $0x1000  }
0xab: {  	[sflag:s13] =	ssyncset.done $0x0  }
0xac: {  	s12 =	sadd.s32 $0x600, s11;
	[sflag:s13] =	ssyncadd.s32 $0xFFFFF000  }
0xad: {  	[tilespmem:s23], [sflag:$0x5] =	stream.indirect.gather [hbm4b:s4+s14], $0x20, s12, s14, $0xb8;
	[tilespmem:$0x12000] =	vst v63  }
0xae: {  	_ =	swait.ge [sflag:s24], $0x1000  }
0xaf: {  	[sflag:s24] =	ssyncset.done $0x0  }
0xb0: {  	s12 =	sadd.s32 $0x2C80, s11;
	[sflag:s24] =	ssyncadd.s32 $0xFFFFF000  }
0xb1: {  	[spmem:s2] =	stream.indirect.scatter.add.f32 [tilespmem:s16], [sflag:$0xA], $0x20, s12, s14, $0xb8;
	[tilespmem:$0x12000] =	vst v63  }
0xb2: {  	_ =	swait.ge [sflag:s8], $0x1000  }
0xb3: {  	[sflag:s8] =	ssyncset.done $0x0  }
0xb4: {  	s12 =	sadd.s32 $0x680, s11;
	[sflag:s8] =	ssyncadd.s32 $0xFFFFF000  }
0xb5: {  	[tilespmem:s28], [sflag:$0x6] =	stream.indirect.gather [hbm4b:s4+s14], $0x20, s12, s14, $0xb8;
	[tilespmem:$0x12000] =	vst v63  }
0xb6: {  	_ =	swait.ge [sflag:s29], $0x1000  }
0xb7: {  	[sflag:s29] =	ssyncset.done $0x0  }
0xb8: {  	s12 =	sadd.s32 $0x2D00, s11;
	[sflag:s29] =	ssyncadd.s32 $0xFFFFF000  }
0xb9: {  	[spmem:s2] =	stream.indirect.scatter.add.f32 [tilespmem:s18], [sflag:$0xB], $0x20, s12, s14, $0xb8;
	[tilespmem:$0x12000] =	vst v63  }
0xba: {  	_ =	swait.ge [sflag:s9], $0x1000  }
0xbb: {  	[sflag:s9] =	ssyncset.done $0x0  }
0xbc: {  	s12 =	sadd.s32 $0x700, s11;
	[sflag:s9] =	ssyncadd.s32 $0xFFFFF000  }
0xbd: {  	[tilespmem:s1], [sflag:$0x7] =	stream.indirect.gather [hbm4b:s4+s14], $0x20, s12, s14, $0xb8;
	[tilespmem:$0x12000] =	vst v63  }
0xbe: {  	_ =	swait.ge [sflag:s0], $0x1000  }
0xbf: {  	[sflag:s0] =	ssyncset.done $0x0  }
.Ltmp0:
0xc0: {  	s12 =	sadd.s32 $0x2D80, s11;
	[sflag:s0] =	ssyncadd.s32 $0xFFFFF000;
	(pc) =	sbr.rel @p0 .LBB2_2-.Ltmp0, $4  }
0xc1: {  	[spmem:s2] =	stream.indirect.scatter.add.f32 [tilespmem:s20], [sflag:$0xC], $0x20, s12, s14, $0xb8;
	[tilespmem:$0x12000] =	vst v63  }
0xc2: {  	_ =	swait.ge [sflag:s10], $0x1000  }
0xc3: {  	[sflag:s10] =	ssyncset.done $0x0  }
0xc4: {  	s11 =	sadd.s32 $0x780, s11;
	[sflag:s10] =	ssyncadd.s32 $0xFFFFF000  }
0xc5: {  	[tilespmem:s22], [sflag:$0x8] =	stream.indirect.gather [hbm4b:s4+s14], $0x20, s11, s14, $0xb8;
	[tilespmem:$0x12000] =	vst v63  }
0xc6: {  	_ =	swait.ge [sflag:s25], $0x1000  }
0xc7: {  	[sflag:s25] =	ssyncset.done $0x0  }
0xc8: {  	s3 =	simm.s32 $0x4E00;
	[sflag:s25] =	ssyncadd.s32 $0xFFFFF000  }
0xc9: {  	[spmem:s2] =	stream.indirect.scatter.add.f32 [tilespmem:s23], [sflag:$0xD], $0x20, s3, s14, $0xb8;
	[tilespmem:$0x12000] =	vst v63  }
0xca: {  	_ =	swait.ge [sflag:s26], $0x1000  }
0xcb: {  	[sflag:s26] =	ssyncset.done $0x0  }
0xcc: {  	[sflag:s26] =	ssyncadd.s32 $0xFFFFF000  }
0xcd: {  	_ =	swait.ge [sflag:s30], $0x1000  }
0xce: {  	[sflag:s30] =	ssyncset.done $0x0  }
0xcf: {  	s6 =	simm.s32 $0x4E80;
	[sflag:s30] =	ssyncadd.s32 $0xFFFFF000  }
0xd0: {  	[spmem:s2] =	stream.indirect.scatter.add.f32 [tilespmem:s28], [sflag:$0xE], $0x20, s6, s14, $0xb8;
	[tilespmem:$0x12000] =	vst v63  }
0xd1: {  	_ =	swait.ge [sflag:s31], $0x1000  }
0xd2: {  	[sflag:s31] =	ssyncset.done $0x0  }
0xd3: {  	[sflag:s31] =	ssyncadd.s32 $0xFFFFF000  }
0xd4: {  	_ =	swait.ge [sflag:s17], $0x1000  }
0xd5: {  	[sflag:s17] =	ssyncset.done $0x0  }
0xd6: {  	s11 =	simm.s32 $0x4F00;
	[sflag:s17] =	ssyncadd.s32 $0xFFFFF000  }
0xd7: {  	[spmem:s2] =	stream.indirect.scatter.add.f32 [tilespmem:s1], [sflag:$0xF], $0x20, s11, s14, $0xb8;
	[tilespmem:$0x12000] =	vst v63  }
0xd8: {  	_ =	swait.ge [sflag:s19], $0x1000  }
0xd9: {  	[sflag:s19] =	ssyncset.done $0x0  }
0xda: {  	[sflag:s19] =	ssyncadd.s32 $0xFFFFF000  }
0xdb: {  	_ =	swait.ge [sflag:s5], $0x1000  }
0xdc: {  	[sflag:s5] =	ssyncset.done $0x0  }
0xdd: {  	s12 =	simm.s32 $0x4F80;
	[sflag:s5] =	ssyncadd.s32 $0xFFFFF000  }
0xde: {  	[spmem:s2] =	stream.indirect.scatter.add.f32 [tilespmem:s22], [sflag:$0x10], $0x20, s12, s14, $0xb8;
	[tilespmem:$0x12000] =	vst v63  }
0xdf: {  	_ =	swait.ge [sflag:s7], $0x1000  }
0xe0: {  	[sflag:s7] =	ssyncset.done $0x0  }
0xe1: {  	[sflag:s7] =	ssyncadd.s32 $0xFFFFF000  }
0xe2: {  	_ =	swait.ge [sflag:s13], $0x1000  }
0xe3: {  	[sflag:s13] =	ssyncset.done $0x0  }
0xe4: {  	[sflag:s13] =	ssyncadd.s32 $0xFFFFF000  }
0xe5: {  	_ =	swait.ge [sflag:s8], $0x1000  }
0xe6: {  	[sflag:s8] =	ssyncset.done $0x0  }
0xe7: {  	[sflag:s8] =	ssyncadd.s32 $0xFFFFF000  }
0xe8: {  	_ =	swait.ge [sflag:s9], $0x1000  }
0xe9: {  	[sflag:s9] =	ssyncset.done $0x0  }
0xea: {  	[sflag:s9] =	ssyncadd.s32 $0xFFFFF000  }
0xeb: {  	_ =	swait.ge [sflag:s10], $0x1000  }
0xec: {  	[sflag:s10] =	ssyncset.done $0x0  }
0xed: {  	[sflag:s10] =	ssyncadd.s32 $0xFFFFF000  }
0xee: {  	[bflag:$0x0] =	sbarrier.arrive $0xFFFF  }
0xef: {  	s11 =	rddreg [dreg:$0x4]  }
0xf0: {  	s6 =	rddreg [dreg:$0x7]  }
0xf1: {  	s12 =	rddreg [dreg:$0x9]  }
0xf2: {  	[hbm:s6], [sflag:s11] =	dma.local [spmem:s12], $0xA00  }
0xf3: {  	s6 =	simm.s32 $0x11  }
0xf4: {  	_ =	swait.ge [sflag:s6], $0xA00  }
0xf5: {  	s3 =	rddreg [dreg:$0xa]  }
0xf6: {  	[sflag:s6] =	ssyncset.done $0x0;
	s6 =	rddreg [dreg:$0x8];
	s3 =	sadd.s32 $0x1, s3  }
0xf7: {  	p0 =	sne.s32 s3, s6  }
.Ltmp1:
0xf8: {  	_ = 	snop;
	(pc) =	sbr.rel @p0 .LBB2_1-.Ltmp1, $3  }
0xf9: {  	_ =	sdelay $0x1  }
0xfa: {  	s6 =	simm.s32 $0x11  }
0xfb: {  	[dreg:$0xa] =	wrdreg s3;
	[sflag:s6] =	ssyncadd.s32 $0xFFFFF600  }
0xfc: {  	_ =	sfence.sel $0x180000  }
0xfd: {  	[bflag:$0x0] =	sbarrier.arrive $0xFFFF  }
0xfe: {  	_ =	strace $0x9000004D  }
0xff: {  	s0 =	stileid.u32;
	[bflag:$0x2] =	sbarrier.arrive $0xFFFF  }
0x100: {  	p0 =	sne.s32 s0, $0x0;
	s0 =	rddreg [dreg:$0x2]  }
0x101: {  	s0 =	sadd.s32 @!p0 $0x100000, s0  }
0x102: {  	[sflag:s0] =	ssyncadd.tile.s32 @!p0 $0x1;
	_ =	shalt  }
.Lfunc_end2:
_tile_overlayer_lowered:
.L_overlay_start_2:
0x103: {  	(tag) =	ssettag $0x2  }
0x104: {  	s0 =	rddreg [dreg:$0x0];
	s2 =	stileid.u32  }
0x105: {  	s1 =	rddreg [dreg:$0x1];
	p0 =	sne.s32 s2, $0x0  }
0x106: {  	s3 =	rddreg [dreg:$0x2];
	[bflag:$0x3] =	sbarrier.arrive $0xFFFF;
	s2 =	simm.s32 @!p0 $0x1C11  }
0x107: {  	[timem:s3], [sflag:s2] =	dma.local @!p0 [hbm:s0], s1  }
0x108: {  	s0 =	simm.s32 @!p0 $0x11  }
0x109: {  	_ =	swait.ge @!p0 [sflag:s0], s1  }
0x10a: {  	s1 =	ssub.s32 @!p0 $0x0, s1;
	[sflag:s0] =	ssyncset.done @!p0 $0x0  }
0x10b: {  	[sflag:s0] =	ssyncadd.s32 @!p0 s1  }
0x10c: {  	[bflag:$0x3] =	sbarrier.arrive $0xFFFF  }
0x10d: {  	_ =	shalt  }

// kernel: kernel.20.cloned.1.call-start
scs
__scs_entry_jumppad:
0x0: {  	(pc) =	sbr.rel $0x88, $3  }
0x1: {  	(tag) =	ssettag $0x0;
	lr =	simm.s32 $0x1  }
0x2: {  	[smem:$0x3F99] =	sst lr;
	_ =	strace $0xD0000000  }
0x3: {  	_ = 	snop  }
0x4: {  	_ = 	snop  }
0x5: {  	_ = 	snop  }
0x6: {  	_ = 	snop  }
0x7: {  	_ = 	snop  }
__scs_overlays_trampoline_lowered:
0x8: {  	[smem:$0x3FA8] =	sst s0  }
0x9: {  	[smem:$0x3FA9] =	sst s1  }
0xa: {  	[smem:$0x3FAA] =	sst s2  }
0xb: {  	[smem:$0x3FAB] =	sst s3  }
0xc: {  	[smem:$0x3FAC] =	sst s4  }
0xd: {  	[smem:$0x3FAD] =	sst s5  }
0xe: {  	[smem:$0x3FAE] =	sst s6  }
0xf: {  	[smem:$0x3FAF] =	sst s7  }
0x10: {  	[smem:$0x3FB0] =	sst s8  }
0x11: {  	[smem:$0x3FB1] =	sst s9;
	s0 =	simm.s32 @!p0 $0x0  }
0x12: {  	s1 =	sld [smem:$0x3F97];
	s0 =	simm.s32 @p0 $0x1  }
0x13: {  	[smem:$0x3FB2] =	sst s0;
	s0 =	simm.s32 @!p1 $0x0  }
0x14: {  	s2 =	sld [smem:$0x3F96];
	s0 =	simm.s32 @p1 $0x1  }
0x15: {  	[smem:$0x3FB3] =	sst s0;
	s0 =	simm.s32 @!p2 $0x0  }
0x16: {  	s3 =	sld [smem:$0x3FDB];
	s0 =	simm.s32 @p2 $0x1  }
0x17: {  	s4 =	simm.s32 $0x1BF5;
	[smem:$0x3FB5] =	sst s0  }
0x18: {  	s0 =	sld [smem:$0x3F98];
	_ =	swait.ge [sflag:s4], $0x0  }
0x19: {  	s7 =	sld [smem:$0x3F99]  }
0x1a: {  	s8 =	sadd.s32 $0xFFFFE003, lr  }
0x1b: {  	s9 =	sadd.s32 $0xFFFFFEF7, lr;
	s5 =	simm.s32 $0xFFFFFFFF;
	p2 =	slt.u32 s8, $0xFFFFF086  }
0x1c: {  	p1 =	slt.u32 s9, $0xF7A;
	s5 =	simm.s32 @!p2 $0x0  }
0x1d: {  	s5 =	simm.s32 @p1 $0x1;
	p0 =	seq.s32 s7, s2  }
0x1e: {  	s7 =	smul.u32 @!p0 $0xF7A, s2;
	p2 =	seq.s32 @!p0 s5, $0x0  }
0x1f: {  	s9 =	smul.u32 $0xF7A, s1;
	s8 =	simm.s32 @!p0 $0x1BF5;
	p2 =	por !p2, p0  }
0x20: {  	[sflag:s8] =	ssyncset.s32 @!p0 $0xFFFFF086;
	s6 =	sadd.s32 @!p0 s3, s7;
	s7 =	simm.s32 @!p0 $0x108  }
0x21: {  	s3 =	sadd.s32 s3, s9;
	s6 =	sadd.s32 @!p0 $0x88, s6;
	s7 =	simm.s32 @p2 $0x1082  }
0x22: {  	[simem:s7], [sflag:s8] =	dma.local @!p0 [hbm:s6], $0xF7A  }
0x23: {  	s9 =	sor.u32 $0xD0000000, s2;
	s6 =	simm.s32 $0x108;
	_ =	swait.ge @!p0 [sflag:s8], $0x0  }
0x24: {  	s3 =	sadd.s32 $0x88, s3;
	s6 =	simm.s32 @!p1 $0x1082;
	[sflag:s4] =	ssyncset.s32 $0xFFFFF086  }
0x25: {  	[simem:s6], [sflag:s4] =	dma.local [hbm:s3], $0xF7A  }
0x26: {  	[smem:$0x3F99] =	sst s1;
	(tag) =	ssettag s2;
	_ =	strace s9  }
0x27: {  	s1 =	sld [smem:$0x3FA9]  }
0x28: {  	s2 =	sld [smem:$0x3FAA]  }
0x29: {  	s4 =	sld [smem:$0x3FAC]  }
0x2a: {  	p0 =	seq.s32 s5, $0x0;
	s5 =	sld [smem:$0x3FAD]  }
0x2b: {  	s6 =	sld [smem:$0x3FAE]  }
0x2c: {  	s7 =	sld [smem:$0x3FAF]  }
0x2d: {  	s3 =	simm.s32 $0x108;
	s8 =	sld [smem:$0x3FB0]  }
0x2e: {  	s3 =	simm.s32 @!p0 $0x1082;
	s9 =	sld [smem:$0x3FB1]  }
0x2f: {  	lr =	sadd.s32 s0, s3;
	s0 =	sld [smem:$0x3FA8]  }
0x30: {  	s3 =	sld [smem:$0x3FAB]  }
0x31: {  	[smem:$0x3FB4] =	sst s10  }
0x32: {  	s10 =	sld [smem:$0x3FB2];
	_ =	sdelay $0x3  }
0x33: {  	p0 =	seq.s32 s10, $0x1;
	s10 =	sld [smem:$0x3FB4];
	_ =	sdelay $0x3  }
0x34: {  	[smem:$0x3FB4] =	sst s10  }
0x35: {  	s10 =	sld [smem:$0x3FB3];
	_ =	sdelay $0x3  }
0x36: {  	p1 =	seq.s32 s10, $0x1;
	s10 =	sld [smem:$0x3FB4];
	_ =	sdelay $0x3  }
0x37: {  	[smem:$0x3FB4] =	sst s10  }
0x38: {  	s10 =	sld [smem:$0x3FB5]  }
0x39: {  	_ = 	snop;
	(pc) =	sbr.ind lr, $3  }
0x3a: {  	_ = 	snop  }
0x3b: {  	_ = 	snop  }
0x3c: {  	p2 =	seq.s32 s10, $0x1;
	s10 =	sld [smem:$0x3FB4]  }
0x3d: {  	_ =	shalt  }
0x3e: {  	_ =	shalt  }
0x3f: {  	_ =	shalt  }
0x40: {  	_ =	shalt  }
0x41: {  	_ =	shalt  }
0x42: {  	_ =	shalt  }
0x43: {  	_ =	shalt  }
0x44: {  	_ =	shalt  }
0x45: {  	_ =	shalt  }
0x46: {  	_ =	shalt  }
0x47: {  	_ =	shalt  }
0x48: {  	_ =	shalt  }
0x49: {  	_ =	shalt  }
0x4a: {  	_ =	shalt  }
0x4b: {  	_ =	shalt  }
0x4c: {  	_ =	shalt  }
0x4d: {  	_ =	shalt  }
0x4e: {  	_ =	shalt  }
0x4f: {  	_ =	shalt  }
0x50: {  	_ =	shalt  }
0x51: {  	_ =	shalt  }
0x52: {  	_ =	shalt  }
0x53: {  	_ =	shalt  }
0x54: {  	_ =	shalt  }
0x55: {  	_ =	shalt  }
0x56: {  	_ =	shalt  }
0x57: {  	_ =	shalt  }
0x58: {  	_ =	shalt  }
0x59: {  	_ =	shalt  }
0x5a: {  	_ =	shalt  }
0x5b: {  	_ =	shalt  }
0x5c: {  	_ =	shalt  }
0x5d: {  	_ =	shalt  }
0x5e: {  	_ =	shalt  }
0x5f: {  	_ =	shalt  }
0x60: {  	_ =	shalt  }
0x61: {  	_ =	shalt  }
0x62: {  	_ =	shalt  }
0x63: {  	_ =	shalt  }
0x64: {  	_ =	shalt  }
0x65: {  	_ =	shalt  }
0x66: {  	_ =	shalt  }
0x67: {  	_ =	shalt  }
0x68: {  	_ =	shalt  }
0x69: {  	_ =	shalt  }
0x6a: {  	_ =	shalt  }
0x6b: {  	_ =	shalt  }
0x6c: {  	_ =	shalt  }
0x6d: {  	_ =	shalt  }
0x6e: {  	_ =	shalt  }
0x6f: {  	_ =	shalt  }
0x70: {  	_ =	shalt  }
0x71: {  	_ =	shalt  }
0x72: {  	_ =	shalt  }
0x73: {  	_ =	shalt  }
0x74: {  	_ =	shalt  }
0x75: {  	_ =	shalt  }
0x76: {  	_ =	shalt  }
0x77: {  	_ =	shalt  }
0x78: {  	_ =	shalt  }
0x79: {  	_ =	shalt  }
0x7a: {  	_ =	shalt  }
0x7b: {  	_ =	shalt  }
0x7c: {  	_ =	shalt  }
0x7d: {  	_ =	shalt  }
0x7e: {  	_ =	shalt  }
0x7f: {  	_ =	shalt  }
0x80: {  	_ =	shalt  }
0x81: {  	_ =	shalt  }
0x82: {  	_ =	shalt  }
0x83: {  	_ =	shalt  }
0x84: {  	_ =	shalt  }
0x85: {  	_ =	shalt  }
0x86: {  	_ =	shalt  }
0x87: {  	_ =	shalt  }
.Lfunc_end0:
.L_simem_size_0:
called_computation.3_lowered:
.L_overlay_start_0:
0x88: {  	s2 =	sld [smem:$0x3FD9]  }
0x89: {  	s3 =	sld [smem:$0x3FFE];
	_ =	sdelay $0x1  }
0x8a: {  	s1 =	srdreg.scid  }
0x8b: {  	s0 =	sand.u32 $0x1, s1  }
0x8c: {  	s16 =	sshll.u32 s0, $0xA;
	s2 =	sadd.s32 s3, s2  }
0x8d: {  	s2 =	sadd.s32 s2, s16  }
0x8e: {  	[smem:$0x3FC0] =	sst s2  }
0x8f: {  	_ = 	snop  }
0x90: {  	(tm) =	ssettm $0x1  }
0x91: {  	s17 =	sld [smem:$0x3FFB];
	_ =	sdelay $0x3  }
0x92: {  	_ =	strace s17  }
0x93: {  	s2 =	sld [smem:$0x3FFC];
	_ =	sdelay $0x3  }
0x94: {  	_ =	strace s2  }
0x95: {  	s2 =	sld [smem:$0x3FFD];
	_ =	sdelay $0x3  }
0x96: {  	_ =	strace s2  }
0x97: {  	_ =	strace $0x8FFFFFFF  }
0x98: {  	s18 =	sld [smem:$0x3FDB];
	_ =	sdelay $0x1  }
0x99: {  	s19 =	simm.s32 $_scs_section_size  }
0x9a: {  	s4 =	simm.s32 $_size__tile_overlayer_lowered;
	s5 =	simm.s32 $_tile_overlayer_lowered  }
0x9b: {  	s22 =	simm.s32 $0x1BFF;
	s21 =	sshll.u32 s5, $0x1;
	s2 =	sadd.s32 s19, s18  }
0x9c: {  	s6 =	simm.s32 $0x0;
	s20 =	sshll.u32 s4, $0x1;
	s4 =	sadd.s32 s21, s2  }
0x9d: {  	[timem:s6], [sflag:s22] =	dma.local [hbm:s4], s20  }
0x9e: {  	_ =	swait.ge [sflag:s22], s20  }
0x9f: {  	s3 =	ssub.s32 $0x0, s20;
	[sflag:s22] =	ssyncset.done $0x0  }
0xa0: {  	[sflag:s22] =	ssyncadd.s32 s3;
	_ =	sdelay $0x1  }
0xa1: {  	s23 =	simm.s32 $0x1B8B  }
0xa2: {  	_ =	swait.ge [sflag:s23], $0x1  }
0xa3: {  	[sflag:s23] =	ssyncset.done $0x0  }
0xa4: {  	s25 =	simm.s32 $0x1B8E;
	s24 =	sld [smem:$0x3FFE];
	[sflag:s23] =	ssyncadd.s32 $0xFFFFFFFF  }
0xa5: {  	s26 =	simm.s32 $execute0_lowered;
	[smem:$0x3FD2] =	sst s25  }
0xa6: {  	s4 =	sshll.u32 s26, $0x1;
	_ =	strace $0x8000004F;
	[dreg:$0x1] =	wrdreg $0xFFFFFFFF  }
0xa7: {  	s28 =	simm.s32 $_size_execute0_lowered;
	s2 =	sadd.s32 s2, s4;
	[dreg:$0x0] =	wrdreg $0x0  }
0xa8: {  	s4 =	sshll.u32 s28, $0x1;
	[dreg:$0x2] =	wrdreg s2  }
0xa9: {  	[dreg:$0x3] =	wrdreg s4  }
0xaa: {  	[dreg:$0x4] =	wrdreg $0xC0  }
0xab: {  	_ =	task [dreg:s6], $0x5FFFF  }
0xac: {  	[dreg:$0x1] =	wrdreg $0xFFFFFFFF  }
0xad: {  	[dreg:$0x0] =	wrdreg $0x60  }
0xae: {  	[dreg:$0x2] =	wrdreg s24  }
0xaf: {  	[dreg:$0x3] =	wrdreg $0xD0000  }
0xb0: {  	[dreg:$0x4] =	wrdreg $0x9  }
0xb1: {  	_ =	task.clear_ibuf [dreg:s6], $0x5FFFF;
	_ =	strace $0x9000004F  }
0xb2: {  	s29 =	simm.s32 $0x9;
	_ =	strace $0x80000051  }
0xb3: {  	_ =	swait.ge [sflag:s29], $0x1  }
0xb4: {  	[sflag:s29] =	ssyncadd.s32 $0xFFFFFFFF  }
0xb5: {  	_ =	strace $0x90000051  }
0xb6: {  	_ =	sfence  }
0xb7: {  	s30 =	sld [smem:$0x0];
	_ =	sdelay $0x2  }
0xb8: {  	s31 =	sshll.u32 s1, $0xD;
	s1 =	sshrl.u32 s1, $0x2  }
0xb9: {  	s3 =	sand.u32 $0x4000, s31;
	s1 =	sadd.s32 s1, s30  }
0xba: {  	s0 =	sor.u32 s3, s0;
	s1 =	sshll.u32 s1, $0x11  }
0xbb: {  	s0 =	sor.u32 s1, s0  }
0xbc: {  	s0 =	sadd.s32 $0x8F2B, s0  }
0xbd: {  	[sflag:s0] =	ssyncadd.remote.s32 $0x1  }
0xbe: {  	_ =	sfence.sel $0xFFFF  }
0xbf: {  	[dreg:$0x0] =	wrdreg $0xFFFFFFFF;
	(pc) =	sbr.abs _section_cstart, $3  }
0xc0: {  	[dreg:$0x1] =	wrdreg $0xFFFFFFFF  }
0xc1: {  	_ =	task.clear_ibuf [dreg:s6], $0x2FFFF;
	_ =	strace $0x9FFFFFFF  }
0xc2: {  	(tm) =	ssettm $0x7FFFFFFF  }
0xc3: {  	_ =	shalt  }
tec
execute0_lowered:
.L_overlay_start_1:
0x0: {  	(tag) =	ssettag $0x1  }
0x1: {  	s0 =	srdreg.scid  }
0x2: {  	s8 =	stileid.u32;
	s3 =	rddreg [dreg:$0x0]  }
0x3: {  	s2 =	rddreg [dreg:$0x1];
	s4 =	simm.s32 $0x0;
	s14 =	simm.s32 $0x80  }
0x4: {  	s15 =	simm.s32 $0x5000;
	s16 =	simm.s32 $0x6000;
	s18 =	simm.s32 $0x7000  }
0x5: {  	s20 =	simm.s32 $0x8000;
	s21 =	simm.s32 $0x1;
	s23 =	simm.s32 $0x9000  }
0x6: {  	s28 =	simm.s32 $0xA000;
	s29 =	simm.s32 $0x3;
	s22 =	simm.s32 $0xC000  }
0x7: {  	s30 =	simm.s32 $0x6;
	s31 =	simm.s32 $0xA;
	s17 =	simm.s32 $0x7  }
0x8: {  	s19 =	simm.s32 $0xB;
	s13 =	simm.s32 $0xD;
	s9 =	simm.s32 $0xF  }
0x9: {  	s10 =	simm.s32 $0x10;
	s0 =	sand.u32 $0x1, s0;
	s1 =	sshll.u32 s8, $0x1  }
0xa: {  	s5 =	smul.u32 $0x5000, s8;
	[smem:$0x7FF] =	sst s4;
	s4 =	sadd.s32 $0x21400, s3  }
0xb: {  	s25 =	sshll.u32 s8, $0x6;
	s8 =	simm.s32 $0xE;
	s1 =	sor.u32 s0, s1  }
0xc: {  	s6 =	smul.u32 $0x50000, s0;
	_ =	strace $0x80000050;
	s0 =	ssub.s32 $0x2, s0  }
0xd: {  	s11 =	sor.u32 $0x1C11, s25;
	s25 =	simm.s32 $0x5;
	s1 =	smul.u32 $0x500, s1  }
0xe: {  	s7 =	sshrl.u32 s5, $0x3;
	s24 =	sshrl.u32 s0, $0x1;
	[dreg:$0x4] =	wrdreg s11  }
0xf: {  	s6 =	sadd.s32 s5, s6;
	s7 =	sadd.s32 s7, s3;
	s0 =	ssub.s32 s0, s24  }
0x10: {  	s5 =	sadd.s32 s5, s2;
	s24 =	simm.s32 $0x2;
	s7 =	sadd.s32 $0x17400, s7  }
0x11: {  	s1 =	sadd.s32 s1, s3;
	s0 =	smax.u32 s0, $0x1;
	[dreg:$0x3] =	wrdreg s7  }
0x12: {  	s6 =	sshrl.u32 s6, $0x3;
	s12 =	sshrl.u32 s5, $0x3;
	[dreg:$0x8] =	wrdreg s0  }
0x13: {  	s5 =	simm.s32 $0x8;
	s26 =	sadd.s32 $0xD400, s1;
	[dreg:$0x9] =	wrdreg s12  }
0x14: {  	s3 =	sadd.s32 s6, s3;
	s1 =	sadd.s32 $0x3400, s1;
	[dreg:$0x5] =	wrdreg s26  }
0x15: {  	s0 =	simm.s32 $0x4;
	s6 =	simm.s32 $0x0;
	[dreg:$0x6] =	wrdreg s1  }
0x16: {  	s7 =	simm.s32 $0xC;
	s3 =	sadd.s32 $0x2B400, s3;
	[dreg:$0xa] =	wrdreg s6  }
0x17: {  	s1 =	simm.s32 $0xB000;
	s26 =	simm.s32 $0x9;
	[dreg:$0x7] =	wrdreg s3  }
.LBB2_1:
0x18: {  	s3 =	simm.s32 $0x11;
	s6 =	rddreg [dreg:$0x3]  }
0x19: {  	[spmem:s12], [sflag:s11] =	dma.local [hbm:s6], $0xA00  }
0x1a: {  	_ =	swait.ge [sflag:s3], $0xA00  }
0x1b: {  	[sflag:s3] =	ssyncset.done $0x0  }
0x1c: {  	s6 =	simm.s32 $0x0;
	s12 =	rddreg [dreg:$0x5];
	[sflag:s3] =	ssyncadd.s32 $0xFFFFF600  }
0x1d: {  	[tilespmem:s6], [sflag:$0x11] =	stream.linear.gather [hbm4b:s12+s6], $0x2800, $0x38;
	[tilespmem:$0x12000] =	vst v63  }
0x1e: {  	_ =	swait.ge [sflag:s3], $0x2800  }
0x1f: {  	[sflag:s3] =	ssyncset.done $0x0  }
0x20: {  	s12 =	simm.s32 $0x2800;
	s11 =	rddreg [dreg:$0x6];
	[sflag:s3] =	ssyncadd.s32 $0xFFFFD800  }
0x21: {  	[tilespmem:s12], [sflag:$0x11] =	stream.linear.gather [hbm4b:s11+s6], $0x2800, $0x38;
	[tilespmem:$0x12000] =	vst v63  }
0x22: {  	_ =	swait.ge [sflag:s3], $0x2800  }
0x23: {  	[sflag:s3] =	ssyncset.done $0x0  }
0x24: {  	[sflag:s3] =	ssyncadd.s32 $0xFFFFD800  }
0x25: {  	[bflag:$0x0] =	sbarrier.arrive $0xFFFF  }
0x26: {  	[tilespmem:s15], [sflag:$0x1] =	stream.indirect.gather [hbm4b:s4+s14], $0x20, s6, s14, $0xb8;
	[tilespmem:$0x12000] =	vst v63  }
0x27: {  	_ = 	snop  }
0x28: {  	[tilespmem:s16], [sflag:$0x2] =	stream.indirect.gather [hbm4b:s4+s14], $0x20, s14, s14, $0xb8;
	[tilespmem:$0x12000] =	vst v63  }
0x29: {  	s6 =	simm.s32 $0x100  }
0x2a: {  	[tilespmem:s18], [sflag:$0x3] =	stream.indirect.gather [hbm4b:s4+s14], $0x20, s6, s14, $0xb8;
	[tilespmem:$0x12000] =	vst v63  }
0x2b: {  	s11 =	simm.s32 $0x180  }
0x2c: {  	[tilespmem:s20], [sflag:$0x4] =	stream.indirect.gather [hbm4b:s4+s14], $0x20, s11, s14, $0xb8;
	[tilespmem:$0x12000] =	vst v63  }
0x2d: {  	_ =	swait.ge [sflag:s21], $0x1000  }
0x2e: {  	[sflag:s21] =	ssyncset.done $0x0  }
0x2f: {  	[sflag:s21] =	ssyncadd.s32 $0xFFFFF000  }
0x30: {  	[spmem:s2] =	stream.indirect.scatter.add.f32 [tilespmem:s15], [sflag:$0x9], $0x20, s12, s14, $0xb8;
	[tilespmem:$0x12000] =	vst v63  }
0x31: {  	s12 =	simm.s32 $0x200  }
0x32: {  	[tilespmem:s23], [sflag:$0x5] =	stream.indirect.gather [hbm4b:s4+s14], $0x20, s12, s14, $0xb8;
	[tilespmem:$0x12000] =	vst v63  }
0x33: {  	_ =	swait.ge [sflag:s24], $0x1000  }
0x34: {  	[sflag:s24] =	ssyncset.done $0x0  }
0x35: {  	s6 =	simm.s32 $0x2880;
	[sflag:s24] =	ssyncadd.s32 $0xFFFFF000  }
0x36: {  	[spmem:s2] =	stream.indirect.scatter.add.f32 [tilespmem:s16], [sflag:$0xA], $0x20, s6, s14, $0xb8;
	[tilespmem:$0x12000] =	vst v63  }
0x37: {  	s11 =	simm.s32 $0x280  }
0x38: {  	[tilespmem:s28], [sflag:$0x6] =	stream.indirect.gather [hbm4b:s4+s14], $0x20, s11, s14, $0xb8;
	[tilespmem:$0x12000] =	vst v63  }
0x39: {  	_ =	swait.ge [sflag:s29], $0x1000  }
0x3a: {  	[sflag:s29] =	ssyncset.done $0x0  }
0x3b: {  	s12 =	simm.s32 $0x2900;
	[sflag:s29] =	ssyncadd.s32 $0xFFFFF000  }
0x3c: {  	[spmem:s2] =	stream.indirect.scatter.add.f32 [tilespmem:s18], [sflag:$0xB], $0x20, s12, s14, $0xb8;
	[tilespmem:$0x12000] =	vst v63  }
0x3d: {  	s6 =	simm.s32 $0x300  }
0x3e: {  	[tilespmem:s1], [sflag:$0x7] =	stream.indirect.gather [hbm4b:s4+s14], $0x20, s6, s14, $0xb8;
	[tilespmem:$0x12000] =	vst v63  }
0x3f: {  	_ =	swait.ge [sflag:s0], $0x1000  }
0x40: {  	[sflag:s0] =	ssyncset.done $0x0  }
0x41: {  	s11 =	simm.s32 $0x2980;
	[sflag:s0] =	ssyncadd.s32 $0xFFFFF000  }
0x42: {  	[spmem:s2] =	stream.indirect.scatter.add.f32 [tilespmem:s20], [sflag:$0xC], $0x20, s11, s14, $0xb8;
	[tilespmem:$0x12000] =	vst v63  }
0x43: {  	s12 =	simm.s32 $0x380  }
0x44: {  	[tilespmem:s22], [sflag:$0x8] =	stream.indirect.gather [hbm4b:s4+s14], $0x20, s12, s14, $0xb8;
	[tilespmem:$0x12000] =	vst v63  }
0x45: {  	_ =	swait.ge [sflag:s25], $0x1000  }
0x46: {  	[sflag:s25] =	ssyncset.done $0x0  }
0x47: {  	s3 =	simm.s32 $0x2A00;
	[sflag:s25] =	ssyncadd.s32 $0xFFFFF000  }
0x48: {  	[spmem:s2] =	stream.indirect.scatter.add.f32 [tilespmem:s23], [sflag:$0xD], $0x20, s3, s14, $0xb8;
	[tilespmem:$0x12000] =	vst v63  }
0x49: {  	_ =	swait.ge [sflag:s26], $0x1000  }
0x4a: {  	[sflag:s26] =	ssyncset.done $0x0  }
0x4b: {  	s11 =	simm.s32 $0x400;
	[sflag:s26] =	ssyncadd.s32 $0xFFFFF000  }
0x4c: {  	[tilespmem:s15], [sflag:$0x1] =	stream.indirect.gather [hbm4b:s4+s14], $0x20, s11, s14, $0xb8;
	[tilespmem:$0x12000] =	vst v63  }
0x4d: {  	_ =	swait.ge [sflag:s30], $0x1000  }
0x4e: {  	[sflag:s30] =	ssyncset.done $0x0  }
0x4f: {  	s12 =	simm.s32 $0x2A80;
	[sflag:s30] =	ssyncadd.s32 $0xFFFFF000  }
0x50: {  	[spmem:s2] =	stream.indirect.scatter.add.f32 [tilespmem:s28], [sflag:$0xE], $0x20, s12, s14, $0xb8;
	[tilespmem:$0x12000] =	vst v63  }
0x51: {  	_ =	swait.ge [sflag:s31], $0x1000  }
0x52: {  	[sflag:s31] =	ssyncset.done $0x0  }
0x53: {  	s3 =	simm.s32 $0x480;
	[sflag:s31] =	ssyncadd.s32 $0xFFFFF000  }
0x54: {  	[tilespmem:s16], [sflag:$0x2] =	stream.indirect.gather [hbm4b:s4+s14], $0x20, s3, s14, $0xb8;
	[tilespmem:$0x12000] =	vst v63  }
0x55: {  	_ =	swait.ge [sflag:s17], $0x1000  }
0x56: {  	[sflag:s17] =	ssyncset.done $0x0  }
0x57: {  	s11 =	simm.s32 $0x2B00;
	[sflag:s17] =	ssyncadd.s32 $0xFFFFF000  }
0x58: {  	[spmem:s2] =	stream.indirect.scatter.add.f32 [tilespmem:s1], [sflag:$0xF], $0x20, s11, s14, $0xb8;
	[tilespmem:$0x12000] =	vst v63  }
0x59: {  	_ =	swait.ge [sflag:s19], $0x1000  }
0x5a: {  	[sflag:s19] =	ssyncset.done $0x0  }
0x5b: {  	s12 =	simm.s32 $0x500;
	[sflag:s19] =	ssyncadd.s32 $0xFFFFF000  }
0x5c: {  	[tilespmem:s18], [sflag:$0x3] =	stream.indirect.gather [hbm4b:s4+s14], $0x20, s12, s14, $0xb8;
	[tilespmem:$0x12000] =	vst v63  }
0x5d: {  	_ =	swait.ge [sflag:s5], $0x1000  }
0x5e: {  	[sflag:s5] =	ssyncset.done $0x0  }
0x5f: {  	s3 =	simm.s32 $0x2B80;
	[sflag:s5] =	ssyncadd.s32 $0xFFFFF000  }
0x60: {  	[spmem:s2] =	stream.indirect.scatter.add.f32 [tilespmem:s22], [sflag:$0x10], $0x20, s3, s14, $0xb8;
	[tilespmem:$0x12000] =	vst v63  }
0x61: {  	_ =	swait.ge [sflag:s7], $0x1000  }
0x62: {  	[sflag:s7] =	ssyncset.done $0x0  }
0x63: {  	s11 =	simm.s32 $0x580;
	[sflag:s7] =	ssyncadd.s32 $0xFFFFF000  }
0x64: {  	[tilespmem:s20], [sflag:$0x4] =	stream.indirect.gather [hbm4b:s4+s14], $0x20, s11, s14, $0xb8;
	[tilespmem:$0x12000] =	vst v63  }
0x65: {  	_ =	swait.ge [sflag:s21], $0x1000  }
0x66: {  	[sflag:s21] =	ssyncset.done $0x0  }
0x67: {  	s12 =	simm.s32 $0x2C00;
	[sflag:s21] =	ssyncadd.s32 $0xFFFFF000  }
0x68: {  	[spmem:s2] =	stream.indirect.scatter.add.f32 [tilespmem:s15], [sflag:$0x9], $0x20, s12, s14, $0xb8;
	[tilespmem:$0x12000] =	vst v63  }
0x69: {  	_ =	swait.ge [sflag:s13], $0x1000  }
0x6a: {  	[sflag:s13] =	ssyncset.done $0x0  }
0x6b: {  	s3 =	simm.s32 $0x600;
	[sflag:s13] =	ssyncadd.s32 $0xFFFFF000  }
0x6c: {  	[tilespmem:s23], [sflag:$0x5] =	stream.indirect.gather [hbm4b:s4+s14], $0x20, s3, s14, $0xb8;
	[tilespmem:$0x12000] =	vst v63  }
0x6d: {  	_ =	swait.ge [sflag:s24], $0x1000  }
0x6e: {  	[sflag:s24] =	ssyncset.done $0x0  }
0x6f: {  	s11 =	simm.s32 $0x2C80;
	[sflag:s24] =	ssyncadd.s32 $0xFFFFF000  }
0x70: {  	[spmem:s2] =	stream.indirect.scatter.add.f32 [tilespmem:s16], [sflag:$0xA], $0x20, s11, s14, $0xb8;
	[tilespmem:$0x12000] =	vst v63  }
0x71: {  	_ =	swait.ge [sflag:s8], $0x1000  }
0x72: {  	[sflag:s8] =	ssyncset.done $0x0  }
0x73: {  	s12 =	simm.s32 $0x680;
	[sflag:s8] =	ssyncadd.s32 $0xFFFFF000  }
0x74: {  	[tilespmem:s28], [sflag:$0x6] =	stream.indirect.gather [hbm4b:s4+s14], $0x20, s12, s14, $0xb8;
	[tilespmem:$0x12000] =	vst v63  }
0x75: {  	_ =	swait.ge [sflag:s29], $0x1000  }
0x76: {  	[sflag:s29] =	ssyncset.done $0x0  }
0x77: {  	s3 =	simm.s32 $0x2D00;
	[sflag:s29] =	ssyncadd.s32 $0xFFFFF000  }
0x78: {  	[spmem:s2] =	stream.indirect.scatter.add.f32 [tilespmem:s18], [sflag:$0xB], $0x20, s3, s14, $0xb8;
	[tilespmem:$0x12000] =	vst v63  }
0x79: {  	_ =	swait.ge [sflag:s9], $0x1000  }
0x7a: {  	[sflag:s9] =	ssyncset.done $0x0  }
0x7b: {  	s11 =	simm.s32 $0x700;
	[sflag:s9] =	ssyncadd.s32 $0xFFFFF000  }
0x7c: {  	[tilespmem:s1], [sflag:$0x7] =	stream.indirect.gather [hbm4b:s4+s14], $0x20, s11, s14, $0xb8;
	[tilespmem:$0x12000] =	vst v63  }
0x7d: {  	_ =	swait.ge [sflag:s0], $0x1000  }
0x7e: {  	[sflag:s0] =	ssyncset.done $0x0  }
0x7f: {  	s12 =	simm.s32 $0x2D80;
	[sflag:s0] =	ssyncadd.s32 $0xFFFFF000  }
0x80: {  	[spmem:s2] =	stream.indirect.scatter.add.f32 [tilespmem:s20], [sflag:$0xC], $0x20, s12, s14, $0xb8;
	[tilespmem:$0x12000] =	vst v63  }
0x81: {  	_ =	swait.ge [sflag:s10], $0x1000  }
0x82: {  	[sflag:s10] =	ssyncset.done $0x0  }
0x83: {  	s6 =	simm.s32 $0x1000;
	s11 =	simm.s32 $0x780;
	[sflag:s10] =	ssyncadd.s32 $0xFFFFF000  }
.LBB2_2:
0x84: {  	[tilespmem:s22], [sflag:$0x8] =	stream.indirect.gather [hbm4b:s4+s14], $0x20, s11, s14, $0xb8;
	[tilespmem:$0x12000] =	vst v63  }
0x85: {  	s11 =	smov.u32 s6  }
0x86: {  	p0 =	sne.s32 s6, $0x8000;
	s6 =	sadd.s32 $0x1000, s6;
	_ =	swait.ge [sflag:s25], $0x1000  }
0x87: {  	s11 =	sshra.s32 s11, $0x2;
	[sflag:s25] =	ssyncset.done $0x0  }
0x88: {  	s12 =	sadd.s32 $0x2A00, s11;
	[sflag:s25] =	ssyncadd.s32 $0xFFFFF000  }
0x89: {  	[spmem:s2] =	stream.indirect.scatter.add.f32 [tilespmem:s23], [sflag:$0xD], $0x20, s12, s14, $0xb8;
	[tilespmem:$0x12000] =	vst v63  }
0x8a: {  	_ =	swait.ge [sflag:s26], $0x1000  }
0x8b: {  	[sflag:s26] =	ssyncset.done $0x0  }
0x8c: {  	s12 =	sadd.s32 $0x400, s11;
	[sflag:s26] =	ssyncadd.s32 $0xFFFFF000  }
0x8d: {  	[tilespmem:s15], [sflag:$0x1] =	stream.indirect.gather [hbm4b:s4+s14], $0x20, s12, s14, $0xb8;
	[tilespmem:$0x12000] =	vst v63  }
0x8e: {  	_ =	swait.ge [sflag:s30], $0x1000  }
0x8f: {  	[sflag:s30] =	ssyncset.done $0x0  }
0x90: {  	s12 =	sadd.s32 $0x2A80, s11;
	[sflag:s30] =	ssyncadd.s32 $0xFFFFF000  }
0x91: {  	[spmem:s2] =	stream.indirect.scatter.add.f32 [tilespmem:s28], [sflag:$0xE], $0x20, s12, s14, $0xb8;
	[tilespmem:$0x12000] =	vst v63  }
0x92: {  	_ =	swait.ge [sflag:s31], $0x1000  }
0x93: {  	[sflag:s31] =	ssyncset.done $0x0  }
0x94: {  	s12 =	sadd.s32 $0x480, s11;
	[sflag:s31] =	ssyncadd.s32 $0xFFFFF000  }
0x95: {  	[tilespmem:s16], [sflag:$0x2] =	stream.indirect.gather [hbm4b:s4+s14], $0x20, s12, s14, $0xb8;
	[tilespmem:$0x12000] =	vst v63  }
0x96: {  	_ =	swait.ge [sflag:s17], $0x1000  }
0x97: {  	[sflag:s17] =	ssyncset.done $0x0  }
0x98: {  	s12 =	sadd.s32 $0x2B00, s11;
	[sflag:s17] =	ssyncadd.s32 $0xFFFFF000  }
0x99: {  	[spmem:s2] =	stream.indirect.scatter.add.f32 [tilespmem:s1], [sflag:$0xF], $0x20, s12, s14, $0xb8;
	[tilespmem:$0x12000] =	vst v63  }
0x9a: {  	_ =	swait.ge [sflag:s19], $0x1000  }
0x9b: {  	[sflag:s19] =	ssyncset.done $0x0  }
0x9c: {  	s12 =	sadd.s32 $0x500, s11;
	[sflag:s19] =	ssyncadd.s32 $0xFFFFF000  }
0x9d: {  	[tilespmem:s18], [sflag:$0x3] =	stream.indirect.gather [hbm4b:s4+s14], $0x20, s12, s14, $0xb8;
	[tilespmem:$0x12000] =	vst v63  }
0x9e: {  	_ =	swait.ge [sflag:s5], $0x1000  }
0x9f: {  	[sflag:s5] =	ssyncset.done $0x0  }
0xa0: {  	s12 =	sadd.s32 $0x2B80, s11;
	[sflag:s5] =	ssyncadd.s32 $0xFFFFF000  }
0xa1: {  	[spmem:s2] =	stream.indirect.scatter.add.f32 [tilespmem:s22], [sflag:$0x10], $0x20, s12, s14, $0xb8;
	[tilespmem:$0x12000] =	vst v63  }
0xa2: {  	_ =	swait.ge [sflag:s7], $0x1000  }
0xa3: {  	[sflag:s7] =	ssyncset.done $0x0  }
0xa4: {  	s12 =	sadd.s32 $0x580, s11;
	[sflag:s7] =	ssyncadd.s32 $0xFFFFF000  }
0xa5: {  	[tilespmem:s20], [sflag:$0x4] =	stream.indirect.gather [hbm4b:s4+s14], $0x20, s12, s14, $0xb8;
	[tilespmem:$0x12000] =	vst v63  }
0xa6: {  	_ =	swait.ge [sflag:s21], $0x1000  }
0xa7: {  	[sflag:s21] =	ssyncset.done $0x0  }
0xa8: {  	s12 =	sadd.s32 $0x2C00, s11;
	[sflag:s21] =	ssyncadd.s32 $0xFFFFF000  }
0xa9: {  	[spmem:s2] =	stream.indirect.scatter.add.f32 [tilespmem:s15], [sflag:$0x9], $0x20, s12, s14, $0xb8;
	[tilespmem:$0x12000] =	vst v63  }
0xaa: {  	_ =	swait.ge [sflag:s13], $0x1000  }
0xab: {  	[sflag:s13] =	ssyncset.done $0x0  }
0xac: {  	s12 =	sadd.s32 $0x600, s11;
	[sflag:s13] =	ssyncadd.s32 $0xFFFFF000  }
0xad: {  	[tilespmem:s23], [sflag:$0x5] =	stream.indirect.gather [hbm4b:s4+s14], $0x20, s12, s14, $0xb8;
	[tilespmem:$0x12000] =	vst v63  }
0xae: {  	_ =	swait.ge [sflag:s24], $0x1000  }
0xaf: {  	[sflag:s24] =	ssyncset.done $0x0  }
0xb0: {  	s12 =	sadd.s32 $0x2C80, s11;
	[sflag:s24] =	ssyncadd.s32 $0xFFFFF000  }
0xb1: {  	[spmem:s2] =	stream.indirect.scatter.add.f32 [tilespmem:s16], [sflag:$0xA], $0x20, s12, s14, $0xb8;
	[tilespmem:$0x12000] =	vst v63  }
0xb2: {  	_ =	swait.ge [sflag:s8], $0x1000  }
0xb3: {  	[sflag:s8] =	ssyncset.done $0x0  }
0xb4: {  	s12 =	sadd.s32 $0x680, s11;
	[sflag:s8] =	ssyncadd.s32 $0xFFFFF000  }
0xb5: {  	[tilespmem:s28], [sflag:$0x6] =	stream.indirect.gather [hbm4b:s4+s14], $0x20, s12, s14, $0xb8;
	[tilespmem:$0x12000] =	vst v63  }
0xb6: {  	_ =	swait.ge [sflag:s29], $0x1000  }
0xb7: {  	[sflag:s29] =	ssyncset.done $0x0  }
0xb8: {  	s12 =	sadd.s32 $0x2D00, s11;
	[sflag:s29] =	ssyncadd.s32 $0xFFFFF000  }
0xb9: {  	[spmem:s2] =	stream.indirect.scatter.add.f32 [tilespmem:s18], [sflag:$0xB], $0x20, s12, s14, $0xb8;
	[tilespmem:$0x12000] =	vst v63  }
0xba: {  	_ =	swait.ge [sflag:s9], $0x1000  }
0xbb: {  	[sflag:s9] =	ssyncset.done $0x0  }
0xbc: {  	s12 =	sadd.s32 $0x700, s11;
	[sflag:s9] =	ssyncadd.s32 $0xFFFFF000  }
0xbd: {  	[tilespmem:s1], [sflag:$0x7] =	stream.indirect.gather [hbm4b:s4+s14], $0x20, s12, s14, $0xb8;
	[tilespmem:$0x12000] =	vst v63  }
0xbe: {  	_ =	swait.ge [sflag:s0], $0x1000  }
0xbf: {  	[sflag:s0] =	ssyncset.done $0x0  }
.Ltmp0:
0xc0: {  	s12 =	sadd.s32 $0x2D80, s11;
	[sflag:s0] =	ssyncadd.s32 $0xFFFFF000;
	(pc) =	sbr.rel @p0 .LBB2_2-.Ltmp0, $4  }
0xc1: {  	[spmem:s2] =	stream.indirect.scatter.add.f32 [tilespmem:s20], [sflag:$0xC], $0x20, s12, s14, $0xb8;
	[tilespmem:$0x12000] =	vst v63  }
0xc2: {  	_ =	swait.ge [sflag:s10], $0x1000  }
0xc3: {  	[sflag:s10] =	ssyncset.done $0x0  }
0xc4: {  	s11 =	sadd.s32 $0x780, s11;
	[sflag:s10] =	ssyncadd.s32 $0xFFFFF000  }
0xc5: {  	[tilespmem:s22], [sflag:$0x8] =	stream.indirect.gather [hbm4b:s4+s14], $0x20, s11, s14, $0xb8;
	[tilespmem:$0x12000] =	vst v63  }
0xc6: {  	_ =	swait.ge [sflag:s25], $0x1000  }
0xc7: {  	[sflag:s25] =	ssyncset.done $0x0  }
0xc8: {  	s3 =	simm.s32 $0x4E00;
	[sflag:s25] =	ssyncadd.s32 $0xFFFFF000  }
0xc9: {  	[spmem:s2] =	stream.indirect.scatter.add.f32 [tilespmem:s23], [sflag:$0xD], $0x20, s3, s14, $0xb8;
	[tilespmem:$0x12000] =	vst v63  }
0xca: {  	_ =	swait.ge [sflag:s26], $0x1000  }
0xcb: {  	[sflag:s26] =	ssyncset.done $0x0  }
0xcc: {  	[sflag:s26] =	ssyncadd.s32 $0xFFFFF000  }
0xcd: {  	_ =	swait.ge [sflag:s30], $0x1000  }
0xce: {  	[sflag:s30] =	ssyncset.done $0x0  }
0xcf: {  	s6 =	simm.s32 $0x4E80;
	[sflag:s30] =	ssyncadd.s32 $0xFFFFF000  }
0xd0: {  	[spmem:s2] =	stream.indirect.scatter.add.f32 [tilespmem:s28], [sflag:$0xE], $0x20, s6, s14, $0xb8;
	[tilespmem:$0x12000] =	vst v63  }
0xd1: {  	_ =	swait.ge [sflag:s31], $0x1000  }
0xd2: {  	[sflag:s31] =	ssyncset.done $0x0  }
0xd3: {  	[sflag:s31] =	ssyncadd.s32 $0xFFFFF000  }
0xd4: {  	_ =	swait.ge [sflag:s17], $0x1000  }
0xd5: {  	[sflag:s17] =	ssyncset.done $0x0  }
0xd6: {  	s11 =	simm.s32 $0x4F00;
	[sflag:s17] =	ssyncadd.s32 $0xFFFFF000  }
0xd7: {  	[spmem:s2] =	stream.indirect.scatter.add.f32 [tilespmem:s1], [sflag:$0xF], $0x20, s11, s14, $0xb8;
	[tilespmem:$0x12000] =	vst v63  }
0xd8: {  	_ =	swait.ge [sflag:s19], $0x1000  }
0xd9: {  	[sflag:s19] =	ssyncset.done $0x0  }
0xda: {  	[sflag:s19] =	ssyncadd.s32 $0xFFFFF000  }
0xdb: {  	_ =	swait.ge [sflag:s5], $0x1000  }
0xdc: {  	[sflag:s5] =	ssyncset.done $0x0  }
0xdd: {  	s12 =	simm.s32 $0x4F80;
	[sflag:s5] =	ssyncadd.s32 $0xFFFFF000  }
0xde: {  	[spmem:s2] =	stream.indirect.scatter.add.f32 [tilespmem:s22], [sflag:$0x10], $0x20, s12, s14, $0xb8;
	[tilespmem:$0x12000] =	vst v63  }
0xdf: {  	_ =	swait.ge [sflag:s7], $0x1000  }
0xe0: {  	[sflag:s7] =	ssyncset.done $0x0  }
0xe1: {  	[sflag:s7] =	ssyncadd.s32 $0xFFFFF000  }
0xe2: {  	_ =	swait.ge [sflag:s13], $0x1000  }
0xe3: {  	[sflag:s13] =	ssyncset.done $0x0  }
0xe4: {  	[sflag:s13] =	ssyncadd.s32 $0xFFFFF000  }
0xe5: {  	_ =	swait.ge [sflag:s8], $0x1000  }
0xe6: {  	[sflag:s8] =	ssyncset.done $0x0  }
0xe7: {  	[sflag:s8] =	ssyncadd.s32 $0xFFFFF000  }
0xe8: {  	_ =	swait.ge [sflag:s9], $0x1000  }
0xe9: {  	[sflag:s9] =	ssyncset.done $0x0  }
0xea: {  	[sflag:s9] =	ssyncadd.s32 $0xFFFFF000  }
0xeb: {  	_ =	swait.ge [sflag:s10], $0x1000  }
0xec: {  	[sflag:s10] =	ssyncset.done $0x0  }
0xed: {  	[sflag:s10] =	ssyncadd.s32 $0xFFFFF000  }
0xee: {  	[bflag:$0x0] =	sbarrier.arrive $0xFFFF  }
0xef: {  	s11 =	rddreg [dreg:$0x4]  }
0xf0: {  	s6 =	rddreg [dreg:$0x7]  }
0xf1: {  	s12 =	rddreg [dreg:$0x9]  }
0xf2: {  	[hbm:s6], [sflag:s11] =	dma.local [spmem:s12], $0xA00  }
0xf3: {  	s6 =	simm.s32 $0x11  }
0xf4: {  	_ =	swait.ge [sflag:s6], $0xA00  }
0xf5: {  	s3 =	rddreg [dreg:$0xa]  }
0xf6: {  	[sflag:s6] =	ssyncset.done $0x0;
	s6 =	rddreg [dreg:$0x8];
	s3 =	sadd.s32 $0x1, s3  }
0xf7: {  	p0 =	sne.s32 s3, s6  }
.Ltmp1:
0xf8: {  	_ = 	snop;
	(pc) =	sbr.rel @p0 .LBB2_1-.Ltmp1, $3  }
0xf9: {  	_ =	sdelay $0x1  }
0xfa: {  	s6 =	simm.s32 $0x11  }
0xfb: {  	[dreg:$0xa] =	wrdreg s3;
	[sflag:s6] =	ssyncadd.s32 $0xFFFFF600  }
0xfc: {  	_ =	sfence.sel $0x180000  }
0xfd: {  	[bflag:$0x0] =	sbarrier.arrive $0xFFFF  }
0xfe: {  	_ =	strace $0x90000050  }
0xff: {  	s0 =	stileid.u32;
	[bflag:$0x2] =	sbarrier.arrive $0xFFFF  }
0x100: {  	p0 =	sne.s32 s0, $0x0;
	s0 =	rddreg [dreg:$0x2]  }
0x101: {  	s0 =	sadd.s32 @!p0 $0x100000, s0  }
0x102: {  	[sflag:s0] =	ssyncadd.tile.s32 @!p0 $0x1;
	_ =	shalt  }
.Lfunc_end2:
_tile_overlayer_lowered:
.L_overlay_start_2:
0x103: {  	(tag) =	ssettag $0x2  }
0x104: {  	s0 =	rddreg [dreg:$0x0];
	s2 =	stileid.u32  }
0x105: {  	s1 =	rddreg [dreg:$0x1];
	p0 =	sne.s32 s2, $0x0  }
0x106: {  	s3 =	rddreg [dreg:$0x2];
	[bflag:$0x3] =	sbarrier.arrive $0xFFFF;
	s2 =	simm.s32 @!p0 $0x1C11  }
0x107: {  	[timem:s3], [sflag:s2] =	dma.local @!p0 [hbm:s0], s1  }
0x108: {  	s0 =	simm.s32 @!p0 $0x11  }
0x109: {  	_ =	swait.ge @!p0 [sflag:s0], s1  }
0x10a: {  	s1 =	ssub.s32 @!p0 $0x0, s1;
	[sflag:s0] =	ssyncset.done @!p0 $0x0  }
0x10b: {  	[sflag:s0] =	ssyncadd.s32 @!p0 s1  }
0x10c: {  	[bflag:$0x3] =	sbarrier.arrive $0xFFFF  }
0x10d: {  	_ =	shalt  }

</sc_bundles>
